<compile_context>
chip_gen: v7x
topology: tpu7x:2x2x1
jax: 0.10.2.dev20260603
libtpu: 0.0.44.dev20260713+nightly
codegen_flags: <defaults>
</compile_context>

<pallas_src>
import jax
import jax.numpy as jnp
from jax import lax
from jax.experimental import pallas as pl
from jax.experimental.pallas import tpu as pltpu
from jax.experimental.pallas import tpu_sc as plsc

N_POINTS = 160000
N_FRAMES = 10000
N_SEQS = 128
FEAT = 256
NUM_SB = 8
LANE = 16
NFG = FEAT // LANE
NC = 2
NS = 16
NW = NC * NS


def _lenoff(opw: int) -> int:
  return ((opw + 32) // 16) * 16


def _seg_max_sc(n_items: int, n_out_pad: int, opw: int, ch: int):
  assert n_out_pad == NW * opw
  lenoff = _lenoff(opw)

  def body(x_hbm, offs_hbm, out_hbm, xbuf, offbuf, outbuf):
    w = lax.axis_index("s") * NC + lax.axis_index("c")
    fbase = w * opw
    abase = pl.multiple_of((fbase // 16) * 16, 16)
    pltpu.sync_copy(offs_hbm.at[pl.ds(abase, lenoff)], offbuf)
    lane = lax.iota(jnp.int32, 16)
    minus1 = jnp.full((16,), -1, jnp.int32)
    ninf = jnp.full((16,), -jnp.inf, jnp.float32)

    def off_at(i_rel):
      g = pl.multiple_of((i_rel // 16) * 16, 16)
      vv = offbuf[pl.ds(g, 16)]
      return jnp.max(jnp.where(lane == (i_rel % 16), vv, minus1))

    start = off_at(fbase - abase)
    end = off_at(fbase + opw - abase)
    astart = (start // 16) * 16
    nch = jnp.maximum((end - astart + ch - 1) // ch, 0)

    def init_body(i, _):
      for f in range(NFG):
        outbuf[i, pl.ds(f * 16, 16)] = ninf
      return 0
    lax.fori_loop(0, opw, init_body, 0)

    def chunk_body(c, carry):
      r0, acc0 = carry
      lo = astart + c * ch
      cbase = pl.multiple_of((jnp.minimum(lo, n_items - ch) // 16) * 16, 16)
      pltpu.sync_copy(x_hbm.at[pl.ds(cbase, ch)], xbuf)
      s_r = off_at(r0 - abase)
      j0 = jnp.clip(s_r - cbase, 0, ch)

      def cond(st):
        r_, j_, _ = st
        return jnp.logical_and(j_ < ch, r_ < fbase + opw)

      def run_body(st):
        r_, j_, acc_ = st
        e_g = off_at(r_ + 1 - abase)
        e_l = jnp.clip(e_g - cbase, 0, ch)

        def pb(p, a):
          return tuple(jnp.maximum(a[f], xbuf[p, pl.ds(f * 16, 16)])
                       for f in range(NFG))

        acc_ = lax.fori_loop(j_, e_l, pb, acc_)
        donef = e_l < ch

        @pl.when(donef)
        def _():
          row = r_ - fbase
          for f in range(NFG):
            outbuf[row, pl.ds(f * 16, 16)] = acc_[f]

        acc_ = tuple(jnp.where(donef, ninf, a) for a in acc_)
        r_ = jnp.where(donef, r_ + 1, r_)
        return (r_, e_l, acc_)

      r0, _, acc0 = lax.while_loop(cond, run_body, (r0, j0, acc0))
      return r0, acc0

    r_fin, acc_fin = lax.fori_loop(0, nch, chunk_body,
                                   (fbase, (ninf,) * NFG))

    @pl.when(r_fin < fbase + opw)
    def _():
      row = r_fin - fbase
      for f in range(NFG):
        outbuf[row, pl.ds(f * 16, 16)] = acc_fin[f]

    pltpu.sync_copy(outbuf, out_hbm.at[pl.ds(fbase, opw)])

  mesh = plsc.VectorSubcoreMesh(core_axis_name="c", subcore_axis_name="s")
  return pl.kernel(
      body,
      out_type=jax.ShapeDtypeStruct((n_out_pad, FEAT), jnp.float32),
      mesh=mesh,
      scratch_types=[
          pltpu.VMEM((ch, FEAT), jnp.float32),
          pltpu.VMEM((lenoff,), jnp.int32),
          pltpu.VMEM((opw, FEAT), jnp.float32),
      ],
      compiler_params=pltpu.CompilerParams(needs_layout_passes=False),
  )


def _heads_tc(fp_ref, sp_ref, bbc_ref, cosr_ref, sinr_ref, swap_ref,
              Wc_ref, bc_ref, Wv_ref, bv_ref, Wy_ref, by_ref,
              Wsb_ref, bsb_ref, Wsr_ref, bsr_ref,
              cen_ref, vel_ref, yaw_ref, sr_ref, sb_ref):
  fp = fp_ref[...]
  hp = jax.lax.Precision.HIGHEST
  cen_ref[...] = (jnp.dot(fp, Wc_ref[...], precision=hp,
                          preferred_element_type=jnp.float32)
                  + bc_ref[...] + bbc_ref[...])
  vel_ref[...] = (jnp.dot(fp, Wv_ref[...], precision=hp,
                          preferred_element_type=jnp.float32) + bv_ref[...])
  y = (jnp.dot(fp, Wy_ref[...], precision=hp,
               preferred_element_type=jnp.float32) + by_ref[...])
  ya = jnp.dot(y, swap_ref[...], precision=hp,
               preferred_element_type=jnp.float32)
  yaw_ref[...] = cosr_ref[...] * y + sinr_ref[...] * ya

  @pl.when(pl.program_id(0) == 0)
  def _():
    sp = sp_ref[...]
    sr_ref[...] = (jnp.dot(sp, Wsr_ref[...], precision=hp,
                           preferred_element_type=jnp.float32) + bsr_ref[...])
    logits = (jnp.dot(sp, Wsb_ref[...], precision=hp,
                      preferred_element_type=jnp.float32) + bsb_ref[...])
    m = jnp.max(logits, axis=1, keepdims=True)
    e = jnp.exp(logits - m)
    sb_ref[...] = e / jnp.sum(e, axis=1, keepdims=True)


def kernel(x, bbox_center, bbox_cos_yaw, bbox_sin_yaw, raw_xyz,
           point2frameidx, frame2batchidx,
           Wc, bc, Wy, by, Wv, bv, Wsb, bsb, Wsr, bsr):
  del raw_xyz
  opw1 = 320
  nfp = NW * opw1
  opw2 = N_SEQS // NW

  len1 = ((NW - 1) * opw1 // 16) * 16 + _lenoff(opw1)
  offs1 = jnp.searchsorted(
      point2frameidx, jnp.arange(len1, dtype=jnp.int32)).astype(jnp.int32)
  len2 = ((NW - 1) * opw2 // 16) * 16 + _lenoff(opw2)
  offs2 = jnp.searchsorted(
      frame2batchidx, jnp.arange(len2, dtype=jnp.int32)).astype(jnp.int32)

  seg1 = _seg_max_sc(N_POINTS, nfp, opw1, 64)
  fp = seg1(x, offs1)

  seg2 = _seg_max_sc(N_FRAMES, N_SEQS, opw2, 64)
  sp = seg2(fp, offs2)

  npad = nfp - N_FRAMES
  bbc_p = jnp.pad(bbox_center, ((0, npad), (0, 0)))
  cos_p = jnp.pad(bbox_cos_yaw.reshape(-1, 1), ((0, npad), (0, 0)))
  sin_p = jnp.pad(bbox_sin_yaw.reshape(-1, 1), ((0, npad), (0, 0)))

  swap = jnp.array([[0.0, -1.0], [1.0, 0.0]], dtype=jnp.float32)
  fb = 1024
  ng = nfp // fb
  row_blk = lambda r: pl.BlockSpec((fb, r), lambda i: (i, 0))
  rep = lambda a, b: pl.BlockSpec((a, b), lambda i: (0, 0))
  outs = pl.pallas_call(
      _heads_tc,
      grid=(ng,),
      in_specs=[
          row_blk(FEAT), rep(N_SEQS, FEAT), row_blk(3), row_blk(1), row_blk(1),
          rep(2, 2),
          rep(FEAT, 3), rep(1, 3), rep(FEAT, 3), rep(1, 3),
          rep(FEAT, 2), rep(1, 2),
          rep(FEAT, NUM_SB), rep(1, NUM_SB),
          rep(FEAT, NUM_SB * 3), rep(1, NUM_SB * 3),
      ],
      out_specs=[
          row_blk(3), row_blk(3), row_blk(2),
          rep(N_SEQS, NUM_SB * 3), rep(N_SEQS, NUM_SB),
      ],
      out_shape=[
          jax.ShapeDtypeStruct((nfp, 3), jnp.float32),
          jax.ShapeDtypeStruct((nfp, 3), jnp.float32),
          jax.ShapeDtypeStruct((nfp, 2), jnp.float32),
          jax.ShapeDtypeStruct((N_SEQS, NUM_SB * 3), jnp.float32),
          jax.ShapeDtypeStruct((N_SEQS, NUM_SB), jnp.float32),
      ],
  )(fp, sp, bbc_p, cos_p, sin_p, swap,
    Wc, bc.reshape(1, -1), Wv, bv.reshape(1, -1), Wy, by.reshape(1, -1),
    Wsb, bsb.reshape(1, -1), Wsr, bsr.reshape(1, -1))
  centers, velocities, yaw_sincos, size_residual, size_bin = outs
  return (centers[:N_FRAMES], velocities[:N_FRAMES], yaw_sincos[:N_FRAMES],
          size_residual, size_bin)

# --- scband reference (transcript-rebuilt; emitter-appended) ---
"""Pipeline reference for scband-refinement-bounding-box-regression-72705206386973 (READ-ONLY COPY).

The authoritative reference and input builder live on the scoring server;
editing this copy changes nothing except your own understanding.
"""

import jax, jax.numpy as jnp
import numpy as np

N_POINTS = 160000
N_FRAMES = 10000
N_SEQS = 128
FEATSIZE = 256
NUM_SIZE_BINS = 8


def setup_inputs(seed: int = 0) -> dict:
    key = jax.random.key(seed)
    ks = jax.random.split(key, 18)
    s = 1.0 / np.sqrt(FEATSIZE)
    inp = {}
    inp['x'] = jax.random.normal(ks[0], (N_POINTS, FEATSIZE), dtype=jnp.float32)
    inp['bbox_center'] = jax.random.normal(ks[1], (N_FRAMES, 3), dtype=jnp.float32)
    yaw = jax.random.uniform(ks[2], (N_FRAMES,), dtype=jnp.float32) * (2.0 * np.pi)
    inp['bbox_cos_yaw'] = jnp.cos(yaw)
    inp['bbox_sin_yaw'] = jnp.sin(yaw)
    inp['raw_xyz'] = jax.random.normal(ks[3], (N_POINTS, 3), dtype=jnp.float32)
    inp['point2frameidx'] = jnp.sort(jax.random.randint(ks[4], (N_POINTS,), 0, N_FRAMES, dtype=jnp.int32))
    inp['frame2batchidx'] = jnp.sort(jax.random.randint(ks[5], (N_FRAMES,), 0, N_SEQS, dtype=jnp.int32))
    inp['Wc'] = jax.random.normal(ks[6], (FEATSIZE, 3), dtype=jnp.float32) * s
    inp['bc'] = jnp.zeros((3,), dtype=jnp.float32)
    inp['Wy'] = jax.random.normal(ks[7], (FEATSIZE, 2), dtype=jnp.float32) * s
    inp['by'] = jnp.zeros((2,), dtype=jnp.float32)
    inp['Wv'] = jax.random.normal(ks[8], (FEATSIZE, 3), dtype=jnp.float32) * s
    inp['bv'] = jnp.zeros((3,), dtype=jnp.float32)
    inp['Wsb'] = jax.random.normal(ks[9], (FEATSIZE, NUM_SIZE_BINS), dtype=jnp.float32) * s
    inp['bsb'] = jnp.zeros((NUM_SIZE_BINS,), dtype=jnp.float32)
    inp['Wsr'] = jax.random.normal(ks[10], (FEATSIZE, NUM_SIZE_BINS * 3), dtype=jnp.float32) * s
    inp['bsr'] = jnp.zeros((NUM_SIZE_BINS * 3,), dtype=jnp.float32)
    return inp


def reference(x, bbox_center, bbox_cos_yaw, bbox_sin_yaw, raw_xyz, point2frameidx, frame2batchidx, Wc, bc, Wy, by, Wv, bv, Wsb, bsb, Wsr, bsr):
    # global_max_pool over points -> frames (segment max)
    frame_pooled = jax.ops.segment_max(x, point2frameidx, num_segments=N_FRAMES)
    # global_max_pool over frames -> sequences (segment max)
    seq_pooled = jax.ops.segment_max(frame_pooled, frame2batchidx, num_segments=N_SEQS)
    centers = frame_pooled @ Wc + bc
    velocities = frame_pooled @ Wv + bv
    yaw_sincos = frame_pooled @ Wy + by
    size_residual = seq_pooled @ Wsr + bsr
    size_bin = jax.nn.softmax(seq_pooled @ Wsb + bsb, axis=1)
    # bboxes_in path: residual center + rotation of yaw sincos
    centers = bbox_center + centers
    rot_mats = jnp.stack([bbox_cos_yaw, bbox_sin_yaw, -bbox_sin_yaw, bbox_cos_yaw], axis=1).reshape(-1, 2, 2)
    yaw_sincos = jnp.einsum('nij,nj->ni', rot_mats, yaw_sincos)
    return (centers, velocities, yaw_sincos, size_residual, size_bin)

if __name__ == "__main__":
    import jax
    _d = setup_inputs()
    print(jax.jit(kernel)(*tuple(_d.values())))

</pallas_src>

<mosaic_0001>
#map = affine_map<(d0, d1) -> (0, 0)>
#map1 = affine_map<(d0, d1) -> (0)>
module attributes {stable_mosaic.version = 14 : i64} {
  func.func @body(%arg0: i32, %arg1: i32, %arg2: memref<160000x256xf32, #tpu.memory_space<hbm>>, %arg3: memref<10272xi32, #tpu.memory_space<hbm>>, %arg4: memref<10240x256xf32, #tpu.memory_space<hbm>>, %arg5: memref<64x256xf32, #tpu.memory_space<vmem>>, %arg6: memref<352xi32, #tpu.memory_space<vmem>>, %arg7: memref<320x256xf32, #tpu.memory_space<vmem>>) attributes {dimension_semantics = [#tpu.dimension_semantics<core_parallel>, #tpu.dimension_semantics<subcore_parallel>], iteration_bounds = array<i64: 2, 16>, scalar_prefetch = 0 : i64, scratch_operands = 3 : i64, tpu.core_type = #tpu.core_type<sc_vector_subcore>, window_params = [{transform_indices = #map}, {transform_indices = #map1}, {transform_indices = #map}]} {
    %mul3A = arith.constant 2 : i32
    %mul3A_0 = arith.muli %arg1, %mul3A : i32
    %add3A = arith.addi %mul3A_0, %arg0 : i32
    %mul3A_1 = arith.constant 320 : i32
    %mul3A_2 = arith.muli %add3A, %mul3A_1 : i32
    %jit3A = arith.constant 16 : i32
    %div3A = arith.divsi %mul3A_2, %jit3A : i32
    %sign3A = arith.constant 0 : i32
    %sign3A_3 = arith.cmpi sgt, %mul3A_2, %sign3A : i32
    %sign3A_4 = arith.extui %sign3A_3 : i1 to i32
    %sign3A_5 = arith.constant 0 : i32
    %sign3A_6 = arith.cmpi slt, %mul3A_2, %sign3A_5 : i32
    %sign3A_7 = arith.extui %sign3A_6 : i1 to i32
    %sign3A_8 = arith.subi %sign3A_4, %sign3A_7 : i32
    %sign3A_9 = arith.constant 0 : i32
    %sign3A_10 = arith.cmpi sgt, %jit3A, %sign3A_9 : i32
    %sign3A_11 = arith.extui %sign3A_10 : i1 to i32
    %sign3A_12 = arith.constant 0 : i32
    %sign3A_13 = arith.cmpi slt, %jit3A, %sign3A_12 : i32
    %sign3A_14 = arith.extui %sign3A_13 : i1 to i32
    %sign3A_15 = arith.subi %sign3A_11, %sign3A_14 : i32
    %ne3A = arith.cmpi ne, %sign3A_8, %sign3A_15 : i32
    %rem3A = arith.remsi %mul3A_2, %jit3A : i32
    %ne3A_16 = arith.constant 0 : i32
    %ne3A_17 = arith.cmpi ne, %rem3A, %ne3A_16 : i32
    %and3A = arith.andi %ne3A, %ne3A_17 : i1
    %sub3A = arith.constant 1 : i32
    %sub3A_18 = arith.subi %div3A, %sub3A : i32
    %select_n3A = arith.select %and3A, %sub3A_18, %div3A : i32
    %mul3A_19 = arith.constant 16 : i32
    %mul3A_20 = arith.muli %select_n3A, %mul3A_19 : i32
    %multiple_of3A = tpu.assume_multiple %mul3A_20, 16 : i32
    "tpu.region"() ({
      %run_scoped3A = tpu.sem_alloc : memref<!tpu.dma_semaphore, #tpu.memory_space<semaphore_mem>>
      %dma_start3A = tpu.memref_slice %arg3[%multiple_of3A] : memref<10272xi32, #tpu.memory_space<hbm>> -> memref<352xi32, #tpu.memory_space<hbm>>
      %dma_start3A_212 = tpu.memref_slice %arg3[%multiple_of3A] : memref<10272xi32, #tpu.memory_space<hbm>> -> memref<352xi32, #tpu.memory_space<hbm>>
      tpu.enqueue_dma source(%dma_start3A_212 : memref<352xi32, #tpu.memory_space<hbm>>) target(%arg6 : memref<352xi32, #tpu.memory_space<vmem>>) target_semaphore(%run_scoped3A : memref<!tpu.dma_semaphore, #tpu.memory_space<semaphore_mem>>)
      %dma_wait3A = tpu.memref_slice %arg3[%multiple_of3A] : memref<10272xi32, #tpu.memory_space<hbm>> -> memref<352xi32, #tpu.memory_space<hbm>>
      %dma_wait3A_213 = tpu.memref_slice %arg3[%multiple_of3A] : memref<10272xi32, #tpu.memory_space<hbm>> -> memref<352xi32, #tpu.memory_space<hbm>>
      tpu.wait_dma2 semaphore(%run_scoped3A : memref<!tpu.dma_semaphore, #tpu.memory_space<semaphore_mem>>) src(%dma_wait3A_213 : memref<352xi32, #tpu.memory_space<hbm>>) dst(%arg6 : memref<352xi32, #tpu.memory_space<vmem>>)
      tpu.yield
    }) : () -> ()
    %iota3A = tpu.iota {dimensions = array<i32: 0>} : vector<16xi32>
    %broadcast_in_dim3A = arith.constant -1 : i32
    %broadcast_in_dim3A_21 = vector.broadcast %broadcast_in_dim3A : i32 to vector<16xi32>
    %broadcast_in_dim3A_22 = arith.constant 0xFF800000 : f32
    %broadcast_in_dim3A_23 = vector.broadcast %broadcast_in_dim3A_22 : f32 to vector<16xf32>
    %sub3A_24 = arith.subi %mul3A_2, %multiple_of3A : i32
    %jit3A_25 = arith.constant 16 : i32
    %div3A_26 = arith.divsi %sub3A_24, %jit3A_25 : i32
    %sign3A_27 = arith.constant 0 : i32
    %sign3A_28 = arith.cmpi sgt, %sub3A_24, %sign3A_27 : i32
    %sign3A_29 = arith.extui %sign3A_28 : i1 to i32
    %sign3A_30 = arith.constant 0 : i32
    %sign3A_31 = arith.cmpi slt, %sub3A_24, %sign3A_30 : i32
    %sign3A_32 = arith.extui %sign3A_31 : i1 to i32
    %sign3A_33 = arith.subi %sign3A_29, %sign3A_32 : i32
    %sign3A_34 = arith.constant 0 : i32
    %sign3A_35 = arith.cmpi sgt, %jit3A_25, %sign3A_34 : i32
    %sign3A_36 = arith.extui %sign3A_35 : i1 to i32
    %sign3A_37 = arith.constant 0 : i32
    %sign3A_38 = arith.cmpi slt, %jit3A_25, %sign3A_37 : i32
    %sign3A_39 = arith.extui %sign3A_38 : i1 to i32
    %sign3A_40 = arith.subi %sign3A_36, %sign3A_39 : i32
    %ne3A_41 = arith.cmpi ne, %sign3A_33, %sign3A_40 : i32
    %rem3A_42 = arith.remsi %sub3A_24, %jit3A_25 : i32
    %ne3A_43 = arith.constant 0 : i32
    %ne3A_44 = arith.cmpi ne, %rem3A_42, %ne3A_43 : i32
    %and3A_45 = arith.andi %ne3A_41, %ne3A_44 : i1
    %sub3A_46 = arith.constant 1 : i32
    %sub3A_47 = arith.subi %div3A_26, %sub3A_46 : i32
    %select_n3A_48 = arith.select %and3A_45, %sub3A_47, %div3A_26 : i32
    %mul3A_49 = arith.constant 16 : i32
    %mul3A_50 = arith.muli %select_n3A_48, %mul3A_49 : i32
    %multiple_of3A_51 = tpu.assume_multiple %mul3A_50, 16 : i32
    %get3A = arith.index_cast %multiple_of3A_51 : i32 to index
    %get3A_52 = tpu.vector_load %arg6[%get3A] {strides = array<i32>} : memref<352xi32, #tpu.memory_space<vmem>>, vector<16xi32>,
    %jit3A_53 = arith.constant 16 : i32
    %eq3A = arith.constant 0 : i32
    %eq3A_54 = arith.cmpi eq, %jit3A_53, %eq3A : i32
    %jit3A_55 = arith.constant 1 : i32
    %select_n3A_56 = arith.select %eq3A_54, %jit3A_55, %jit3A_53 : i32
    %rem3A_57 = arith.remsi %sub3A_24, %select_n3A_56 : i32
    %ne3A_58 = arith.constant 0 : i32
    %ne3A_59 = arith.cmpi ne, %rem3A_57, %ne3A_58 : i32
    %lt3A = arith.constant 0 : i32
    %lt3A_60 = arith.cmpi slt, %rem3A_57, %lt3A : i32
    %lt3A_61 = arith.constant 0 : i32
    %lt3A_62 = arith.cmpi slt, %select_n3A_56, %lt3A_61 : i32
    %ne3A_63 = arith.xori %lt3A_60, %lt3A_62 : i1
    %and3A_64 = arith.andi %ne3A_63, %ne3A_59 : i1
    %add3A_65 = arith.addi %rem3A_57, %select_n3A_56 : i32
    %select_n3A_66 = arith.select %and3A_64, %add3A_65, %rem3A_57 : i32
    %eq3A_67 = vector.broadcast %select_n3A_66 : i32 to vector<16xi32>
    %eq3A_68 = arith.cmpi eq, %iota3A, %eq3A_67 : vector<16xi32>
    %select_n3A_69 = arith.select %eq3A_68, %get3A_52, %broadcast_in_dim3A_21 : vector<16xi1>, vector<16xi32>
    %reduce_max3A = arith.constant true
    %reduce_max3A_70 = vector.broadcast %reduce_max3A : i1 to vector<16xi1>
    %reduce_max3A_71 = arith.constant -2147483648 : i32
    %reduce_max3A_72 = vector.broadcast %reduce_max3A_71 : i32 to vector<16xi32>
    %reduce_max3A_73 = arith.xori %select_n3A_69, %reduce_max3A_72 : vector<16xi32>
    %reduce_max3A_74 = tpu.scan <max>, %reduce_max3A_73 masked %reduce_max3A_70 : vector<16xi32>, vector<16xi1> -> vector<16xi32>
    %reduce_max3A_75 = arith.xori %reduce_max3A_74, %reduce_max3A_72 : vector<16xi32>
    %reduce_max3A_76 = vector.extract %reduce_max3A_75[15] : i32 from vector<16xi32>
    %add3A_77 = arith.constant 320 : i32
    %add3A_78 = arith.addi %mul3A_2, %add3A_77 : i32
    %sub3A_79 = arith.subi %add3A_78, %multiple_of3A : i32
    %jit3A_80 = arith.constant 16 : i32
    %div3A_81 = arith.divsi %sub3A_79, %jit3A_80 : i32
    %sign3A_82 = arith.constant 0 : i32
    %sign3A_83 = arith.cmpi sgt, %sub3A_79, %sign3A_82 : i32
    %sign3A_84 = arith.extui %sign3A_83 : i1 to i32
    %sign3A_85 = arith.constant 0 : i32
    %sign3A_86 = arith.cmpi slt, %sub3A_79, %sign3A_85 : i32
    %sign3A_87 = arith.extui %sign3A_86 : i1 to i32
    %sign3A_88 = arith.subi %sign3A_84, %sign3A_87 : i32
    %sign3A_89 = arith.constant 0 : i32
    %sign3A_90 = arith.cmpi sgt, %jit3A_80, %sign3A_89 : i32
    %sign3A_91 = arith.extui %sign3A_90 : i1 to i32
    %sign3A_92 = arith.constant 0 : i32
    %sign3A_93 = arith.cmpi slt, %jit3A_80, %sign3A_92 : i32
    %sign3A_94 = arith.extui %sign3A_93 : i1 to i32
    %sign3A_95 = arith.subi %sign3A_91, %sign3A_94 : i32
    %ne3A_96 = arith.cmpi ne, %sign3A_88, %sign3A_95 : i32
    %rem3A_97 = arith.remsi %sub3A_79, %jit3A_80 : i32
    %ne3A_98 = arith.constant 0 : i32
    %ne3A_99 = arith.cmpi ne, %rem3A_97, %ne3A_98 : i32
    %and3A_100 = arith.andi %ne3A_96, %ne3A_99 : i1
    %sub3A_101 = arith.constant 1 : i32
    %sub3A_102 = arith.subi %div3A_81, %sub3A_101 : i32
    %select_n3A_103 = arith.select %and3A_100, %sub3A_102, %div3A_81 : i32
    %mul3A_104 = arith.constant 16 : i32
    %mul3A_105 = arith.muli %select_n3A_103, %mul3A_104 : i32
    %multiple_of3A_106 = tpu.assume_multiple %mul3A_105, 16 : i32
    %get3A_107 = arith.index_cast %multiple_of3A_106 : i32 to index
    %get3A_108 = tpu.vector_load %arg6[%get3A_107] {strides = array<i32>} : memref<352xi32, #tpu.memory_space<vmem>>, vector<16xi32>,
    %jit3A_109 = arith.constant 16 : i32
    %eq3A_110 = arith.constant 0 : i32
    %eq3A_111 = arith.cmpi eq, %jit3A_109, %eq3A_110 : i32
    %jit3A_112 = arith.constant 1 : i32
    %select_n3A_113 = arith.select %eq3A_111, %jit3A_112, %jit3A_109 : i32
    %rem3A_114 = arith.remsi %sub3A_79, %select_n3A_113 : i32
    %ne3A_115 = arith.constant 0 : i32
    %ne3A_116 = arith.cmpi ne, %rem3A_114, %ne3A_115 : i32
    %lt3A_117 = arith.constant 0 : i32
    %lt3A_118 = arith.cmpi slt, %rem3A_114, %lt3A_117 : i32
    %lt3A_119 = arith.constant 0 : i32
    %lt3A_120 = arith.cmpi slt, %select_n3A_113, %lt3A_119 : i32
    %ne3A_121 = arith.xori %lt3A_118, %lt3A_120 : i1
    %and3A_122 = arith.andi %ne3A_121, %ne3A_116 : i1
    %add3A_123 = arith.addi %rem3A_114, %select_n3A_113 : i32
    %select_n3A_124 = arith.select %and3A_122, %add3A_123, %rem3A_114 : i32
    %eq3A_125 = vector.broadcast %select_n3A_124 : i32 to vector<16xi32>
    %eq3A_126 = arith.cmpi eq, %iota3A, %eq3A_125 : vector<16xi32>
    %select_n3A_127 = arith.select %eq3A_126, %get3A_108, %broadcast_in_dim3A_21 : vector<16xi1>, vector<16xi32>
    %reduce_max3A_128 = arith.constant true
    %reduce_max3A_129 = vector.broadcast %reduce_max3A_128 : i1 to vector<16xi1>
    %reduce_max3A_130 = arith.constant -2147483648 : i32
    %reduce_max3A_131 = vector.broadcast %reduce_max3A_130 : i32 to vector<16xi32>
    %reduce_max3A_132 = arith.xori %select_n3A_127, %reduce_max3A_131 : vector<16xi32>
    %reduce_max3A_133 = tpu.scan <max>, %reduce_max3A_132 masked %reduce_max3A_129 : vector<16xi32>, vector<16xi1> -> vector<16xi32>
    %reduce_max3A_134 = arith.xori %reduce_max3A_133, %reduce_max3A_131 : vector<16xi32>
    %reduce_max3A_135 = vector.extract %reduce_max3A_134[15] : i32 from vector<16xi32>
    %jit3A_136 = arith.constant 16 : i32
    %div3A_137 = arith.divsi %reduce_max3A_76, %jit3A_136 : i32
    %sign3A_138 = arith.constant 0 : i32
    %sign3A_139 = arith.cmpi sgt, %reduce_max3A_76, %sign3A_138 : i32
    %sign3A_140 = arith.extui %sign3A_139 : i1 to i32
    %sign3A_141 = arith.constant 0 : i32
    %sign3A_142 = arith.cmpi slt, %reduce_max3A_76, %sign3A_141 : i32
    %sign3A_143 = arith.extui %sign3A_142 : i1 to i32
    %sign3A_144 = arith.subi %sign3A_140, %sign3A_143 : i32
    %sign3A_145 = arith.constant 0 : i32
    %sign3A_146 = arith.cmpi sgt, %jit3A_136, %sign3A_145 : i32
    %sign3A_147 = arith.extui %sign3A_146 : i1 to i32
    %sign3A_148 = arith.constant 0 : i32
    %sign3A_149 = arith.cmpi slt, %jit3A_136, %sign3A_148 : i32
    %sign3A_150 = arith.extui %sign3A_149 : i1 to i32
    %sign3A_151 = arith.subi %sign3A_147, %sign3A_150 : i32
    %ne3A_152 = arith.cmpi ne, %sign3A_144, %sign3A_151 : i32
    %rem3A_153 = arith.remsi %reduce_max3A_76, %jit3A_136 : i32
    %ne3A_154 = arith.constant 0 : i32
    %ne3A_155 = arith.cmpi ne, %rem3A_153, %ne3A_154 : i32
    %and3A_156 = arith.andi %ne3A_152, %ne3A_155 : i1
    %sub3A_157 = arith.constant 1 : i32
    %sub3A_158 = arith.subi %div3A_137, %sub3A_157 : i32
    %select_n3A_159 = arith.select %and3A_156, %sub3A_158, %div3A_137 : i32
    %mul3A_160 = arith.constant 16 : i32
    %mul3A_161 = arith.muli %select_n3A_159, %mul3A_160 : i32
    %sub3A_162 = arith.subi %reduce_max3A_135, %mul3A_161 : i32
    %add3A_163 = arith.constant 64 : i32
    %add3A_164 = arith.addi %sub3A_162, %add3A_163 : i32
    %sub3A_165 = arith.constant 1 : i32
    %sub3A_166 = arith.subi %add3A_164, %sub3A_165 : i32
    %jit3A_167 = arith.constant 64 : i32
    %div3A_168 = arith.divsi %sub3A_166, %jit3A_167 : i32
    %sign3A_169 = arith.constant 0 : i32
    %sign3A_170 = arith.cmpi sgt, %sub3A_166, %sign3A_169 : i32
    %sign3A_171 = arith.extui %sign3A_170 : i1 to i32
    %sign3A_172 = arith.constant 0 : i32
    %sign3A_173 = arith.cmpi slt, %sub3A_166, %sign3A_172 : i32
    %sign3A_174 = arith.extui %sign3A_173 : i1 to i32
    %sign3A_175 = arith.subi %sign3A_171, %sign3A_174 : i32
    %sign3A_176 = arith.constant 0 : i32
    %sign3A_177 = arith.cmpi sgt, %jit3A_167, %sign3A_176 : i32
    %sign3A_178 = arith.extui %sign3A_177 : i1 to i32
    %sign3A_179 = arith.constant 0 : i32
    %sign3A_180 = arith.cmpi slt, %jit3A_167, %sign3A_179 : i32
    %sign3A_181 = arith.extui %sign3A_180 : i1 to i32
    %sign3A_182 = arith.subi %sign3A_178, %sign3A_181 : i32
    %ne3A_183 = arith.cmpi ne, %sign3A_175, %sign3A_182 : i32
    %rem3A_184 = arith.remsi %sub3A_166, %jit3A_167 : i32
    %ne3A_185 = arith.constant 0 : i32
    %ne3A_186 = arith.cmpi ne, %rem3A_184, %ne3A_185 : i32
    %and3A_187 = arith.andi %ne3A_183, %ne3A_186 : i1
    %sub3A_188 = arith.constant 1 : i32
    %sub3A_189 = arith.subi %div3A_168, %sub3A_188 : i32
    %select_n3A_190 = arith.select %and3A_187, %sub3A_189, %div3A_168 : i32
    %max3A = arith.constant 0 : i32
    %max3A_191 = arith.maxsi %select_n3A_190, %max3A : i32
    %scan3A = arith.constant 0 : i32
    %scan3A_192 = arith.constant 0 : i32
    %scan3A_193 = arith.constant 320 : i32
    %scan3A_194 = arith.addi %scan3A_192, %scan3A_193 : i32
    %scan3A_195 = arith.constant 1 : i32
    %scan3A_196 = scf.for %scan3A_212 = %scan3A_192 to %scan3A_194 step %scan3A_195 iter_args(%scan3A_213 = %scan3A) -> (i32)  : i32 {
      %swap3A = arith.index_cast %scan3A_212 : i32 to index
      %swap3A_214 = arith.constant 0 : index
      %swap3A_215 = tpu.vector_load %arg7[%swap3A, %swap3A_214] {strides = array<i32>} : memref<320x256xf32, #tpu.memory_space<vmem>>, vector<16xf32>,
      tpu.vector_store %arg7[%swap3A, %swap3A_214], %broadcast_in_dim3A_23 {strides = array<i32>} : memref<320x256xf32, #tpu.memory_space<vmem>>, vector<16xf32>,
      %swap3A_216 = arith.index_cast %scan3A_212 : i32 to index
      %swap3A_217 = arith.constant 16 : index
      %swap3A_218 = tpu.vector_load %arg7[%swap3A_216, %swap3A_217] {strides = array<i32>} : memref<320x256xf32, #tpu.memory_space<vmem>>, vector<16xf32>,
      tpu.vector_store %arg7[%swap3A_216, %swap3A_217], %broadcast_in_dim3A_23 {strides = array<i32>} : memref<320x256xf32, #tpu.memory_space<vmem>>, vector<16xf32>,
      %swap3A_219 = arith.index_cast %scan3A_212 : i32 to index
      %swap3A_220 = arith.constant 32 : index
      %swap3A_221 = tpu.vector_load %arg7[%swap3A_219, %swap3A_220] {strides = array<i32>} : memref<320x256xf32, #tpu.memory_space<vmem>>, vector<16xf32>,
      tpu.vector_store %arg7[%swap3A_219, %swap3A_220], %broadcast_in_dim3A_23 {strides = array<i32>} : memref<320x256xf32, #tpu.memory_space<vmem>>, vector<16xf32>,
      %swap3A_222 = arith.index_cast %scan3A_212 : i32 to index
      %swap3A_223 = arith.constant 48 : index
      %swap3A_224 = tpu.vector_load %arg7[%swap3A_222, %swap3A_223] {strides = array<i32>} : memref<320x256xf32, #tpu.memory_space<vmem>>, vector<16xf32>,
      tpu.vector_store %arg7[%swap3A_222, %swap3A_223], %broadcast_in_dim3A_23 {strides = array<i32>} : memref<320x256xf32, #tpu.memory_space<vmem>>, vector<16xf32>,
      %swap3A_225 = arith.index_cast %scan3A_212 : i32 to index
      %swap3A_226 = arith.constant 64 : index
      %swap3A_227 = tpu.vector_load %arg7[%swap3A_225, %swap3A_226] {strides = array<i32>} : memref<320x256xf32, #tpu.memory_space<vmem>>, vector<16xf32>,
      tpu.vector_store %arg7[%swap3A_225, %swap3A_226], %broadcast_in_dim3A_23 {strides = array<i32>} : memref<320x256xf32, #tpu.memory_space<vmem>>, vector<16xf32>,
      %swap3A_228 = arith.index_cast %scan3A_212 : i32 to index
      %swap3A_229 = arith.constant 80 : index
      %swap3A_230 = tpu.vector_load %arg7[%swap3A_228, %swap3A_229] {strides = array<i32>} : memref<320x256xf32, #tpu.memory_space<vmem>>, vector<16xf32>,
      tpu.vector_store %arg7[%swap3A_228, %swap3A_229], %broadcast_in_dim3A_23 {strides = array<i32>} : memref<320x256xf32, #tpu.memory_space<vmem>>, vector<16xf32>,
      %swap3A_231 = arith.index_cast %scan3A_212 : i32 to index
      %swap3A_232 = arith.constant 96 : index
      %swap3A_233 = tpu.vector_load %arg7[%swap3A_231, %swap3A_232] {strides = array<i32>} : memref<320x256xf32, #tpu.memory_space<vmem>>, vector<16xf32>,
      tpu.vector_store %arg7[%swap3A_231, %swap3A_232], %broadcast_in_dim3A_23 {strides = array<i32>} : memref<320x256xf32, #tpu.memory_space<vmem>>, vector<16xf32>,
      %swap3A_234 = arith.index_cast %scan3A_212 : i32 to index
      %swap3A_235 = arith.constant 112 : index
      %swap3A_236 = tpu.vector_load %arg7[%swap3A_234, %swap3A_235] {strides = array<i32>} : memref<320x256xf32, #tpu.memory_space<vmem>>, vector<16xf32>,
      tpu.vector_store %arg7[%swap3A_234, %swap3A_235], %broadcast_in_dim3A_23 {strides = array<i32>} : memref<320x256xf32, #tpu.memory_space<vmem>>, vector<16xf32>,
      %swap3A_237 = arith.index_cast %scan3A_212 : i32 to index
      %swap3A_238 = arith.constant 128 : index
      %swap3A_239 = tpu.vector_load %arg7[%swap3A_237, %swap3A_238] {strides = array<i32>} : memref<320x256xf32, #tpu.memory_space<vmem>>, vector<16xf32>,
      tpu.vector_store %arg7[%swap3A_237, %swap3A_238], %broadcast_in_dim3A_23 {strides = array<i32>} : memref<320x256xf32, #tpu.memory_space<vmem>>, vector<16xf32>,
      %swap3A_240 = arith.index_cast %scan3A_212 : i32 to index
      %swap3A_241 = arith.constant 144 : index
      %swap3A_242 = tpu.vector_load %arg7[%swap3A_240, %swap3A_241] {strides = array<i32>} : memref<320x256xf32, #tpu.memory_space<vmem>>, vector<16xf32>,
      tpu.vector_store %arg7[%swap3A_240, %swap3A_241], %broadcast_in_dim3A_23 {strides = array<i32>} : memref<320x256xf32, #tpu.memory_space<vmem>>, vector<16xf32>,
      %swap3A_243 = arith.index_cast %scan3A_212 : i32 to index
      %swap3A_244 = arith.constant 160 : index
      %swap3A_245 = tpu.vector_load %arg7[%swap3A_243, %swap3A_244] {strides = array<i32>} : memref<320x256xf32, #tpu.memory_space<vmem>>, vector<16xf32>,
      tpu.vector_store %arg7[%swap3A_243, %swap3A_244], %broadcast_in_dim3A_23 {strides = array<i32>} : memref<320x256xf32, #tpu.memory_space<vmem>>, vector<16xf32>,
      %swap3A_246 = arith.index_cast %scan3A_212 : i32 to index
      %swap3A_247 = arith.constant 176 : index
      %swap3A_248 = tpu.vector_load %arg7[%swap3A_246, %swap3A_247] {strides = array<i32>} : memref<320x256xf32, #tpu.memory_space<vmem>>, vector<16xf32>,
      tpu.vector_store %arg7[%swap3A_246, %swap3A_247], %broadcast_in_dim3A_23 {strides = array<i32>} : memref<320x256xf32, #tpu.memory_space<vmem>>, vector<16xf32>,
      %swap3A_249 = arith.index_cast %scan3A_212 : i32 to index
      %swap3A_250 = arith.constant 192 : index
      %swap3A_251 = tpu.vector_load %arg7[%swap3A_249, %swap3A_250] {strides = array<i32>} : memref<320x256xf32, #tpu.memory_space<vmem>>, vector<16xf32>,
      tpu.vector_store %arg7[%swap3A_249, %swap3A_250], %broadcast_in_dim3A_23 {strides = array<i32>} : memref<320x256xf32, #tpu.memory_space<vmem>>, vector<16xf32>,
      %swap3A_252 = arith.index_cast %scan3A_212 : i32 to index
      %swap3A_253 = arith.constant 208 : index
      %swap3A_254 = tpu.vector_load %arg7[%swap3A_252, %swap3A_253] {strides = array<i32>} : memref<320x256xf32, #tpu.memory_space<vmem>>, vector<16xf32>,
      tpu.vector_store %arg7[%swap3A_252, %swap3A_253], %broadcast_in_dim3A_23 {strides = array<i32>} : memref<320x256xf32, #tpu.memory_space<vmem>>, vector<16xf32>,
      %swap3A_255 = arith.index_cast %scan3A_212 : i32 to index
      %swap3A_256 = arith.constant 224 : index
      %swap3A_257 = tpu.vector_load %arg7[%swap3A_255, %swap3A_256] {strides = array<i32>} : memref<320x256xf32, #tpu.memory_space<vmem>>, vector<16xf32>,
      tpu.vector_store %arg7[%swap3A_255, %swap3A_256], %broadcast_in_dim3A_23 {strides = array<i32>} : memref<320x256xf32, #tpu.memory_space<vmem>>, vector<16xf32>,
      %swap3A_258 = arith.index_cast %scan3A_212 : i32 to index
      %swap3A_259 = arith.constant 240 : index
      %swap3A_260 = tpu.vector_load %arg7[%swap3A_258, %swap3A_259] {strides = array<i32>} : memref<320x256xf32, #tpu.memory_space<vmem>>, vector<16xf32>,
      tpu.vector_store %arg7[%swap3A_258, %swap3A_259], %broadcast_in_dim3A_23 {strides = array<i32>} : memref<320x256xf32, #tpu.memory_space<vmem>>, vector<16xf32>,
      %scan3A_261 = arith.constant 0 : i32
      scf.yield %scan3A_261 : i32
    }
    %scan3A_197 = arith.constant 320 : i32
    %while3A = arith.constant 0 : i32
    %while3A_198 = arith.subi %max3A_191, %while3A : i32
    %while3A_199 = arith.addi %while3A, %while3A_198 : i32
    %while3A_200 = arith.constant 1 : i32
    %while3A_201 = arith.divsi %while3A_198, %while3A_200 : i32
    %while3A_202 = arith.muli %while3A_201, %while3A_200 : i32
    %while3A_203 = arith.addi %while3A, %while3A_202 : i32
    %while3A_204 = arith.constant 1 : i32
    %while3A_205:17 = scf.for %while3A_212 = %while3A to %while3A_203 step %while3A_204 iter_args(%while3A_213 = %mul3A_2, %while3A_214 = %broadcast_in_dim3A_23, %while3A_215 = %broadcast_in_dim3A_23, %while3A_216 = %broadcast_in_dim3A_23, %while3A_217 = %broadcast_in_dim3A_23, %while3A_218 = %broadcast_in_dim3A_23, %while3A_219 = %broadcast_in_dim3A_23, %while3A_220 = %broadcast_in_dim3A_23, %while3A_221 = %broadcast_in_dim3A_23, %while3A_222 = %broadcast_in_dim3A_23, %while3A_223 = %broadcast_in_dim3A_23, %while3A_224 = %broadcast_in_dim3A_23, %while3A_225 = %broadcast_in_dim3A_23, %while3A_226 = %broadcast_in_dim3A_23, %while3A_227 = %broadcast_in_dim3A_23, %while3A_228 = %broadcast_in_dim3A_23, %while3A_229 = %broadcast_in_dim3A_23) -> (i32, vector<16xf32>, vector<16xf32>, vector<16xf32>, vector<16xf32>, vector<16xf32>, vector<16xf32>, vector<16xf32>, vector<16xf32>, vector<16xf32>, vector<16xf32>, vector<16xf32>, vector<16xf32>, vector<16xf32>, vector<16xf32>, vector<16xf32>, vector<16xf32>)  : i32 {
      %mul3A_230 = arith.constant 64 : i32
      %mul3A_231 = arith.muli %while3A_212, %mul3A_230 : i32
      %add3A_232 = arith.addi %mul3A_161, %mul3A_231 : i32
      %min3A = arith.constant 159936 : i32
      %min3A_233 = arith.minsi %add3A_232, %min3A : i32
      %jit3A_234 = arith.constant 16 : i32
      %div3A_235 = arith.divsi %min3A_233, %jit3A_234 : i32
      %sign3A_236 = arith.constant 0 : i32
      %sign3A_237 = arith.cmpi sgt, %min3A_233, %sign3A_236 : i32
      %sign3A_238 = arith.extui %sign3A_237 : i1 to i32
      %sign3A_239 = arith.constant 0 : i32
      %sign3A_240 = arith.cmpi slt, %min3A_233, %sign3A_239 : i32
      %sign3A_241 = arith.extui %sign3A_240 : i1 to i32
      %sign3A_242 = arith.subi %sign3A_238, %sign3A_241 : i32
      %sign3A_243 = arith.constant 0 : i32
      %sign3A_244 = arith.cmpi sgt, %jit3A_234, %sign3A_243 : i32
      %sign3A_245 = arith.extui %sign3A_244 : i1 to i32
      %sign3A_246 = arith.constant 0 : i32
      %sign3A_247 = arith.cmpi slt, %jit3A_234, %sign3A_246 : i32
      %sign3A_248 = arith.extui %sign3A_247 : i1 to i32
      %sign3A_249 = arith.subi %sign3A_245, %sign3A_248 : i32
      %ne3A_250 = arith.cmpi ne, %sign3A_242, %sign3A_249 : i32
      %rem3A_251 = arith.remsi %min3A_233, %jit3A_234 : i32
      %ne3A_252 = arith.constant 0 : i32
      %ne3A_253 = arith.cmpi ne, %rem3A_251, %ne3A_252 : i32
      %and3A_254 = arith.andi %ne3A_250, %ne3A_253 : i1
      %sub3A_255 = arith.constant 1 : i32
      %sub3A_256 = arith.subi %div3A_235, %sub3A_255 : i32
      %select_n3A_257 = arith.select %and3A_254, %sub3A_256, %div3A_235 : i32
      %mul3A_258 = arith.constant 16 : i32
      %mul3A_259 = arith.muli %select_n3A_257, %mul3A_258 : i32
      %multiple_of3A_260 = tpu.assume_multiple %mul3A_259, 16 : i32
      "tpu.region"() ({
        %run_scoped3A = tpu.sem_alloc : memref<!tpu.dma_semaphore, #tpu.memory_space<semaphore_mem>>
        %dma_start3A = arith.constant 0 : i32
        %dma_start3A_324 = tpu.memref_slice %arg2[%multiple_of3A_260, %dma_start3A] : memref<160000x256xf32, #tpu.memory_space<hbm>> -> memref<64x256xf32, #tpu.memory_space<hbm>>
        %dma_start3A_325 = arith.constant 0 : i32
        %dma_start3A_326 = tpu.memref_slice %arg2[%multiple_of3A_260, %dma_start3A_325] : memref<160000x256xf32, #tpu.memory_space<hbm>> -> memref<64x256xf32, #tpu.memory_space<hbm>>
        tpu.enqueue_dma source(%dma_start3A_326 : memref<64x256xf32, #tpu.memory_space<hbm>>) target(%arg5 : memref<64x256xf32, #tpu.memory_space<vmem>>) target_semaphore(%run_scoped3A : memref<!tpu.dma_semaphore, #tpu.memory_space<semaphore_mem>>)
        %dma_wait3A = arith.constant 0 : i32
        %dma_wait3A_327 = tpu.memref_slice %arg2[%multiple_of3A_260, %dma_wait3A] : memref<160000x256xf32, #tpu.memory_space<hbm>> -> memref<64x256xf32, #tpu.memory_space<hbm>>
        %dma_wait3A_328 = arith.constant 0 : i32
        %dma_wait3A_329 = tpu.memref_slice %arg2[%multiple_of3A_260, %dma_wait3A_328] : memref<160000x256xf32, #tpu.memory_space<hbm>> -> memref<64x256xf32, #tpu.memory_space<hbm>>
        tpu.wait_dma2 semaphore(%run_scoped3A : memref<!tpu.dma_semaphore, #tpu.memory_space<semaphore_mem>>) src(%dma_wait3A_329 : memref<64x256xf32, #tpu.memory_space<hbm>>) dst(%arg5 : memref<64x256xf32, #tpu.memory_space<vmem>>)
        tpu.yield
      }) : () -> ()
      %sub3A_261 = arith.subi %while3A_213, %multiple_of3A : i32
      %jit3A_262 = arith.constant 16 : i32
      %div3A_263 = arith.divsi %sub3A_261, %jit3A_262 : i32
      %sign3A_264 = arith.constant 0 : i32
      %sign3A_265 = arith.cmpi sgt, %sub3A_261, %sign3A_264 : i32
      %sign3A_266 = arith.extui %sign3A_265 : i1 to i32
      %sign3A_267 = arith.constant 0 : i32
      %sign3A_268 = arith.cmpi slt, %sub3A_261, %sign3A_267 : i32
      %sign3A_269 = arith.extui %sign3A_268 : i1 to i32
      %sign3A_270 = arith.subi %sign3A_266, %sign3A_269 : i32
      %sign3A_271 = arith.constant 0 : i32
      %sign3A_272 = arith.cmpi sgt, %jit3A_262, %sign3A_271 : i32
      %sign3A_273 = arith.extui %sign3A_272 : i1 to i32
      %sign3A_274 = arith.constant 0 : i32
      %sign3A_275 = arith.cmpi slt, %jit3A_262, %sign3A_274 : i32
      %sign3A_276 = arith.extui %sign3A_275 : i1 to i32
      %sign3A_277 = arith.subi %sign3A_273, %sign3A_276 : i32
      %ne3A_278 = arith.cmpi ne, %sign3A_270, %sign3A_277 : i32
      %rem3A_279 = arith.remsi %sub3A_261, %jit3A_262 : i32
      %ne3A_280 = arith.constant 0 : i32
      %ne3A_281 = arith.cmpi ne, %rem3A_279, %ne3A_280 : i32
      %and3A_282 = arith.andi %ne3A_278, %ne3A_281 : i1
      %sub3A_283 = arith.constant 1 : i32
      %sub3A_284 = arith.subi %div3A_263, %sub3A_283 : i32
      %select_n3A_285 = arith.select %and3A_282, %sub3A_284, %div3A_263 : i32
      %mul3A_286 = arith.constant 16 : i32
      %mul3A_287 = arith.muli %select_n3A_285, %mul3A_286 : i32
      %multiple_of3A_288 = tpu.assume_multiple %mul3A_287, 16 : i32
      %get3A_289 = arith.index_cast %multiple_of3A_288 : i32 to index
      %get3A_290 = tpu.vector_load %arg6[%get3A_289] {strides = array<i32>} : memref<352xi32, #tpu.memory_space<vmem>>, vector<16xi32>,
      %jit3A_291 = arith.constant 16 : i32
      %eq3A_292 = arith.constant 0 : i32
      %eq3A_293 = arith.cmpi eq, %jit3A_291, %eq3A_292 : i32
      %jit3A_294 = arith.constant 1 : i32
      %select_n3A_295 = arith.select %eq3A_293, %jit3A_294, %jit3A_291 : i32
      %rem3A_296 = arith.remsi %sub3A_261, %select_n3A_295 : i32
      %ne3A_297 = arith.constant 0 : i32
      %ne3A_298 = arith.cmpi ne, %rem3A_296, %ne3A_297 : i32
      %lt3A_299 = arith.constant 0 : i32
      %lt3A_300 = arith.cmpi slt, %rem3A_296, %lt3A_299 : i32
      %lt3A_301 = arith.constant 0 : i32
      %lt3A_302 = arith.cmpi slt, %select_n3A_295, %lt3A_301 : i32
      %ne3A_303 = arith.xori %lt3A_300, %lt3A_302 : i1
      %and3A_304 = arith.andi %ne3A_303, %ne3A_298 : i1
      %add3A_305 = arith.addi %rem3A_296, %select_n3A_295 : i32
      %select_n3A_306 = arith.select %and3A_304, %add3A_305, %rem3A_296 : i32
      %eq3A_307 = vector.broadcast %select_n3A_306 : i32 to vector<16xi32>
      %eq3A_308 = arith.cmpi eq, %iota3A, %eq3A_307 : vector<16xi32>
      %select_n3A_309 = arith.select %eq3A_308, %get3A_290, %broadcast_in_dim3A_21 : vector<16xi1>, vector<16xi32>
      %reduce_max3A_310 = arith.constant true
      %reduce_max3A_311 = vector.broadcast %reduce_max3A_310 : i1 to vector<16xi1>
      %reduce_max3A_312 = arith.constant -2147483648 : i32
      %reduce_max3A_313 = vector.broadcast %reduce_max3A_312 : i32 to vector<16xi32>
      %reduce_max3A_314 = arith.xori %select_n3A_309, %reduce_max3A_313 : vector<16xi32>
      %reduce_max3A_315 = tpu.scan <max>, %reduce_max3A_314 masked %reduce_max3A_311 : vector<16xi32>, vector<16xi1> -> vector<16xi32>
      %reduce_max3A_316 = arith.xori %reduce_max3A_315, %reduce_max3A_313 : vector<16xi32>
      %reduce_max3A_317 = vector.extract %reduce_max3A_316[15] : i32 from vector<16xi32>
      %sub3A_318 = arith.subi %reduce_max3A_317, %multiple_of3A_260 : i32
      %jit3A_319 = arith.constant 0 : i32
      %jit3A_320 = arith.constant 64 : i32
      %max3A_321 = arith.maxsi %jit3A_319, %sub3A_318 : i32
      %min3A_322 = arith.minsi %jit3A_320, %max3A_321 : i32
      %while3A_323:18 = scf.while (%while3A_324 = %while3A_213, %while3A_325 = %min3A_322, %while3A_326 = %while3A_214, %while3A_327 = %while3A_215, %while3A_328 = %while3A_216, %while3A_329 = %while3A_217, %while3A_330 = %while3A_218, %while3A_331 = %while3A_219, %while3A_332 = %while3A_220, %while3A_333 = %while3A_221, %while3A_334 = %while3A_222, %while3A_335 = %while3A_223, %while3A_336 = %while3A_224, %while3A_337 = %while3A_225, %while3A_338 = %while3A_226, %while3A_339 = %while3A_227, %while3A_340 = %while3A_228, %while3A_341 = %while3A_229) : (i32, i32, vector<16xf32>, vector<16xf32>, vector<16xf32>, vector<16xf32>, vector<16xf32>, vector<16xf32>, vector<16xf32>, vector<16xf32>, vector<16xf32>, vector<16xf32>, vector<16xf32>, vector<16xf32>, vector<16xf32>, vector<16xf32>, vector<16xf32>, vector<16xf32>) -> (i32, i32, vector<16xf32>, vector<16xf32>, vector<16xf32>, vector<16xf32>, vector<16xf32>, vector<16xf32>, vector<16xf32>, vector<16xf32>, vector<16xf32>, vector<16xf32>, vector<16xf32>, vector<16xf32>, vector<16xf32>, vector<16xf32>, vector<16xf32>, vector<16xf32>) {
        %lt3A_342 = arith.constant 64 : i32
        %lt3A_343 = arith.cmpi slt, %while3A_325, %lt3A_342 : i32
        %add3A_344 = arith.constant 320 : i32
        %add3A_345 = arith.addi %mul3A_2, %add3A_344 : i32
        %lt3A_346 = arith.cmpi slt, %while3A_324, %add3A_345 : i32
        %and3A_347 = arith.andi %lt3A_343, %lt3A_346 : i1
        scf.condition(%and3A_347) %while3A_324, %while3A_325, %while3A_326, %while3A_327, %while3A_328, %while3A_329, %while3A_330, %while3A_331, %while3A_332, %while3A_333, %while3A_334, %while3A_335, %while3A_336, %while3A_337, %while3A_338, %while3A_339, %while3A_340, %while3A_341 : i32, i32, vector<16xf32>, vector<16xf32>, vector<16xf32>, vector<16xf32>, vector<16xf32>, vector<16xf32>, vector<16xf32>, vector<16xf32>, vector<16xf32>, vector<16xf32>, vector<16xf32>, vector<16xf32>, vector<16xf32>, vector<16xf32>, vector<16xf32>, vector<16xf32>
      } do {
      ^bb0(%while3A_324: i32, %while3A_325: i32, %while3A_326: vector<16xf32>, %while3A_327: vector<16xf32>, %while3A_328: vector<16xf32>, %while3A_329: vector<16xf32>, %while3A_330: vector<16xf32>, %while3A_331: vector<16xf32>, %while3A_332: vector<16xf32>, %while3A_333: vector<16xf32>, %while3A_334: vector<16xf32>, %while3A_335: vector<16xf32>, %while3A_336: vector<16xf32>, %while3A_337: vector<16xf32>, %while3A_338: vector<16xf32>, %while3A_339: vector<16xf32>, %while3A_340: vector<16xf32>, %while3A_341: vector<16xf32>):
        %add3A_342 = arith.constant 1 : i32
        %add3A_343 = arith.addi %while3A_324, %add3A_342 : i32
        %sub3A_344 = arith.subi %add3A_343, %multiple_of3A : i32
        %jit3A_345 = arith.constant 16 : i32
        %div3A_346 = arith.divsi %sub3A_344, %jit3A_345 : i32
        %sign3A_347 = arith.constant 0 : i32
        %sign3A_348 = arith.cmpi sgt, %sub3A_344, %sign3A_347 : i32
        %sign3A_349 = arith.extui %sign3A_348 : i1 to i32
        %sign3A_350 = arith.constant 0 : i32
        %sign3A_351 = arith.cmpi slt, %sub3A_344, %sign3A_350 : i32
        %sign3A_352 = arith.extui %sign3A_351 : i1 to i32
        %sign3A_353 = arith.subi %sign3A_349, %sign3A_352 : i32
        %sign3A_354 = arith.constant 0 : i32
        %sign3A_355 = arith.cmpi sgt, %jit3A_345, %sign3A_354 : i32
        %sign3A_356 = arith.extui %sign3A_355 : i1 to i32
        %sign3A_357 = arith.constant 0 : i32
        %sign3A_358 = arith.cmpi slt, %jit3A_345, %sign3A_357 : i32
        %sign3A_359 = arith.extui %sign3A_358 : i1 to i32
        %sign3A_360 = arith.subi %sign3A_356, %sign3A_359 : i32
        %ne3A_361 = arith.cmpi ne, %sign3A_353, %sign3A_360 : i32
        %rem3A_362 = arith.remsi %sub3A_344, %jit3A_345 : i32
        %ne3A_363 = arith.constant 0 : i32
        %ne3A_364 = arith.cmpi ne, %rem3A_362, %ne3A_363 : i32
        %and3A_365 = arith.andi %ne3A_361, %ne3A_364 : i1
        %sub3A_366 = arith.constant 1 : i32
        %sub3A_367 = arith.subi %div3A_346, %sub3A_366 : i32
        %select_n3A_368 = arith.select %and3A_365, %sub3A_367, %div3A_346 : i32
        %mul3A_369 = arith.constant 16 : i32
        %mul3A_370 = arith.muli %select_n3A_368, %mul3A_369 : i32
        %multiple_of3A_371 = tpu.assume_multiple %mul3A_370, 16 : i32
        %get3A_372 = arith.index_cast %multiple_of3A_371 : i32 to index
        %get3A_373 = tpu.vector_load %arg6[%get3A_372] {strides = array<i32>} : memref<352xi32, #tpu.memory_space<vmem>>, vector<16xi32>,
        %jit3A_374 = arith.constant 16 : i32
        %eq3A_375 = arith.constant 0 : i32
        %eq3A_376 = arith.cmpi eq, %jit3A_374, %eq3A_375 : i32
        %jit3A_377 = arith.constant 1 : i32
        %select_n3A_378 = arith.select %eq3A_376, %jit3A_377, %jit3A_374 : i32
        %rem3A_379 = arith.remsi %sub3A_344, %select_n3A_378 : i32
        %ne3A_380 = arith.constant 0 : i32
        %ne3A_381 = arith.cmpi ne, %rem3A_379, %ne3A_380 : i32
        %lt3A_382 = arith.constant 0 : i32
        %lt3A_383 = arith.cmpi slt, %rem3A_379, %lt3A_382 : i32
        %lt3A_384 = arith.constant 0 : i32
        %lt3A_385 = arith.cmpi slt, %select_n3A_378, %lt3A_384 : i32
        %ne3A_386 = arith.xori %lt3A_383, %lt3A_385 : i1
        %and3A_387 = arith.andi %ne3A_386, %ne3A_381 : i1
        %add3A_388 = arith.addi %rem3A_379, %select_n3A_378 : i32
        %select_n3A_389 = arith.select %and3A_387, %add3A_388, %rem3A_379 : i32
        %eq3A_390 = vector.broadcast %select_n3A_389 : i32 to vector<16xi32>
        %eq3A_391 = arith.cmpi eq, %iota3A, %eq3A_390 : vector<16xi32>
        %select_n3A_392 = arith.select %eq3A_391, %get3A_373, %broadcast_in_dim3A_21 : vector<16xi1>, vector<16xi32>
        %reduce_max3A_393 = arith.constant true
        %reduce_max3A_394 = vector.broadcast %reduce_max3A_393 : i1 to vector<16xi1>
        %reduce_max3A_395 = arith.constant -2147483648 : i32
        %reduce_max3A_396 = vector.broadcast %reduce_max3A_395 : i32 to vector<16xi32>
        %reduce_max3A_397 = arith.xori %select_n3A_392, %reduce_max3A_396 : vector<16xi32>
        %reduce_max3A_398 = tpu.scan <max>, %reduce_max3A_397 masked %reduce_max3A_394 : vector<16xi32>, vector<16xi1> -> vector<16xi32>
        %reduce_max3A_399 = arith.xori %reduce_max3A_398, %reduce_max3A_396 : vector<16xi32>
        %reduce_max3A_400 = vector.extract %reduce_max3A_399[15] : i32 from vector<16xi32>
        %sub3A_401 = arith.subi %reduce_max3A_400, %multiple_of3A_260 : i32
        %jit3A_402 = arith.constant 0 : i32
        %jit3A_403 = arith.constant 64 : i32
        %max3A_404 = arith.maxsi %jit3A_402, %sub3A_401 : i32
        %min3A_405 = arith.minsi %jit3A_403, %max3A_404 : i32
        %while3A_406 = arith.subi %min3A_405, %while3A_325 : i32
        %while3A_407 = arith.addi %while3A_325, %while3A_406 : i32
        %while3A_408 = arith.constant 1 : i32
        %while3A_409 = arith.divsi %while3A_406, %while3A_408 : i32
        %while3A_410 = arith.muli %while3A_409, %while3A_408 : i32
        %while3A_411 = arith.addi %while3A_325, %while3A_410 : i32
        %while3A_412 = arith.constant 1 : i32
        %while3A_413:16 = scf.for %while3A_440 = %while3A_325 to %while3A_411 step %while3A_412 iter_args(%while3A_441 = %while3A_326, %while3A_442 = %while3A_327, %while3A_443 = %while3A_328, %while3A_444 = %while3A_329, %while3A_445 = %while3A_330, %while3A_446 = %while3A_331, %while3A_447 = %while3A_332, %while3A_448 = %while3A_333, %while3A_449 = %while3A_334, %while3A_450 = %while3A_335, %while3A_451 = %while3A_336, %while3A_452 = %while3A_337, %while3A_453 = %while3A_338, %while3A_454 = %while3A_339, %while3A_455 = %while3A_340, %while3A_456 = %while3A_341) -> (vector<16xf32>, vector<16xf32>, vector<16xf32>, vector<16xf32>, vector<16xf32>, vector<16xf32>, vector<16xf32>, vector<16xf32>, vector<16xf32>, vector<16xf32>, vector<16xf32>, vector<16xf32>, vector<16xf32>, vector<16xf32>, vector<16xf32>, vector<16xf32>)  : i32 {
          %get3A_457 = arith.index_cast %while3A_440 : i32 to index
          %get3A_458 = arith.constant 0 : index
          %get3A_459 = tpu.vector_load %arg5[%get3A_457, %get3A_458] {strides = array<i32>} : memref<64x256xf32, #tpu.memory_space<vmem>>, vector<16xf32>,
          %max3A_460 = arith.maximumf %while3A_441, %get3A_459 : vector<16xf32>
          %get3A_461 = arith.index_cast %while3A_440 : i32 to index
          %get3A_462 = arith.constant 16 : index
          %get3A_463 = tpu.vector_load %arg5[%get3A_461, %get3A_462] {strides = array<i32>} : memref<64x256xf32, #tpu.memory_space<vmem>>, vector<16xf32>,
          %max3A_464 = arith.maximumf %while3A_442, %get3A_463 : vector<16xf32>
          %get3A_465 = arith.index_cast %while3A_440 : i32 to index
          %get3A_466 = arith.constant 32 : index
          %get3A_467 = tpu.vector_load %arg5[%get3A_465, %get3A_466] {strides = array<i32>} : memref<64x256xf32, #tpu.memory_space<vmem>>, vector<16xf32>,
          %max3A_468 = arith.maximumf %while3A_443, %get3A_467 : vector<16xf32>
          %get3A_469 = arith.index_cast %while3A_440 : i32 to index
          %get3A_470 = arith.constant 48 : index
          %get3A_471 = tpu.vector_load %arg5[%get3A_469, %get3A_470] {strides = array<i32>} : memref<64x256xf32, #tpu.memory_space<vmem>>, vector<16xf32>,
          %max3A_472 = arith.maximumf %while3A_444, %get3A_471 : vector<16xf32>
          %get3A_473 = arith.index_cast %while3A_440 : i32 to index
          %get3A_474 = arith.constant 64 : index
          %get3A_475 = tpu.vector_load %arg5[%get3A_473, %get3A_474] {strides = array<i32>} : memref<64x256xf32, #tpu.memory_space<vmem>>, vector<16xf32>,
          %max3A_476 = arith.maximumf %while3A_445, %get3A_475 : vector<16xf32>
          %get3A_477 = arith.index_cast %while3A_440 : i32 to index
          %get3A_478 = arith.constant 80 : index
          %get3A_479 = tpu.vector_load %arg5[%get3A_477, %get3A_478] {strides = array<i32>} : memref<64x256xf32, #tpu.memory_space<vmem>>, vector<16xf32>,
          %max3A_480 = arith.maximumf %while3A_446, %get3A_479 : vector<16xf32>
          %get3A_481 = arith.index_cast %while3A_440 : i32 to index
          %get3A_482 = arith.constant 96 : index
          %get3A_483 = tpu.vector_load %arg5[%get3A_481, %get3A_482] {strides = array<i32>} : memref<64x256xf32, #tpu.memory_space<vmem>>, vector<16xf32>,
          %max3A_484 = arith.maximumf %while3A_447, %get3A_483 : vector<16xf32>
          %get3A_485 = arith.index_cast %while3A_440 : i32 to index
          %get3A_486 = arith.constant 112 : index
          %get3A_487 = tpu.vector_load %arg5[%get3A_485, %get3A_486] {strides = array<i32>} : memref<64x256xf32, #tpu.memory_space<vmem>>, vector<16xf32>,
          %max3A_488 = arith.maximumf %while3A_448, %get3A_487 : vector<16xf32>
          %get3A_489 = arith.index_cast %while3A_440 : i32 to index
          %get3A_490 = arith.constant 128 : index
          %get3A_491 = tpu.vector_load %arg5[%get3A_489, %get3A_490] {strides = array<i32>} : memref<64x256xf32, #tpu.memory_space<vmem>>, vector<16xf32>,
          %max3A_492 = arith.maximumf %while3A_449, %get3A_491 : vector<16xf32>
          %get3A_493 = arith.index_cast %while3A_440 : i32 to index
          %get3A_494 = arith.constant 144 : index
          %get3A_495 = tpu.vector_load %arg5[%get3A_493, %get3A_494] {strides = array<i32>} : memref<64x256xf32, #tpu.memory_space<vmem>>, vector<16xf32>,
          %max3A_496 = arith.maximumf %while3A_450, %get3A_495 : vector<16xf32>
          %get3A_497 = arith.index_cast %while3A_440 : i32 to index
          %get3A_498 = arith.constant 160 : index
          %get3A_499 = tpu.vector_load %arg5[%get3A_497, %get3A_498] {strides = array<i32>} : memref<64x256xf32, #tpu.memory_space<vmem>>, vector<16xf32>,
          %max3A_500 = arith.maximumf %while3A_451, %get3A_499 : vector<16xf32>
          %get3A_501 = arith.index_cast %while3A_440 : i32 to index
          %get3A_502 = arith.constant 176 : index
          %get3A_503 = tpu.vector_load %arg5[%get3A_501, %get3A_502] {strides = array<i32>} : memref<64x256xf32, #tpu.memory_space<vmem>>, vector<16xf32>,
          %max3A_504 = arith.maximumf %while3A_452, %get3A_503 : vector<16xf32>
          %get3A_505 = arith.index_cast %while3A_440 : i32 to index
          %get3A_506 = arith.constant 192 : index
          %get3A_507 = tpu.vector_load %arg5[%get3A_505, %get3A_506] {strides = array<i32>} : memref<64x256xf32, #tpu.memory_space<vmem>>, vector<16xf32>,
          %max3A_508 = arith.maximumf %while3A_453, %get3A_507 : vector<16xf32>
          %get3A_509 = arith.index_cast %while3A_440 : i32 to index
          %get3A_510 = arith.constant 208 : index
          %get3A_511 = tpu.vector_load %arg5[%get3A_509, %get3A_510] {strides = array<i32>} : memref<64x256xf32, #tpu.memory_space<vmem>>, vector<16xf32>,
          %max3A_512 = arith.maximumf %while3A_454, %get3A_511 : vector<16xf32>
          %get3A_513 = arith.index_cast %while3A_440 : i32 to index
          %get3A_514 = arith.constant 224 : index
          %get3A_515 = tpu.vector_load %arg5[%get3A_513, %get3A_514] {strides = array<i32>} : memref<64x256xf32, #tpu.memory_space<vmem>>, vector<16xf32>,
          %max3A_516 = arith.maximumf %while3A_455, %get3A_515 : vector<16xf32>
          %get3A_517 = arith.index_cast %while3A_440 : i32 to index
          %get3A_518 = arith.constant 240 : index
          %get3A_519 = tpu.vector_load %arg5[%get3A_517, %get3A_518] {strides = array<i32>} : memref<64x256xf32, #tpu.memory_space<vmem>>, vector<16xf32>,
          %max3A_520 = arith.maximumf %while3A_456, %get3A_519 : vector<16xf32>
          scf.yield %max3A_460, %max3A_464, %max3A_468, %max3A_472, %max3A_476, %max3A_480, %max3A_484, %max3A_488, %max3A_492, %max3A_496, %max3A_500, %max3A_504, %max3A_508, %max3A_512, %max3A_516, %max3A_520 : vector<16xf32>, vector<16xf32>, vector<16xf32>, vector<16xf32>, vector<16xf32>, vector<16xf32>, vector<16xf32>, vector<16xf32>, vector<16xf32>, vector<16xf32>, vector<16xf32>, vector<16xf32>, vector<16xf32>, vector<16xf32>, vector<16xf32>, vector<16xf32>
        }
        %while3A_414 = arith.constant 1 : i32
        %while3A_415:16 = scf.for %while3A_440 = %while3A_411 to %while3A_407 step %while3A_414 iter_args(%while3A_441 = %while3A_413#0, %while3A_442 = %while3A_413#1, %while3A_443 = %while3A_413#2, %while3A_444 = %while3A_413#3, %while3A_445 = %while3A_413#4, %while3A_446 = %while3A_413#5, %while3A_447 = %while3A_413#6, %while3A_448 = %while3A_413#7, %while3A_449 = %while3A_413#8, %while3A_450 = %while3A_413#9, %while3A_451 = %while3A_413#10, %while3A_452 = %while3A_413#11, %while3A_453 = %while3A_413#12, %while3A_454 = %while3A_413#13, %while3A_455 = %while3A_413#14, %while3A_456 = %while3A_413#15) -> (vector<16xf32>, vector<16xf32>, vector<16xf32>, vector<16xf32>, vector<16xf32>, vector<16xf32>, vector<16xf32>, vector<16xf32>, vector<16xf32>, vector<16xf32>, vector<16xf32>, vector<16xf32>, vector<16xf32>, vector<16xf32>, vector<16xf32>, vector<16xf32>)  : i32 {
          %get3A_457 = arith.index_cast %while3A_440 : i32 to index
          %get3A_458 = arith.constant 0 : index
          %get3A_459 = tpu.vector_load %arg5[%get3A_457, %get3A_458] {strides = array<i32>} : memref<64x256xf32, #tpu.memory_space<vmem>>, vector<16xf32>,
          %max3A_460 = arith.maximumf %while3A_441, %get3A_459 : vector<16xf32>
          %get3A_461 = arith.index_cast %while3A_440 : i32 to index
          %get3A_462 = arith.constant 16 : index
          %get3A_463 = tpu.vector_load %arg5[%get3A_461, %get3A_462] {strides = array<i32>} : memref<64x256xf32, #tpu.memory_space<vmem>>, vector<16xf32>,
          %max3A_464 = arith.maximumf %while3A_442, %get3A_463 : vector<16xf32>
          %get3A_465 = arith.index_cast %while3A_440 : i32 to index
          %get3A_466 = arith.constant 32 : index
          %get3A_467 = tpu.vector_load %arg5[%get3A_465, %get3A_466] {strides = array<i32>} : memref<64x256xf32, #tpu.memory_space<vmem>>, vector<16xf32>,
          %max3A_468 = arith.maximumf %while3A_443, %get3A_467 : vector<16xf32>
          %get3A_469 = arith.index_cast %while3A_440 : i32 to index
          %get3A_470 = arith.constant 48 : index
          %get3A_471 = tpu.vector_load %arg5[%get3A_469, %get3A_470] {strides = array<i32>} : memref<64x256xf32, #tpu.memory_space<vmem>>, vector<16xf32>,
          %max3A_472 = arith.maximumf %while3A_444, %get3A_471 : vector<16xf32>
          %get3A_473 = arith.index_cast %while3A_440 : i32 to index
          %get3A_474 = arith.constant 64 : index
          %get3A_475 = tpu.vector_load %arg5[%get3A_473, %get3A_474] {strides = array<i32>} : memref<64x256xf32, #tpu.memory_space<vmem>>, vector<16xf32>,
          %max3A_476 = arith.maximumf %while3A_445, %get3A_475 : vector<16xf32>
          %get3A_477 = arith.index_cast %while3A_440 : i32 to index
          %get3A_478 = arith.constant 80 : index
          %get3A_479 = tpu.vector_load %arg5[%get3A_477, %get3A_478] {strides = array<i32>} : memref<64x256xf32, #tpu.memory_space<vmem>>, vector<16xf32>,
          %max3A_480 = arith.maximumf %while3A_446, %get3A_479 : vector<16xf32>
          %get3A_481 = arith.index_cast %while3A_440 : i32 to index
          %get3A_482 = arith.constant 96 : index
          %get3A_483 = tpu.vector_load %arg5[%get3A_481, %get3A_482] {strides = array<i32>} : memref<64x256xf32, #tpu.memory_space<vmem>>, vector<16xf32>,
          %max3A_484 = arith.maximumf %while3A_447, %get3A_483 : vector<16xf32>
          %get3A_485 = arith.index_cast %while3A_440 : i32 to index
          %get3A_486 = arith.constant 112 : index
          %get3A_487 = tpu.vector_load %arg5[%get3A_485, %get3A_486] {strides = array<i32>} : memref<64x256xf32, #tpu.memory_space<vmem>>, vector<16xf32>,
          %max3A_488 = arith.maximumf %while3A_448, %get3A_487 : vector<16xf32>
          %get3A_489 = arith.index_cast %while3A_440 : i32 to index
          %get3A_490 = arith.constant 128 : index
          %get3A_491 = tpu.vector_load %arg5[%get3A_489, %get3A_490] {strides = array<i32>} : memref<64x256xf32, #tpu.memory_space<vmem>>, vector<16xf32>,
          %max3A_492 = arith.maximumf %while3A_449, %get3A_491 : vector<16xf32>
          %get3A_493 = arith.index_cast %while3A_440 : i32 to index
          %get3A_494 = arith.constant 144 : index
          %get3A_495 = tpu.vector_load %arg5[%get3A_493, %get3A_494] {strides = array<i32>} : memref<64x256xf32, #tpu.memory_space<vmem>>, vector<16xf32>,
          %max3A_496 = arith.maximumf %while3A_450, %get3A_495 : vector<16xf32>
          %get3A_497 = arith.index_cast %while3A_440 : i32 to index
          %get3A_498 = arith.constant 160 : index
          %get3A_499 = tpu.vector_load %arg5[%get3A_497, %get3A_498] {strides = array<i32>} : memref<64x256xf32, #tpu.memory_space<vmem>>, vector<16xf32>,
          %max3A_500 = arith.maximumf %while3A_451, %get3A_499 : vector<16xf32>
          %get3A_501 = arith.index_cast %while3A_440 : i32 to index
          %get3A_502 = arith.constant 176 : index
          %get3A_503 = tpu.vector_load %arg5[%get3A_501, %get3A_502] {strides = array<i32>} : memref<64x256xf32, #tpu.memory_space<vmem>>, vector<16xf32>,
          %max3A_504 = arith.maximumf %while3A_452, %get3A_503 : vector<16xf32>
          %get3A_505 = arith.index_cast %while3A_440 : i32 to index
          %get3A_506 = arith.constant 192 : index
          %get3A_507 = tpu.vector_load %arg5[%get3A_505, %get3A_506] {strides = array<i32>} : memref<64x256xf32, #tpu.memory_space<vmem>>, vector<16xf32>,
          %max3A_508 = arith.maximumf %while3A_453, %get3A_507 : vector<16xf32>
          %get3A_509 = arith.index_cast %while3A_440 : i32 to index
          %get3A_510 = arith.constant 208 : index
          %get3A_511 = tpu.vector_load %arg5[%get3A_509, %get3A_510] {strides = array<i32>} : memref<64x256xf32, #tpu.memory_space<vmem>>, vector<16xf32>,
          %max3A_512 = arith.maximumf %while3A_454, %get3A_511 : vector<16xf32>
          %get3A_513 = arith.index_cast %while3A_440 : i32 to index
          %get3A_514 = arith.constant 224 : index
          %get3A_515 = tpu.vector_load %arg5[%get3A_513, %get3A_514] {strides = array<i32>} : memref<64x256xf32, #tpu.memory_space<vmem>>, vector<16xf32>,
          %max3A_516 = arith.maximumf %while3A_455, %get3A_515 : vector<16xf32>
          %get3A_517 = arith.index_cast %while3A_440 : i32 to index
          %get3A_518 = arith.constant 240 : index
          %get3A_519 = tpu.vector_load %arg5[%get3A_517, %get3A_518] {strides = array<i32>} : memref<64x256xf32, #tpu.memory_space<vmem>>, vector<16xf32>,
          %max3A_520 = arith.maximumf %while3A_456, %get3A_519 : vector<16xf32>
          scf.yield %max3A_460, %max3A_464, %max3A_468, %max3A_472, %max3A_476, %max3A_480, %max3A_484, %max3A_488, %max3A_492, %max3A_496, %max3A_500, %max3A_504, %max3A_508, %max3A_512, %max3A_516, %max3A_520 : vector<16xf32>, vector<16xf32>, vector<16xf32>, vector<16xf32>, vector<16xf32>, vector<16xf32>, vector<16xf32>, vector<16xf32>, vector<16xf32>, vector<16xf32>, vector<16xf32>, vector<16xf32>, vector<16xf32>, vector<16xf32>, vector<16xf32>, vector<16xf32>
        }
        %lt3A_416 = arith.constant 64 : i32
        %lt3A_417 = arith.cmpi slt, %min3A_405, %lt3A_416 : i32
        %convert_element_type3A_418 = arith.extui %lt3A_417 : i1 to i32
        %cond3A_419 = arith.constant 0 : i32
        %cond3A_420 = arith.cmpi ne, %convert_element_type3A_418, %cond3A_419 : i32
        scf.if %cond3A_420 {
          %sub3A_440 = arith.subi %while3A_324, %mul3A_2 : i32
          %swap3A = arith.index_cast %sub3A_440 : i32 to index
          %swap3A_441 = arith.constant 0 : index
          %swap3A_442 = tpu.vector_load %arg7[%swap3A, %swap3A_441] {strides = array<i32>} : memref<320x256xf32, #tpu.memory_space<vmem>>, vector<16xf32>,
          tpu.vector_store %arg7[%swap3A, %swap3A_441], %while3A_415#0 {strides = array<i32>} : memref<320x256xf32, #tpu.memory_space<vmem>>, vector<16xf32>,
          %swap3A_443 = arith.index_cast %sub3A_440 : i32 to index
          %swap3A_444 = arith.constant 16 : index
          %swap3A_445 = tpu.vector_load %arg7[%swap3A_443, %swap3A_444] {strides = array<i32>} : memref<320x256xf32, #tpu.memory_space<vmem>>, vector<16xf32>,
          tpu.vector_store %arg7[%swap3A_443, %swap3A_444], %while3A_415#1 {strides = array<i32>} : memref<320x256xf32, #tpu.memory_space<vmem>>, vector<16xf32>,
          %swap3A_446 = arith.index_cast %sub3A_440 : i32 to index
          %swap3A_447 = arith.constant 32 : index
          %swap3A_448 = tpu.vector_load %arg7[%swap3A_446, %swap3A_447] {strides = array<i32>} : memref<320x256xf32, #tpu.memory_space<vmem>>, vector<16xf32>,
          tpu.vector_store %arg7[%swap3A_446, %swap3A_447], %while3A_415#2 {strides = array<i32>} : memref<320x256xf32, #tpu.memory_space<vmem>>, vector<16xf32>,
          %swap3A_449 = arith.index_cast %sub3A_440 : i32 to index
          %swap3A_450 = arith.constant 48 : index
          %swap3A_451 = tpu.vector_load %arg7[%swap3A_449, %swap3A_450] {strides = array<i32>} : memref<320x256xf32, #tpu.memory_space<vmem>>, vector<16xf32>,
          tpu.vector_store %arg7[%swap3A_449, %swap3A_450], %while3A_415#3 {strides = array<i32>} : memref<320x256xf32, #tpu.memory_space<vmem>>, vector<16xf32>,
          %swap3A_452 = arith.index_cast %sub3A_440 : i32 to index
          %swap3A_453 = arith.constant 64 : index
          %swap3A_454 = tpu.vector_load %arg7[%swap3A_452, %swap3A_453] {strides = array<i32>} : memref<320x256xf32, #tpu.memory_space<vmem>>, vector<16xf32>,
          tpu.vector_store %arg7[%swap3A_452, %swap3A_453], %while3A_415#4 {strides = array<i32>} : memref<320x256xf32, #tpu.memory_space<vmem>>, vector<16xf32>,
          %swap3A_455 = arith.index_cast %sub3A_440 : i32 to index
          %swap3A_456 = arith.constant 80 : index
          %swap3A_457 = tpu.vector_load %arg7[%swap3A_455, %swap3A_456] {strides = array<i32>} : memref<320x256xf32, #tpu.memory_space<vmem>>, vector<16xf32>,
          tpu.vector_store %arg7[%swap3A_455, %swap3A_456], %while3A_415#5 {strides = array<i32>} : memref<320x256xf32, #tpu.memory_space<vmem>>, vector<16xf32>,
          %swap3A_458 = arith.index_cast %sub3A_440 : i32 to index
          %swap3A_459 = arith.constant 96 : index
          %swap3A_460 = tpu.vector_load %arg7[%swap3A_458, %swap3A_459] {strides = array<i32>} : memref<320x256xf32, #tpu.memory_space<vmem>>, vector<16xf32>,
          tpu.vector_store %arg7[%swap3A_458, %swap3A_459], %while3A_415#6 {strides = array<i32>} : memref<320x256xf32, #tpu.memory_space<vmem>>, vector<16xf32>,
          %swap3A_461 = arith.index_cast %sub3A_440 : i32 to index
          %swap3A_462 = arith.constant 112 : index
          %swap3A_463 = tpu.vector_load %arg7[%swap3A_461, %swap3A_462] {strides = array<i32>} : memref<320x256xf32, #tpu.memory_space<vmem>>, vector<16xf32>,
          tpu.vector_store %arg7[%swap3A_461, %swap3A_462], %while3A_415#7 {strides = array<i32>} : memref<320x256xf32, #tpu.memory_space<vmem>>, vector<16xf32>,
          %swap3A_464 = arith.index_cast %sub3A_440 : i32 to index
          %swap3A_465 = arith.constant 128 : index
          %swap3A_466 = tpu.vector_load %arg7[%swap3A_464, %swap3A_465] {strides = array<i32>} : memref<320x256xf32, #tpu.memory_space<vmem>>, vector<16xf32>,
          tpu.vector_store %arg7[%swap3A_464, %swap3A_465], %while3A_415#8 {strides = array<i32>} : memref<320x256xf32, #tpu.memory_space<vmem>>, vector<16xf32>,
          %swap3A_467 = arith.index_cast %sub3A_440 : i32 to index
          %swap3A_468 = arith.constant 144 : index
          %swap3A_469 = tpu.vector_load %arg7[%swap3A_467, %swap3A_468] {strides = array<i32>} : memref<320x256xf32, #tpu.memory_space<vmem>>, vector<16xf32>,
          tpu.vector_store %arg7[%swap3A_467, %swap3A_468], %while3A_415#9 {strides = array<i32>} : memref<320x256xf32, #tpu.memory_space<vmem>>, vector<16xf32>,
          %swap3A_470 = arith.index_cast %sub3A_440 : i32 to index
          %swap3A_471 = arith.constant 160 : index
          %swap3A_472 = tpu.vector_load %arg7[%swap3A_470, %swap3A_471] {strides = array<i32>} : memref<320x256xf32, #tpu.memory_space<vmem>>, vector<16xf32>,
          tpu.vector_store %arg7[%swap3A_470, %swap3A_471], %while3A_415#10 {strides = array<i32>} : memref<320x256xf32, #tpu.memory_space<vmem>>, vector<16xf32>,
          %swap3A_473 = arith.index_cast %sub3A_440 : i32 to index
          %swap3A_474 = arith.constant 176 : index
          %swap3A_475 = tpu.vector_load %arg7[%swap3A_473, %swap3A_474] {strides = array<i32>} : memref<320x256xf32, #tpu.memory_space<vmem>>, vector<16xf32>,
          tpu.vector_store %arg7[%swap3A_473, %swap3A_474], %while3A_415#11 {strides = array<i32>} : memref<320x256xf32, #tpu.memory_space<vmem>>, vector<16xf32>,
          %swap3A_476 = arith.index_cast %sub3A_440 : i32 to index
          %swap3A_477 = arith.constant 192 : index
          %swap3A_478 = tpu.vector_load %arg7[%swap3A_476, %swap3A_477] {strides = array<i32>} : memref<320x256xf32, #tpu.memory_space<vmem>>, vector<16xf32>,
          tpu.vector_store %arg7[%swap3A_476, %swap3A_477], %while3A_415#12 {strides = array<i32>} : memref<320x256xf32, #tpu.memory_space<vmem>>, vector<16xf32>,
          %swap3A_479 = arith.index_cast %sub3A_440 : i32 to index
          %swap3A_480 = arith.constant 208 : index
          %swap3A_481 = tpu.vector_load %arg7[%swap3A_479, %swap3A_480] {strides = array<i32>} : memref<320x256xf32, #tpu.memory_space<vmem>>, vector<16xf32>,
          tpu.vector_store %arg7[%swap3A_479, %swap3A_480], %while3A_415#13 {strides = array<i32>} : memref<320x256xf32, #tpu.memory_space<vmem>>, vector<16xf32>,
          %swap3A_482 = arith.index_cast %sub3A_440 : i32 to index
          %swap3A_483 = arith.constant 224 : index
          %swap3A_484 = tpu.vector_load %arg7[%swap3A_482, %swap3A_483] {strides = array<i32>} : memref<320x256xf32, #tpu.memory_space<vmem>>, vector<16xf32>,
          tpu.vector_store %arg7[%swap3A_482, %swap3A_483], %while3A_415#14 {strides = array<i32>} : memref<320x256xf32, #tpu.memory_space<vmem>>, vector<16xf32>,
          %swap3A_485 = arith.index_cast %sub3A_440 : i32 to index
          %swap3A_486 = arith.constant 240 : index
          %swap3A_487 = tpu.vector_load %arg7[%swap3A_485, %swap3A_486] {strides = array<i32>} : memref<320x256xf32, #tpu.memory_space<vmem>>, vector<16xf32>,
          tpu.vector_store %arg7[%swap3A_485, %swap3A_486], %while3A_415#15 {strides = array<i32>} : memref<320x256xf32, #tpu.memory_space<vmem>>, vector<16xf32>,
        } else {
        }
        %select_n3A_421 = arith.select %lt3A_417, %broadcast_in_dim3A_23, %while3A_415#0 : vector<16xf32>
        %select_n3A_422 = arith.select %lt3A_417, %broadcast_in_dim3A_23, %while3A_415#1 : vector<16xf32>
        %select_n3A_423 = arith.select %lt3A_417, %broadcast_in_dim3A_23, %while3A_415#2 : vector<16xf32>
        %select_n3A_424 = arith.select %lt3A_417, %broadcast_in_dim3A_23, %while3A_415#3 : vector<16xf32>
        %select_n3A_425 = arith.select %lt3A_417, %broadcast_in_dim3A_23, %while3A_415#4 : vector<16xf32>
        %select_n3A_426 = arith.select %lt3A_417, %broadcast_in_dim3A_23, %while3A_415#5 : vector<16xf32>
        %select_n3A_427 = arith.select %lt3A_417, %broadcast_in_dim3A_23, %while3A_415#6 : vector<16xf32>
        %select_n3A_428 = arith.select %lt3A_417, %broadcast_in_dim3A_23, %while3A_415#7 : vector<16xf32>
        %select_n3A_429 = arith.select %lt3A_417, %broadcast_in_dim3A_23, %while3A_415#8 : vector<16xf32>
        %select_n3A_430 = arith.select %lt3A_417, %broadcast_in_dim3A_23, %while3A_415#9 : vector<16xf32>
        %select_n3A_431 = arith.select %lt3A_417, %broadcast_in_dim3A_23, %while3A_415#10 : vector<16xf32>
        %select_n3A_432 = arith.select %lt3A_417, %broadcast_in_dim3A_23, %while3A_415#11 : vector<16xf32>
        %select_n3A_433 = arith.select %lt3A_417, %broadcast_in_dim3A_23, %while3A_415#12 : vector<16xf32>
        %select_n3A_434 = arith.select %lt3A_417, %broadcast_in_dim3A_23, %while3A_415#13 : vector<16xf32>
        %select_n3A_435 = arith.select %lt3A_417, %broadcast_in_dim3A_23, %while3A_415#14 : vector<16xf32>
        %select_n3A_436 = arith.select %lt3A_417, %broadcast_in_dim3A_23, %while3A_415#15 : vector<16xf32>
        %add3A_437 = arith.constant 1 : i32
        %add3A_438 = arith.addi %while3A_324, %add3A_437 : i32
        %select_n3A_439 = arith.select %lt3A_417, %add3A_438, %while3A_324 : i32
        scf.yield %select_n3A_439, %min3A_405, %select_n3A_421, %select_n3A_422, %select_n3A_423, %select_n3A_424, %select_n3A_425, %select_n3A_426, %select_n3A_427, %select_n3A_428, %select_n3A_429, %select_n3A_430, %select_n3A_431, %select_n3A_432, %select_n3A_433, %select_n3A_434, %select_n3A_435, %select_n3A_436 : i32, i32, vector<16xf32>, vector<16xf32>, vector<16xf32>, vector<16xf32>, vector<16xf32>, vector<16xf32>, vector<16xf32>, vector<16xf32>, vector<16xf32>, vector<16xf32>, vector<16xf32>, vector<16xf32>, vector<16xf32>, vector<16xf32>, vector<16xf32>, vector<16xf32>
      }
      scf.yield %while3A_323#0, %while3A_323#2, %while3A_323#3, %while3A_323#4, %while3A_323#5, %while3A_323#6, %while3A_323#7, %while3A_323#8, %while3A_323#9, %while3A_323#10, %while3A_323#11, %while3A_323#12, %while3A_323#13, %while3A_323#14, %while3A_323#15, %while3A_323#16, %while3A_323#17 : i32, vector<16xf32>, vector<16xf32>, vector<16xf32>, vector<16xf32>, vector<16xf32>, vector<16xf32>, vector<16xf32>, vector<16xf32>, vector<16xf32>, vector<16xf32>, vector<16xf32>, vector<16xf32>, vector<16xf32>, vector<16xf32>, vector<16xf32>, vector<16xf32>
    }
    %while3A_206 = arith.constant 1 : i32
    %while3A_207:17 = scf.for %while3A_212 = %while3A_203 to %while3A_199 step %while3A_206 iter_args(%while3A_213 = %while3A_205#0, %while3A_214 = %while3A_205#1, %while3A_215 = %while3A_205#2, %while3A_216 = %while3A_205#3, %while3A_217 = %while3A_205#4, %while3A_218 = %while3A_205#5, %while3A_219 = %while3A_205#6, %while3A_220 = %while3A_205#7, %while3A_221 = %while3A_205#8, %while3A_222 = %while3A_205#9, %while3A_223 = %while3A_205#10, %while3A_224 = %while3A_205#11, %while3A_225 = %while3A_205#12, %while3A_226 = %while3A_205#13, %while3A_227 = %while3A_205#14, %while3A_228 = %while3A_205#15, %while3A_229 = %while3A_205#16) -> (i32, vector<16xf32>, vector<16xf32>, vector<16xf32>, vector<16xf32>, vector<16xf32>, vector<16xf32>, vector<16xf32>, vector<16xf32>, vector<16xf32>, vector<16xf32>, vector<16xf32>, vector<16xf32>, vector<16xf32>, vector<16xf32>, vector<16xf32>, vector<16xf32>)  : i32 {
      %mul3A_230 = arith.constant 64 : i32
      %mul3A_231 = arith.muli %while3A_212, %mul3A_230 : i32
      %add3A_232 = arith.addi %mul3A_161, %mul3A_231 : i32
      %min3A = arith.constant 159936 : i32
      %min3A_233 = arith.minsi %add3A_232, %min3A : i32
      %jit3A_234 = arith.constant 16 : i32
      %div3A_235 = arith.divsi %min3A_233, %jit3A_234 : i32
      %sign3A_236 = arith.constant 0 : i32
      %sign3A_237 = arith.cmpi sgt, %min3A_233, %sign3A_236 : i32
      %sign3A_238 = arith.extui %sign3A_237 : i1 to i32
      %sign3A_239 = arith.constant 0 : i32
      %sign3A_240 = arith.cmpi slt, %min3A_233, %sign3A_239 : i32
      %sign3A_241 = arith.extui %sign3A_240 : i1 to i32
      %sign3A_242 = arith.subi %sign3A_238, %sign3A_241 : i32
      %sign3A_243 = arith.constant 0 : i32
      %sign3A_244 = arith.cmpi sgt, %jit3A_234, %sign3A_243 : i32
      %sign3A_245 = arith.extui %sign3A_244 : i1 to i32
      %sign3A_246 = arith.constant 0 : i32
      %sign3A_247 = arith.cmpi slt, %jit3A_234, %sign3A_246 : i32
      %sign3A_248 = arith.extui %sign3A_247 : i1 to i32
      %sign3A_249 = arith.subi %sign3A_245, %sign3A_248 : i32
      %ne3A_250 = arith.cmpi ne, %sign3A_242, %sign3A_249 : i32
      %rem3A_251 = arith.remsi %min3A_233, %jit3A_234 : i32
      %ne3A_252 = arith.constant 0 : i32
      %ne3A_253 = arith.cmpi ne, %rem3A_251, %ne3A_252 : i32
      %and3A_254 = arith.andi %ne3A_250, %ne3A_253 : i1
      %sub3A_255 = arith.constant 1 : i32
      %sub3A_256 = arith.subi %div3A_235, %sub3A_255 : i32
      %select_n3A_257 = arith.select %and3A_254, %sub3A_256, %div3A_235 : i32
      %mul3A_258 = arith.constant 16 : i32
      %mul3A_259 = arith.muli %select_n3A_257, %mul3A_258 : i32
      %multiple_of3A_260 = tpu.assume_multiple %mul3A_259, 16 : i32
      "tpu.region"() ({
        %run_scoped3A = tpu.sem_alloc : memref<!tpu.dma_semaphore, #tpu.memory_space<semaphore_mem>>
        %dma_start3A = arith.constant 0 : i32
        %dma_start3A_324 = tpu.memref_slice %arg2[%multiple_of3A_260, %dma_start3A] : memref<160000x256xf32, #tpu.memory_space<hbm>> -> memref<64x256xf32, #tpu.memory_space<hbm>>
        %dma_start3A_325 = arith.constant 0 : i32
        %dma_start3A_326 = tpu.memref_slice %arg2[%multiple_of3A_260, %dma_start3A_325] : memref<160000x256xf32, #tpu.memory_space<hbm>> -> memref<64x256xf32, #tpu.memory_space<hbm>>
        tpu.enqueue_dma source(%dma_start3A_326 : memref<64x256xf32, #tpu.memory_space<hbm>>) target(%arg5 : memref<64x256xf32, #tpu.memory_space<vmem>>) target_semaphore(%run_scoped3A : memref<!tpu.dma_semaphore, #tpu.memory_space<semaphore_mem>>)
        %dma_wait3A = arith.constant 0 : i32
        %dma_wait3A_327 = tpu.memref_slice %arg2[%multiple_of3A_260, %dma_wait3A] : memref<160000x256xf32, #tpu.memory_space<hbm>> -> memref<64x256xf32, #tpu.memory_space<hbm>>
        %dma_wait3A_328 = arith.constant 0 : i32
        %dma_wait3A_329 = tpu.memref_slice %arg2[%multiple_of3A_260, %dma_wait3A_328] : memref<160000x256xf32, #tpu.memory_space<hbm>> -> memref<64x256xf32, #tpu.memory_space<hbm>>
        tpu.wait_dma2 semaphore(%run_scoped3A : memref<!tpu.dma_semaphore, #tpu.memory_space<semaphore_mem>>) src(%dma_wait3A_329 : memref<64x256xf32, #tpu.memory_space<hbm>>) dst(%arg5 : memref<64x256xf32, #tpu.memory_space<vmem>>)
        tpu.yield
      }) : () -> ()
      %sub3A_261 = arith.subi %while3A_213, %multiple_of3A : i32
      %jit3A_262 = arith.constant 16 : i32
      %div3A_263 = arith.divsi %sub3A_261, %jit3A_262 : i32
      %sign3A_264 = arith.constant 0 : i32
      %sign3A_265 = arith.cmpi sgt, %sub3A_261, %sign3A_264 : i32
      %sign3A_266 = arith.extui %sign3A_265 : i1 to i32
      %sign3A_267 = arith.constant 0 : i32
      %sign3A_268 = arith.cmpi slt, %sub3A_261, %sign3A_267 : i32
      %sign3A_269 = arith.extui %sign3A_268 : i1 to i32
      %sign3A_270 = arith.subi %sign3A_266, %sign3A_269 : i32
      %sign3A_271 = arith.constant 0 : i32
      %sign3A_272 = arith.cmpi sgt, %jit3A_262, %sign3A_271 : i32
      %sign3A_273 = arith.extui %sign3A_272 : i1 to i32
      %sign3A_274 = arith.constant 0 : i32
      %sign3A_275 = arith.cmpi slt, %jit3A_262, %sign3A_274 : i32
      %sign3A_276 = arith.extui %sign3A_275 : i1 to i32
      %sign3A_277 = arith.subi %sign3A_273, %sign3A_276 : i32
      %ne3A_278 = arith.cmpi ne, %sign3A_270, %sign3A_277 : i32
      %rem3A_279 = arith.remsi %sub3A_261, %jit3A_262 : i32
      %ne3A_280 = arith.constant 0 : i32
      %ne3A_281 = arith.cmpi ne, %rem3A_279, %ne3A_280 : i32
      %and3A_282 = arith.andi %ne3A_278, %ne3A_281 : i1
      %sub3A_283 = arith.constant 1 : i32
      %sub3A_284 = arith.subi %div3A_263, %sub3A_283 : i32
      %select_n3A_285 = arith.select %and3A_282, %sub3A_284, %div3A_263 : i32
      %mul3A_286 = arith.constant 16 : i32
      %mul3A_287 = arith.muli %select_n3A_285, %mul3A_286 : i32
      %multiple_of3A_288 = tpu.assume_multiple %mul3A_287, 16 : i32
      %get3A_289 = arith.index_cast %multiple_of3A_288 : i32 to index
      %get3A_290 = tpu.vector_load %arg6[%get3A_289] {strides = array<i32>} : memref<352xi32, #tpu.memory_space<vmem>>, vector<16xi32>,
      %jit3A_291 = arith.constant 16 : i32
      %eq3A_292 = arith.constant 0 : i32
      %eq3A_293 = arith.cmpi eq, %jit3A_291, %eq3A_292 : i32
      %jit3A_294 = arith.constant 1 : i32
      %select_n3A_295 = arith.select %eq3A_293, %jit3A_294, %jit3A_291 : i32
      %rem3A_296 = arith.remsi %sub3A_261, %select_n3A_295 : i32
      %ne3A_297 = arith.constant 0 : i32
      %ne3A_298 = arith.cmpi ne, %rem3A_296, %ne3A_297 : i32
      %lt3A_299 = arith.constant 0 : i32
      %lt3A_300 = arith.cmpi slt, %rem3A_296, %lt3A_299 : i32
      %lt3A_301 = arith.constant 0 : i32
      %lt3A_302 = arith.cmpi slt, %select_n3A_295, %lt3A_301 : i32
      %ne3A_303 = arith.xori %lt3A_300, %lt3A_302 : i1
      %and3A_304 = arith.andi %ne3A_303, %ne3A_298 : i1
      %add3A_305 = arith.addi %rem3A_296, %select_n3A_295 : i32
      %select_n3A_306 = arith.select %and3A_304, %add3A_305, %rem3A_296 : i32
      %eq3A_307 = vector.broadcast %select_n3A_306 : i32 to vector<16xi32>
      %eq3A_308 = arith.cmpi eq, %iota3A, %eq3A_307 : vector<16xi32>
      %select_n3A_309 = arith.select %eq3A_308, %get3A_290, %broadcast_in_dim3A_21 : vector<16xi1>, vector<16xi32>
      %reduce_max3A_310 = arith.constant true
      %reduce_max3A_311 = vector.broadcast %reduce_max3A_310 : i1 to vector<16xi1>
      %reduce_max3A_312 = arith.constant -2147483648 : i32
      %reduce_max3A_313 = vector.broadcast %reduce_max3A_312 : i32 to vector<16xi32>
      %reduce_max3A_314 = arith.xori %select_n3A_309, %reduce_max3A_313 : vector<16xi32>
      %reduce_max3A_315 = tpu.scan <max>, %reduce_max3A_314 masked %reduce_max3A_311 : vector<16xi32>, vector<16xi1> -> vector<16xi32>
      %reduce_max3A_316 = arith.xori %reduce_max3A_315, %reduce_max3A_313 : vector<16xi32>
      %reduce_max3A_317 = vector.extract %reduce_max3A_316[15] : i32 from vector<16xi32>
      %sub3A_318 = arith.subi %reduce_max3A_317, %multiple_of3A_260 : i32
      %jit3A_319 = arith.constant 0 : i32
      %jit3A_320 = arith.constant 64 : i32
      %max3A_321 = arith.maxsi %jit3A_319, %sub3A_318 : i32
      %min3A_322 = arith.minsi %jit3A_320, %max3A_321 : i32
      %while3A_323:18 = scf.while (%while3A_324 = %while3A_213, %while3A_325 = %min3A_322, %while3A_326 = %while3A_214, %while3A_327 = %while3A_215, %while3A_328 = %while3A_216, %while3A_329 = %while3A_217, %while3A_330 = %while3A_218, %while3A_331 = %while3A_219, %while3A_332 = %while3A_220, %while3A_333 = %while3A_221, %while3A_334 = %while3A_222, %while3A_335 = %while3A_223, %while3A_336 = %while3A_224, %while3A_337 = %while3A_225, %while3A_338 = %while3A_226, %while3A_339 = %while3A_227, %while3A_340 = %while3A_228, %while3A_341 = %while3A_229) : (i32, i32, vector<16xf32>, vector<16xf32>, vector<16xf32>, vector<16xf32>, vector<16xf32>, vector<16xf32>, vector<16xf32>, vector<16xf32>, vector<16xf32>, vector<16xf32>, vector<16xf32>, vector<16xf32>, vector<16xf32>, vector<16xf32>, vector<16xf32>, vector<16xf32>) -> (i32, i32, vector<16xf32>, vector<16xf32>, vector<16xf32>, vector<16xf32>, vector<16xf32>, vector<16xf32>, vector<16xf32>, vector<16xf32>, vector<16xf32>, vector<16xf32>, vector<16xf32>, vector<16xf32>, vector<16xf32>, vector<16xf32>, vector<16xf32>, vector<16xf32>) {
        %lt3A_342 = arith.constant 64 : i32
        %lt3A_343 = arith.cmpi slt, %while3A_325, %lt3A_342 : i32
        %add3A_344 = arith.constant 320 : i32
        %add3A_345 = arith.addi %mul3A_2, %add3A_344 : i32
        %lt3A_346 = arith.cmpi slt, %while3A_324, %add3A_345 : i32
        %and3A_347 = arith.andi %lt3A_343, %lt3A_346 : i1
        scf.condition(%and3A_347) %while3A_324, %while3A_325, %while3A_326, %while3A_327, %while3A_328, %while3A_329, %while3A_330, %while3A_331, %while3A_332, %while3A_333, %while3A_334, %while3A_335, %while3A_336, %while3A_337, %while3A_338, %while3A_339, %while3A_340, %while3A_341 : i32, i32, vector<16xf32>, vector<16xf32>, vector<16xf32>, vector<16xf32>, vector<16xf32>, vector<16xf32>, vector<16xf32>, vector<16xf32>, vector<16xf32>, vector<16xf32>, vector<16xf32>, vector<16xf32>, vector<16xf32>, vector<16xf32>, vector<16xf32>, vector<16xf32>
      } do {
      ^bb0(%while3A_324: i32, %while3A_325: i32, %while3A_326: vector<16xf32>, %while3A_327: vector<16xf32>, %while3A_328: vector<16xf32>, %while3A_329: vector<16xf32>, %while3A_330: vector<16xf32>, %while3A_331: vector<16xf32>, %while3A_332: vector<16xf32>, %while3A_333: vector<16xf32>, %while3A_334: vector<16xf32>, %while3A_335: vector<16xf32>, %while3A_336: vector<16xf32>, %while3A_337: vector<16xf32>, %while3A_338: vector<16xf32>, %while3A_339: vector<16xf32>, %while3A_340: vector<16xf32>, %while3A_341: vector<16xf32>):
        %add3A_342 = arith.constant 1 : i32
        %add3A_343 = arith.addi %while3A_324, %add3A_342 : i32
        %sub3A_344 = arith.subi %add3A_343, %multiple_of3A : i32
        %jit3A_345 = arith.constant 16 : i32
        %div3A_346 = arith.divsi %sub3A_344, %jit3A_345 : i32
        %sign3A_347 = arith.constant 0 : i32
        %sign3A_348 = arith.cmpi sgt, %sub3A_344, %sign3A_347 : i32
        %sign3A_349 = arith.extui %sign3A_348 : i1 to i32
        %sign3A_350 = arith.constant 0 : i32
        %sign3A_351 = arith.cmpi slt, %sub3A_344, %sign3A_350 : i32
        %sign3A_352 = arith.extui %sign3A_351 : i1 to i32
        %sign3A_353 = arith.subi %sign3A_349, %sign3A_352 : i32
        %sign3A_354 = arith.constant 0 : i32
        %sign3A_355 = arith.cmpi sgt, %jit3A_345, %sign3A_354 : i32
        %sign3A_356 = arith.extui %sign3A_355 : i1 to i32
        %sign3A_357 = arith.constant 0 : i32
        %sign3A_358 = arith.cmpi slt, %jit3A_345, %sign3A_357 : i32
        %sign3A_359 = arith.extui %sign3A_358 : i1 to i32
        %sign3A_360 = arith.subi %sign3A_356, %sign3A_359 : i32
        %ne3A_361 = arith.cmpi ne, %sign3A_353, %sign3A_360 : i32
        %rem3A_362 = arith.remsi %sub3A_344, %jit3A_345 : i32
        %ne3A_363 = arith.constant 0 : i32
        %ne3A_364 = arith.cmpi ne, %rem3A_362, %ne3A_363 : i32
        %and3A_365 = arith.andi %ne3A_361, %ne3A_364 : i1
        %sub3A_366 = arith.constant 1 : i32
        %sub3A_367 = arith.subi %div3A_346, %sub3A_366 : i32
        %select_n3A_368 = arith.select %and3A_365, %sub3A_367, %div3A_346 : i32
        %mul3A_369 = arith.constant 16 : i32
        %mul3A_370 = arith.muli %select_n3A_368, %mul3A_369 : i32
        %multiple_of3A_371 = tpu.assume_multiple %mul3A_370, 16 : i32
        %get3A_372 = arith.index_cast %multiple_of3A_371 : i32 to index
        %get3A_373 = tpu.vector_load %arg6[%get3A_372] {strides = array<i32>} : memref<352xi32, #tpu.memory_space<vmem>>, vector<16xi32>,
        %jit3A_374 = arith.constant 16 : i32
        %eq3A_375 = arith.constant 0 : i32
        %eq3A_376 = arith.cmpi eq, %jit3A_374, %eq3A_375 : i32
        %jit3A_377 = arith.constant 1 : i32
        %select_n3A_378 = arith.select %eq3A_376, %jit3A_377, %jit3A_374 : i32
        %rem3A_379 = arith.remsi %sub3A_344, %select_n3A_378 : i32
        %ne3A_380 = arith.constant 0 : i32
        %ne3A_381 = arith.cmpi ne, %rem3A_379, %ne3A_380 : i32
        %lt3A_382 = arith.constant 0 : i32
        %lt3A_383 = arith.cmpi slt, %rem3A_379, %lt3A_382 : i32
        %lt3A_384 = arith.constant 0 : i32
        %lt3A_385 = arith.cmpi slt, %select_n3A_378, %lt3A_384 : i32
        %ne3A_386 = arith.xori %lt3A_383, %lt3A_385 : i1
        %and3A_387 = arith.andi %ne3A_386, %ne3A_381 : i1
        %add3A_388 = arith.addi %rem3A_379, %select_n3A_378 : i32
        %select_n3A_389 = arith.select %and3A_387, %add3A_388, %rem3A_379 : i32
        %eq3A_390 = vector.broadcast %select_n3A_389 : i32 to vector<16xi32>
        %eq3A_391 = arith.cmpi eq, %iota3A, %eq3A_390 : vector<16xi32>
        %select_n3A_392 = arith.select %eq3A_391, %get3A_373, %broadcast_in_dim3A_21 : vector<16xi1>, vector<16xi32>
        %reduce_max3A_393 = arith.constant true
        %reduce_max3A_394 = vector.broadcast %reduce_max3A_393 : i1 to vector<16xi1>
        %reduce_max3A_395 = arith.constant -2147483648 : i32
        %reduce_max3A_396 = vector.broadcast %reduce_max3A_395 : i32 to vector<16xi32>
        %reduce_max3A_397 = arith.xori %select_n3A_392, %reduce_max3A_396 : vector<16xi32>
        %reduce_max3A_398 = tpu.scan <max>, %reduce_max3A_397 masked %reduce_max3A_394 : vector<16xi32>, vector<16xi1> -> vector<16xi32>
        %reduce_max3A_399 = arith.xori %reduce_max3A_398, %reduce_max3A_396 : vector<16xi32>
        %reduce_max3A_400 = vector.extract %reduce_max3A_399[15] : i32 from vector<16xi32>
        %sub3A_401 = arith.subi %reduce_max3A_400, %multiple_of3A_260 : i32
        %jit3A_402 = arith.constant 0 : i32
        %jit3A_403 = arith.constant 64 : i32
        %max3A_404 = arith.maxsi %jit3A_402, %sub3A_401 : i32
        %min3A_405 = arith.minsi %jit3A_403, %max3A_404 : i32
        %while3A_406 = arith.subi %min3A_405, %while3A_325 : i32
        %while3A_407 = arith.addi %while3A_325, %while3A_406 : i32
        %while3A_408 = arith.constant 1 : i32
        %while3A_409 = arith.divsi %while3A_406, %while3A_408 : i32
        %while3A_410 = arith.muli %while3A_409, %while3A_408 : i32
        %while3A_411 = arith.addi %while3A_325, %while3A_410 : i32
        %while3A_412 = arith.constant 1 : i32
        %while3A_413:16 = scf.for %while3A_440 = %while3A_325 to %while3A_411 step %while3A_412 iter_args(%while3A_441 = %while3A_326, %while3A_442 = %while3A_327, %while3A_443 = %while3A_328, %while3A_444 = %while3A_329, %while3A_445 = %while3A_330, %while3A_446 = %while3A_331, %while3A_447 = %while3A_332, %while3A_448 = %while3A_333, %while3A_449 = %while3A_334, %while3A_450 = %while3A_335, %while3A_451 = %while3A_336, %while3A_452 = %while3A_337, %while3A_453 = %while3A_338, %while3A_454 = %while3A_339, %while3A_455 = %while3A_340, %while3A_456 = %while3A_341) -> (vector<16xf32>, vector<16xf32>, vector<16xf32>, vector<16xf32>, vector<16xf32>, vector<16xf32>, vector<16xf32>, vector<16xf32>, vector<16xf32>, vector<16xf32>, vector<16xf32>, vector<16xf32>, vector<16xf32>, vector<16xf32>, vector<16xf32>, vector<16xf32>)  : i32 {
          %get3A_457 = arith.index_cast %while3A_440 : i32 to index
          %get3A_458 = arith.constant 0 : index
          %get3A_459 = tpu.vector_load %arg5[%get3A_457, %get3A_458] {strides = array<i32>} : memref<64x256xf32, #tpu.memory_space<vmem>>, vector<16xf32>,
          %max3A_460 = arith.maximumf %while3A_441, %get3A_459 : vector<16xf32>
          %get3A_461 = arith.index_cast %while3A_440 : i32 to index
          %get3A_462 = arith.constant 16 : index
          %get3A_463 = tpu.vector_load %arg5[%get3A_461, %get3A_462] {strides = array<i32>} : memref<64x256xf32, #tpu.memory_space<vmem>>, vector<16xf32>,
          %max3A_464 = arith.maximumf %while3A_442, %get3A_463 : vector<16xf32>
          %get3A_465 = arith.index_cast %while3A_440 : i32 to index
          %get3A_466 = arith.constant 32 : index
          %get3A_467 = tpu.vector_load %arg5[%get3A_465, %get3A_466] {strides = array<i32>} : memref<64x256xf32, #tpu.memory_space<vmem>>, vector<16xf32>,
          %max3A_468 = arith.maximumf %while3A_443, %get3A_467 : vector<16xf32>
          %get3A_469 = arith.index_cast %while3A_440 : i32 to index
          %get3A_470 = arith.constant 48 : index
          %get3A_471 = tpu.vector_load %arg5[%get3A_469, %get3A_470] {strides = array<i32>} : memref<64x256xf32, #tpu.memory_space<vmem>>, vector<16xf32>,
          %max3A_472 = arith.maximumf %while3A_444, %get3A_471 : vector<16xf32>
          %get3A_473 = arith.index_cast %while3A_440 : i32 to index
          %get3A_474 = arith.constant 64 : index
          %get3A_475 = tpu.vector_load %arg5[%get3A_473, %get3A_474] {strides = array<i32>} : memref<64x256xf32, #tpu.memory_space<vmem>>, vector<16xf32>,
          %max3A_476 = arith.maximumf %while3A_445, %get3A_475 : vector<16xf32>
          %get3A_477 = arith.index_cast %while3A_440 : i32 to index
          %get3A_478 = arith.constant 80 : index
          %get3A_479 = tpu.vector_load %arg5[%get3A_477, %get3A_478] {strides = array<i32>} : memref<64x256xf32, #tpu.memory_space<vmem>>, vector<16xf32>,
          %max3A_480 = arith.maximumf %while3A_446, %get3A_479 : vector<16xf32>
          %get3A_481 = arith.index_cast %while3A_440 : i32 to index
          %get3A_482 = arith.constant 96 : index
          %get3A_483 = tpu.vector_load %arg5[%get3A_481, %get3A_482] {strides = array<i32>} : memref<64x256xf32, #tpu.memory_space<vmem>>, vector<16xf32>,
          %max3A_484 = arith.maximumf %while3A_447, %get3A_483 : vector<16xf32>
          %get3A_485 = arith.index_cast %while3A_440 : i32 to index
          %get3A_486 = arith.constant 112 : index
          %get3A_487 = tpu.vector_load %arg5[%get3A_485, %get3A_486] {strides = array<i32>} : memref<64x256xf32, #tpu.memory_space<vmem>>, vector<16xf32>,
          %max3A_488 = arith.maximumf %while3A_448, %get3A_487 : vector<16xf32>
          %get3A_489 = arith.index_cast %while3A_440 : i32 to index
          %get3A_490 = arith.constant 128 : index
          %get3A_491 = tpu.vector_load %arg5[%get3A_489, %get3A_490] {strides = array<i32>} : memref<64x256xf32, #tpu.memory_space<vmem>>, vector<16xf32>,
          %max3A_492 = arith.maximumf %while3A_449, %get3A_491 : vector<16xf32>
          %get3A_493 = arith.index_cast %while3A_440 : i32 to index
          %get3A_494 = arith.constant 144 : index
          %get3A_495 = tpu.vector_load %arg5[%get3A_493, %get3A_494] {strides = array<i32>} : memref<64x256xf32, #tpu.memory_space<vmem>>, vector<16xf32>,
          %max3A_496 = arith.maximumf %while3A_450, %get3A_495 : vector<16xf32>
          %get3A_497 = arith.index_cast %while3A_440 : i32 to index
          %get3A_498 = arith.constant 160 : index
          %get3A_499 = tpu.vector_load %arg5[%get3A_497, %get3A_498] {strides = array<i32>} : memref<64x256xf32, #tpu.memory_space<vmem>>, vector<16xf32>,
          %max3A_500 = arith.maximumf %while3A_451, %get3A_499 : vector<16xf32>
          %get3A_501 = arith.index_cast %while3A_440 : i32 to index
          %get3A_502 = arith.constant 176 : index
          %get3A_503 = tpu.vector_load %arg5[%get3A_501, %get3A_502] {strides = array<i32>} : memref<64x256xf32, #tpu.memory_space<vmem>>, vector<16xf32>,
          %max3A_504 = arith.maximumf %while3A_452, %get3A_503 : vector<16xf32>
          %get3A_505 = arith.index_cast %while3A_440 : i32 to index
          %get3A_506 = arith.constant 192 : index
          %get3A_507 = tpu.vector_load %arg5[%get3A_505, %get3A_506] {strides = array<i32>} : memref<64x256xf32, #tpu.memory_space<vmem>>, vector<16xf32>,
          %max3A_508 = arith.maximumf %while3A_453, %get3A_507 : vector<16xf32>
          %get3A_509 = arith.index_cast %while3A_440 : i32 to index
          %get3A_510 = arith.constant 208 : index
          %get3A_511 = tpu.vector_load %arg5[%get3A_509, %get3A_510] {strides = array<i32>} : memref<64x256xf32, #tpu.memory_space<vmem>>, vector<16xf32>,
          %max3A_512 = arith.maximumf %while3A_454, %get3A_511 : vector<16xf32>
          %get3A_513 = arith.index_cast %while3A_440 : i32 to index
          %get3A_514 = arith.constant 224 : index
          %get3A_515 = tpu.vector_load %arg5[%get3A_513, %get3A_514] {strides = array<i32>} : memref<64x256xf32, #tpu.memory_space<vmem>>, vector<16xf32>,
          %max3A_516 = arith.maximumf %while3A_455, %get3A_515 : vector<16xf32>
          %get3A_517 = arith.index_cast %while3A_440 : i32 to index
          %get3A_518 = arith.constant 240 : index
          %get3A_519 = tpu.vector_load %arg5[%get3A_517, %get3A_518] {strides = array<i32>} : memref<64x256xf32, #tpu.memory_space<vmem>>, vector<16xf32>,
          %max3A_520 = arith.maximumf %while3A_456, %get3A_519 : vector<16xf32>
          scf.yield %max3A_460, %max3A_464, %max3A_468, %max3A_472, %max3A_476, %max3A_480, %max3A_484, %max3A_488, %max3A_492, %max3A_496, %max3A_500, %max3A_504, %max3A_508, %max3A_512, %max3A_516, %max3A_520 : vector<16xf32>, vector<16xf32>, vector<16xf32>, vector<16xf32>, vector<16xf32>, vector<16xf32>, vector<16xf32>, vector<16xf32>, vector<16xf32>, vector<16xf32>, vector<16xf32>, vector<16xf32>, vector<16xf32>, vector<16xf32>, vector<16xf32>, vector<16xf32>
        }
        %while3A_414 = arith.constant 1 : i32
        %while3A_415:16 = scf.for %while3A_440 = %while3A_411 to %while3A_407 step %while3A_414 iter_args(%while3A_441 = %while3A_413#0, %while3A_442 = %while3A_413#1, %while3A_443 = %while3A_413#2, %while3A_444 = %while3A_413#3, %while3A_445 = %while3A_413#4, %while3A_446 = %while3A_413#5, %while3A_447 = %while3A_413#6, %while3A_448 = %while3A_413#7, %while3A_449 = %while3A_413#8, %while3A_450 = %while3A_413#9, %while3A_451 = %while3A_413#10, %while3A_452 = %while3A_413#11, %while3A_453 = %while3A_413#12, %while3A_454 = %while3A_413#13, %while3A_455 = %while3A_413#14, %while3A_456 = %while3A_413#15) -> (vector<16xf32>, vector<16xf32>, vector<16xf32>, vector<16xf32>, vector<16xf32>, vector<16xf32>, vector<16xf32>, vector<16xf32>, vector<16xf32>, vector<16xf32>, vector<16xf32>, vector<16xf32>, vector<16xf32>, vector<16xf32>, vector<16xf32>, vector<16xf32>)  : i32 {
          %get3A_457 = arith.index_cast %while3A_440 : i32 to index
          %get3A_458 = arith.constant 0 : index
          %get3A_459 = tpu.vector_load %arg5[%get3A_457, %get3A_458] {strides = array<i32>} : memref<64x256xf32, #tpu.memory_space<vmem>>, vector<16xf32>,
          %max3A_460 = arith.maximumf %while3A_441, %get3A_459 : vector<16xf32>
          %get3A_461 = arith.index_cast %while3A_440 : i32 to index
          %get3A_462 = arith.constant 16 : index
          %get3A_463 = tpu.vector_load %arg5[%get3A_461, %get3A_462] {strides = array<i32>} : memref<64x256xf32, #tpu.memory_space<vmem>>, vector<16xf32>,
          %max3A_464 = arith.maximumf %while3A_442, %get3A_463 : vector<16xf32>
          %get3A_465 = arith.index_cast %while3A_440 : i32 to index
          %get3A_466 = arith.constant 32 : index
          %get3A_467 = tpu.vector_load %arg5[%get3A_465, %get3A_466] {strides = array<i32>} : memref<64x256xf32, #tpu.memory_space<vmem>>, vector<16xf32>,
          %max3A_468 = arith.maximumf %while3A_443, %get3A_467 : vector<16xf32>
          %get3A_469 = arith.index_cast %while3A_440 : i32 to index
          %get3A_470 = arith.constant 48 : index
          %get3A_471 = tpu.vector_load %arg5[%get3A_469, %get3A_470] {strides = array<i32>} : memref<64x256xf32, #tpu.memory_space<vmem>>, vector<16xf32>,
          %max3A_472 = arith.maximumf %while3A_444, %get3A_471 : vector<16xf32>
          %get3A_473 = arith.index_cast %while3A_440 : i32 to index
          %get3A_474 = arith.constant 64 : index
          %get3A_475 = tpu.vector_load %arg5[%get3A_473, %get3A_474] {strides = array<i32>} : memref<64x256xf32, #tpu.memory_space<vmem>>, vector<16xf32>,
          %max3A_476 = arith.maximumf %while3A_445, %get3A_475 : vector<16xf32>
          %get3A_477 = arith.index_cast %while3A_440 : i32 to index
          %get3A_478 = arith.constant 80 : index
          %get3A_479 = tpu.vector_load %arg5[%get3A_477, %get3A_478] {strides = array<i32>} : memref<64x256xf32, #tpu.memory_space<vmem>>, vector<16xf32>,
          %max3A_480 = arith.maximumf %while3A_446, %get3A_479 : vector<16xf32>
          %get3A_481 = arith.index_cast %while3A_440 : i32 to index
          %get3A_482 = arith.constant 96 : index
          %get3A_483 = tpu.vector_load %arg5[%get3A_481, %get3A_482] {strides = array<i32>} : memref<64x256xf32, #tpu.memory_space<vmem>>, vector<16xf32>,
          %max3A_484 = arith.maximumf %while3A_447, %get3A_483 : vector<16xf32>
          %get3A_485 = arith.index_cast %while3A_440 : i32 to index
          %get3A_486 = arith.constant 112 : index
          %get3A_487 = tpu.vector_load %arg5[%get3A_485, %get3A_486] {strides = array<i32>} : memref<64x256xf32, #tpu.memory_space<vmem>>, vector<16xf32>,
          %max3A_488 = arith.maximumf %while3A_448, %get3A_487 : vector<16xf32>
          %get3A_489 = arith.index_cast %while3A_440 : i32 to index
          %get3A_490 = arith.constant 128 : index
          %get3A_491 = tpu.vector_load %arg5[%get3A_489, %get3A_490] {strides = array<i32>} : memref<64x256xf32, #tpu.memory_space<vmem>>, vector<16xf32>,
          %max3A_492 = arith.maximumf %while3A_449, %get3A_491 : vector<16xf32>
          %get3A_493 = arith.index_cast %while3A_440 : i32 to index
          %get3A_494 = arith.constant 144 : index
          %get3A_495 = tpu.vector_load %arg5[%get3A_493, %get3A_494] {strides = array<i32>} : memref<64x256xf32, #tpu.memory_space<vmem>>, vector<16xf32>,
          %max3A_496 = arith.maximumf %while3A_450, %get3A_495 : vector<16xf32>
          %get3A_497 = arith.index_cast %while3A_440 : i32 to index
          %get3A_498 = arith.constant 160 : index
          %get3A_499 = tpu.vector_load %arg5[%get3A_497, %get3A_498] {strides = array<i32>} : memref<64x256xf32, #tpu.memory_space<vmem>>, vector<16xf32>,
          %max3A_500 = arith.maximumf %while3A_451, %get3A_499 : vector<16xf32>
          %get3A_501 = arith.index_cast %while3A_440 : i32 to index
          %get3A_502 = arith.constant 176 : index
          %get3A_503 = tpu.vector_load %arg5[%get3A_501, %get3A_502] {strides = array<i32>} : memref<64x256xf32, #tpu.memory_space<vmem>>, vector<16xf32>,
          %max3A_504 = arith.maximumf %while3A_452, %get3A_503 : vector<16xf32>
          %get3A_505 = arith.index_cast %while3A_440 : i32 to index
          %get3A_506 = arith.constant 192 : index
          %get3A_507 = tpu.vector_load %arg5[%get3A_505, %get3A_506] {strides = array<i32>} : memref<64x256xf32, #tpu.memory_space<vmem>>, vector<16xf32>,
          %max3A_508 = arith.maximumf %while3A_453, %get3A_507 : vector<16xf32>
          %get3A_509 = arith.index_cast %while3A_440 : i32 to index
          %get3A_510 = arith.constant 208 : index
          %get3A_511 = tpu.vector_load %arg5[%get3A_509, %get3A_510] {strides = array<i32>} : memref<64x256xf32, #tpu.memory_space<vmem>>, vector<16xf32>,
          %max3A_512 = arith.maximumf %while3A_454, %get3A_511 : vector<16xf32>
          %get3A_513 = arith.index_cast %while3A_440 : i32 to index
          %get3A_514 = arith.constant 224 : index
          %get3A_515 = tpu.vector_load %arg5[%get3A_513, %get3A_514] {strides = array<i32>} : memref<64x256xf32, #tpu.memory_space<vmem>>, vector<16xf32>,
          %max3A_516 = arith.maximumf %while3A_455, %get3A_515 : vector<16xf32>
          %get3A_517 = arith.index_cast %while3A_440 : i32 to index
          %get3A_518 = arith.constant 240 : index
          %get3A_519 = tpu.vector_load %arg5[%get3A_517, %get3A_518] {strides = array<i32>} : memref<64x256xf32, #tpu.memory_space<vmem>>, vector<16xf32>,
          %max3A_520 = arith.maximumf %while3A_456, %get3A_519 : vector<16xf32>
          scf.yield %max3A_460, %max3A_464, %max3A_468, %max3A_472, %max3A_476, %max3A_480, %max3A_484, %max3A_488, %max3A_492, %max3A_496, %max3A_500, %max3A_504, %max3A_508, %max3A_512, %max3A_516, %max3A_520 : vector<16xf32>, vector<16xf32>, vector<16xf32>, vector<16xf32>, vector<16xf32>, vector<16xf32>, vector<16xf32>, vector<16xf32>, vector<16xf32>, vector<16xf32>, vector<16xf32>, vector<16xf32>, vector<16xf32>, vector<16xf32>, vector<16xf32>, vector<16xf32>
        }
        %lt3A_416 = arith.constant 64 : i32
        %lt3A_417 = arith.cmpi slt, %min3A_405, %lt3A_416 : i32
        %convert_element_type3A_418 = arith.extui %lt3A_417 : i1 to i32
        %cond3A_419 = arith.constant 0 : i32
        %cond3A_420 = arith.cmpi ne, %convert_element_type3A_418, %cond3A_419 : i32
        scf.if %cond3A_420 {
          %sub3A_440 = arith.subi %while3A_324, %mul3A_2 : i32
          %swap3A = arith.index_cast %sub3A_440 : i32 to index
          %swap3A_441 = arith.constant 0 : index
          %swap3A_442 = tpu.vector_load %arg7[%swap3A, %swap3A_441] {strides = array<i32>} : memref<320x256xf32, #tpu.memory_space<vmem>>, vector<16xf32>,
          tpu.vector_store %arg7[%swap3A, %swap3A_441], %while3A_415#0 {strides = array<i32>} : memref<320x256xf32, #tpu.memory_space<vmem>>, vector<16xf32>,
          %swap3A_443 = arith.index_cast %sub3A_440 : i32 to index
          %swap3A_444 = arith.constant 16 : index
          %swap3A_445 = tpu.vector_load %arg7[%swap3A_443, %swap3A_444] {strides = array<i32>} : memref<320x256xf32, #tpu.memory_space<vmem>>, vector<16xf32>,
          tpu.vector_store %arg7[%swap3A_443, %swap3A_444], %while3A_415#1 {strides = array<i32>} : memref<320x256xf32, #tpu.memory_space<vmem>>, vector<16xf32>,
          %swap3A_446 = arith.index_cast %sub3A_440 : i32 to index
          %swap3A_447 = arith.constant 32 : index
          %swap3A_448 = tpu.vector_load %arg7[%swap3A_446, %swap3A_447] {strides = array<i32>} : memref<320x256xf32, #tpu.memory_space<vmem>>, vector<16xf32>,
          tpu.vector_store %arg7[%swap3A_446, %swap3A_447], %while3A_415#2 {strides = array<i32>} : memref<320x256xf32, #tpu.memory_space<vmem>>, vector<16xf32>,
          %swap3A_449 = arith.index_cast %sub3A_440 : i32 to index
          %swap3A_450 = arith.constant 48 : index
          %swap3A_451 = tpu.vector_load %arg7[%swap3A_449, %swap3A_450] {strides = array<i32>} : memref<320x256xf32, #tpu.memory_space<vmem>>, vector<16xf32>,
          tpu.vector_store %arg7[%swap3A_449, %swap3A_450], %while3A_415#3 {strides = array<i32>} : memref<320x256xf32, #tpu.memory_space<vmem>>, vector<16xf32>,
          %swap3A_452 = arith.index_cast %sub3A_440 : i32 to index
          %swap3A_453 = arith.constant 64 : index
          %swap3A_454 = tpu.vector_load %arg7[%swap3A_452, %swap3A_453] {strides = array<i32>} : memref<320x256xf32, #tpu.memory_space<vmem>>, vector<16xf32>,
          tpu.vector_store %arg7[%swap3A_452, %swap3A_453], %while3A_415#4 {strides = array<i32>} : memref<320x256xf32, #tpu.memory_space<vmem>>, vector<16xf32>,
          %swap3A_455 = arith.index_cast %sub3A_440 : i32 to index
          %swap3A_456 = arith.constant 80 : index
          %swap3A_457 = tpu.vector_load %arg7[%swap3A_455, %swap3A_456] {strides = array<i32>} : memref<320x256xf32, #tpu.memory_space<vmem>>, vector<16xf32>,
          tpu.vector_store %arg7[%swap3A_455, %swap3A_456], %while3A_415#5 {strides = array<i32>} : memref<320x256xf32, #tpu.memory_space<vmem>>, vector<16xf32>,
          %swap3A_458 = arith.index_cast %sub3A_440 : i32 to index
          %swap3A_459 = arith.constant 96 : index
          %swap3A_460 = tpu.vector_load %arg7[%swap3A_458, %swap3A_459] {strides = array<i32>} : memref<320x256xf32, #tpu.memory_space<vmem>>, vector<16xf32>,
          tpu.vector_store %arg7[%swap3A_458, %swap3A_459], %while3A_415#6 {strides = array<i32>} : memref<320x256xf32, #tpu.memory_space<vmem>>, vector<16xf32>,
          %swap3A_461 = arith.index_cast %sub3A_440 : i32 to index
          %swap3A_462 = arith.constant 112 : index
          %swap3A_463 = tpu.vector_load %arg7[%swap3A_461, %swap3A_462] {strides = array<i32>} : memref<320x256xf32, #tpu.memory_space<vmem>>, vector<16xf32>,
          tpu.vector_store %arg7[%swap3A_461, %swap3A_462], %while3A_415#7 {strides = array<i32>} : memref<320x256xf32, #tpu.memory_space<vmem>>, vector<16xf32>,
          %swap3A_464 = arith.index_cast %sub3A_440 : i32 to index
          %swap3A_465 = arith.constant 128 : index
          %swap3A_466 = tpu.vector_load %arg7[%swap3A_464, %swap3A_465] {strides = array<i32>} : memref<320x256xf32, #tpu.memory_space<vmem>>, vector<16xf32>,
          tpu.vector_store %arg7[%swap3A_464, %swap3A_465], %while3A_415#8 {strides = array<i32>} : memref<320x256xf32, #tpu.memory_space<vmem>>, vector<16xf32>,
          %swap3A_467 = arith.index_cast %sub3A_440 : i32 to index
          %swap3A_468 = arith.constant 144 : index
          %swap3A_469 = tpu.vector_load %arg7[%swap3A_467, %swap3A_468] {strides = array<i32>} : memref<320x256xf32, #tpu.memory_space<vmem>>, vector<16xf32>,
          tpu.vector_store %arg7[%swap3A_467, %swap3A_468], %while3A_415#9 {strides = array<i32>} : memref<320x256xf32, #tpu.memory_space<vmem>>, vector<16xf32>,
          %swap3A_470 = arith.index_cast %sub3A_440 : i32 to index
          %swap3A_471 = arith.constant 160 : index
          %swap3A_472 = tpu.vector_load %arg7[%swap3A_470, %swap3A_471] {strides = array<i32>} : memref<320x256xf32, #tpu.memory_space<vmem>>, vector<16xf32>,
          tpu.vector_store %arg7[%swap3A_470, %swap3A_471], %while3A_415#10 {strides = array<i32>} : memref<320x256xf32, #tpu.memory_space<vmem>>, vector<16xf32>,
          %swap3A_473 = arith.index_cast %sub3A_440 : i32 to index
          %swap3A_474 = arith.constant 176 : index
          %swap3A_475 = tpu.vector_load %arg7[%swap3A_473, %swap3A_474] {strides = array<i32>} : memref<320x256xf32, #tpu.memory_space<vmem>>, vector<16xf32>,
          tpu.vector_store %arg7[%swap3A_473, %swap3A_474], %while3A_415#11 {strides = array<i32>} : memref<320x256xf32, #tpu.memory_space<vmem>>, vector<16xf32>,
          %swap3A_476 = arith.index_cast %sub3A_440 : i32 to index
          %swap3A_477 = arith.constant 192 : index
          %swap3A_478 = tpu.vector_load %arg7[%swap3A_476, %swap3A_477] {strides = array<i32>} : memref<320x256xf32, #tpu.memory_space<vmem>>, vector<16xf32>,
          tpu.vector_store %arg7[%swap3A_476, %swap3A_477], %while3A_415#12 {strides = array<i32>} : memref<320x256xf32, #tpu.memory_space<vmem>>, vector<16xf32>,
          %swap3A_479 = arith.index_cast %sub3A_440 : i32 to index
          %swap3A_480 = arith.constant 208 : index
          %swap3A_481 = tpu.vector_load %arg7[%swap3A_479, %swap3A_480] {strides = array<i32>} : memref<320x256xf32, #tpu.memory_space<vmem>>, vector<16xf32>,
          tpu.vector_store %arg7[%swap3A_479, %swap3A_480], %while3A_415#13 {strides = array<i32>} : memref<320x256xf32, #tpu.memory_space<vmem>>, vector<16xf32>,
          %swap3A_482 = arith.index_cast %sub3A_440 : i32 to index
          %swap3A_483 = arith.constant 224 : index
          %swap3A_484 = tpu.vector_load %arg7[%swap3A_482, %swap3A_483] {strides = array<i32>} : memref<320x256xf32, #tpu.memory_space<vmem>>, vector<16xf32>,
          tpu.vector_store %arg7[%swap3A_482, %swap3A_483], %while3A_415#14 {strides = array<i32>} : memref<320x256xf32, #tpu.memory_space<vmem>>, vector<16xf32>,
          %swap3A_485 = arith.index_cast %sub3A_440 : i32 to index
          %swap3A_486 = arith.constant 240 : index
          %swap3A_487 = tpu.vector_load %arg7[%swap3A_485, %swap3A_486] {strides = array<i32>} : memref<320x256xf32, #tpu.memory_space<vmem>>, vector<16xf32>,
          tpu.vector_store %arg7[%swap3A_485, %swap3A_486], %while3A_415#15 {strides = array<i32>} : memref<320x256xf32, #tpu.memory_space<vmem>>, vector<16xf32>,
        } else {
        }
        %select_n3A_421 = arith.select %lt3A_417, %broadcast_in_dim3A_23, %while3A_415#0 : vector<16xf32>
        %select_n3A_422 = arith.select %lt3A_417, %broadcast_in_dim3A_23, %while3A_415#1 : vector<16xf32>
        %select_n3A_423 = arith.select %lt3A_417, %broadcast_in_dim3A_23, %while3A_415#2 : vector<16xf32>
        %select_n3A_424 = arith.select %lt3A_417, %broadcast_in_dim3A_23, %while3A_415#3 : vector<16xf32>
        %select_n3A_425 = arith.select %lt3A_417, %broadcast_in_dim3A_23, %while3A_415#4 : vector<16xf32>
        %select_n3A_426 = arith.select %lt3A_417, %broadcast_in_dim3A_23, %while3A_415#5 : vector<16xf32>
        %select_n3A_427 = arith.select %lt3A_417, %broadcast_in_dim3A_23, %while3A_415#6 : vector<16xf32>
        %select_n3A_428 = arith.select %lt3A_417, %broadcast_in_dim3A_23, %while3A_415#7 : vector<16xf32>
        %select_n3A_429 = arith.select %lt3A_417, %broadcast_in_dim3A_23, %while3A_415#8 : vector<16xf32>
        %select_n3A_430 = arith.select %lt3A_417, %broadcast_in_dim3A_23, %while3A_415#9 : vector<16xf32>
        %select_n3A_431 = arith.select %lt3A_417, %broadcast_in_dim3A_23, %while3A_415#10 : vector<16xf32>
        %select_n3A_432 = arith.select %lt3A_417, %broadcast_in_dim3A_23, %while3A_415#11 : vector<16xf32>
        %select_n3A_433 = arith.select %lt3A_417, %broadcast_in_dim3A_23, %while3A_415#12 : vector<16xf32>
        %select_n3A_434 = arith.select %lt3A_417, %broadcast_in_dim3A_23, %while3A_415#13 : vector<16xf32>
        %select_n3A_435 = arith.select %lt3A_417, %broadcast_in_dim3A_23, %while3A_415#14 : vector<16xf32>
        %select_n3A_436 = arith.select %lt3A_417, %broadcast_in_dim3A_23, %while3A_415#15 : vector<16xf32>
        %add3A_437 = arith.constant 1 : i32
        %add3A_438 = arith.addi %while3A_324, %add3A_437 : i32
        %select_n3A_439 = arith.select %lt3A_417, %add3A_438, %while3A_324 : i32
        scf.yield %select_n3A_439, %min3A_405, %select_n3A_421, %select_n3A_422, %select_n3A_423, %select_n3A_424, %select_n3A_425, %select_n3A_426, %select_n3A_427, %select_n3A_428, %select_n3A_429, %select_n3A_430, %select_n3A_431, %select_n3A_432, %select_n3A_433, %select_n3A_434, %select_n3A_435, %select_n3A_436 : i32, i32, vector<16xf32>, vector<16xf32>, vector<16xf32>, vector<16xf32>, vector<16xf32>, vector<16xf32>, vector<16xf32>, vector<16xf32>, vector<16xf32>, vector<16xf32>, vector<16xf32>, vector<16xf32>, vector<16xf32>, vector<16xf32>, vector<16xf32>, vector<16xf32>
      }
      scf.yield %while3A_323#0, %while3A_323#2, %while3A_323#3, %while3A_323#4, %while3A_323#5, %while3A_323#6, %while3A_323#7, %while3A_323#8, %while3A_323#9, %while3A_323#10, %while3A_323#11, %while3A_323#12, %while3A_323#13, %while3A_323#14, %while3A_323#15, %while3A_323#16, %while3A_323#17 : i32, vector<16xf32>, vector<16xf32>, vector<16xf32>, vector<16xf32>, vector<16xf32>, vector<16xf32>, vector<16xf32>, vector<16xf32>, vector<16xf32>, vector<16xf32>, vector<16xf32>, vector<16xf32>, vector<16xf32>, vector<16xf32>, vector<16xf32>, vector<16xf32>
    }
    %add3A_208 = arith.constant 320 : i32
    %add3A_209 = arith.addi %mul3A_2, %add3A_208 : i32
    %lt3A_210 = arith.cmpi slt, %while3A_207#0, %add3A_209 : i32
    %convert_element_type3A = arith.extui %lt3A_210 : i1 to i32
    %cond3A = arith.constant 0 : i32
    %cond3A_211 = arith.cmpi ne, %convert_element_type3A, %cond3A : i32
    scf.if %cond3A_211 {
      %sub3A_212 = arith.subi %while3A_207#0, %mul3A_2 : i32
      %swap3A = arith.index_cast %sub3A_212 : i32 to index
      %swap3A_213 = arith.constant 0 : index
      %swap3A_214 = tpu.vector_load %arg7[%swap3A, %swap3A_213] {strides = array<i32>} : memref<320x256xf32, #tpu.memory_space<vmem>>, vector<16xf32>,
      tpu.vector_store %arg7[%swap3A, %swap3A_213], %while3A_207#1 {strides = array<i32>} : memref<320x256xf32, #tpu.memory_space<vmem>>, vector<16xf32>,
      %swap3A_215 = arith.index_cast %sub3A_212 : i32 to index
      %swap3A_216 = arith.constant 16 : index
      %swap3A_217 = tpu.vector_load %arg7[%swap3A_215, %swap3A_216] {strides = array<i32>} : memref<320x256xf32, #tpu.memory_space<vmem>>, vector<16xf32>,
      tpu.vector_store %arg7[%swap3A_215, %swap3A_216], %while3A_207#2 {strides = array<i32>} : memref<320x256xf32, #tpu.memory_space<vmem>>, vector<16xf32>,
      %swap3A_218 = arith.index_cast %sub3A_212 : i32 to index
      %swap3A_219 = arith.constant 32 : index
      %swap3A_220 = tpu.vector_load %arg7[%swap3A_218, %swap3A_219] {strides = array<i32>} : memref<320x256xf32, #tpu.memory_space<vmem>>, vector<16xf32>,
      tpu.vector_store %arg7[%swap3A_218, %swap3A_219], %while3A_207#3 {strides = array<i32>} : memref<320x256xf32, #tpu.memory_space<vmem>>, vector<16xf32>,
      %swap3A_221 = arith.index_cast %sub3A_212 : i32 to index
      %swap3A_222 = arith.constant 48 : index
      %swap3A_223 = tpu.vector_load %arg7[%swap3A_221, %swap3A_222] {strides = array<i32>} : memref<320x256xf32, #tpu.memory_space<vmem>>, vector<16xf32>,
      tpu.vector_store %arg7[%swap3A_221, %swap3A_222], %while3A_207#4 {strides = array<i32>} : memref<320x256xf32, #tpu.memory_space<vmem>>, vector<16xf32>,
      %swap3A_224 = arith.index_cast %sub3A_212 : i32 to index
      %swap3A_225 = arith.constant 64 : index
      %swap3A_226 = tpu.vector_load %arg7[%swap3A_224, %swap3A_225] {strides = array<i32>} : memref<320x256xf32, #tpu.memory_space<vmem>>, vector<16xf32>,
      tpu.vector_store %arg7[%swap3A_224, %swap3A_225], %while3A_207#5 {strides = array<i32>} : memref<320x256xf32, #tpu.memory_space<vmem>>, vector<16xf32>,
      %swap3A_227 = arith.index_cast %sub3A_212 : i32 to index
      %swap3A_228 = arith.constant 80 : index
      %swap3A_229 = tpu.vector_load %arg7[%swap3A_227, %swap3A_228] {strides = array<i32>} : memref<320x256xf32, #tpu.memory_space<vmem>>, vector<16xf32>,
      tpu.vector_store %arg7[%swap3A_227, %swap3A_228], %while3A_207#6 {strides = array<i32>} : memref<320x256xf32, #tpu.memory_space<vmem>>, vector<16xf32>,
      %swap3A_230 = arith.index_cast %sub3A_212 : i32 to index
      %swap3A_231 = arith.constant 96 : index
      %swap3A_232 = tpu.vector_load %arg7[%swap3A_230, %swap3A_231] {strides = array<i32>} : memref<320x256xf32, #tpu.memory_space<vmem>>, vector<16xf32>,
      tpu.vector_store %arg7[%swap3A_230, %swap3A_231], %while3A_207#7 {strides = array<i32>} : memref<320x256xf32, #tpu.memory_space<vmem>>, vector<16xf32>,
      %swap3A_233 = arith.index_cast %sub3A_212 : i32 to index
      %swap3A_234 = arith.constant 112 : index
      %swap3A_235 = tpu.vector_load %arg7[%swap3A_233, %swap3A_234] {strides = array<i32>} : memref<320x256xf32, #tpu.memory_space<vmem>>, vector<16xf32>,
      tpu.vector_store %arg7[%swap3A_233, %swap3A_234], %while3A_207#8 {strides = array<i32>} : memref<320x256xf32, #tpu.memory_space<vmem>>, vector<16xf32>,
      %swap3A_236 = arith.index_cast %sub3A_212 : i32 to index
      %swap3A_237 = arith.constant 128 : index
      %swap3A_238 = tpu.vector_load %arg7[%swap3A_236, %swap3A_237] {strides = array<i32>} : memref<320x256xf32, #tpu.memory_space<vmem>>, vector<16xf32>,
      tpu.vector_store %arg7[%swap3A_236, %swap3A_237], %while3A_207#9 {strides = array<i32>} : memref<320x256xf32, #tpu.memory_space<vmem>>, vector<16xf32>,
      %swap3A_239 = arith.index_cast %sub3A_212 : i32 to index
      %swap3A_240 = arith.constant 144 : index
      %swap3A_241 = tpu.vector_load %arg7[%swap3A_239, %swap3A_240] {strides = array<i32>} : memref<320x256xf32, #tpu.memory_space<vmem>>, vector<16xf32>,
      tpu.vector_store %arg7[%swap3A_239, %swap3A_240], %while3A_207#10 {strides = array<i32>} : memref<320x256xf32, #tpu.memory_space<vmem>>, vector<16xf32>,
      %swap3A_242 = arith.index_cast %sub3A_212 : i32 to index
      %swap3A_243 = arith.constant 160 : index
      %swap3A_244 = tpu.vector_load %arg7[%swap3A_242, %swap3A_243] {strides = array<i32>} : memref<320x256xf32, #tpu.memory_space<vmem>>, vector<16xf32>,
      tpu.vector_store %arg7[%swap3A_242, %swap3A_243], %while3A_207#11 {strides = array<i32>} : memref<320x256xf32, #tpu.memory_space<vmem>>, vector<16xf32>,
      %swap3A_245 = arith.index_cast %sub3A_212 : i32 to index
      %swap3A_246 = arith.constant 176 : index
      %swap3A_247 = tpu.vector_load %arg7[%swap3A_245, %swap3A_246] {strides = array<i32>} : memref<320x256xf32, #tpu.memory_space<vmem>>, vector<16xf32>,
      tpu.vector_store %arg7[%swap3A_245, %swap3A_246], %while3A_207#12 {strides = array<i32>} : memref<320x256xf32, #tpu.memory_space<vmem>>, vector<16xf32>,
      %swap3A_248 = arith.index_cast %sub3A_212 : i32 to index
      %swap3A_249 = arith.constant 192 : index
      %swap3A_250 = tpu.vector_load %arg7[%swap3A_248, %swap3A_249] {strides = array<i32>} : memref<320x256xf32, #tpu.memory_space<vmem>>, vector<16xf32>,
      tpu.vector_store %arg7[%swap3A_248, %swap3A_249], %while3A_207#13 {strides = array<i32>} : memref<320x256xf32, #tpu.memory_space<vmem>>, vector<16xf32>,
      %swap3A_251 = arith.index_cast %sub3A_212 : i32 to index
      %swap3A_252 = arith.constant 208 : index
      %swap3A_253 = tpu.vector_load %arg7[%swap3A_251, %swap3A_252] {strides = array<i32>} : memref<320x256xf32, #tpu.memory_space<vmem>>, vector<16xf32>,
      tpu.vector_store %arg7[%swap3A_251, %swap3A_252], %while3A_207#14 {strides = array<i32>} : memref<320x256xf32, #tpu.memory_space<vmem>>, vector<16xf32>,
      %swap3A_254 = arith.index_cast %sub3A_212 : i32 to index
      %swap3A_255 = arith.constant 224 : index
      %swap3A_256 = tpu.vector_load %arg7[%swap3A_254, %swap3A_255] {strides = array<i32>} : memref<320x256xf32, #tpu.memory_space<vmem>>, vector<16xf32>,
      tpu.vector_store %arg7[%swap3A_254, %swap3A_255], %while3A_207#15 {strides = array<i32>} : memref<320x256xf32, #tpu.memory_space<vmem>>, vector<16xf32>,
      %swap3A_257 = arith.index_cast %sub3A_212 : i32 to index
      %swap3A_258 = arith.constant 240 : index
      %swap3A_259 = tpu.vector_load %arg7[%swap3A_257, %swap3A_258] {strides = array<i32>} : memref<320x256xf32, #tpu.memory_space<vmem>>, vector<16xf32>,
      tpu.vector_store %arg7[%swap3A_257, %swap3A_258], %while3A_207#16 {strides = array<i32>} : memref<320x256xf32, #tpu.memory_space<vmem>>, vector<16xf32>,
    } else {
    }
    "tpu.region"() ({
      %run_scoped3A = tpu.sem_alloc : memref<!tpu.dma_semaphore, #tpu.memory_space<semaphore_mem>>
      %dma_start3A = arith.constant 0 : i32
      %dma_start3A_212 = tpu.memref_slice %arg4[%mul3A_2, %dma_start3A] : memref<10240x256xf32, #tpu.memory_space<hbm>> -> memref<320x256xf32, #tpu.memory_space<hbm>>
      %dma_start3A_213 = arith.constant 0 : i32
      %dma_start3A_214 = tpu.memref_slice %arg4[%mul3A_2, %dma_start3A_213] : memref<10240x256xf32, #tpu.memory_space<hbm>> -> memref<320x256xf32, #tpu.memory_space<hbm>>
      tpu.enqueue_dma source(%arg7 : memref<320x256xf32, #tpu.memory_space<vmem>>) target(%dma_start3A_214 : memref<320x256xf32, #tpu.memory_space<hbm>>) target_semaphore(%run_scoped3A : memref<!tpu.dma_semaphore, #tpu.memory_space<semaphore_mem>>)
      %dma_wait3A = arith.constant 0 : i32
      %dma_wait3A_215 = tpu.memref_slice %arg4[%mul3A_2, %dma_wait3A] : memref<10240x256xf32, #tpu.memory_space<hbm>> -> memref<320x256xf32, #tpu.memory_space<hbm>>
      %dma_wait3A_216 = arith.constant 0 : i32
      %dma_wait3A_217 = tpu.memref_slice %arg4[%mul3A_2, %dma_wait3A_216] : memref<10240x256xf32, #tpu.memory_space<hbm>> -> memref<320x256xf32, #tpu.memory_space<hbm>>
      tpu.wait_dma2 semaphore(%run_scoped3A : memref<!tpu.dma_semaphore, #tpu.memory_space<semaphore_mem>>) src(%arg7 : memref<320x256xf32, #tpu.memory_space<vmem>>) dst(%dma_wait3A_217 : memref<320x256xf32, #tpu.memory_space<hbm>>)
      tpu.yield
    }) : () -> ()
    return
  }
}

#map = affine_map<(d0, d1) -> (0, 0)>
#map1 = affine_map<(d0, d1) -> (0)>
module attributes {stable_mosaic.version = 14 : i64} {
  func.func @body(%arg0: i32, %arg1: i32, %arg2: memref<10240x256xf32, #tpu.memory_space<hbm>>, %arg3: memref<144xi32, #tpu.memory_space<hbm>>, %arg4: memref<128x256xf32, #tpu.memory_space<hbm>>, %arg5: memref<64x256xf32, #tpu.memory_space<vmem>>, %arg6: memref<32xi32, #tpu.memory_space<vmem>>, %arg7: memref<4x256xf32, #tpu.memory_space<vmem>>) attributes {dimension_semantics = [#tpu.dimension_semantics<core_parallel>, #tpu.dimension_semantics<subcore_parallel>], iteration_bounds = array<i64: 2, 16>, scalar_prefetch = 0 : i64, scratch_operands = 3 : i64, tpu.core_type = #tpu.core_type<sc_vector_subcore>, window_params = [{transform_indices = #map}, {transform_indices = #map1}, {transform_indices = #map}]} {
    %mul3A = arith.constant 2 : i32
    %mul3A_0 = arith.muli %arg1, %mul3A : i32
    %add3A = arith.addi %mul3A_0, %arg0 : i32
    %mul3A_1 = arith.constant 4 : i32
    %mul3A_2 = arith.muli %add3A, %mul3A_1 : i32
    %jit3A = arith.constant 16 : i32
    %div3A = arith.divsi %mul3A_2, %jit3A : i32
    %sign3A = arith.constant 0 : i32
    %sign3A_3 = arith.cmpi sgt, %mul3A_2, %sign3A : i32
    %sign3A_4 = arith.extui %sign3A_3 : i1 to i32
    %sign3A_5 = arith.constant 0 : i32
    %sign3A_6 = arith.cmpi slt, %mul3A_2, %sign3A_5 : i32
    %sign3A_7 = arith.extui %sign3A_6 : i1 to i32
    %sign3A_8 = arith.subi %sign3A_4, %sign3A_7 : i32
    %sign3A_9 = arith.constant 0 : i32
    %sign3A_10 = arith.cmpi sgt, %jit3A, %sign3A_9 : i32
    %sign3A_11 = arith.extui %sign3A_10 : i1 to i32
    %sign3A_12 = arith.constant 0 : i32
    %sign3A_13 = arith.cmpi slt, %jit3A, %sign3A_12 : i32
    %sign3A_14 = arith.extui %sign3A_13 : i1 to i32
    %sign3A_15 = arith.subi %sign3A_11, %sign3A_14 : i32
    %ne3A = arith.cmpi ne, %sign3A_8, %sign3A_15 : i32
    %rem3A = arith.remsi %mul3A_2, %jit3A : i32
    %ne3A_16 = arith.constant 0 : i32
    %ne3A_17 = arith.cmpi ne, %rem3A, %ne3A_16 : i32
    %and3A = arith.andi %ne3A, %ne3A_17 : i1
    %sub3A = arith.constant 1 : i32
    %sub3A_18 = arith.subi %div3A, %sub3A : i32
    %select_n3A = arith.select %and3A, %sub3A_18, %div3A : i32
    %mul3A_19 = arith.constant 16 : i32
    %mul3A_20 = arith.muli %select_n3A, %mul3A_19 : i32
    %multiple_of3A = tpu.assume_multiple %mul3A_20, 16 : i32
    "tpu.region"() ({
      %run_scoped3A = tpu.sem_alloc : memref<!tpu.dma_semaphore, #tpu.memory_space<semaphore_mem>>
      %dma_start3A = tpu.memref_slice %arg3[%multiple_of3A] : memref<144xi32, #tpu.memory_space<hbm>> -> memref<32xi32, #tpu.memory_space<hbm>>
      %dma_start3A_212 = tpu.memref_slice %arg3[%multiple_of3A] : memref<144xi32, #tpu.memory_space<hbm>> -> memref<32xi32, #tpu.memory_space<hbm>>
      tpu.enqueue_dma source(%dma_start3A_212 : memref<32xi32, #tpu.memory_space<hbm>>) target(%arg6 : memref<32xi32, #tpu.memory_space<vmem>>) target_semaphore(%run_scoped3A : memref<!tpu.dma_semaphore, #tpu.memory_space<semaphore_mem>>)
      %dma_wait3A = tpu.memref_slice %arg3[%multiple_of3A] : memref<144xi32, #tpu.memory_space<hbm>> -> memref<32xi32, #tpu.memory_space<hbm>>
      %dma_wait3A_213 = tpu.memref_slice %arg3[%multiple_of3A] : memref<144xi32, #tpu.memory_space<hbm>> -> memref<32xi32, #tpu.memory_space<hbm>>
      tpu.wait_dma2 semaphore(%run_scoped3A : memref<!tpu.dma_semaphore, #tpu.memory_space<semaphore_mem>>) src(%dma_wait3A_213 : memref<32xi32, #tpu.memory_space<hbm>>) dst(%arg6 : memref<32xi32, #tpu.memory_space<vmem>>)
      tpu.yield
    }) : () -> ()
    %iota3A = tpu.iota {dimensions = array<i32: 0>} : vector<16xi32>
    %broadcast_in_dim3A = arith.constant -1 : i32
    %broadcast_in_dim3A_21 = vector.broadcast %broadcast_in_dim3A : i32 to vector<16xi32>
    %broadcast_in_dim3A_22 = arith.constant 0xFF800000 : f32
    %broadcast_in_dim3A_23 = vector.broadcast %broadcast_in_dim3A_22 : f32 to vector<16xf32>
    %sub3A_24 = arith.subi %mul3A_2, %multiple_of3A : i32
    %jit3A_25 = arith.constant 16 : i32
    %div3A_26 = arith.divsi %sub3A_24, %jit3A_25 : i32
    %sign3A_27 = arith.constant 0 : i32
    %sign3A_28 = arith.cmpi sgt, %sub3A_24, %sign3A_27 : i32
    %sign3A_29 = arith.extui %sign3A_28 : i1 to i32
    %sign3A_30 = arith.constant 0 : i32
    %sign3A_31 = arith.cmpi slt, %sub3A_24, %sign3A_30 : i32
    %sign3A_32 = arith.extui %sign3A_31 : i1 to i32
    %sign3A_33 = arith.subi %sign3A_29, %sign3A_32 : i32
    %sign3A_34 = arith.constant 0 : i32
    %sign3A_35 = arith.cmpi sgt, %jit3A_25, %sign3A_34 : i32
    %sign3A_36 = arith.extui %sign3A_35 : i1 to i32
    %sign3A_37 = arith.constant 0 : i32
    %sign3A_38 = arith.cmpi slt, %jit3A_25, %sign3A_37 : i32
    %sign3A_39 = arith.extui %sign3A_38 : i1 to i32
    %sign3A_40 = arith.subi %sign3A_36, %sign3A_39 : i32
    %ne3A_41 = arith.cmpi ne, %sign3A_33, %sign3A_40 : i32
    %rem3A_42 = arith.remsi %sub3A_24, %jit3A_25 : i32
    %ne3A_43 = arith.constant 0 : i32
    %ne3A_44 = arith.cmpi ne, %rem3A_42, %ne3A_43 : i32
    %and3A_45 = arith.andi %ne3A_41, %ne3A_44 : i1
    %sub3A_46 = arith.constant 1 : i32
    %sub3A_47 = arith.subi %div3A_26, %sub3A_46 : i32
    %select_n3A_48 = arith.select %and3A_45, %sub3A_47, %div3A_26 : i32
    %mul3A_49 = arith.constant 16 : i32
    %mul3A_50 = arith.muli %select_n3A_48, %mul3A_49 : i32
    %multiple_of3A_51 = tpu.assume_multiple %mul3A_50, 16 : i32
    %get3A = arith.index_cast %multiple_of3A_51 : i32 to index
    %get3A_52 = tpu.vector_load %arg6[%get3A] {strides = array<i32>} : memref<32xi32, #tpu.memory_space<vmem>>, vector<16xi32>,
    %jit3A_53 = arith.constant 16 : i32
    %eq3A = arith.constant 0 : i32
    %eq3A_54 = arith.cmpi eq, %jit3A_53, %eq3A : i32
    %jit3A_55 = arith.constant 1 : i32
    %select_n3A_56 = arith.select %eq3A_54, %jit3A_55, %jit3A_53 : i32
    %rem3A_57 = arith.remsi %sub3A_24, %select_n3A_56 : i32
    %ne3A_58 = arith.constant 0 : i32
    %ne3A_59 = arith.cmpi ne, %rem3A_57, %ne3A_58 : i32
    %lt3A = arith.constant 0 : i32
    %lt3A_60 = arith.cmpi slt, %rem3A_57, %lt3A : i32
    %lt3A_61 = arith.constant 0 : i32
    %lt3A_62 = arith.cmpi slt, %select_n3A_56, %lt3A_61 : i32
    %ne3A_63 = arith.xori %lt3A_60, %lt3A_62 : i1
    %and3A_64 = arith.andi %ne3A_63, %ne3A_59 : i1
    %add3A_65 = arith.addi %rem3A_57, %select_n3A_56 : i32
    %select_n3A_66 = arith.select %and3A_64, %add3A_65, %rem3A_57 : i32
    %eq3A_67 = vector.broadcast %select_n3A_66 : i32 to vector<16xi32>
    %eq3A_68 = arith.cmpi eq, %iota3A, %eq3A_67 : vector<16xi32>
    %select_n3A_69 = arith.select %eq3A_68, %get3A_52, %broadcast_in_dim3A_21 : vector<16xi1>, vector<16xi32>
    %reduce_max3A = arith.constant true
    %reduce_max3A_70 = vector.broadcast %reduce_max3A : i1 to vector<16xi1>
    %reduce_max3A_71 = arith.constant -2147483648 : i32
    %reduce_max3A_72 = vector.broadcast %reduce_max3A_71 : i32 to vector<16xi32>
    %reduce_max3A_73 = arith.xori %select_n3A_69, %reduce_max3A_72 : vector<16xi32>
    %reduce_max3A_74 = tpu.scan <max>, %reduce_max3A_73 masked %reduce_max3A_70 : vector<16xi32>, vector<16xi1> -> vector<16xi32>
    %reduce_max3A_75 = arith.xori %reduce_max3A_74, %reduce_max3A_72 : vector<16xi32>
    %reduce_max3A_76 = vector.extract %reduce_max3A_75[15] : i32 from vector<16xi32>
    %add3A_77 = arith.constant 4 : i32
    %add3A_78 = arith.addi %mul3A_2, %add3A_77 : i32
    %sub3A_79 = arith.subi %add3A_78, %multiple_of3A : i32
    %jit3A_80 = arith.constant 16 : i32
    %div3A_81 = arith.divsi %sub3A_79, %jit3A_80 : i32
    %sign3A_82 = arith.constant 0 : i32
    %sign3A_83 = arith.cmpi sgt, %sub3A_79, %sign3A_82 : i32
    %sign3A_84 = arith.extui %sign3A_83 : i1 to i32
    %sign3A_85 = arith.constant 0 : i32
    %sign3A_86 = arith.cmpi slt, %sub3A_79, %sign3A_85 : i32
    %sign3A_87 = arith.extui %sign3A_86 : i1 to i32
    %sign3A_88 = arith.subi %sign3A_84, %sign3A_87 : i32
    %sign3A_89 = arith.constant 0 : i32
    %sign3A_90 = arith.cmpi sgt, %jit3A_80, %sign3A_89 : i32
    %sign3A_91 = arith.extui %sign3A_90 : i1 to i32
    %sign3A_92 = arith.constant 0 : i32
    %sign3A_93 = arith.cmpi slt, %jit3A_80, %sign3A_92 : i32
    %sign3A_94 = arith.extui %sign3A_93 : i1 to i32
    %sign3A_95 = arith.subi %sign3A_91, %sign3A_94 : i32
    %ne3A_96 = arith.cmpi ne, %sign3A_88, %sign3A_95 : i32
    %rem3A_97 = arith.remsi %sub3A_79, %jit3A_80 : i32
    %ne3A_98 = arith.constant 0 : i32
    %ne3A_99 = arith.cmpi ne, %rem3A_97, %ne3A_98 : i32
    %and3A_100 = arith.andi %ne3A_96, %ne3A_99 : i1
    %sub3A_101 = arith.constant 1 : i32
    %sub3A_102 = arith.subi %div3A_81, %sub3A_101 : i32
    %select_n3A_103 = arith.select %and3A_100, %sub3A_102, %div3A_81 : i32
    %mul3A_104 = arith.constant 16 : i32
    %mul3A_105 = arith.muli %select_n3A_103, %mul3A_104 : i32
    %multiple_of3A_106 = tpu.assume_multiple %mul3A_105, 16 : i32
    %get3A_107 = arith.index_cast %multiple_of3A_106 : i32 to index
    %get3A_108 = tpu.vector_load %arg6[%get3A_107] {strides = array<i32>} : memref<32xi32, #tpu.memory_space<vmem>>, vector<16xi32>,
    %jit3A_109 = arith.constant 16 : i32
    %eq3A_110 = arith.constant 0 : i32
    %eq3A_111 = arith.cmpi eq, %jit3A_109, %eq3A_110 : i32
    %jit3A_112 = arith.constant 1 : i32
    %select_n3A_113 = arith.select %eq3A_111, %jit3A_112, %jit3A_109 : i32
    %rem3A_114 = arith.remsi %sub3A_79, %select_n3A_113 : i32
    %ne3A_115 = arith.constant 0 : i32
    %ne3A_116 = arith.cmpi ne, %rem3A_114, %ne3A_115 : i32
    %lt3A_117 = arith.constant 0 : i32
    %lt3A_118 = arith.cmpi slt, %rem3A_114, %lt3A_117 : i32
    %lt3A_119 = arith.constant 0 : i32
    %lt3A_120 = arith.cmpi slt, %select_n3A_113, %lt3A_119 : i32
    %ne3A_121 = arith.xori %lt3A_118, %lt3A_120 : i1
    %and3A_122 = arith.andi %ne3A_121, %ne3A_116 : i1
    %add3A_123 = arith.addi %rem3A_114, %select_n3A_113 : i32
    %select_n3A_124 = arith.select %and3A_122, %add3A_123, %rem3A_114 : i32
    %eq3A_125 = vector.broadcast %select_n3A_124 : i32 to vector<16xi32>
    %eq3A_126 = arith.cmpi eq, %iota3A, %eq3A_125 : vector<16xi32>
    %select_n3A_127 = arith.select %eq3A_126, %get3A_108, %broadcast_in_dim3A_21 : vector<16xi1>, vector<16xi32>
    %reduce_max3A_128 = arith.constant true
    %reduce_max3A_129 = vector.broadcast %reduce_max3A_128 : i1 to vector<16xi1>
    %reduce_max3A_130 = arith.constant -2147483648 : i32
    %reduce_max3A_131 = vector.broadcast %reduce_max3A_130 : i32 to vector<16xi32>
    %reduce_max3A_132 = arith.xori %select_n3A_127, %reduce_max3A_131 : vector<16xi32>
    %reduce_max3A_133 = tpu.scan <max>, %reduce_max3A_132 masked %reduce_max3A_129 : vector<16xi32>, vector<16xi1> -> vector<16xi32>
    %reduce_max3A_134 = arith.xori %reduce_max3A_133, %reduce_max3A_131 : vector<16xi32>
    %reduce_max3A_135 = vector.extract %reduce_max3A_134[15] : i32 from vector<16xi32>
    %jit3A_136 = arith.constant 16 : i32
    %div3A_137 = arith.divsi %reduce_max3A_76, %jit3A_136 : i32
    %sign3A_138 = arith.constant 0 : i32
    %sign3A_139 = arith.cmpi sgt, %reduce_max3A_76, %sign3A_138 : i32
    %sign3A_140 = arith.extui %sign3A_139 : i1 to i32
    %sign3A_141 = arith.constant 0 : i32
    %sign3A_142 = arith.cmpi slt, %reduce_max3A_76, %sign3A_141 : i32
    %sign3A_143 = arith.extui %sign3A_142 : i1 to i32
    %sign3A_144 = arith.subi %sign3A_140, %sign3A_143 : i32
    %sign3A_145 = arith.constant 0 : i32
    %sign3A_146 = arith.cmpi sgt, %jit3A_136, %sign3A_145 : i32
    %sign3A_147 = arith.extui %sign3A_146 : i1 to i32
    %sign3A_148 = arith.constant 0 : i32
    %sign3A_149 = arith.cmpi slt, %jit3A_136, %sign3A_148 : i32
    %sign3A_150 = arith.extui %sign3A_149 : i1 to i32
    %sign3A_151 = arith.subi %sign3A_147, %sign3A_150 : i32
    %ne3A_152 = arith.cmpi ne, %sign3A_144, %sign3A_151 : i32
    %rem3A_153 = arith.remsi %reduce_max3A_76, %jit3A_136 : i32
    %ne3A_154 = arith.constant 0 : i32
    %ne3A_155 = arith.cmpi ne, %rem3A_153, %ne3A_154 : i32
    %and3A_156 = arith.andi %ne3A_152, %ne3A_155 : i1
    %sub3A_157 = arith.constant 1 : i32
    %sub3A_158 = arith.subi %div3A_137, %sub3A_157 : i32
    %select_n3A_159 = arith.select %and3A_156, %sub3A_158, %div3A_137 : i32
    %mul3A_160 = arith.constant 16 : i32
    %mul3A_161 = arith.muli %select_n3A_159, %mul3A_160 : i32
    %sub3A_162 = arith.subi %reduce_max3A_135, %mul3A_161 : i32
    %add3A_163 = arith.constant 64 : i32
    %add3A_164 = arith.addi %sub3A_162, %add3A_163 : i32
    %sub3A_165 = arith.constant 1 : i32
    %sub3A_166 = arith.subi %add3A_164, %sub3A_165 : i32
    %jit3A_167 = arith.constant 64 : i32
    %div3A_168 = arith.divsi %sub3A_166, %jit3A_167 : i32
    %sign3A_169 = arith.constant 0 : i32
    %sign3A_170 = arith.cmpi sgt, %sub3A_166, %sign3A_169 : i32
    %sign3A_171 = arith.extui %sign3A_170 : i1 to i32
    %sign3A_172 = arith.constant 0 : i32
    %sign3A_173 = arith.cmpi slt, %sub3A_166, %sign3A_172 : i32
    %sign3A_174 = arith.extui %sign3A_173 : i1 to i32
    %sign3A_175 = arith.subi %sign3A_171, %sign3A_174 : i32
    %sign3A_176 = arith.constant 0 : i32
    %sign3A_177 = arith.cmpi sgt, %jit3A_167, %sign3A_176 : i32
    %sign3A_178 = arith.extui %sign3A_177 : i1 to i32
    %sign3A_179 = arith.constant 0 : i32
    %sign3A_180 = arith.cmpi slt, %jit3A_167, %sign3A_179 : i32
    %sign3A_181 = arith.extui %sign3A_180 : i1 to i32
    %sign3A_182 = arith.subi %sign3A_178, %sign3A_181 : i32
    %ne3A_183 = arith.cmpi ne, %sign3A_175, %sign3A_182 : i32
    %rem3A_184 = arith.remsi %sub3A_166, %jit3A_167 : i32
    %ne3A_185 = arith.constant 0 : i32
    %ne3A_186 = arith.cmpi ne, %rem3A_184, %ne3A_185 : i32
    %and3A_187 = arith.andi %ne3A_183, %ne3A_186 : i1
    %sub3A_188 = arith.constant 1 : i32
    %sub3A_189 = arith.subi %div3A_168, %sub3A_188 : i32
    %select_n3A_190 = arith.select %and3A_187, %sub3A_189, %div3A_168 : i32
    %max3A = arith.constant 0 : i32
    %max3A_191 = arith.maxsi %select_n3A_190, %max3A : i32
    %scan3A = arith.constant 0 : i32
    %scan3A_192 = arith.constant 0 : i32
    %scan3A_193 = arith.constant 4 : i32
    %scan3A_194 = arith.addi %scan3A_192, %scan3A_193 : i32
    %scan3A_195 = arith.constant 1 : i32
    %scan3A_196 = scf.for %scan3A_212 = %scan3A_192 to %scan3A_194 step %scan3A_195 iter_args(%scan3A_213 = %scan3A) -> (i32)  : i32 {
      %swap3A = arith.index_cast %scan3A_212 : i32 to index
      %swap3A_214 = arith.constant 0 : index
      %swap3A_215 = tpu.vector_load %arg7[%swap3A, %swap3A_214] {strides = array<i32>} : memref<4x256xf32, #tpu.memory_space<vmem>>, vector<16xf32>,
      tpu.vector_store %arg7[%swap3A, %swap3A_214], %broadcast_in_dim3A_23 {strides = array<i32>} : memref<4x256xf32, #tpu.memory_space<vmem>>, vector<16xf32>,
      %swap3A_216 = arith.index_cast %scan3A_212 : i32 to index
      %swap3A_217 = arith.constant 16 : index
      %swap3A_218 = tpu.vector_load %arg7[%swap3A_216, %swap3A_217] {strides = array<i32>} : memref<4x256xf32, #tpu.memory_space<vmem>>, vector<16xf32>,
      tpu.vector_store %arg7[%swap3A_216, %swap3A_217], %broadcast_in_dim3A_23 {strides = array<i32>} : memref<4x256xf32, #tpu.memory_space<vmem>>, vector<16xf32>,
      %swap3A_219 = arith.index_cast %scan3A_212 : i32 to index
      %swap3A_220 = arith.constant 32 : index
      %swap3A_221 = tpu.vector_load %arg7[%swap3A_219, %swap3A_220] {strides = array<i32>} : memref<4x256xf32, #tpu.memory_space<vmem>>, vector<16xf32>,
      tpu.vector_store %arg7[%swap3A_219, %swap3A_220], %broadcast_in_dim3A_23 {strides = array<i32>} : memref<4x256xf32, #tpu.memory_space<vmem>>, vector<16xf32>,
      %swap3A_222 = arith.index_cast %scan3A_212 : i32 to index
      %swap3A_223 = arith.constant 48 : index
      %swap3A_224 = tpu.vector_load %arg7[%swap3A_222, %swap3A_223] {strides = array<i32>} : memref<4x256xf32, #tpu.memory_space<vmem>>, vector<16xf32>,
      tpu.vector_store %arg7[%swap3A_222, %swap3A_223], %broadcast_in_dim3A_23 {strides = array<i32>} : memref<4x256xf32, #tpu.memory_space<vmem>>, vector<16xf32>,
      %swap3A_225 = arith.index_cast %scan3A_212 : i32 to index
      %swap3A_226 = arith.constant 64 : index
      %swap3A_227 = tpu.vector_load %arg7[%swap3A_225, %swap3A_226] {strides = array<i32>} : memref<4x256xf32, #tpu.memory_space<vmem>>, vector<16xf32>,
      tpu.vector_store %arg7[%swap3A_225, %swap3A_226], %broadcast_in_dim3A_23 {strides = array<i32>} : memref<4x256xf32, #tpu.memory_space<vmem>>, vector<16xf32>,
      %swap3A_228 = arith.index_cast %scan3A_212 : i32 to index
      %swap3A_229 = arith.constant 80 : index
      %swap3A_230 = tpu.vector_load %arg7[%swap3A_228, %swap3A_229] {strides = array<i32>} : memref<4x256xf32, #tpu.memory_space<vmem>>, vector<16xf32>,
      tpu.vector_store %arg7[%swap3A_228, %swap3A_229], %broadcast_in_dim3A_23 {strides = array<i32>} : memref<4x256xf32, #tpu.memory_space<vmem>>, vector<16xf32>,
      %swap3A_231 = arith.index_cast %scan3A_212 : i32 to index
      %swap3A_232 = arith.constant 96 : index
      %swap3A_233 = tpu.vector_load %arg7[%swap3A_231, %swap3A_232] {strides = array<i32>} : memref<4x256xf32, #tpu.memory_space<vmem>>, vector<16xf32>,
      tpu.vector_store %arg7[%swap3A_231, %swap3A_232], %broadcast_in_dim3A_23 {strides = array<i32>} : memref<4x256xf32, #tpu.memory_space<vmem>>, vector<16xf32>,
      %swap3A_234 = arith.index_cast %scan3A_212 : i32 to index
      %swap3A_235 = arith.constant 112 : index
      %swap3A_236 = tpu.vector_load %arg7[%swap3A_234, %swap3A_235] {strides = array<i32>} : memref<4x256xf32, #tpu.memory_space<vmem>>, vector<16xf32>,
      tpu.vector_store %arg7[%swap3A_234, %swap3A_235], %broadcast_in_dim3A_23 {strides = array<i32>} : memref<4x256xf32, #tpu.memory_space<vmem>>, vector<16xf32>,
      %swap3A_237 = arith.index_cast %scan3A_212 : i32 to index
      %swap3A_238 = arith.constant 128 : index
      %swap3A_239 = tpu.vector_load %arg7[%swap3A_237, %swap3A_238] {strides = array<i32>} : memref<4x256xf32, #tpu.memory_space<vmem>>, vector<16xf32>,
      tpu.vector_store %arg7[%swap3A_237, %swap3A_238], %broadcast_in_dim3A_23 {strides = array<i32>} : memref<4x256xf32, #tpu.memory_space<vmem>>, vector<16xf32>,
      %swap3A_240 = arith.index_cast %scan3A_212 : i32 to index
      %swap3A_241 = arith.constant 144 : index
      %swap3A_242 = tpu.vector_load %arg7[%swap3A_240, %swap3A_241] {strides = array<i32>} : memref<4x256xf32, #tpu.memory_space<vmem>>, vector<16xf32>,
      tpu.vector_store %arg7[%swap3A_240, %swap3A_241], %broadcast_in_dim3A_23 {strides = array<i32>} : memref<4x256xf32, #tpu.memory_space<vmem>>, vector<16xf32>,
      %swap3A_243 = arith.index_cast %scan3A_212 : i32 to index
      %swap3A_244 = arith.constant 160 : index
      %swap3A_245 = tpu.vector_load %arg7[%swap3A_243, %swap3A_244] {strides = array<i32>} : memref<4x256xf32, #tpu.memory_space<vmem>>, vector<16xf32>,
      tpu.vector_store %arg7[%swap3A_243, %swap3A_244], %broadcast_in_dim3A_23 {strides = array<i32>} : memref<4x256xf32, #tpu.memory_space<vmem>>, vector<16xf32>,
      %swap3A_246 = arith.index_cast %scan3A_212 : i32 to index
      %swap3A_247 = arith.constant 176 : index
      %swap3A_248 = tpu.vector_load %arg7[%swap3A_246, %swap3A_247] {strides = array<i32>} : memref<4x256xf32, #tpu.memory_space<vmem>>, vector<16xf32>,
      tpu.vector_store %arg7[%swap3A_246, %swap3A_247], %broadcast_in_dim3A_23 {strides = array<i32>} : memref<4x256xf32, #tpu.memory_space<vmem>>, vector<16xf32>,
      %swap3A_249 = arith.index_cast %scan3A_212 : i32 to index
      %swap3A_250 = arith.constant 192 : index
      %swap3A_251 = tpu.vector_load %arg7[%swap3A_249, %swap3A_250] {strides = array<i32>} : memref<4x256xf32, #tpu.memory_space<vmem>>, vector<16xf32>,
      tpu.vector_store %arg7[%swap3A_249, %swap3A_250], %broadcast_in_dim3A_23 {strides = array<i32>} : memref<4x256xf32, #tpu.memory_space<vmem>>, vector<16xf32>,
      %swap3A_252 = arith.index_cast %scan3A_212 : i32 to index
      %swap3A_253 = arith.constant 208 : index
      %swap3A_254 = tpu.vector_load %arg7[%swap3A_252, %swap3A_253] {strides = array<i32>} : memref<4x256xf32, #tpu.memory_space<vmem>>, vector<16xf32>,
      tpu.vector_store %arg7[%swap3A_252, %swap3A_253], %broadcast_in_dim3A_23 {strides = array<i32>} : memref<4x256xf32, #tpu.memory_space<vmem>>, vector<16xf32>,
      %swap3A_255 = arith.index_cast %scan3A_212 : i32 to index
      %swap3A_256 = arith.constant 224 : index
      %swap3A_257 = tpu.vector_load %arg7[%swap3A_255, %swap3A_256] {strides = array<i32>} : memref<4x256xf32, #tpu.memory_space<vmem>>, vector<16xf32>,
      tpu.vector_store %arg7[%swap3A_255, %swap3A_256], %broadcast_in_dim3A_23 {strides = array<i32>} : memref<4x256xf32, #tpu.memory_space<vmem>>, vector<16xf32>,
      %swap3A_258 = arith.index_cast %scan3A_212 : i32 to index
      %swap3A_259 = arith.constant 240 : index
      %swap3A_260 = tpu.vector_load %arg7[%swap3A_258, %swap3A_259] {strides = array<i32>} : memref<4x256xf32, #tpu.memory_space<vmem>>, vector<16xf32>,
      tpu.vector_store %arg7[%swap3A_258, %swap3A_259], %broadcast_in_dim3A_23 {strides = array<i32>} : memref<4x256xf32, #tpu.memory_space<vmem>>, vector<16xf32>,
      %scan3A_261 = arith.constant 0 : i32
      scf.yield %scan3A_261 : i32
    }
    %scan3A_197 = arith.constant 4 : i32
    %while3A = arith.constant 0 : i32
    %while3A_198 = arith.subi %max3A_191, %while3A : i32
    %while3A_199 = arith.addi %while3A, %while3A_198 : i32
    %while3A_200 = arith.constant 1 : i32
    %while3A_201 = arith.divsi %while3A_198, %while3A_200 : i32
    %while3A_202 = arith.muli %while3A_201, %while3A_200 : i32
    %while3A_203 = arith.addi %while3A, %while3A_202 : i32
    %while3A_204 = arith.constant 1 : i32
    %while3A_205:17 = scf.for %while3A_212 = %while3A to %while3A_203 step %while3A_204 iter_args(%while3A_213 = %mul3A_2, %while3A_214 = %broadcast_in_dim3A_23, %while3A_215 = %broadcast_in_dim3A_23, %while3A_216 = %broadcast_in_dim3A_23, %while3A_217 = %broadcast_in_dim3A_23, %while3A_218 = %broadcast_in_dim3A_23, %while3A_219 = %broadcast_in_dim3A_23, %while3A_220 = %broadcast_in_dim3A_23, %while3A_221 = %broadcast_in_dim3A_23, %while3A_222 = %broadcast_in_dim3A_23, %while3A_223 = %broadcast_in_dim3A_23, %while3A_224 = %broadcast_in_dim3A_23, %while3A_225 = %broadcast_in_dim3A_23, %while3A_226 = %broadcast_in_dim3A_23, %while3A_227 = %broadcast_in_dim3A_23, %while3A_228 = %broadcast_in_dim3A_23, %while3A_229 = %broadcast_in_dim3A_23) -> (i32, vector<16xf32>, vector<16xf32>, vector<16xf32>, vector<16xf32>, vector<16xf32>, vector<16xf32>, vector<16xf32>, vector<16xf32>, vector<16xf32>, vector<16xf32>, vector<16xf32>, vector<16xf32>, vector<16xf32>, vector<16xf32>, vector<16xf32>, vector<16xf32>)  : i32 {
      %mul3A_230 = arith.constant 64 : i32
      %mul3A_231 = arith.muli %while3A_212, %mul3A_230 : i32
      %add3A_232 = arith.addi %mul3A_161, %mul3A_231 : i32
      %min3A = arith.constant 9936 : i32
      %min3A_233 = arith.minsi %add3A_232, %min3A : i32
      %jit3A_234 = arith.constant 16 : i32
      %div3A_235 = arith.divsi %min3A_233, %jit3A_234 : i32
      %sign3A_236 = arith.constant 0 : i32
      %sign3A_237 = arith.cmpi sgt, %min3A_233, %sign3A_236 : i32
      %sign3A_238 = arith.extui %sign3A_237 : i1 to i32
      %sign3A_239 = arith.constant 0 : i32
      %sign3A_240 = arith.cmpi slt, %min3A_233, %sign3A_239 : i32
      %sign3A_241 = arith.extui %sign3A_240 : i1 to i32
      %sign3A_242 = arith.subi %sign3A_238, %sign3A_241 : i32
      %sign3A_243 = arith.constant 0 : i32
      %sign3A_244 = arith.cmpi sgt, %jit3A_234, %sign3A_243 : i32
      %sign3A_245 = arith.extui %sign3A_244 : i1 to i32
      %sign3A_246 = arith.constant 0 : i32
      %sign3A_247 = arith.cmpi slt, %jit3A_234, %sign3A_246 : i32
      %sign3A_248 = arith.extui %sign3A_247 : i1 to i32
      %sign3A_249 = arith.subi %sign3A_245, %sign3A_248 : i32
      %ne3A_250 = arith.cmpi ne, %sign3A_242, %sign3A_249 : i32
      %rem3A_251 = arith.remsi %min3A_233, %jit3A_234 : i32
      %ne3A_252 = arith.constant 0 : i32
      %ne3A_253 = arith.cmpi ne, %rem3A_251, %ne3A_252 : i32
      %and3A_254 = arith.andi %ne3A_250, %ne3A_253 : i1
      %sub3A_255 = arith.constant 1 : i32
      %sub3A_256 = arith.subi %div3A_235, %sub3A_255 : i32
      %select_n3A_257 = arith.select %and3A_254, %sub3A_256, %div3A_235 : i32
      %mul3A_258 = arith.constant 16 : i32
      %mul3A_259 = arith.muli %select_n3A_257, %mul3A_258 : i32
      %multiple_of3A_260 = tpu.assume_multiple %mul3A_259, 16 : i32
      "tpu.region"() ({
        %run_scoped3A = tpu.sem_alloc : memref<!tpu.dma_semaphore, #tpu.memory_space<semaphore_mem>>
        %dma_start3A = arith.constant 0 : i32
        %dma_start3A_324 = tpu.memref_slice %arg2[%multiple_of3A_260, %dma_start3A] : memref<10240x256xf32, #tpu.memory_space<hbm>> -> memref<64x256xf32, #tpu.memory_space<hbm>>
        %dma_start3A_325 = arith.constant 0 : i32
        %dma_start3A_326 = tpu.memref_slice %arg2[%multiple_of3A_260, %dma_start3A_325] : memref<10240x256xf32, #tpu.memory_space<hbm>> -> memref<64x256xf32, #tpu.memory_space<hbm>>
        tpu.enqueue_dma source(%dma_start3A_326 : memref<64x256xf32, #tpu.memory_space<hbm>>) target(%arg5 : memref<64x256xf32, #tpu.memory_space<vmem>>) target_semaphore(%run_scoped3A : memref<!tpu.dma_semaphore, #tpu.memory_space<semaphore_mem>>)
        %dma_wait3A = arith.constant 0 : i32
        %dma_wait3A_327 = tpu.memref_slice %arg2[%multiple_of3A_260, %dma_wait3A] : memref<10240x256xf32, #tpu.memory_space<hbm>> -> memref<64x256xf32, #tpu.memory_space<hbm>>
        %dma_wait3A_328 = arith.constant 0 : i32
        %dma_wait3A_329 = tpu.memref_slice %arg2[%multiple_of3A_260, %dma_wait3A_328] : memref<10240x256xf32, #tpu.memory_space<hbm>> -> memref<64x256xf32, #tpu.memory_space<hbm>>
        tpu.wait_dma2 semaphore(%run_scoped3A : memref<!tpu.dma_semaphore, #tpu.memory_space<semaphore_mem>>) src(%dma_wait3A_329 : memref<64x256xf32, #tpu.memory_space<hbm>>) dst(%arg5 : memref<64x256xf32, #tpu.memory_space<vmem>>)
        tpu.yield
      }) : () -> ()
      %sub3A_261 = arith.subi %while3A_213, %multiple_of3A : i32
      %jit3A_262 = arith.constant 16 : i32
      %div3A_263 = arith.divsi %sub3A_261, %jit3A_262 : i32
      %sign3A_264 = arith.constant 0 : i32
      %sign3A_265 = arith.cmpi sgt, %sub3A_261, %sign3A_264 : i32
      %sign3A_266 = arith.extui %sign3A_265 : i1 to i32
      %sign3A_267 = arith.constant 0 : i32
      %sign3A_268 = arith.cmpi slt, %sub3A_261, %sign3A_267 : i32
      %sign3A_269 = arith.extui %sign3A_268 : i1 to i32
      %sign3A_270 = arith.subi %sign3A_266, %sign3A_269 : i32
      %sign3A_271 = arith.constant 0 : i32
      %sign3A_272 = arith.cmpi sgt, %jit3A_262, %sign3A_271 : i32
      %sign3A_273 = arith.extui %sign3A_272 : i1 to i32
      %sign3A_274 = arith.constant 0 : i32
      %sign3A_275 = arith.cmpi slt, %jit3A_262, %sign3A_274 : i32
      %sign3A_276 = arith.extui %sign3A_275 : i1 to i32
      %sign3A_277 = arith.subi %sign3A_273, %sign3A_276 : i32
      %ne3A_278 = arith.cmpi ne, %sign3A_270, %sign3A_277 : i32
      %rem3A_279 = arith.remsi %sub3A_261, %jit3A_262 : i32
      %ne3A_280 = arith.constant 0 : i32
      %ne3A_281 = arith.cmpi ne, %rem3A_279, %ne3A_280 : i32
      %and3A_282 = arith.andi %ne3A_278, %ne3A_281 : i1
      %sub3A_283 = arith.constant 1 : i32
      %sub3A_284 = arith.subi %div3A_263, %sub3A_283 : i32
      %select_n3A_285 = arith.select %and3A_282, %sub3A_284, %div3A_263 : i32
      %mul3A_286 = arith.constant 16 : i32
      %mul3A_287 = arith.muli %select_n3A_285, %mul3A_286 : i32
      %multiple_of3A_288 = tpu.assume_multiple %mul3A_287, 16 : i32
      %get3A_289 = arith.index_cast %multiple_of3A_288 : i32 to index
      %get3A_290 = tpu.vector_load %arg6[%get3A_289] {strides = array<i32>} : memref<32xi32, #tpu.memory_space<vmem>>, vector<16xi32>,
      %jit3A_291 = arith.constant 16 : i32
      %eq3A_292 = arith.constant 0 : i32
      %eq3A_293 = arith.cmpi eq, %jit3A_291, %eq3A_292 : i32
      %jit3A_294 = arith.constant 1 : i32
      %select_n3A_295 = arith.select %eq3A_293, %jit3A_294, %jit3A_291 : i32
      %rem3A_296 = arith.remsi %sub3A_261, %select_n3A_295 : i32
      %ne3A_297 = arith.constant 0 : i32
      %ne3A_298 = arith.cmpi ne, %rem3A_296, %ne3A_297 : i32
      %lt3A_299 = arith.constant 0 : i32
      %lt3A_300 = arith.cmpi slt, %rem3A_296, %lt3A_299 : i32
      %lt3A_301 = arith.constant 0 : i32
      %lt3A_302 = arith.cmpi slt, %select_n3A_295, %lt3A_301 : i32
      %ne3A_303 = arith.xori %lt3A_300, %lt3A_302 : i1
      %and3A_304 = arith.andi %ne3A_303, %ne3A_298 : i1
      %add3A_305 = arith.addi %rem3A_296, %select_n3A_295 : i32
      %select_n3A_306 = arith.select %and3A_304, %add3A_305, %rem3A_296 : i32
      %eq3A_307 = vector.broadcast %select_n3A_306 : i32 to vector<16xi32>
      %eq3A_308 = arith.cmpi eq, %iota3A, %eq3A_307 : vector<16xi32>
      %select_n3A_309 = arith.select %eq3A_308, %get3A_290, %broadcast_in_dim3A_21 : vector<16xi1>, vector<16xi32>
      %reduce_max3A_310 = arith.constant true
      %reduce_max3A_311 = vector.broadcast %reduce_max3A_310 : i1 to vector<16xi1>
      %reduce_max3A_312 = arith.constant -2147483648 : i32
      %reduce_max3A_313 = vector.broadcast %reduce_max3A_312 : i32 to vector<16xi32>
      %reduce_max3A_314 = arith.xori %select_n3A_309, %reduce_max3A_313 : vector<16xi32>
      %reduce_max3A_315 = tpu.scan <max>, %reduce_max3A_314 masked %reduce_max3A_311 : vector<16xi32>, vector<16xi1> -> vector<16xi32>
      %reduce_max3A_316 = arith.xori %reduce_max3A_315, %reduce_max3A_313 : vector<16xi32>
      %reduce_max3A_317 = vector.extract %reduce_max3A_316[15] : i32 from vector<16xi32>
      %sub3A_318 = arith.subi %reduce_max3A_317, %multiple_of3A_260 : i32
      %jit3A_319 = arith.constant 0 : i32
      %jit3A_320 = arith.constant 64 : i32
      %max3A_321 = arith.maxsi %jit3A_319, %sub3A_318 : i32
      %min3A_322 = arith.minsi %jit3A_320, %max3A_321 : i32
      %while3A_323:18 = scf.while (%while3A_324 = %while3A_213, %while3A_325 = %min3A_322, %while3A_326 = %while3A_214, %while3A_327 = %while3A_215, %while3A_328 = %while3A_216, %while3A_329 = %while3A_217, %while3A_330 = %while3A_218, %while3A_331 = %while3A_219, %while3A_332 = %while3A_220, %while3A_333 = %while3A_221, %while3A_334 = %while3A_222, %while3A_335 = %while3A_223, %while3A_336 = %while3A_224, %while3A_337 = %while3A_225, %while3A_338 = %while3A_226, %while3A_339 = %while3A_227, %while3A_340 = %while3A_228, %while3A_341 = %while3A_229) : (i32, i32, vector<16xf32>, vector<16xf32>, vector<16xf32>, vector<16xf32>, vector<16xf32>, vector<16xf32>, vector<16xf32>, vector<16xf32>, vector<16xf32>, vector<16xf32>, vector<16xf32>, vector<16xf32>, vector<16xf32>, vector<16xf32>, vector<16xf32>, vector<16xf32>) -> (i32, i32, vector<16xf32>, vector<16xf32>, vector<16xf32>, vector<16xf32>, vector<16xf32>, vector<16xf32>, vector<16xf32>, vector<16xf32>, vector<16xf32>, vector<16xf32>, vector<16xf32>, vector<16xf32>, vector<16xf32>, vector<16xf32>, vector<16xf32>, vector<16xf32>) {
        %lt3A_342 = arith.constant 64 : i32
        %lt3A_343 = arith.cmpi slt, %while3A_325, %lt3A_342 : i32
        %add3A_344 = arith.constant 4 : i32
        %add3A_345 = arith.addi %mul3A_2, %add3A_344 : i32
        %lt3A_346 = arith.cmpi slt, %while3A_324, %add3A_345 : i32
        %and3A_347 = arith.andi %lt3A_343, %lt3A_346 : i1
        scf.condition(%and3A_347) %while3A_324, %while3A_325, %while3A_326, %while3A_327, %while3A_328, %while3A_329, %while3A_330, %while3A_331, %while3A_332, %while3A_333, %while3A_334, %while3A_335, %while3A_336, %while3A_337, %while3A_338, %while3A_339, %while3A_340, %while3A_341 : i32, i32, vector<16xf32>, vector<16xf32>, vector<16xf32>, vector<16xf32>, vector<16xf32>, vector<16xf32>, vector<16xf32>, vector<16xf32>, vector<16xf32>, vector<16xf32>, vector<16xf32>, vector<16xf32>, vector<16xf32>, vector<16xf32>, vector<16xf32>, vector<16xf32>
      } do {
      ^bb0(%while3A_324: i32, %while3A_325: i32, %while3A_326: vector<16xf32>, %while3A_327: vector<16xf32>, %while3A_328: vector<16xf32>, %while3A_329: vector<16xf32>, %while3A_330: vector<16xf32>, %while3A_331: vector<16xf32>, %while3A_332: vector<16xf32>, %while3A_333: vector<16xf32>, %while3A_334: vector<16xf32>, %while3A_335: vector<16xf32>, %while3A_336: vector<16xf32>, %while3A_337: vector<16xf32>, %while3A_338: vector<16xf32>, %while3A_339: vector<16xf32>, %while3A_340: vector<16xf32>, %while3A_341: vector<16xf32>):
        %add3A_342 = arith.constant 1 : i32
        %add3A_343 = arith.addi %while3A_324, %add3A_342 : i32
        %sub3A_344 = arith.subi %add3A_343, %multiple_of3A : i32
        %jit3A_345 = arith.constant 16 : i32
        %div3A_346 = arith.divsi %sub3A_344, %jit3A_345 : i32
        %sign3A_347 = arith.constant 0 : i32
        %sign3A_348 = arith.cmpi sgt, %sub3A_344, %sign3A_347 : i32
        %sign3A_349 = arith.extui %sign3A_348 : i1 to i32
        %sign3A_350 = arith.constant 0 : i32
        %sign3A_351 = arith.cmpi slt, %sub3A_344, %sign3A_350 : i32
        %sign3A_352 = arith.extui %sign3A_351 : i1 to i32
        %sign3A_353 = arith.subi %sign3A_349, %sign3A_352 : i32
        %sign3A_354 = arith.constant 0 : i32
        %sign3A_355 = arith.cmpi sgt, %jit3A_345, %sign3A_354 : i32
        %sign3A_356 = arith.extui %sign3A_355 : i1 to i32
        %sign3A_357 = arith.constant 0 : i32
        %sign3A_358 = arith.cmpi slt, %jit3A_345, %sign3A_357 : i32
        %sign3A_359 = arith.extui %sign3A_358 : i1 to i32
        %sign3A_360 = arith.subi %sign3A_356, %sign3A_359 : i32
        %ne3A_361 = arith.cmpi ne, %sign3A_353, %sign3A_360 : i32
        %rem3A_362 = arith.remsi %sub3A_344, %jit3A_345 : i32
        %ne3A_363 = arith.constant 0 : i32
        %ne3A_364 = arith.cmpi ne, %rem3A_362, %ne3A_363 : i32
        %and3A_365 = arith.andi %ne3A_361, %ne3A_364 : i1
        %sub3A_366 = arith.constant 1 : i32
        %sub3A_367 = arith.subi %div3A_346, %sub3A_366 : i32
        %select_n3A_368 = arith.select %and3A_365, %sub3A_367, %div3A_346 : i32
        %mul3A_369 = arith.constant 16 : i32
        %mul3A_370 = arith.muli %select_n3A_368, %mul3A_369 : i32
        %multiple_of3A_371 = tpu.assume_multiple %mul3A_370, 16 : i32
        %get3A_372 = arith.index_cast %multiple_of3A_371 : i32 to index
        %get3A_373 = tpu.vector_load %arg6[%get3A_372] {strides = array<i32>} : memref<32xi32, #tpu.memory_space<vmem>>, vector<16xi32>,
        %jit3A_374 = arith.constant 16 : i32
        %eq3A_375 = arith.constant 0 : i32
        %eq3A_376 = arith.cmpi eq, %jit3A_374, %eq3A_375 : i32
        %jit3A_377 = arith.constant 1 : i32
        %select_n3A_378 = arith.select %eq3A_376, %jit3A_377, %jit3A_374 : i32
        %rem3A_379 = arith.remsi %sub3A_344, %select_n3A_378 : i32
        %ne3A_380 = arith.constant 0 : i32
        %ne3A_381 = arith.cmpi ne, %rem3A_379, %ne3A_380 : i32
        %lt3A_382 = arith.constant 0 : i32
        %lt3A_383 = arith.cmpi slt, %rem3A_379, %lt3A_382 : i32
        %lt3A_384 = arith.constant 0 : i32
        %lt3A_385 = arith.cmpi slt, %select_n3A_378, %lt3A_384 : i32
        %ne3A_386 = arith.xori %lt3A_383, %lt3A_385 : i1
        %and3A_387 = arith.andi %ne3A_386, %ne3A_381 : i1
        %add3A_388 = arith.addi %rem3A_379, %select_n3A_378 : i32
        %select_n3A_389 = arith.select %and3A_387, %add3A_388, %rem3A_379 : i32
        %eq3A_390 = vector.broadcast %select_n3A_389 : i32 to vector<16xi32>
        %eq3A_391 = arith.cmpi eq, %iota3A, %eq3A_390 : vector<16xi32>
        %select_n3A_392 = arith.select %eq3A_391, %get3A_373, %broadcast_in_dim3A_21 : vector<16xi1>, vector<16xi32>
        %reduce_max3A_393 = arith.constant true
        %reduce_max3A_394 = vector.broadcast %reduce_max3A_393 : i1 to vector<16xi1>
        %reduce_max3A_395 = arith.constant -2147483648 : i32
        %reduce_max3A_396 = vector.broadcast %reduce_max3A_395 : i32 to vector<16xi32>
        %reduce_max3A_397 = arith.xori %select_n3A_392, %reduce_max3A_396 : vector<16xi32>
        %reduce_max3A_398 = tpu.scan <max>, %reduce_max3A_397 masked %reduce_max3A_394 : vector<16xi32>, vector<16xi1> -> vector<16xi32>
        %reduce_max3A_399 = arith.xori %reduce_max3A_398, %reduce_max3A_396 : vector<16xi32>
        %reduce_max3A_400 = vector.extract %reduce_max3A_399[15] : i32 from vector<16xi32>
        %sub3A_401 = arith.subi %reduce_max3A_400, %multiple_of3A_260 : i32
        %jit3A_402 = arith.constant 0 : i32
        %jit3A_403 = arith.constant 64 : i32
        %max3A_404 = arith.maxsi %jit3A_402, %sub3A_401 : i32
        %min3A_405 = arith.minsi %jit3A_403, %max3A_404 : i32
        %while3A_406 = arith.subi %min3A_405, %while3A_325 : i32
        %while3A_407 = arith.addi %while3A_325, %while3A_406 : i32
        %while3A_408 = arith.constant 1 : i32
        %while3A_409 = arith.divsi %while3A_406, %while3A_408 : i32
        %while3A_410 = arith.muli %while3A_409, %while3A_408 : i32
        %while3A_411 = arith.addi %while3A_325, %while3A_410 : i32
        %while3A_412 = arith.constant 1 : i32
        %while3A_413:16 = scf.for %while3A_440 = %while3A_325 to %while3A_411 step %while3A_412 iter_args(%while3A_441 = %while3A_326, %while3A_442 = %while3A_327, %while3A_443 = %while3A_328, %while3A_444 = %while3A_329, %while3A_445 = %while3A_330, %while3A_446 = %while3A_331, %while3A_447 = %while3A_332, %while3A_448 = %while3A_333, %while3A_449 = %while3A_334, %while3A_450 = %while3A_335, %while3A_451 = %while3A_336, %while3A_452 = %while3A_337, %while3A_453 = %while3A_338, %while3A_454 = %while3A_339, %while3A_455 = %while3A_340, %while3A_456 = %while3A_341) -> (vector<16xf32>, vector<16xf32>, vector<16xf32>, vector<16xf32>, vector<16xf32>, vector<16xf32>, vector<16xf32>, vector<16xf32>, vector<16xf32>, vector<16xf32>, vector<16xf32>, vector<16xf32>, vector<16xf32>, vector<16xf32>, vector<16xf32>, vector<16xf32>)  : i32 {
          %get3A_457 = arith.index_cast %while3A_440 : i32 to index
          %get3A_458 = arith.constant 0 : index
          %get3A_459 = tpu.vector_load %arg5[%get3A_457, %get3A_458] {strides = array<i32>} : memref<64x256xf32, #tpu.memory_space<vmem>>, vector<16xf32>,
          %max3A_460 = arith.maximumf %while3A_441, %get3A_459 : vector<16xf32>
          %get3A_461 = arith.index_cast %while3A_440 : i32 to index
          %get3A_462 = arith.constant 16 : index
          %get3A_463 = tpu.vector_load %arg5[%get3A_461, %get3A_462] {strides = array<i32>} : memref<64x256xf32, #tpu.memory_space<vmem>>, vector<16xf32>,
          %max3A_464 = arith.maximumf %while3A_442, %get3A_463 : vector<16xf32>
          %get3A_465 = arith.index_cast %while3A_440 : i32 to index
          %get3A_466 = arith.constant 32 : index
          %get3A_467 = tpu.vector_load %arg5[%get3A_465, %get3A_466] {strides = array<i32>} : memref<64x256xf32, #tpu.memory_space<vmem>>, vector<16xf32>,
          %max3A_468 = arith.maximumf %while3A_443, %get3A_467 : vector<16xf32>
          %get3A_469 = arith.index_cast %while3A_440 : i32 to index
          %get3A_470 = arith.constant 48 : index
          %get3A_471 = tpu.vector_load %arg5[%get3A_469, %get3A_470] {strides = array<i32>} : memref<64x256xf32, #tpu.memory_space<vmem>>, vector<16xf32>,
          %max3A_472 = arith.maximumf %while3A_444, %get3A_471 : vector<16xf32>
          %get3A_473 = arith.index_cast %while3A_440 : i32 to index
          %get3A_474 = arith.constant 64 : index
          %get3A_475 = tpu.vector_load %arg5[%get3A_473, %get3A_474] {strides = array<i32>} : memref<64x256xf32, #tpu.memory_space<vmem>>, vector<16xf32>,
          %max3A_476 = arith.maximumf %while3A_445, %get3A_475 : vector<16xf32>
          %get3A_477 = arith.index_cast %while3A_440 : i32 to index
          %get3A_478 = arith.constant 80 : index
          %get3A_479 = tpu.vector_load %arg5[%get3A_477, %get3A_478] {strides = array<i32>} : memref<64x256xf32, #tpu.memory_space<vmem>>, vector<16xf32>,
          %max3A_480 = arith.maximumf %while3A_446, %get3A_479 : vector<16xf32>
          %get3A_481 = arith.index_cast %while3A_440 : i32 to index
          %get3A_482 = arith.constant 96 : index
          %get3A_483 = tpu.vector_load %arg5[%get3A_481, %get3A_482] {strides = array<i32>} : memref<64x256xf32, #tpu.memory_space<vmem>>, vector<16xf32>,
          %max3A_484 = arith.maximumf %while3A_447, %get3A_483 : vector<16xf32>
          %get3A_485 = arith.index_cast %while3A_440 : i32 to index
          %get3A_486 = arith.constant 112 : index
          %get3A_487 = tpu.vector_load %arg5[%get3A_485, %get3A_486] {strides = array<i32>} : memref<64x256xf32, #tpu.memory_space<vmem>>, vector<16xf32>,
          %max3A_488 = arith.maximumf %while3A_448, %get3A_487 : vector<16xf32>
          %get3A_489 = arith.index_cast %while3A_440 : i32 to index
          %get3A_490 = arith.constant 128 : index
          %get3A_491 = tpu.vector_load %arg5[%get3A_489, %get3A_490] {strides = array<i32>} : memref<64x256xf32, #tpu.memory_space<vmem>>, vector<16xf32>,
          %max3A_492 = arith.maximumf %while3A_449, %get3A_491 : vector<16xf32>
          %get3A_493 = arith.index_cast %while3A_440 : i32 to index
          %get3A_494 = arith.constant 144 : index
          %get3A_495 = tpu.vector_load %arg5[%get3A_493, %get3A_494] {strides = array<i32>} : memref<64x256xf32, #tpu.memory_space<vmem>>, vector<16xf32>,
          %max3A_496 = arith.maximumf %while3A_450, %get3A_495 : vector<16xf32>
          %get3A_497 = arith.index_cast %while3A_440 : i32 to index
          %get3A_498 = arith.constant 160 : index
          %get3A_499 = tpu.vector_load %arg5[%get3A_497, %get3A_498] {strides = array<i32>} : memref<64x256xf32, #tpu.memory_space<vmem>>, vector<16xf32>,
          %max3A_500 = arith.maximumf %while3A_451, %get3A_499 : vector<16xf32>
          %get3A_501 = arith.index_cast %while3A_440 : i32 to index
          %get3A_502 = arith.constant 176 : index
          %get3A_503 = tpu.vector_load %arg5[%get3A_501, %get3A_502] {strides = array<i32>} : memref<64x256xf32, #tpu.memory_space<vmem>>, vector<16xf32>,
          %max3A_504 = arith.maximumf %while3A_452, %get3A_503 : vector<16xf32>
          %get3A_505 = arith.index_cast %while3A_440 : i32 to index
          %get3A_506 = arith.constant 192 : index
          %get3A_507 = tpu.vector_load %arg5[%get3A_505, %get3A_506] {strides = array<i32>} : memref<64x256xf32, #tpu.memory_space<vmem>>, vector<16xf32>,
          %max3A_508 = arith.maximumf %while3A_453, %get3A_507 : vector<16xf32>
          %get3A_509 = arith.index_cast %while3A_440 : i32 to index
          %get3A_510 = arith.constant 208 : index
          %get3A_511 = tpu.vector_load %arg5[%get3A_509, %get3A_510] {strides = array<i32>} : memref<64x256xf32, #tpu.memory_space<vmem>>, vector<16xf32>,
          %max3A_512 = arith.maximumf %while3A_454, %get3A_511 : vector<16xf32>
          %get3A_513 = arith.index_cast %while3A_440 : i32 to index
          %get3A_514 = arith.constant 224 : index
          %get3A_515 = tpu.vector_load %arg5[%get3A_513, %get3A_514] {strides = array<i32>} : memref<64x256xf32, #tpu.memory_space<vmem>>, vector<16xf32>,
          %max3A_516 = arith.maximumf %while3A_455, %get3A_515 : vector<16xf32>
          %get3A_517 = arith.index_cast %while3A_440 : i32 to index
          %get3A_518 = arith.constant 240 : index
          %get3A_519 = tpu.vector_load %arg5[%get3A_517, %get3A_518] {strides = array<i32>} : memref<64x256xf32, #tpu.memory_space<vmem>>, vector<16xf32>,
          %max3A_520 = arith.maximumf %while3A_456, %get3A_519 : vector<16xf32>
          scf.yield %max3A_460, %max3A_464, %max3A_468, %max3A_472, %max3A_476, %max3A_480, %max3A_484, %max3A_488, %max3A_492, %max3A_496, %max3A_500, %max3A_504, %max3A_508, %max3A_512, %max3A_516, %max3A_520 : vector<16xf32>, vector<16xf32>, vector<16xf32>, vector<16xf32>, vector<16xf32>, vector<16xf32>, vector<16xf32>, vector<16xf32>, vector<16xf32>, vector<16xf32>, vector<16xf32>, vector<16xf32>, vector<16xf32>, vector<16xf32>, vector<16xf32>, vector<16xf32>
        }
        %while3A_414 = arith.constant 1 : i32
        %while3A_415:16 = scf.for %while3A_440 = %while3A_411 to %while3A_407 step %while3A_414 iter_args(%while3A_441 = %while3A_413#0, %while3A_442 = %while3A_413#1, %while3A_443 = %while3A_413#2, %while3A_444 = %while3A_413#3, %while3A_445 = %while3A_413#4, %while3A_446 = %while3A_413#5, %while3A_447 = %while3A_413#6, %while3A_448 = %while3A_413#7, %while3A_449 = %while3A_413#8, %while3A_450 = %while3A_413#9, %while3A_451 = %while3A_413#10, %while3A_452 = %while3A_413#11, %while3A_453 = %while3A_413#12, %while3A_454 = %while3A_413#13, %while3A_455 = %while3A_413#14, %while3A_456 = %while3A_413#15) -> (vector<16xf32>, vector<16xf32>, vector<16xf32>, vector<16xf32>, vector<16xf32>, vector<16xf32>, vector<16xf32>, vector<16xf32>, vector<16xf32>, vector<16xf32>, vector<16xf32>, vector<16xf32>, vector<16xf32>, vector<16xf32>, vector<16xf32>, vector<16xf32>)  : i32 {
          %get3A_457 = arith.index_cast %while3A_440 : i32 to index
          %get3A_458 = arith.constant 0 : index
          %get3A_459 = tpu.vector_load %arg5[%get3A_457, %get3A_458] {strides = array<i32>} : memref<64x256xf32, #tpu.memory_space<vmem>>, vector<16xf32>,
          %max3A_460 = arith.maximumf %while3A_441, %get3A_459 : vector<16xf32>
          %get3A_461 = arith.index_cast %while3A_440 : i32 to index
          %get3A_462 = arith.constant 16 : index
          %get3A_463 = tpu.vector_load %arg5[%get3A_461, %get3A_462] {strides = array<i32>} : memref<64x256xf32, #tpu.memory_space<vmem>>, vector<16xf32>,
          %max3A_464 = arith.maximumf %while3A_442, %get3A_463 : vector<16xf32>
          %get3A_465 = arith.index_cast %while3A_440 : i32 to index
          %get3A_466 = arith.constant 32 : index
          %get3A_467 = tpu.vector_load %arg5[%get3A_465, %get3A_466] {strides = array<i32>} : memref<64x256xf32, #tpu.memory_space<vmem>>, vector<16xf32>,
          %max3A_468 = arith.maximumf %while3A_443, %get3A_467 : vector<16xf32>
          %get3A_469 = arith.index_cast %while3A_440 : i32 to index
          %get3A_470 = arith.constant 48 : index
          %get3A_471 = tpu.vector_load %arg5[%get3A_469, %get3A_470] {strides = array<i32>} : memref<64x256xf32, #tpu.memory_space<vmem>>, vector<16xf32>,
          %max3A_472 = arith.maximumf %while3A_444, %get3A_471 : vector<16xf32>
          %get3A_473 = arith.index_cast %while3A_440 : i32 to index
          %get3A_474 = arith.constant 64 : index
          %get3A_475 = tpu.vector_load %arg5[%get3A_473, %get3A_474] {strides = array<i32>} : memref<64x256xf32, #tpu.memory_space<vmem>>, vector<16xf32>,
          %max3A_476 = arith.maximumf %while3A_445, %get3A_475 : vector<16xf32>
          %get3A_477 = arith.index_cast %while3A_440 : i32 to index
          %get3A_478 = arith.constant 80 : index
          %get3A_479 = tpu.vector_load %arg5[%get3A_477, %get3A_478] {strides = array<i32>} : memref<64x256xf32, #tpu.memory_space<vmem>>, vector<16xf32>,
          %max3A_480 = arith.maximumf %while3A_446, %get3A_479 : vector<16xf32>
          %get3A_481 = arith.index_cast %while3A_440 : i32 to index
          %get3A_482 = arith.constant 96 : index
          %get3A_483 = tpu.vector_load %arg5[%get3A_481, %get3A_482] {strides = array<i32>} : memref<64x256xf32, #tpu.memory_space<vmem>>, vector<16xf32>,
          %max3A_484 = arith.maximumf %while3A_447, %get3A_483 : vector<16xf32>
          %get3A_485 = arith.index_cast %while3A_440 : i32 to index
          %get3A_486 = arith.constant 112 : index
          %get3A_487 = tpu.vector_load %arg5[%get3A_485, %get3A_486] {strides = array<i32>} : memref<64x256xf32, #tpu.memory_space<vmem>>, vector<16xf32>,
          %max3A_488 = arith.maximumf %while3A_448, %get3A_487 : vector<16xf32>
          %get3A_489 = arith.index_cast %while3A_440 : i32 to index
          %get3A_490 = arith.constant 128 : index
          %get3A_491 = tpu.vector_load %arg5[%get3A_489, %get3A_490] {strides = array<i32>} : memref<64x256xf32, #tpu.memory_space<vmem>>, vector<16xf32>,
          %max3A_492 = arith.maximumf %while3A_449, %get3A_491 : vector<16xf32>
          %get3A_493 = arith.index_cast %while3A_440 : i32 to index
          %get3A_494 = arith.constant 144 : index
          %get3A_495 = tpu.vector_load %arg5[%get3A_493, %get3A_494] {strides = array<i32>} : memref<64x256xf32, #tpu.memory_space<vmem>>, vector<16xf32>,
          %max3A_496 = arith.maximumf %while3A_450, %get3A_495 : vector<16xf32>
          %get3A_497 = arith.index_cast %while3A_440 : i32 to index
          %get3A_498 = arith.constant 160 : index
          %get3A_499 = tpu.vector_load %arg5[%get3A_497, %get3A_498] {strides = array<i32>} : memref<64x256xf32, #tpu.memory_space<vmem>>, vector<16xf32>,
          %max3A_500 = arith.maximumf %while3A_451, %get3A_499 : vector<16xf32>
          %get3A_501 = arith.index_cast %while3A_440 : i32 to index
          %get3A_502 = arith.constant 176 : index
          %get3A_503 = tpu.vector_load %arg5[%get3A_501, %get3A_502] {strides = array<i32>} : memref<64x256xf32, #tpu.memory_space<vmem>>, vector<16xf32>,
          %max3A_504 = arith.maximumf %while3A_452, %get3A_503 : vector<16xf32>
          %get3A_505 = arith.index_cast %while3A_440 : i32 to index
          %get3A_506 = arith.constant 192 : index
          %get3A_507 = tpu.vector_load %arg5[%get3A_505, %get3A_506] {strides = array<i32>} : memref<64x256xf32, #tpu.memory_space<vmem>>, vector<16xf32>,
          %max3A_508 = arith.maximumf %while3A_453, %get3A_507 : vector<16xf32>
          %get3A_509 = arith.index_cast %while3A_440 : i32 to index
          %get3A_510 = arith.constant 208 : index
          %get3A_511 = tpu.vector_load %arg5[%get3A_509, %get3A_510] {strides = array<i32>} : memref<64x256xf32, #tpu.memory_space<vmem>>, vector<16xf32>,
          %max3A_512 = arith.maximumf %while3A_454, %get3A_511 : vector<16xf32>
          %get3A_513 = arith.index_cast %while3A_440 : i32 to index
          %get3A_514 = arith.constant 224 : index
          %get3A_515 = tpu.vector_load %arg5[%get3A_513, %get3A_514] {strides = array<i32>} : memref<64x256xf32, #tpu.memory_space<vmem>>, vector<16xf32>,
          %max3A_516 = arith.maximumf %while3A_455, %get3A_515 : vector<16xf32>
          %get3A_517 = arith.index_cast %while3A_440 : i32 to index
          %get3A_518 = arith.constant 240 : index
          %get3A_519 = tpu.vector_load %arg5[%get3A_517, %get3A_518] {strides = array<i32>} : memref<64x256xf32, #tpu.memory_space<vmem>>, vector<16xf32>,
          %max3A_520 = arith.maximumf %while3A_456, %get3A_519 : vector<16xf32>
          scf.yield %max3A_460, %max3A_464, %max3A_468, %max3A_472, %max3A_476, %max3A_480, %max3A_484, %max3A_488, %max3A_492, %max3A_496, %max3A_500, %max3A_504, %max3A_508, %max3A_512, %max3A_516, %max3A_520 : vector<16xf32>, vector<16xf32>, vector<16xf32>, vector<16xf32>, vector<16xf32>, vector<16xf32>, vector<16xf32>, vector<16xf32>, vector<16xf32>, vector<16xf32>, vector<16xf32>, vector<16xf32>, vector<16xf32>, vector<16xf32>, vector<16xf32>, vector<16xf32>
        }
        %lt3A_416 = arith.constant 64 : i32
        %lt3A_417 = arith.cmpi slt, %min3A_405, %lt3A_416 : i32
        %convert_element_type3A_418 = arith.extui %lt3A_417 : i1 to i32
        %cond3A_419 = arith.constant 0 : i32
        %cond3A_420 = arith.cmpi ne, %convert_element_type3A_418, %cond3A_419 : i32
        scf.if %cond3A_420 {
          %sub3A_440 = arith.subi %while3A_324, %mul3A_2 : i32
          %swap3A = arith.index_cast %sub3A_440 : i32 to index
          %swap3A_441 = arith.constant 0 : index
          %swap3A_442 = tpu.vector_load %arg7[%swap3A, %swap3A_441] {strides = array<i32>} : memref<4x256xf32, #tpu.memory_space<vmem>>, vector<16xf32>,
          tpu.vector_store %arg7[%swap3A, %swap3A_441], %while3A_415#0 {strides = array<i32>} : memref<4x256xf32, #tpu.memory_space<vmem>>, vector<16xf32>,
          %swap3A_443 = arith.index_cast %sub3A_440 : i32 to index
          %swap3A_444 = arith.constant 16 : index
          %swap3A_445 = tpu.vector_load %arg7[%swap3A_443, %swap3A_444] {strides = array<i32>} : memref<4x256xf32, #tpu.memory_space<vmem>>, vector<16xf32>,
          tpu.vector_store %arg7[%swap3A_443, %swap3A_444], %while3A_415#1 {strides = array<i32>} : memref<4x256xf32, #tpu.memory_space<vmem>>, vector<16xf32>,
          %swap3A_446 = arith.index_cast %sub3A_440 : i32 to index
          %swap3A_447 = arith.constant 32 : index
          %swap3A_448 = tpu.vector_load %arg7[%swap3A_446, %swap3A_447] {strides = array<i32>} : memref<4x256xf32, #tpu.memory_space<vmem>>, vector<16xf32>,
          tpu.vector_store %arg7[%swap3A_446, %swap3A_447], %while3A_415#2 {strides = array<i32>} : memref<4x256xf32, #tpu.memory_space<vmem>>, vector<16xf32>,
          %swap3A_449 = arith.index_cast %sub3A_440 : i32 to index
          %swap3A_450 = arith.constant 48 : index
          %swap3A_451 = tpu.vector_load %arg7[%swap3A_449, %swap3A_450] {strides = array<i32>} : memref<4x256xf32, #tpu.memory_space<vmem>>, vector<16xf32>,
          tpu.vector_store %arg7[%swap3A_449, %swap3A_450], %while3A_415#3 {strides = array<i32>} : memref<4x256xf32, #tpu.memory_space<vmem>>, vector<16xf32>,
          %swap3A_452 = arith.index_cast %sub3A_440 : i32 to index
          %swap3A_453 = arith.constant 64 : index
          %swap3A_454 = tpu.vector_load %arg7[%swap3A_452, %swap3A_453] {strides = array<i32>} : memref<4x256xf32, #tpu.memory_space<vmem>>, vector<16xf32>,
          tpu.vector_store %arg7[%swap3A_452, %swap3A_453], %while3A_415#4 {strides = array<i32>} : memref<4x256xf32, #tpu.memory_space<vmem>>, vector<16xf32>,
          %swap3A_455 = arith.index_cast %sub3A_440 : i32 to index
          %swap3A_456 = arith.constant 80 : index
          %swap3A_457 = tpu.vector_load %arg7[%swap3A_455, %swap3A_456] {strides = array<i32>} : memref<4x256xf32, #tpu.memory_space<vmem>>, vector<16xf32>,
          tpu.vector_store %arg7[%swap3A_455, %swap3A_456], %while3A_415#5 {strides = array<i32>} : memref<4x256xf32, #tpu.memory_space<vmem>>, vector<16xf32>,
          %swap3A_458 = arith.index_cast %sub3A_440 : i32 to index
          %swap3A_459 = arith.constant 96 : index
          %swap3A_460 = tpu.vector_load %arg7[%swap3A_458, %swap3A_459] {strides = array<i32>} : memref<4x256xf32, #tpu.memory_space<vmem>>, vector<16xf32>,
          tpu.vector_store %arg7[%swap3A_458, %swap3A_459], %while3A_415#6 {strides = array<i32>} : memref<4x256xf32, #tpu.memory_space<vmem>>, vector<16xf32>,
          %swap3A_461 = arith.index_cast %sub3A_440 : i32 to index
          %swap3A_462 = arith.constant 112 : index
          %swap3A_463 = tpu.vector_load %arg7[%swap3A_461, %swap3A_462] {strides = array<i32>} : memref<4x256xf32, #tpu.memory_space<vmem>>, vector<16xf32>,
          tpu.vector_store %arg7[%swap3A_461, %swap3A_462], %while3A_415#7 {strides = array<i32>} : memref<4x256xf32, #tpu.memory_space<vmem>>, vector<16xf32>,
          %swap3A_464 = arith.index_cast %sub3A_440 : i32 to index
          %swap3A_465 = arith.constant 128 : index
          %swap3A_466 = tpu.vector_load %arg7[%swap3A_464, %swap3A_465] {strides = array<i32>} : memref<4x256xf32, #tpu.memory_space<vmem>>, vector<16xf32>,
          tpu.vector_store %arg7[%swap3A_464, %swap3A_465], %while3A_415#8 {strides = array<i32>} : memref<4x256xf32, #tpu.memory_space<vmem>>, vector<16xf32>,
          %swap3A_467 = arith.index_cast %sub3A_440 : i32 to index
          %swap3A_468 = arith.constant 144 : index
          %swap3A_469 = tpu.vector_load %arg7[%swap3A_467, %swap3A_468] {strides = array<i32>} : memref<4x256xf32, #tpu.memory_space<vmem>>, vector<16xf32>,
          tpu.vector_store %arg7[%swap3A_467, %swap3A_468], %while3A_415#9 {strides = array<i32>} : memref<4x256xf32, #tpu.memory_space<vmem>>, vector<16xf32>,
          %swap3A_470 = arith.index_cast %sub3A_440 : i32 to index
          %swap3A_471 = arith.constant 160 : index
          %swap3A_472 = tpu.vector_load %arg7[%swap3A_470, %swap3A_471] {strides = array<i32>} : memref<4x256xf32, #tpu.memory_space<vmem>>, vector<16xf32>,
          tpu.vector_store %arg7[%swap3A_470, %swap3A_471], %while3A_415#10 {strides = array<i32>} : memref<4x256xf32, #tpu.memory_space<vmem>>, vector<16xf32>,
          %swap3A_473 = arith.index_cast %sub3A_440 : i32 to index
          %swap3A_474 = arith.constant 176 : index
          %swap3A_475 = tpu.vector_load %arg7[%swap3A_473, %swap3A_474] {strides = array<i32>} : memref<4x256xf32, #tpu.memory_space<vmem>>, vector<16xf32>,
          tpu.vector_store %arg7[%swap3A_473, %swap3A_474], %while3A_415#11 {strides = array<i32>} : memref<4x256xf32, #tpu.memory_space<vmem>>, vector<16xf32>,
          %swap3A_476 = arith.index_cast %sub3A_440 : i32 to index
          %swap3A_477 = arith.constant 192 : index
          %swap3A_478 = tpu.vector_load %arg7[%swap3A_476, %swap3A_477] {strides = array<i32>} : memref<4x256xf32, #tpu.memory_space<vmem>>, vector<16xf32>,
          tpu.vector_store %arg7[%swap3A_476, %swap3A_477], %while3A_415#12 {strides = array<i32>} : memref<4x256xf32, #tpu.memory_space<vmem>>, vector<16xf32>,
          %swap3A_479 = arith.index_cast %sub3A_440 : i32 to index
          %swap3A_480 = arith.constant 208 : index
          %swap3A_481 = tpu.vector_load %arg7[%swap3A_479, %swap3A_480] {strides = array<i32>} : memref<4x256xf32, #tpu.memory_space<vmem>>, vector<16xf32>,
          tpu.vector_store %arg7[%swap3A_479, %swap3A_480], %while3A_415#13 {strides = array<i32>} : memref<4x256xf32, #tpu.memory_space<vmem>>, vector<16xf32>,
          %swap3A_482 = arith.index_cast %sub3A_440 : i32 to index
          %swap3A_483 = arith.constant 224 : index
          %swap3A_484 = tpu.vector_load %arg7[%swap3A_482, %swap3A_483] {strides = array<i32>} : memref<4x256xf32, #tpu.memory_space<vmem>>, vector<16xf32>,
          tpu.vector_store %arg7[%swap3A_482, %swap3A_483], %while3A_415#14 {strides = array<i32>} : memref<4x256xf32, #tpu.memory_space<vmem>>, vector<16xf32>,
          %swap3A_485 = arith.index_cast %sub3A_440 : i32 to index
          %swap3A_486 = arith.constant 240 : index
          %swap3A_487 = tpu.vector_load %arg7[%swap3A_485, %swap3A_486] {strides = array<i32>} : memref<4x256xf32, #tpu.memory_space<vmem>>, vector<16xf32>,
          tpu.vector_store %arg7[%swap3A_485, %swap3A_486], %while3A_415#15 {strides = array<i32>} : memref<4x256xf32, #tpu.memory_space<vmem>>, vector<16xf32>,
        } else {
        }
        %select_n3A_421 = arith.select %lt3A_417, %broadcast_in_dim3A_23, %while3A_415#0 : vector<16xf32>
        %select_n3A_422 = arith.select %lt3A_417, %broadcast_in_dim3A_23, %while3A_415#1 : vector<16xf32>
        %select_n3A_423 = arith.select %lt3A_417, %broadcast_in_dim3A_23, %while3A_415#2 : vector<16xf32>
        %select_n3A_424 = arith.select %lt3A_417, %broadcast_in_dim3A_23, %while3A_415#3 : vector<16xf32>
        %select_n3A_425 = arith.select %lt3A_417, %broadcast_in_dim3A_23, %while3A_415#4 : vector<16xf32>
        %select_n3A_426 = arith.select %lt3A_417, %broadcast_in_dim3A_23, %while3A_415#5 : vector<16xf32>
        %select_n3A_427 = arith.select %lt3A_417, %broadcast_in_dim3A_23, %while3A_415#6 : vector<16xf32>
        %select_n3A_428 = arith.select %lt3A_417, %broadcast_in_dim3A_23, %while3A_415#7 : vector<16xf32>
        %select_n3A_429 = arith.select %lt3A_417, %broadcast_in_dim3A_23, %while3A_415#8 : vector<16xf32>
        %select_n3A_430 = arith.select %lt3A_417, %broadcast_in_dim3A_23, %while3A_415#9 : vector<16xf32>
        %select_n3A_431 = arith.select %lt3A_417, %broadcast_in_dim3A_23, %while3A_415#10 : vector<16xf32>
        %select_n3A_432 = arith.select %lt3A_417, %broadcast_in_dim3A_23, %while3A_415#11 : vector<16xf32>
        %select_n3A_433 = arith.select %lt3A_417, %broadcast_in_dim3A_23, %while3A_415#12 : vector<16xf32>
        %select_n3A_434 = arith.select %lt3A_417, %broadcast_in_dim3A_23, %while3A_415#13 : vector<16xf32>
        %select_n3A_435 = arith.select %lt3A_417, %broadcast_in_dim3A_23, %while3A_415#14 : vector<16xf32>
        %select_n3A_436 = arith.select %lt3A_417, %broadcast_in_dim3A_23, %while3A_415#15 : vector<16xf32>
        %add3A_437 = arith.constant 1 : i32
        %add3A_438 = arith.addi %while3A_324, %add3A_437 : i32
        %select_n3A_439 = arith.select %lt3A_417, %add3A_438, %while3A_324 : i32
        scf.yield %select_n3A_439, %min3A_405, %select_n3A_421, %select_n3A_422, %select_n3A_423, %select_n3A_424, %select_n3A_425, %select_n3A_426, %select_n3A_427, %select_n3A_428, %select_n3A_429, %select_n3A_430, %select_n3A_431, %select_n3A_432, %select_n3A_433, %select_n3A_434, %select_n3A_435, %select_n3A_436 : i32, i32, vector<16xf32>, vector<16xf32>, vector<16xf32>, vector<16xf32>, vector<16xf32>, vector<16xf32>, vector<16xf32>, vector<16xf32>, vector<16xf32>, vector<16xf32>, vector<16xf32>, vector<16xf32>, vector<16xf32>, vector<16xf32>, vector<16xf32>, vector<16xf32>
      }
      scf.yield %while3A_323#0, %while3A_323#2, %while3A_323#3, %while3A_323#4, %while3A_323#5, %while3A_323#6, %while3A_323#7, %while3A_323#8, %while3A_323#9, %while3A_323#10, %while3A_323#11, %while3A_323#12, %while3A_323#13, %while3A_323#14, %while3A_323#15, %while3A_323#16, %while3A_323#17 : i32, vector<16xf32>, vector<16xf32>, vector<16xf32>, vector<16xf32>, vector<16xf32>, vector<16xf32>, vector<16xf32>, vector<16xf32>, vector<16xf32>, vector<16xf32>, vector<16xf32>, vector<16xf32>, vector<16xf32>, vector<16xf32>, vector<16xf32>, vector<16xf32>
    }
    %while3A_206 = arith.constant 1 : i32
    %while3A_207:17 = scf.for %while3A_212 = %while3A_203 to %while3A_199 step %while3A_206 iter_args(%while3A_213 = %while3A_205#0, %while3A_214 = %while3A_205#1, %while3A_215 = %while3A_205#2, %while3A_216 = %while3A_205#3, %while3A_217 = %while3A_205#4, %while3A_218 = %while3A_205#5, %while3A_219 = %while3A_205#6, %while3A_220 = %while3A_205#7, %while3A_221 = %while3A_205#8, %while3A_222 = %while3A_205#9, %while3A_223 = %while3A_205#10, %while3A_224 = %while3A_205#11, %while3A_225 = %while3A_205#12, %while3A_226 = %while3A_205#13, %while3A_227 = %while3A_205#14, %while3A_228 = %while3A_205#15, %while3A_229 = %while3A_205#16) -> (i32, vector<16xf32>, vector<16xf32>, vector<16xf32>, vector<16xf32>, vector<16xf32>, vector<16xf32>, vector<16xf32>, vector<16xf32>, vector<16xf32>, vector<16xf32>, vector<16xf32>, vector<16xf32>, vector<16xf32>, vector<16xf32>, vector<16xf32>, vector<16xf32>)  : i32 {
      %mul3A_230 = arith.constant 64 : i32
      %mul3A_231 = arith.muli %while3A_212, %mul3A_230 : i32
      %add3A_232 = arith.addi %mul3A_161, %mul3A_231 : i32
      %min3A = arith.constant 9936 : i32
      %min3A_233 = arith.minsi %add3A_232, %min3A : i32
      %jit3A_234 = arith.constant 16 : i32
      %div3A_235 = arith.divsi %min3A_233, %jit3A_234 : i32
      %sign3A_236 = arith.constant 0 : i32
      %sign3A_237 = arith.cmpi sgt, %min3A_233, %sign3A_236 : i32
      %sign3A_238 = arith.extui %sign3A_237 : i1 to i32
      %sign3A_239 = arith.constant 0 : i32
      %sign3A_240 = arith.cmpi slt, %min3A_233, %sign3A_239 : i32
      %sign3A_241 = arith.extui %sign3A_240 : i1 to i32
      %sign3A_242 = arith.subi %sign3A_238, %sign3A_241 : i32
      %sign3A_243 = arith.constant 0 : i32
      %sign3A_244 = arith.cmpi sgt, %jit3A_234, %sign3A_243 : i32
      %sign3A_245 = arith.extui %sign3A_244 : i1 to i32
      %sign3A_246 = arith.constant 0 : i32
      %sign3A_247 = arith.cmpi slt, %jit3A_234, %sign3A_246 : i32
      %sign3A_248 = arith.extui %sign3A_247 : i1 to i32
      %sign3A_249 = arith.subi %sign3A_245, %sign3A_248 : i32
      %ne3A_250 = arith.cmpi ne, %sign3A_242, %sign3A_249 : i32
      %rem3A_251 = arith.remsi %min3A_233, %jit3A_234 : i32
      %ne3A_252 = arith.constant 0 : i32
      %ne3A_253 = arith.cmpi ne, %rem3A_251, %ne3A_252 : i32
      %and3A_254 = arith.andi %ne3A_250, %ne3A_253 : i1
      %sub3A_255 = arith.constant 1 : i32
      %sub3A_256 = arith.subi %div3A_235, %sub3A_255 : i32
      %select_n3A_257 = arith.select %and3A_254, %sub3A_256, %div3A_235 : i32
      %mul3A_258 = arith.constant 16 : i32
      %mul3A_259 = arith.muli %select_n3A_257, %mul3A_258 : i32
      %multiple_of3A_260 = tpu.assume_multiple %mul3A_259, 16 : i32
      "tpu.region"() ({
        %run_scoped3A = tpu.sem_alloc : memref<!tpu.dma_semaphore, #tpu.memory_space<semaphore_mem>>
        %dma_start3A = arith.constant 0 : i32
        %dma_start3A_324 = tpu.memref_slice %arg2[%multiple_of3A_260, %dma_start3A] : memref<10240x256xf32, #tpu.memory_space<hbm>> -> memref<64x256xf32, #tpu.memory_space<hbm>>
        %dma_start3A_325 = arith.constant 0 : i32
        %dma_start3A_326 = tpu.memref_slice %arg2[%multiple_of3A_260, %dma_start3A_325] : memref<10240x256xf32, #tpu.memory_space<hbm>> -> memref<64x256xf32, #tpu.memory_space<hbm>>
        tpu.enqueue_dma source(%dma_start3A_326 : memref<64x256xf32, #tpu.memory_space<hbm>>) target(%arg5 : memref<64x256xf32, #tpu.memory_space<vmem>>) target_semaphore(%run_scoped3A : memref<!tpu.dma_semaphore, #tpu.memory_space<semaphore_mem>>)
        %dma_wait3A = arith.constant 0 : i32
        %dma_wait3A_327 = tpu.memref_slice %arg2[%multiple_of3A_260, %dma_wait3A] : memref<10240x256xf32, #tpu.memory_space<hbm>> -> memref<64x256xf32, #tpu.memory_space<hbm>>
        %dma_wait3A_328 = arith.constant 0 : i32
        %dma_wait3A_329 = tpu.memref_slice %arg2[%multiple_of3A_260, %dma_wait3A_328] : memref<10240x256xf32, #tpu.memory_space<hbm>> -> memref<64x256xf32, #tpu.memory_space<hbm>>
        tpu.wait_dma2 semaphore(%run_scoped3A : memref<!tpu.dma_semaphore, #tpu.memory_space<semaphore_mem>>) src(%dma_wait3A_329 : memref<64x256xf32, #tpu.memory_space<hbm>>) dst(%arg5 : memref<64x256xf32, #tpu.memory_space<vmem>>)
        tpu.yield
      }) : () -> ()
      %sub3A_261 = arith.subi %while3A_213, %multiple_of3A : i32
      %jit3A_262 = arith.constant 16 : i32
      %div3A_263 = arith.divsi %sub3A_261, %jit3A_262 : i32
      %sign3A_264 = arith.constant 0 : i32
      %sign3A_265 = arith.cmpi sgt, %sub3A_261, %sign3A_264 : i32
      %sign3A_266 = arith.extui %sign3A_265 : i1 to i32
      %sign3A_267 = arith.constant 0 : i32
      %sign3A_268 = arith.cmpi slt, %sub3A_261, %sign3A_267 : i32
      %sign3A_269 = arith.extui %sign3A_268 : i1 to i32
      %sign3A_270 = arith.subi %sign3A_266, %sign3A_269 : i32
      %sign3A_271 = arith.constant 0 : i32
      %sign3A_272 = arith.cmpi sgt, %jit3A_262, %sign3A_271 : i32
      %sign3A_273 = arith.extui %sign3A_272 : i1 to i32
      %sign3A_274 = arith.constant 0 : i32
      %sign3A_275 = arith.cmpi slt, %jit3A_262, %sign3A_274 : i32
      %sign3A_276 = arith.extui %sign3A_275 : i1 to i32
      %sign3A_277 = arith.subi %sign3A_273, %sign3A_276 : i32
      %ne3A_278 = arith.cmpi ne, %sign3A_270, %sign3A_277 : i32
      %rem3A_279 = arith.remsi %sub3A_261, %jit3A_262 : i32
      %ne3A_280 = arith.constant 0 : i32
      %ne3A_281 = arith.cmpi ne, %rem3A_279, %ne3A_280 : i32
      %and3A_282 = arith.andi %ne3A_278, %ne3A_281 : i1
      %sub3A_283 = arith.constant 1 : i32
      %sub3A_284 = arith.subi %div3A_263, %sub3A_283 : i32
      %select_n3A_285 = arith.select %and3A_282, %sub3A_284, %div3A_263 : i32
      %mul3A_286 = arith.constant 16 : i32
      %mul3A_287 = arith.muli %select_n3A_285, %mul3A_286 : i32
      %multiple_of3A_288 = tpu.assume_multiple %mul3A_287, 16 : i32
      %get3A_289 = arith.index_cast %multiple_of3A_288 : i32 to index
      %get3A_290 = tpu.vector_load %arg6[%get3A_289] {strides = array<i32>} : memref<32xi32, #tpu.memory_space<vmem>>, vector<16xi32>,
      %jit3A_291 = arith.constant 16 : i32
      %eq3A_292 = arith.constant 0 : i32
      %eq3A_293 = arith.cmpi eq, %jit3A_291, %eq3A_292 : i32
      %jit3A_294 = arith.constant 1 : i32
      %select_n3A_295 = arith.select %eq3A_293, %jit3A_294, %jit3A_291 : i32
      %rem3A_296 = arith.remsi %sub3A_261, %select_n3A_295 : i32
      %ne3A_297 = arith.constant 0 : i32
      %ne3A_298 = arith.cmpi ne, %rem3A_296, %ne3A_297 : i32
      %lt3A_299 = arith.constant 0 : i32
      %lt3A_300 = arith.cmpi slt, %rem3A_296, %lt3A_299 : i32
      %lt3A_301 = arith.constant 0 : i32
      %lt3A_302 = arith.cmpi slt, %select_n3A_295, %lt3A_301 : i32
      %ne3A_303 = arith.xori %lt3A_300, %lt3A_302 : i1
      %and3A_304 = arith.andi %ne3A_303, %ne3A_298 : i1
      %add3A_305 = arith.addi %rem3A_296, %select_n3A_295 : i32
      %select_n3A_306 = arith.select %and3A_304, %add3A_305, %rem3A_296 : i32
      %eq3A_307 = vector.broadcast %select_n3A_306 : i32 to vector<16xi32>
      %eq3A_308 = arith.cmpi eq, %iota3A, %eq3A_307 : vector<16xi32>
      %select_n3A_309 = arith.select %eq3A_308, %get3A_290, %broadcast_in_dim3A_21 : vector<16xi1>, vector<16xi32>
      %reduce_max3A_310 = arith.constant true
      %reduce_max3A_311 = vector.broadcast %reduce_max3A_310 : i1 to vector<16xi1>
      %reduce_max3A_312 = arith.constant -2147483648 : i32
      %reduce_max3A_313 = vector.broadcast %reduce_max3A_312 : i32 to vector<16xi32>
      %reduce_max3A_314 = arith.xori %select_n3A_309, %reduce_max3A_313 : vector<16xi32>
      %reduce_max3A_315 = tpu.scan <max>, %reduce_max3A_314 masked %reduce_max3A_311 : vector<16xi32>, vector<16xi1> -> vector<16xi32>
      %reduce_max3A_316 = arith.xori %reduce_max3A_315, %reduce_max3A_313 : vector<16xi32>
      %reduce_max3A_317 = vector.extract %reduce_max3A_316[15] : i32 from vector<16xi32>
      %sub3A_318 = arith.subi %reduce_max3A_317, %multiple_of3A_260 : i32
      %jit3A_319 = arith.constant 0 : i32
      %jit3A_320 = arith.constant 64 : i32
      %max3A_321 = arith.maxsi %jit3A_319, %sub3A_318 : i32
      %min3A_322 = arith.minsi %jit3A_320, %max3A_321 : i32
      %while3A_323:18 = scf.while (%while3A_324 = %while3A_213, %while3A_325 = %min3A_322, %while3A_326 = %while3A_214, %while3A_327 = %while3A_215, %while3A_328 = %while3A_216, %while3A_329 = %while3A_217, %while3A_330 = %while3A_218, %while3A_331 = %while3A_219, %while3A_332 = %while3A_220, %while3A_333 = %while3A_221, %while3A_334 = %while3A_222, %while3A_335 = %while3A_223, %while3A_336 = %while3A_224, %while3A_337 = %while3A_225, %while3A_338 = %while3A_226, %while3A_339 = %while3A_227, %while3A_340 = %while3A_228, %while3A_341 = %while3A_229) : (i32, i32, vector<16xf32>, vector<16xf32>, vector<16xf32>, vector<16xf32>, vector<16xf32>, vector<16xf32>, vector<16xf32>, vector<16xf32>, vector<16xf32>, vector<16xf32>, vector<16xf32>, vector<16xf32>, vector<16xf32>, vector<16xf32>, vector<16xf32>, vector<16xf32>) -> (i32, i32, vector<16xf32>, vector<16xf32>, vector<16xf32>, vector<16xf32>, vector<16xf32>, vector<16xf32>, vector<16xf32>, vector<16xf32>, vector<16xf32>, vector<16xf32>, vector<16xf32>, vector<16xf32>, vector<16xf32>, vector<16xf32>, vector<16xf32>, vector<16xf32>) {
        %lt3A_342 = arith.constant 64 : i32
        %lt3A_343 = arith.cmpi slt, %while3A_325, %lt3A_342 : i32
        %add3A_344 = arith.constant 4 : i32
        %add3A_345 = arith.addi %mul3A_2, %add3A_344 : i32
        %lt3A_346 = arith.cmpi slt, %while3A_324, %add3A_345 : i32
        %and3A_347 = arith.andi %lt3A_343, %lt3A_346 : i1
        scf.condition(%and3A_347) %while3A_324, %while3A_325, %while3A_326, %while3A_327, %while3A_328, %while3A_329, %while3A_330, %while3A_331, %while3A_332, %while3A_333, %while3A_334, %while3A_335, %while3A_336, %while3A_337, %while3A_338, %while3A_339, %while3A_340, %while3A_341 : i32, i32, vector<16xf32>, vector<16xf32>, vector<16xf32>, vector<16xf32>, vector<16xf32>, vector<16xf32>, vector<16xf32>, vector<16xf32>, vector<16xf32>, vector<16xf32>, vector<16xf32>, vector<16xf32>, vector<16xf32>, vector<16xf32>, vector<16xf32>, vector<16xf32>
      } do {
      ^bb0(%while3A_324: i32, %while3A_325: i32, %while3A_326: vector<16xf32>, %while3A_327: vector<16xf32>, %while3A_328: vector<16xf32>, %while3A_329: vector<16xf32>, %while3A_330: vector<16xf32>, %while3A_331: vector<16xf32>, %while3A_332: vector<16xf32>, %while3A_333: vector<16xf32>, %while3A_334: vector<16xf32>, %while3A_335: vector<16xf32>, %while3A_336: vector<16xf32>, %while3A_337: vector<16xf32>, %while3A_338: vector<16xf32>, %while3A_339: vector<16xf32>, %while3A_340: vector<16xf32>, %while3A_341: vector<16xf32>):
        %add3A_342 = arith.constant 1 : i32
        %add3A_343 = arith.addi %while3A_324, %add3A_342 : i32
        %sub3A_344 = arith.subi %add3A_343, %multiple_of3A : i32
        %jit3A_345 = arith.constant 16 : i32
        %div3A_346 = arith.divsi %sub3A_344, %jit3A_345 : i32
        %sign3A_347 = arith.constant 0 : i32
        %sign3A_348 = arith.cmpi sgt, %sub3A_344, %sign3A_347 : i32
        %sign3A_349 = arith.extui %sign3A_348 : i1 to i32
        %sign3A_350 = arith.constant 0 : i32
        %sign3A_351 = arith.cmpi slt, %sub3A_344, %sign3A_350 : i32
        %sign3A_352 = arith.extui %sign3A_351 : i1 to i32
        %sign3A_353 = arith.subi %sign3A_349, %sign3A_352 : i32
        %sign3A_354 = arith.constant 0 : i32
        %sign3A_355 = arith.cmpi sgt, %jit3A_345, %sign3A_354 : i32
        %sign3A_356 = arith.extui %sign3A_355 : i1 to i32
        %sign3A_357 = arith.constant 0 : i32
        %sign3A_358 = arith.cmpi slt, %jit3A_345, %sign3A_357 : i32
        %sign3A_359 = arith.extui %sign3A_358 : i1 to i32
        %sign3A_360 = arith.subi %sign3A_356, %sign3A_359 : i32
        %ne3A_361 = arith.cmpi ne, %sign3A_353, %sign3A_360 : i32
        %rem3A_362 = arith.remsi %sub3A_344, %jit3A_345 : i32
        %ne3A_363 = arith.constant 0 : i32
        %ne3A_364 = arith.cmpi ne, %rem3A_362, %ne3A_363 : i32
        %and3A_365 = arith.andi %ne3A_361, %ne3A_364 : i1
        %sub3A_366 = arith.constant 1 : i32
        %sub3A_367 = arith.subi %div3A_346, %sub3A_366 : i32
        %select_n3A_368 = arith.select %and3A_365, %sub3A_367, %div3A_346 : i32
        %mul3A_369 = arith.constant 16 : i32
        %mul3A_370 = arith.muli %select_n3A_368, %mul3A_369 : i32
        %multiple_of3A_371 = tpu.assume_multiple %mul3A_370, 16 : i32
        %get3A_372 = arith.index_cast %multiple_of3A_371 : i32 to index
        %get3A_373 = tpu.vector_load %arg6[%get3A_372] {strides = array<i32>} : memref<32xi32, #tpu.memory_space<vmem>>, vector<16xi32>,
        %jit3A_374 = arith.constant 16 : i32
        %eq3A_375 = arith.constant 0 : i32
        %eq3A_376 = arith.cmpi eq, %jit3A_374, %eq3A_375 : i32
        %jit3A_377 = arith.constant 1 : i32
        %select_n3A_378 = arith.select %eq3A_376, %jit3A_377, %jit3A_374 : i32
        %rem3A_379 = arith.remsi %sub3A_344, %select_n3A_378 : i32
        %ne3A_380 = arith.constant 0 : i32
        %ne3A_381 = arith.cmpi ne, %rem3A_379, %ne3A_380 : i32
        %lt3A_382 = arith.constant 0 : i32
        %lt3A_383 = arith.cmpi slt, %rem3A_379, %lt3A_382 : i32
        %lt3A_384 = arith.constant 0 : i32
        %lt3A_385 = arith.cmpi slt, %select_n3A_378, %lt3A_384 : i32
        %ne3A_386 = arith.xori %lt3A_383, %lt3A_385 : i1
        %and3A_387 = arith.andi %ne3A_386, %ne3A_381 : i1
        %add3A_388 = arith.addi %rem3A_379, %select_n3A_378 : i32
        %select_n3A_389 = arith.select %and3A_387, %add3A_388, %rem3A_379 : i32
        %eq3A_390 = vector.broadcast %select_n3A_389 : i32 to vector<16xi32>
        %eq3A_391 = arith.cmpi eq, %iota3A, %eq3A_390 : vector<16xi32>
        %select_n3A_392 = arith.select %eq3A_391, %get3A_373, %broadcast_in_dim3A_21 : vector<16xi1>, vector<16xi32>
        %reduce_max3A_393 = arith.constant true
        %reduce_max3A_394 = vector.broadcast %reduce_max3A_393 : i1 to vector<16xi1>
        %reduce_max3A_395 = arith.constant -2147483648 : i32
        %reduce_max3A_396 = vector.broadcast %reduce_max3A_395 : i32 to vector<16xi32>
        %reduce_max3A_397 = arith.xori %select_n3A_392, %reduce_max3A_396 : vector<16xi32>
        %reduce_max3A_398 = tpu.scan <max>, %reduce_max3A_397 masked %reduce_max3A_394 : vector<16xi32>, vector<16xi1> -> vector<16xi32>
        %reduce_max3A_399 = arith.xori %reduce_max3A_398, %reduce_max3A_396 : vector<16xi32>
        %reduce_max3A_400 = vector.extract %reduce_max3A_399[15] : i32 from vector<16xi32>
        %sub3A_401 = arith.subi %reduce_max3A_400, %multiple_of3A_260 : i32
        %jit3A_402 = arith.constant 0 : i32
        %jit3A_403 = arith.constant 64 : i32
        %max3A_404 = arith.maxsi %jit3A_402, %sub3A_401 : i32
        %min3A_405 = arith.minsi %jit3A_403, %max3A_404 : i32
        %while3A_406 = arith.subi %min3A_405, %while3A_325 : i32
        %while3A_407 = arith.addi %while3A_325, %while3A_406 : i32
        %while3A_408 = arith.constant 1 : i32
        %while3A_409 = arith.divsi %while3A_406, %while3A_408 : i32
        %while3A_410 = arith.muli %while3A_409, %while3A_408 : i32
        %while3A_411 = arith.addi %while3A_325, %while3A_410 : i32
        %while3A_412 = arith.constant 1 : i32
        %while3A_413:16 = scf.for %while3A_440 = %while3A_325 to %while3A_411 step %while3A_412 iter_args(%while3A_441 = %while3A_326, %while3A_442 = %while3A_327, %while3A_443 = %while3A_328, %while3A_444 = %while3A_329, %while3A_445 = %while3A_330, %while3A_446 = %while3A_331, %while3A_447 = %while3A_332, %while3A_448 = %while3A_333, %while3A_449 = %while3A_334, %while3A_450 = %while3A_335, %while3A_451 = %while3A_336, %while3A_452 = %while3A_337, %while3A_453 = %while3A_338, %while3A_454 = %while3A_339, %while3A_455 = %while3A_340, %while3A_456 = %while3A_341) -> (vector<16xf32>, vector<16xf32>, vector<16xf32>, vector<16xf32>, vector<16xf32>, vector<16xf32>, vector<16xf32>, vector<16xf32>, vector<16xf32>, vector<16xf32>, vector<16xf32>, vector<16xf32>, vector<16xf32>, vector<16xf32>, vector<16xf32>, vector<16xf32>)  : i32 {
          %get3A_457 = arith.index_cast %while3A_440 : i32 to index
          %get3A_458 = arith.constant 0 : index
          %get3A_459 = tpu.vector_load %arg5[%get3A_457, %get3A_458] {strides = array<i32>} : memref<64x256xf32, #tpu.memory_space<vmem>>, vector<16xf32>,
          %max3A_460 = arith.maximumf %while3A_441, %get3A_459 : vector<16xf32>
          %get3A_461 = arith.index_cast %while3A_440 : i32 to index
          %get3A_462 = arith.constant 16 : index
          %get3A_463 = tpu.vector_load %arg5[%get3A_461, %get3A_462] {strides = array<i32>} : memref<64x256xf32, #tpu.memory_space<vmem>>, vector<16xf32>,
          %max3A_464 = arith.maximumf %while3A_442, %get3A_463 : vector<16xf32>
          %get3A_465 = arith.index_cast %while3A_440 : i32 to index
          %get3A_466 = arith.constant 32 : index
          %get3A_467 = tpu.vector_load %arg5[%get3A_465, %get3A_466] {strides = array<i32>} : memref<64x256xf32, #tpu.memory_space<vmem>>, vector<16xf32>,
          %max3A_468 = arith.maximumf %while3A_443, %get3A_467 : vector<16xf32>
          %get3A_469 = arith.index_cast %while3A_440 : i32 to index
          %get3A_470 = arith.constant 48 : index
          %get3A_471 = tpu.vector_load %arg5[%get3A_469, %get3A_470] {strides = array<i32>} : memref<64x256xf32, #tpu.memory_space<vmem>>, vector<16xf32>,
          %max3A_472 = arith.maximumf %while3A_444, %get3A_471 : vector<16xf32>
          %get3A_473 = arith.index_cast %while3A_440 : i32 to index
          %get3A_474 = arith.constant 64 : index
          %get3A_475 = tpu.vector_load %arg5[%get3A_473, %get3A_474] {strides = array<i32>} : memref<64x256xf32, #tpu.memory_space<vmem>>, vector<16xf32>,
          %max3A_476 = arith.maximumf %while3A_445, %get3A_475 : vector<16xf32>
          %get3A_477 = arith.index_cast %while3A_440 : i32 to index
          %get3A_478 = arith.constant 80 : index
          %get3A_479 = tpu.vector_load %arg5[%get3A_477, %get3A_478] {strides = array<i32>} : memref<64x256xf32, #tpu.memory_space<vmem>>, vector<16xf32>,
          %max3A_480 = arith.maximumf %while3A_446, %get3A_479 : vector<16xf32>
          %get3A_481 = arith.index_cast %while3A_440 : i32 to index
          %get3A_482 = arith.constant 96 : index
          %get3A_483 = tpu.vector_load %arg5[%get3A_481, %get3A_482] {strides = array<i32>} : memref<64x256xf32, #tpu.memory_space<vmem>>, vector<16xf32>,
          %max3A_484 = arith.maximumf %while3A_447, %get3A_483 : vector<16xf32>
          %get3A_485 = arith.index_cast %while3A_440 : i32 to index
          %get3A_486 = arith.constant 112 : index
          %get3A_487 = tpu.vector_load %arg5[%get3A_485, %get3A_486] {strides = array<i32>} : memref<64x256xf32, #tpu.memory_space<vmem>>, vector<16xf32>,
          %max3A_488 = arith.maximumf %while3A_448, %get3A_487 : vector<16xf32>
          %get3A_489 = arith.index_cast %while3A_440 : i32 to index
          %get3A_490 = arith.constant 128 : index
          %get3A_491 = tpu.vector_load %arg5[%get3A_489, %get3A_490] {strides = array<i32>} : memref<64x256xf32, #tpu.memory_space<vmem>>, vector<16xf32>,
          %max3A_492 = arith.maximumf %while3A_449, %get3A_491 : vector<16xf32>
          %get3A_493 = arith.index_cast %while3A_440 : i32 to index
          %get3A_494 = arith.constant 144 : index
          %get3A_495 = tpu.vector_load %arg5[%get3A_493, %get3A_494] {strides = array<i32>} : memref<64x256xf32, #tpu.memory_space<vmem>>, vector<16xf32>,
          %max3A_496 = arith.maximumf %while3A_450, %get3A_495 : vector<16xf32>
          %get3A_497 = arith.index_cast %while3A_440 : i32 to index
          %get3A_498 = arith.constant 160 : index
          %get3A_499 = tpu.vector_load %arg5[%get3A_497, %get3A_498] {strides = array<i32>} : memref<64x256xf32, #tpu.memory_space<vmem>>, vector<16xf32>,
          %max3A_500 = arith.maximumf %while3A_451, %get3A_499 : vector<16xf32>
          %get3A_501 = arith.index_cast %while3A_440 : i32 to index
          %get3A_502 = arith.constant 176 : index
          %get3A_503 = tpu.vector_load %arg5[%get3A_501, %get3A_502] {strides = array<i32>} : memref<64x256xf32, #tpu.memory_space<vmem>>, vector<16xf32>,
          %max3A_504 = arith.maximumf %while3A_452, %get3A_503 : vector<16xf32>
          %get3A_505 = arith.index_cast %while3A_440 : i32 to index
          %get3A_506 = arith.constant 192 : index
          %get3A_507 = tpu.vector_load %arg5[%get3A_505, %get3A_506] {strides = array<i32>} : memref<64x256xf32, #tpu.memory_space<vmem>>, vector<16xf32>,
          %max3A_508 = arith.maximumf %while3A_453, %get3A_507 : vector<16xf32>
          %get3A_509 = arith.index_cast %while3A_440 : i32 to index
          %get3A_510 = arith.constant 208 : index
          %get3A_511 = tpu.vector_load %arg5[%get3A_509, %get3A_510] {strides = array<i32>} : memref<64x256xf32, #tpu.memory_space<vmem>>, vector<16xf32>,
          %max3A_512 = arith.maximumf %while3A_454, %get3A_511 : vector<16xf32>
          %get3A_513 = arith.index_cast %while3A_440 : i32 to index
          %get3A_514 = arith.constant 224 : index
          %get3A_515 = tpu.vector_load %arg5[%get3A_513, %get3A_514] {strides = array<i32>} : memref<64x256xf32, #tpu.memory_space<vmem>>, vector<16xf32>,
          %max3A_516 = arith.maximumf %while3A_455, %get3A_515 : vector<16xf32>
          %get3A_517 = arith.index_cast %while3A_440 : i32 to index
          %get3A_518 = arith.constant 240 : index
          %get3A_519 = tpu.vector_load %arg5[%get3A_517, %get3A_518] {strides = array<i32>} : memref<64x256xf32, #tpu.memory_space<vmem>>, vector<16xf32>,
          %max3A_520 = arith.maximumf %while3A_456, %get3A_519 : vector<16xf32>
          scf.yield %max3A_460, %max3A_464, %max3A_468, %max3A_472, %max3A_476, %max3A_480, %max3A_484, %max3A_488, %max3A_492, %max3A_496, %max3A_500, %max3A_504, %max3A_508, %max3A_512, %max3A_516, %max3A_520 : vector<16xf32>, vector<16xf32>, vector<16xf32>, vector<16xf32>, vector<16xf32>, vector<16xf32>, vector<16xf32>, vector<16xf32>, vector<16xf32>, vector<16xf32>, vector<16xf32>, vector<16xf32>, vector<16xf32>, vector<16xf32>, vector<16xf32>, vector<16xf32>
        }
        %while3A_414 = arith.constant 1 : i32
        %while3A_415:16 = scf.for %while3A_440 = %while3A_411 to %while3A_407 step %while3A_414 iter_args(%while3A_441 = %while3A_413#0, %while3A_442 = %while3A_413#1, %while3A_443 = %while3A_413#2, %while3A_444 = %while3A_413#3, %while3A_445 = %while3A_413#4, %while3A_446 = %while3A_413#5, %while3A_447 = %while3A_413#6, %while3A_448 = %while3A_413#7, %while3A_449 = %while3A_413#8, %while3A_450 = %while3A_413#9, %while3A_451 = %while3A_413#10, %while3A_452 = %while3A_413#11, %while3A_453 = %while3A_413#12, %while3A_454 = %while3A_413#13, %while3A_455 = %while3A_413#14, %while3A_456 = %while3A_413#15) -> (vector<16xf32>, vector<16xf32>, vector<16xf32>, vector<16xf32>, vector<16xf32>, vector<16xf32>, vector<16xf32>, vector<16xf32>, vector<16xf32>, vector<16xf32>, vector<16xf32>, vector<16xf32>, vector<16xf32>, vector<16xf32>, vector<16xf32>, vector<16xf32>)  : i32 {
          %get3A_457 = arith.index_cast %while3A_440 : i32 to index
          %get3A_458 = arith.constant 0 : index
          %get3A_459 = tpu.vector_load %arg5[%get3A_457, %get3A_458] {strides = array<i32>} : memref<64x256xf32, #tpu.memory_space<vmem>>, vector<16xf32>,
          %max3A_460 = arith.maximumf %while3A_441, %get3A_459 : vector<16xf32>
          %get3A_461 = arith.index_cast %while3A_440 : i32 to index
          %get3A_462 = arith.constant 16 : index
          %get3A_463 = tpu.vector_load %arg5[%get3A_461, %get3A_462] {strides = array<i32>} : memref<64x256xf32, #tpu.memory_space<vmem>>, vector<16xf32>,
          %max3A_464 = arith.maximumf %while3A_442, %get3A_463 : vector<16xf32>
          %get3A_465 = arith.index_cast %while3A_440 : i32 to index
          %get3A_466 = arith.constant 32 : index
          %get3A_467 = tpu.vector_load %arg5[%get3A_465, %get3A_466] {strides = array<i32>} : memref<64x256xf32, #tpu.memory_space<vmem>>, vector<16xf32>,
          %max3A_468 = arith.maximumf %while3A_443, %get3A_467 : vector<16xf32>
          %get3A_469 = arith.index_cast %while3A_440 : i32 to index
          %get3A_470 = arith.constant 48 : index
          %get3A_471 = tpu.vector_load %arg5[%get3A_469, %get3A_470] {strides = array<i32>} : memref<64x256xf32, #tpu.memory_space<vmem>>, vector<16xf32>,
          %max3A_472 = arith.maximumf %while3A_444, %get3A_471 : vector<16xf32>
          %get3A_473 = arith.index_cast %while3A_440 : i32 to index
          %get3A_474 = arith.constant 64 : index
          %get3A_475 = tpu.vector_load %arg5[%get3A_473, %get3A_474] {strides = array<i32>} : memref<64x256xf32, #tpu.memory_space<vmem>>, vector<16xf32>,
          %max3A_476 = arith.maximumf %while3A_445, %get3A_475 : vector<16xf32>
          %get3A_477 = arith.index_cast %while3A_440 : i32 to index
          %get3A_478 = arith.constant 80 : index
          %get3A_479 = tpu.vector_load %arg5[%get3A_477, %get3A_478] {strides = array<i32>} : memref<64x256xf32, #tpu.memory_space<vmem>>, vector<16xf32>,
          %max3A_480 = arith.maximumf %while3A_446, %get3A_479 : vector<16xf32>
          %get3A_481 = arith.index_cast %while3A_440 : i32 to index
          %get3A_482 = arith.constant 96 : index
          %get3A_483 = tpu.vector_load %arg5[%get3A_481, %get3A_482] {strides = array<i32>} : memref<64x256xf32, #tpu.memory_space<vmem>>, vector<16xf32>,
          %max3A_484 = arith.maximumf %while3A_447, %get3A_483 : vector<16xf32>
          %get3A_485 = arith.index_cast %while3A_440 : i32 to index
          %get3A_486 = arith.constant 112 : index
          %get3A_487 = tpu.vector_load %arg5[%get3A_485, %get3A_486] {strides = array<i32>} : memref<64x256xf32, #tpu.memory_space<vmem>>, vector<16xf32>,
          %max3A_488 = arith.maximumf %while3A_448, %get3A_487 : vector<16xf32>
          %get3A_489 = arith.index_cast %while3A_440 : i32 to index
          %get3A_490 = arith.constant 128 : index
          %get3A_491 = tpu.vector_load %arg5[%get3A_489, %get3A_490] {strides = array<i32>} : memref<64x256xf32, #tpu.memory_space<vmem>>, vector<16xf32>,
          %max3A_492 = arith.maximumf %while3A_449, %get3A_491 : vector<16xf32>
          %get3A_493 = arith.index_cast %while3A_440 : i32 to index
          %get3A_494 = arith.constant 144 : index
          %get3A_495 = tpu.vector_load %arg5[%get3A_493, %get3A_494] {strides = array<i32>} : memref<64x256xf32, #tpu.memory_space<vmem>>, vector<16xf32>,
          %max3A_496 = arith.maximumf %while3A_450, %get3A_495 : vector<16xf32>
          %get3A_497 = arith.index_cast %while3A_440 : i32 to index
          %get3A_498 = arith.constant 160 : index
          %get3A_499 = tpu.vector_load %arg5[%get3A_497, %get3A_498] {strides = array<i32>} : memref<64x256xf32, #tpu.memory_space<vmem>>, vector<16xf32>,
          %max3A_500 = arith.maximumf %while3A_451, %get3A_499 : vector<16xf32>
          %get3A_501 = arith.index_cast %while3A_440 : i32 to index
          %get3A_502 = arith.constant 176 : index
          %get3A_503 = tpu.vector_load %arg5[%get3A_501, %get3A_502] {strides = array<i32>} : memref<64x256xf32, #tpu.memory_space<vmem>>, vector<16xf32>,
          %max3A_504 = arith.maximumf %while3A_452, %get3A_503 : vector<16xf32>
          %get3A_505 = arith.index_cast %while3A_440 : i32 to index
          %get3A_506 = arith.constant 192 : index
          %get3A_507 = tpu.vector_load %arg5[%get3A_505, %get3A_506] {strides = array<i32>} : memref<64x256xf32, #tpu.memory_space<vmem>>, vector<16xf32>,
          %max3A_508 = arith.maximumf %while3A_453, %get3A_507 : vector<16xf32>
          %get3A_509 = arith.index_cast %while3A_440 : i32 to index
          %get3A_510 = arith.constant 208 : index
          %get3A_511 = tpu.vector_load %arg5[%get3A_509, %get3A_510] {strides = array<i32>} : memref<64x256xf32, #tpu.memory_space<vmem>>, vector<16xf32>,
          %max3A_512 = arith.maximumf %while3A_454, %get3A_511 : vector<16xf32>
          %get3A_513 = arith.index_cast %while3A_440 : i32 to index
          %get3A_514 = arith.constant 224 : index
          %get3A_515 = tpu.vector_load %arg5[%get3A_513, %get3A_514] {strides = array<i32>} : memref<64x256xf32, #tpu.memory_space<vmem>>, vector<16xf32>,
          %max3A_516 = arith.maximumf %while3A_455, %get3A_515 : vector<16xf32>
          %get3A_517 = arith.index_cast %while3A_440 : i32 to index
          %get3A_518 = arith.constant 240 : index
          %get3A_519 = tpu.vector_load %arg5[%get3A_517, %get3A_518] {strides = array<i32>} : memref<64x256xf32, #tpu.memory_space<vmem>>, vector<16xf32>,
          %max3A_520 = arith.maximumf %while3A_456, %get3A_519 : vector<16xf32>
          scf.yield %max3A_460, %max3A_464, %max3A_468, %max3A_472, %max3A_476, %max3A_480, %max3A_484, %max3A_488, %max3A_492, %max3A_496, %max3A_500, %max3A_504, %max3A_508, %max3A_512, %max3A_516, %max3A_520 : vector<16xf32>, vector<16xf32>, vector<16xf32>, vector<16xf32>, vector<16xf32>, vector<16xf32>, vector<16xf32>, vector<16xf32>, vector<16xf32>, vector<16xf32>, vector<16xf32>, vector<16xf32>, vector<16xf32>, vector<16xf32>, vector<16xf32>, vector<16xf32>
        }
        %lt3A_416 = arith.constant 64 : i32
        %lt3A_417 = arith.cmpi slt, %min3A_405, %lt3A_416 : i32
        %convert_element_type3A_418 = arith.extui %lt3A_417 : i1 to i32
        %cond3A_419 = arith.constant 0 : i32
        %cond3A_420 = arith.cmpi ne, %convert_element_type3A_418, %cond3A_419 : i32
        scf.if %cond3A_420 {
          %sub3A_440 = arith.subi %while3A_324, %mul3A_2 : i32
          %swap3A = arith.index_cast %sub3A_440 : i32 to index
          %swap3A_441 = arith.constant 0 : index
          %swap3A_442 = tpu.vector_load %arg7[%swap3A, %swap3A_441] {strides = array<i32>} : memref<4x256xf32, #tpu.memory_space<vmem>>, vector<16xf32>,
          tpu.vector_store %arg7[%swap3A, %swap3A_441], %while3A_415#0 {strides = array<i32>} : memref<4x256xf32, #tpu.memory_space<vmem>>, vector<16xf32>,
          %swap3A_443 = arith.index_cast %sub3A_440 : i32 to index
          %swap3A_444 = arith.constant 16 : index
          %swap3A_445 = tpu.vector_load %arg7[%swap3A_443, %swap3A_444] {strides = array<i32>} : memref<4x256xf32, #tpu.memory_space<vmem>>, vector<16xf32>,
          tpu.vector_store %arg7[%swap3A_443, %swap3A_444], %while3A_415#1 {strides = array<i32>} : memref<4x256xf32, #tpu.memory_space<vmem>>, vector<16xf32>,
          %swap3A_446 = arith.index_cast %sub3A_440 : i32 to index
          %swap3A_447 = arith.constant 32 : index
          %swap3A_448 = tpu.vector_load %arg7[%swap3A_446, %swap3A_447] {strides = array<i32>} : memref<4x256xf32, #tpu.memory_space<vmem>>, vector<16xf32>,
          tpu.vector_store %arg7[%swap3A_446, %swap3A_447], %while3A_415#2 {strides = array<i32>} : memref<4x256xf32, #tpu.memory_space<vmem>>, vector<16xf32>,
          %swap3A_449 = arith.index_cast %sub3A_440 : i32 to index
          %swap3A_450 = arith.constant 48 : index
          %swap3A_451 = tpu.vector_load %arg7[%swap3A_449, %swap3A_450] {strides = array<i32>} : memref<4x256xf32, #tpu.memory_space<vmem>>, vector<16xf32>,
          tpu.vector_store %arg7[%swap3A_449, %swap3A_450], %while3A_415#3 {strides = array<i32>} : memref<4x256xf32, #tpu.memory_space<vmem>>, vector<16xf32>,
          %swap3A_452 = arith.index_cast %sub3A_440 : i32 to index
          %swap3A_453 = arith.constant 64 : index
          %swap3A_454 = tpu.vector_load %arg7[%swap3A_452, %swap3A_453] {strides = array<i32>} : memref<4x256xf32, #tpu.memory_space<vmem>>, vector<16xf32>,
          tpu.vector_store %arg7[%swap3A_452, %swap3A_453], %while3A_415#4 {strides = array<i32>} : memref<4x256xf32, #tpu.memory_space<vmem>>, vector<16xf32>,
          %swap3A_455 = arith.index_cast %sub3A_440 : i32 to index
          %swap3A_456 = arith.constant 80 : index
          %swap3A_457 = tpu.vector_load %arg7[%swap3A_455, %swap3A_456] {strides = array<i32>} : memref<4x256xf32, #tpu.memory_space<vmem>>, vector<16xf32>,
          tpu.vector_store %arg7[%swap3A_455, %swap3A_456], %while3A_415#5 {strides = array<i32>} : memref<4x256xf32, #tpu.memory_space<vmem>>, vector<16xf32>,
          %swap3A_458 = arith.index_cast %sub3A_440 : i32 to index
          %swap3A_459 = arith.constant 96 : index
          %swap3A_460 = tpu.vector_load %arg7[%swap3A_458, %swap3A_459] {strides = array<i32>} : memref<4x256xf32, #tpu.memory_space<vmem>>, vector<16xf32>,
          tpu.vector_store %arg7[%swap3A_458, %swap3A_459], %while3A_415#6 {strides = array<i32>} : memref<4x256xf32, #tpu.memory_space<vmem>>, vector<16xf32>,
          %swap3A_461 = arith.index_cast %sub3A_440 : i32 to index
          %swap3A_462 = arith.constant 112 : index
          %swap3A_463 = tpu.vector_load %arg7[%swap3A_461, %swap3A_462] {strides = array<i32>} : memref<4x256xf32, #tpu.memory_space<vmem>>, vector<16xf32>,
          tpu.vector_store %arg7[%swap3A_461, %swap3A_462], %while3A_415#7 {strides = array<i32>} : memref<4x256xf32, #tpu.memory_space<vmem>>, vector<16xf32>,
          %swap3A_464 = arith.index_cast %sub3A_440 : i32 to index
          %swap3A_465 = arith.constant 128 : index
          %swap3A_466 = tpu.vector_load %arg7[%swap3A_464, %swap3A_465] {strides = array<i32>} : memref<4x256xf32, #tpu.memory_space<vmem>>, vector<16xf32>,
          tpu.vector_store %arg7[%swap3A_464, %swap3A_465], %while3A_415#8 {strides = array<i32>} : memref<4x256xf32, #tpu.memory_space<vmem>>, vector<16xf32>,
          %swap3A_467 = arith.index_cast %sub3A_440 : i32 to index
          %swap3A_468 = arith.constant 144 : index
          %swap3A_469 = tpu.vector_load %arg7[%swap3A_467, %swap3A_468] {strides = array<i32>} : memref<4x256xf32, #tpu.memory_space<vmem>>, vector<16xf32>,
          tpu.vector_store %arg7[%swap3A_467, %swap3A_468], %while3A_415#9 {strides = array<i32>} : memref<4x256xf32, #tpu.memory_space<vmem>>, vector<16xf32>,
          %swap3A_470 = arith.index_cast %sub3A_440 : i32 to index
          %swap3A_471 = arith.constant 160 : index
          %swap3A_472 = tpu.vector_load %arg7[%swap3A_470, %swap3A_471] {strides = array<i32>} : memref<4x256xf32, #tpu.memory_space<vmem>>, vector<16xf32>,
          tpu.vector_store %arg7[%swap3A_470, %swap3A_471], %while3A_415#10 {strides = array<i32>} : memref<4x256xf32, #tpu.memory_space<vmem>>, vector<16xf32>,
          %swap3A_473 = arith.index_cast %sub3A_440 : i32 to index
          %swap3A_474 = arith.constant 176 : index
          %swap3A_475 = tpu.vector_load %arg7[%swap3A_473, %swap3A_474] {strides = array<i32>} : memref<4x256xf32, #tpu.memory_space<vmem>>, vector<16xf32>,
          tpu.vector_store %arg7[%swap3A_473, %swap3A_474], %while3A_415#11 {strides = array<i32>} : memref<4x256xf32, #tpu.memory_space<vmem>>, vector<16xf32>,
          %swap3A_476 = arith.index_cast %sub3A_440 : i32 to index
          %swap3A_477 = arith.constant 192 : index
          %swap3A_478 = tpu.vector_load %arg7[%swap3A_476, %swap3A_477] {strides = array<i32>} : memref<4x256xf32, #tpu.memory_space<vmem>>, vector<16xf32>,
          tpu.vector_store %arg7[%swap3A_476, %swap3A_477], %while3A_415#12 {strides = array<i32>} : memref<4x256xf32, #tpu.memory_space<vmem>>, vector<16xf32>,
          %swap3A_479 = arith.index_cast %sub3A_440 : i32 to index
          %swap3A_480 = arith.constant 208 : index
          %swap3A_481 = tpu.vector_load %arg7[%swap3A_479, %swap3A_480] {strides = array<i32>} : memref<4x256xf32, #tpu.memory_space<vmem>>, vector<16xf32>,
          tpu.vector_store %arg7[%swap3A_479, %swap3A_480], %while3A_415#13 {strides = array<i32>} : memref<4x256xf32, #tpu.memory_space<vmem>>, vector<16xf32>,
          %swap3A_482 = arith.index_cast %sub3A_440 : i32 to index
          %swap3A_483 = arith.constant 224 : index
          %swap3A_484 = tpu.vector_load %arg7[%swap3A_482, %swap3A_483] {strides = array<i32>} : memref<4x256xf32, #tpu.memory_space<vmem>>, vector<16xf32>,
          tpu.vector_store %arg7[%swap3A_482, %swap3A_483], %while3A_415#14 {strides = array<i32>} : memref<4x256xf32, #tpu.memory_space<vmem>>, vector<16xf32>,
          %swap3A_485 = arith.index_cast %sub3A_440 : i32 to index
          %swap3A_486 = arith.constant 240 : index
          %swap3A_487 = tpu.vector_load %arg7[%swap3A_485, %swap3A_486] {strides = array<i32>} : memref<4x256xf32, #tpu.memory_space<vmem>>, vector<16xf32>,
          tpu.vector_store %arg7[%swap3A_485, %swap3A_486], %while3A_415#15 {strides = array<i32>} : memref<4x256xf32, #tpu.memory_space<vmem>>, vector<16xf32>,
        } else {
        }
        %select_n3A_421 = arith.select %lt3A_417, %broadcast_in_dim3A_23, %while3A_415#0 : vector<16xf32>
        %select_n3A_422 = arith.select %lt3A_417, %broadcast_in_dim3A_23, %while3A_415#1 : vector<16xf32>
        %select_n3A_423 = arith.select %lt3A_417, %broadcast_in_dim3A_23, %while3A_415#2 : vector<16xf32>
        %select_n3A_424 = arith.select %lt3A_417, %broadcast_in_dim3A_23, %while3A_415#3 : vector<16xf32>
        %select_n3A_425 = arith.select %lt3A_417, %broadcast_in_dim3A_23, %while3A_415#4 : vector<16xf32>
        %select_n3A_426 = arith.select %lt3A_417, %broadcast_in_dim3A_23, %while3A_415#5 : vector<16xf32>
        %select_n3A_427 = arith.select %lt3A_417, %broadcast_in_dim3A_23, %while3A_415#6 : vector<16xf32>
        %select_n3A_428 = arith.select %lt3A_417, %broadcast_in_dim3A_23, %while3A_415#7 : vector<16xf32>
        %select_n3A_429 = arith.select %lt3A_417, %broadcast_in_dim3A_23, %while3A_415#8 : vector<16xf32>
        %select_n3A_430 = arith.select %lt3A_417, %broadcast_in_dim3A_23, %while3A_415#9 : vector<16xf32>
        %select_n3A_431 = arith.select %lt3A_417, %broadcast_in_dim3A_23, %while3A_415#10 : vector<16xf32>
        %select_n3A_432 = arith.select %lt3A_417, %broadcast_in_dim3A_23, %while3A_415#11 : vector<16xf32>
        %select_n3A_433 = arith.select %lt3A_417, %broadcast_in_dim3A_23, %while3A_415#12 : vector<16xf32>
        %select_n3A_434 = arith.select %lt3A_417, %broadcast_in_dim3A_23, %while3A_415#13 : vector<16xf32>
        %select_n3A_435 = arith.select %lt3A_417, %broadcast_in_dim3A_23, %while3A_415#14 : vector<16xf32>
        %select_n3A_436 = arith.select %lt3A_417, %broadcast_in_dim3A_23, %while3A_415#15 : vector<16xf32>
        %add3A_437 = arith.constant 1 : i32
        %add3A_438 = arith.addi %while3A_324, %add3A_437 : i32
        %select_n3A_439 = arith.select %lt3A_417, %add3A_438, %while3A_324 : i32
        scf.yield %select_n3A_439, %min3A_405, %select_n3A_421, %select_n3A_422, %select_n3A_423, %select_n3A_424, %select_n3A_425, %select_n3A_426, %select_n3A_427, %select_n3A_428, %select_n3A_429, %select_n3A_430, %select_n3A_431, %select_n3A_432, %select_n3A_433, %select_n3A_434, %select_n3A_435, %select_n3A_436 : i32, i32, vector<16xf32>, vector<16xf32>, vector<16xf32>, vector<16xf32>, vector<16xf32>, vector<16xf32>, vector<16xf32>, vector<16xf32>, vector<16xf32>, vector<16xf32>, vector<16xf32>, vector<16xf32>, vector<16xf32>, vector<16xf32>, vector<16xf32>, vector<16xf32>
      }
      scf.yield %while3A_323#0, %while3A_323#2, %while3A_323#3, %while3A_323#4, %while3A_323#5, %while3A_323#6, %while3A_323#7, %while3A_323#8, %while3A_323#9, %while3A_323#10, %while3A_323#11, %while3A_323#12, %while3A_323#13, %while3A_323#14, %while3A_323#15, %while3A_323#16, %while3A_323#17 : i32, vector<16xf32>, vector<16xf32>, vector<16xf32>, vector<16xf32>, vector<16xf32>, vector<16xf32>, vector<16xf32>, vector<16xf32>, vector<16xf32>, vector<16xf32>, vector<16xf32>, vector<16xf32>, vector<16xf32>, vector<16xf32>, vector<16xf32>, vector<16xf32>
    }
    %add3A_208 = arith.constant 4 : i32
    %add3A_209 = arith.addi %mul3A_2, %add3A_208 : i32
    %lt3A_210 = arith.cmpi slt, %while3A_207#0, %add3A_209 : i32
    %convert_element_type3A = arith.extui %lt3A_210 : i1 to i32
    %cond3A = arith.constant 0 : i32
    %cond3A_211 = arith.cmpi ne, %convert_element_type3A, %cond3A : i32
    scf.if %cond3A_211 {
      %sub3A_212 = arith.subi %while3A_207#0, %mul3A_2 : i32
      %swap3A = arith.index_cast %sub3A_212 : i32 to index
      %swap3A_213 = arith.constant 0 : index
      %swap3A_214 = tpu.vector_load %arg7[%swap3A, %swap3A_213] {strides = array<i32>} : memref<4x256xf32, #tpu.memory_space<vmem>>, vector<16xf32>,
      tpu.vector_store %arg7[%swap3A, %swap3A_213], %while3A_207#1 {strides = array<i32>} : memref<4x256xf32, #tpu.memory_space<vmem>>, vector<16xf32>,
      %swap3A_215 = arith.index_cast %sub3A_212 : i32 to index
      %swap3A_216 = arith.constant 16 : index
      %swap3A_217 = tpu.vector_load %arg7[%swap3A_215, %swap3A_216] {strides = array<i32>} : memref<4x256xf32, #tpu.memory_space<vmem>>, vector<16xf32>,
      tpu.vector_store %arg7[%swap3A_215, %swap3A_216], %while3A_207#2 {strides = array<i32>} : memref<4x256xf32, #tpu.memory_space<vmem>>, vector<16xf32>,
      %swap3A_218 = arith.index_cast %sub3A_212 : i32 to index
      %swap3A_219 = arith.constant 32 : index
      %swap3A_220 = tpu.vector_load %arg7[%swap3A_218, %swap3A_219] {strides = array<i32>} : memref<4x256xf32, #tpu.memory_space<vmem>>, vector<16xf32>,
      tpu.vector_store %arg7[%swap3A_218, %swap3A_219], %while3A_207#3 {strides = array<i32>} : memref<4x256xf32, #tpu.memory_space<vmem>>, vector<16xf32>,
      %swap3A_221 = arith.index_cast %sub3A_212 : i32 to index
      %swap3A_222 = arith.constant 48 : index
      %swap3A_223 = tpu.vector_load %arg7[%swap3A_221, %swap3A_222] {strides = array<i32>} : memref<4x256xf32, #tpu.memory_space<vmem>>, vector<16xf32>,
      tpu.vector_store %arg7[%swap3A_221, %swap3A_222], %while3A_207#4 {strides = array<i32>} : memref<4x256xf32, #tpu.memory_space<vmem>>, vector<16xf32>,
      %swap3A_224 = arith.index_cast %sub3A_212 : i32 to index
      %swap3A_225 = arith.constant 64 : index
      %swap3A_226 = tpu.vector_load %arg7[%swap3A_224, %swap3A_225] {strides = array<i32>} : memref<4x256xf32, #tpu.memory_space<vmem>>, vector<16xf32>,
      tpu.vector_store %arg7[%swap3A_224, %swap3A_225], %while3A_207#5 {strides = array<i32>} : memref<4x256xf32, #tpu.memory_space<vmem>>, vector<16xf32>,
      %swap3A_227 = arith.index_cast %sub3A_212 : i32 to index
      %swap3A_228 = arith.constant 80 : index
      %swap3A_229 = tpu.vector_load %arg7[%swap3A_227, %swap3A_228] {strides = array<i32>} : memref<4x256xf32, #tpu.memory_space<vmem>>, vector<16xf32>,
      tpu.vector_store %arg7[%swap3A_227, %swap3A_228], %while3A_207#6 {strides = array<i32>} : memref<4x256xf32, #tpu.memory_space<vmem>>, vector<16xf32>,
      %swap3A_230 = arith.index_cast %sub3A_212 : i32 to index
      %swap3A_231 = arith.constant 96 : index
      %swap3A_232 = tpu.vector_load %arg7[%swap3A_230, %swap3A_231] {strides = array<i32>} : memref<4x256xf32, #tpu.memory_space<vmem>>, vector<16xf32>,
      tpu.vector_store %arg7[%swap3A_230, %swap3A_231], %while3A_207#7 {strides = array<i32>} : memref<4x256xf32, #tpu.memory_space<vmem>>, vector<16xf32>,
      %swap3A_233 = arith.index_cast %sub3A_212 : i32 to index
      %swap3A_234 = arith.constant 112 : index
      %swap3A_235 = tpu.vector_load %arg7[%swap3A_233, %swap3A_234] {strides = array<i32>} : memref<4x256xf32, #tpu.memory_space<vmem>>, vector<16xf32>,
      tpu.vector_store %arg7[%swap3A_233, %swap3A_234], %while3A_207#8 {strides = array<i32>} : memref<4x256xf32, #tpu.memory_space<vmem>>, vector<16xf32>,
      %swap3A_236 = arith.index_cast %sub3A_212 : i32 to index
      %swap3A_237 = arith.constant 128 : index
      %swap3A_238 = tpu.vector_load %arg7[%swap3A_236, %swap3A_237] {strides = array<i32>} : memref<4x256xf32, #tpu.memory_space<vmem>>, vector<16xf32>,
      tpu.vector_store %arg7[%swap3A_236, %swap3A_237], %while3A_207#9 {strides = array<i32>} : memref<4x256xf32, #tpu.memory_space<vmem>>, vector<16xf32>,
      %swap3A_239 = arith.index_cast %sub3A_212 : i32 to index
      %swap3A_240 = arith.constant 144 : index
      %swap3A_241 = tpu.vector_load %arg7[%swap3A_239, %swap3A_240] {strides = array<i32>} : memref<4x256xf32, #tpu.memory_space<vmem>>, vector<16xf32>,
      tpu.vector_store %arg7[%swap3A_239, %swap3A_240], %while3A_207#10 {strides = array<i32>} : memref<4x256xf32, #tpu.memory_space<vmem>>, vector<16xf32>,
      %swap3A_242 = arith.index_cast %sub3A_212 : i32 to index
      %swap3A_243 = arith.constant 160 : index
      %swap3A_244 = tpu.vector_load %arg7[%swap3A_242, %swap3A_243] {strides = array<i32>} : memref<4x256xf32, #tpu.memory_space<vmem>>, vector<16xf32>,
      tpu.vector_store %arg7[%swap3A_242, %swap3A_243], %while3A_207#11 {strides = array<i32>} : memref<4x256xf32, #tpu.memory_space<vmem>>, vector<16xf32>,
      %swap3A_245 = arith.index_cast %sub3A_212 : i32 to index
      %swap3A_246 = arith.constant 176 : index
      %swap3A_247 = tpu.vector_load %arg7[%swap3A_245, %swap3A_246] {strides = array<i32>} : memref<4x256xf32, #tpu.memory_space<vmem>>, vector<16xf32>,
      tpu.vector_store %arg7[%swap3A_245, %swap3A_246], %while3A_207#12 {strides = array<i32>} : memref<4x256xf32, #tpu.memory_space<vmem>>, vector<16xf32>,
      %swap3A_248 = arith.index_cast %sub3A_212 : i32 to index
      %swap3A_249 = arith.constant 192 : index
      %swap3A_250 = tpu.vector_load %arg7[%swap3A_248, %swap3A_249] {strides = array<i32>} : memref<4x256xf32, #tpu.memory_space<vmem>>, vector<16xf32>,
      tpu.vector_store %arg7[%swap3A_248, %swap3A_249], %while3A_207#13 {strides = array<i32>} : memref<4x256xf32, #tpu.memory_space<vmem>>, vector<16xf32>,
      %swap3A_251 = arith.index_cast %sub3A_212 : i32 to index
      %swap3A_252 = arith.constant 208 : index
      %swap3A_253 = tpu.vector_load %arg7[%swap3A_251, %swap3A_252] {strides = array<i32>} : memref<4x256xf32, #tpu.memory_space<vmem>>, vector<16xf32>,
      tpu.vector_store %arg7[%swap3A_251, %swap3A_252], %while3A_207#14 {strides = array<i32>} : memref<4x256xf32, #tpu.memory_space<vmem>>, vector<16xf32>,
      %swap3A_254 = arith.index_cast %sub3A_212 : i32 to index
      %swap3A_255 = arith.constant 224 : index
      %swap3A_256 = tpu.vector_load %arg7[%swap3A_254, %swap3A_255] {strides = array<i32>} : memref<4x256xf32, #tpu.memory_space<vmem>>, vector<16xf32>,
      tpu.vector_store %arg7[%swap3A_254, %swap3A_255], %while3A_207#15 {strides = array<i32>} : memref<4x256xf32, #tpu.memory_space<vmem>>, vector<16xf32>,
      %swap3A_257 = arith.index_cast %sub3A_212 : i32 to index
      %swap3A_258 = arith.constant 240 : index
      %swap3A_259 = tpu.vector_load %arg7[%swap3A_257, %swap3A_258] {strides = array<i32>} : memref<4x256xf32, #tpu.memory_space<vmem>>, vector<16xf32>,
      tpu.vector_store %arg7[%swap3A_257, %swap3A_258], %while3A_207#16 {strides = array<i32>} : memref<4x256xf32, #tpu.memory_space<vmem>>, vector<16xf32>,
    } else {
    }
    "tpu.region"() ({
      %run_scoped3A = tpu.sem_alloc : memref<!tpu.dma_semaphore, #tpu.memory_space<semaphore_mem>>
      %dma_start3A = arith.constant 0 : i32
      %dma_start3A_212 = tpu.memref_slice %arg4[%mul3A_2, %dma_start3A] : memref<128x256xf32, #tpu.memory_space<hbm>> -> memref<4x256xf32, #tpu.memory_space<hbm>>
      %dma_start3A_213 = arith.constant 0 : i32
      %dma_start3A_214 = tpu.memref_slice %arg4[%mul3A_2, %dma_start3A_213] : memref<128x256xf32, #tpu.memory_space<hbm>> -> memref<4x256xf32, #tpu.memory_space<hbm>>
      tpu.enqueue_dma source(%arg7 : memref<4x256xf32, #tpu.memory_space<vmem>>) target(%dma_start3A_214 : memref<4x256xf32, #tpu.memory_space<hbm>>) target_semaphore(%run_scoped3A : memref<!tpu.dma_semaphore, #tpu.memory_space<semaphore_mem>>)
      %dma_wait3A = arith.constant 0 : i32
      %dma_wait3A_215 = tpu.memref_slice %arg4[%mul3A_2, %dma_wait3A] : memref<128x256xf32, #tpu.memory_space<hbm>> -> memref<4x256xf32, #tpu.memory_space<hbm>>
      %dma_wait3A_216 = arith.constant 0 : i32
      %dma_wait3A_217 = tpu.memref_slice %arg4[%mul3A_2, %dma_wait3A_216] : memref<128x256xf32, #tpu.memory_space<hbm>> -> memref<4x256xf32, #tpu.memory_space<hbm>>
      tpu.wait_dma2 semaphore(%run_scoped3A : memref<!tpu.dma_semaphore, #tpu.memory_space<semaphore_mem>>) src(%arg7 : memref<4x256xf32, #tpu.memory_space<vmem>>) dst(%dma_wait3A_217 : memref<4x256xf32, #tpu.memory_space<hbm>>)
      tpu.yield
    }) : () -> ()
    return
  }
}

module attributes {stable_mosaic.version = 14 : i64} {
  func.func @_heads_tc(%arg0: i32, %arg1: memref<1024x256xf32, #tpu.memory_space<vmem>>, %arg2: memref<128x256xf32, #tpu.memory_space<vmem>>, %arg3: memref<1024x3xf32, #tpu.memory_space<vmem>>, %arg4: memref<1024x1xf32, #tpu.memory_space<vmem>>, %arg5: memref<1024x1xf32, #tpu.memory_space<vmem>>, %arg6: memref<2x2xf32, #tpu.memory_space<vmem>>, %arg7: memref<256x3xf32, #tpu.memory_space<vmem>>, %arg8: memref<1x3xf32, #tpu.memory_space<vmem>>, %arg9: memref<256x3xf32, #tpu.memory_space<vmem>>, %arg10: memref<1x3xf32, #tpu.memory_space<vmem>>, %arg11: memref<256x2xf32, #tpu.memory_space<vmem>>, %arg12: memref<1x2xf32, #tpu.memory_space<vmem>>, %arg13: memref<256x8xf32, #tpu.memory_space<vmem>>, %arg14: memref<1x8xf32, #tpu.memory_space<vmem>>, %arg15: memref<256x24xf32, #tpu.memory_space<vmem>>, %arg16: memref<1x24xf32, #tpu.memory_space<vmem>>, %arg17: memref<1024x3xf32, #tpu.memory_space<vmem>>, %arg18: memref<1024x3xf32, #tpu.memory_space<vmem>>, %arg19: memref<1024x2xf32, #tpu.memory_space<vmem>>, %arg20: memref<128x24xf32, #tpu.memory_space<vmem>>, %arg21: memref<128x8xf32, #tpu.memory_space<vmem>>) attributes {dimension_semantics = [#tpu.dimension_semantics<arbitrary>], iteration_bounds = array<i64: 10>, scalar_prefetch = 0 : i64, scratch_operands = 0 : i64, tpu.core_type = #tpu.core_type<tc>, window_params = [{transform_indices = @transform_0, window_bounds = array<i64: 1024, 256>}, {pipeline_mode = #tpu.pipeline_mode<synchronous>, transform_indices = @transform_1, window_bounds = array<i64: 128, 256>}, {transform_indices = @transform_2, window_bounds = array<i64: 1024, 3>}, {transform_indices = @transform_3, window_bounds = array<i64: 1024, 1>}, {transform_indices = @transform_4, window_bounds = array<i64: 1024, 1>}, {pipeline_mode = #tpu.pipeline_mode<synchronous>, transform_indices = @transform_5, window_bounds = array<i64: 2, 2>}, {pipeline_mode = #tpu.pipeline_mode<synchronous>, transform_indices = @transform_6, window_bounds = array<i64: 256, 3>}, {pipeline_mode = #tpu.pipeline_mode<synchronous>, transform_indices = @transform_7, window_bounds = array<i64: 1, 3>}, {pipeline_mode = #tpu.pipeline_mode<synchronous>, transform_indices = @transform_8, window_bounds = array<i64: 256, 3>}, {pipeline_mode = #tpu.pipeline_mode<synchronous>, transform_indices = @transform_9, window_bounds = array<i64: 1, 3>}, {pipeline_mode = #tpu.pipeline_mode<synchronous>, transform_indices = @transform_10, window_bounds = array<i64: 256, 2>}, {pipeline_mode = #tpu.pipeline_mode<synchronous>, transform_indices = @transform_11, window_bounds = array<i64: 1, 2>}, {pipeline_mode = #tpu.pipeline_mode<synchronous>, transform_indices = @transform_12, window_bounds = array<i64: 256, 8>}, {pipeline_mode = #tpu.pipeline_mode<synchronous>, transform_indices = @transform_13, window_bounds = array<i64: 1, 8>}, {pipeline_mode = #tpu.pipeline_mode<synchronous>, transform_indices = @transform_14, window_bounds = array<i64: 256, 24>}, {pipeline_mode = #tpu.pipeline_mode<synchronous>, transform_indices = @transform_15, window_bounds = array<i64: 1, 24>}, {transform_indices = @transform_16, window_bounds = array<i64: 1024, 3>}, {transform_indices = @transform_17, window_bounds = array<i64: 1024, 3>}, {transform_indices = @transform_18, window_bounds = array<i64: 1024, 2>}, {pipeline_mode = #tpu.pipeline_mode<synchronous>, transform_indices = @transform_19, window_bounds = array<i64: 128, 24>}, {pipeline_mode = #tpu.pipeline_mode<synchronous>, transform_indices = @transform_20, window_bounds = array<i64: 128, 8>}]} {
    %get3A = arith.constant 0 : index
    %get3A_0 = arith.constant 0 : index
    %get3A_1 = vector.load %arg1[%get3A, %get3A_0] : memref<1024x256xf32, #tpu.memory_space<vmem>>, vector<1024x256xf32>
    %get3A_2 = arith.constant 0 : index
    %get3A_3 = arith.constant 0 : index
    %get3A_4 = vector.load %arg7[%get3A_2, %get3A_3] : memref<256x3xf32, #tpu.memory_space<vmem>>, vector<256x3xf32>
    %dot_general3A = arith.constant dense<0.000000e+00> : vector<1024x3xf32>
    %dot_general3A_5 = tpu.matmul %get3A_1, %get3A_4, %dot_general3A {dimension_numbers = #tpu.dot_dimension_numbers<[1], [0], [0], [1], [0, 0, 1, 1], [], []>, precision = #tpu.contract_precision<fp32>, transpose_lhs_hint = false} : vector<1024x256xf32>, vector<256x3xf32>, vector<1024x3xf32> -> vector<1024x3xf32>
    %get3A_6 = arith.constant 0 : index
    %get3A_7 = arith.constant 0 : index
    %get3A_8 = vector.load %arg8[%get3A_6, %get3A_7] : memref<1x3xf32, #tpu.memory_space<vmem>>, vector<1x3xf32>
    %add3A = vector.broadcast %get3A_8 : vector<1x3xf32> to vector<1024x3xf32>
    %add3A_9 = arith.addf %dot_general3A_5, %add3A : vector<1024x3xf32>
    %get3A_10 = arith.constant 0 : index
    %get3A_11 = arith.constant 0 : index
    %get3A_12 = vector.load %arg3[%get3A_10, %get3A_11] : memref<1024x3xf32, #tpu.memory_space<vmem>>, vector<1024x3xf32>
    %add3A_13 = arith.addf %add3A_9, %get3A_12 : vector<1024x3xf32>
    %swap3A = arith.constant 0 : index
    %swap3A_14 = arith.constant 0 : index
    %swap3A_15 = vector.load %arg17[%swap3A, %swap3A_14] : memref<1024x3xf32, #tpu.memory_space<vmem>>, vector<1024x3xf32>
    tpu.vector_store %arg17[%swap3A, %swap3A_14], %add3A_13 {strides = array<i32>} : memref<1024x3xf32, #tpu.memory_space<vmem>>, vector<1024x3xf32>,
    %get3A_16 = arith.constant 0 : index
    %get3A_17 = arith.constant 0 : index
    %get3A_18 = vector.load %arg9[%get3A_16, %get3A_17] : memref<256x3xf32, #tpu.memory_space<vmem>>, vector<256x3xf32>
    %dot_general3A_19 = arith.constant dense<0.000000e+00> : vector<1024x3xf32>
    %dot_general3A_20 = tpu.matmul %get3A_1, %get3A_18, %dot_general3A_19 {dimension_numbers = #tpu.dot_dimension_numbers<[1], [0], [0], [1], [0, 0, 1, 1], [], []>, precision = #tpu.contract_precision<fp32>, transpose_lhs_hint = false} : vector<1024x256xf32>, vector<256x3xf32>, vector<1024x3xf32> -> vector<1024x3xf32>
    %get3A_21 = arith.constant 0 : index
    %get3A_22 = arith.constant 0 : index
    %get3A_23 = vector.load %arg10[%get3A_21, %get3A_22] : memref<1x3xf32, #tpu.memory_space<vmem>>, vector<1x3xf32>
    %add3A_24 = vector.broadcast %get3A_23 : vector<1x3xf32> to vector<1024x3xf32>
    %add3A_25 = arith.addf %dot_general3A_20, %add3A_24 : vector<1024x3xf32>
    %swap3A_26 = arith.constant 0 : index
    %swap3A_27 = arith.constant 0 : index
    %swap3A_28 = vector.load %arg18[%swap3A_26, %swap3A_27] : memref<1024x3xf32, #tpu.memory_space<vmem>>, vector<1024x3xf32>
    tpu.vector_store %arg18[%swap3A_26, %swap3A_27], %add3A_25 {strides = array<i32>} : memref<1024x3xf32, #tpu.memory_space<vmem>>, vector<1024x3xf32>,
    %get3A_29 = arith.constant 0 : index
    %get3A_30 = arith.constant 0 : index
    %get3A_31 = vector.load %arg11[%get3A_29, %get3A_30] : memref<256x2xf32, #tpu.memory_space<vmem>>, vector<256x2xf32>
    %dot_general3A_32 = arith.constant dense<0.000000e+00> : vector<1024x2xf32>
    %dot_general3A_33 = tpu.matmul %get3A_1, %get3A_31, %dot_general3A_32 {dimension_numbers = #tpu.dot_dimension_numbers<[1], [0], [0], [1], [0, 0, 1, 1], [], []>, precision = #tpu.contract_precision<fp32>, transpose_lhs_hint = false} : vector<1024x256xf32>, vector<256x2xf32>, vector<1024x2xf32> -> vector<1024x2xf32>
    %get3A_34 = arith.constant 0 : index
    %get3A_35 = arith.constant 0 : index
    %get3A_36 = vector.load %arg12[%get3A_34, %get3A_35] : memref<1x2xf32, #tpu.memory_space<vmem>>, vector<1x2xf32>
    %add3A_37 = vector.broadcast %get3A_36 : vector<1x2xf32> to vector<1024x2xf32>
    %add3A_38 = arith.addf %dot_general3A_33, %add3A_37 : vector<1024x2xf32>
    %get3A_39 = arith.constant 0 : index
    %get3A_40 = arith.constant 0 : index
    %get3A_41 = vector.load %arg6[%get3A_39, %get3A_40] : memref<2x2xf32, #tpu.memory_space<vmem>>, vector<2x2xf32>
    %dot_general3A_42 = arith.constant dense<0.000000e+00> : vector<1024x2xf32>
    %dot_general3A_43 = tpu.matmul %add3A_38, %get3A_41, %dot_general3A_42 {dimension_numbers = #tpu.dot_dimension_numbers<[1], [0], [0], [1], [0, 0, 1, 1], [], []>, precision = #tpu.contract_precision<fp32>, transpose_lhs_hint = false} : vector<1024x2xf32>, vector<2x2xf32>, vector<1024x2xf32> -> vector<1024x2xf32>
    %get3A_44 = arith.constant 0 : index
    %get3A_45 = arith.constant 0 : index
    %get3A_46 = vector.load %arg4[%get3A_44, %get3A_45] : memref<1024x1xf32, #tpu.memory_space<vmem>>, vector<1024x1xf32>
    %mul3A = vector.broadcast %get3A_46 : vector<1024x1xf32> to vector<1024x2xf32>
    %mul3A_47 = arith.mulf %mul3A, %add3A_38 : vector<1024x2xf32>
    %get3A_48 = arith.constant 0 : index
    %get3A_49 = arith.constant 0 : index
    %get3A_50 = vector.load %arg5[%get3A_48, %get3A_49] : memref<1024x1xf32, #tpu.memory_space<vmem>>, vector<1024x1xf32>
    %mul3A_51 = vector.broadcast %get3A_50 : vector<1024x1xf32> to vector<1024x2xf32>
    %mul3A_52 = arith.mulf %mul3A_51, %dot_general3A_43 : vector<1024x2xf32>
    %add3A_53 = arith.addf %mul3A_47, %mul3A_52 : vector<1024x2xf32>
    %swap3A_54 = arith.constant 0 : index
    %swap3A_55 = arith.constant 0 : index
    %swap3A_56 = vector.load %arg19[%swap3A_54, %swap3A_55] : memref<1024x2xf32, #tpu.memory_space<vmem>>, vector<1024x2xf32>
    tpu.vector_store %arg19[%swap3A_54, %swap3A_55], %add3A_53 {strides = array<i32>} : memref<1024x2xf32, #tpu.memory_space<vmem>>, vector<1024x2xf32>,
    %eq3A = arith.constant 0 : i32
    %eq3A_57 = arith.cmpi eq, %arg0, %eq3A : i32
    %convert_element_type3A = arith.extui %eq3A_57 : i1 to i32
    %cond3A = arith.constant 0 : i32
    %cond3A_58 = arith.cmpi ne, %convert_element_type3A, %cond3A : i32
    scf.if %cond3A_58 {
      %get3A_59 = arith.constant 0 : index
      %get3A_60 = arith.constant 0 : index
      %get3A_61 = vector.load %arg2[%get3A_59, %get3A_60] : memref<128x256xf32, #tpu.memory_space<vmem>>, vector<128x256xf32>
      %get3A_62 = arith.constant 0 : index
      %get3A_63 = arith.constant 0 : index
      %get3A_64 = vector.load %arg15[%get3A_62, %get3A_63] : memref<256x24xf32, #tpu.memory_space<vmem>>, vector<256x24xf32>
      %dot_general3A_65 = arith.constant dense<0.000000e+00> : vector<128x24xf32>
      %dot_general3A_66 = tpu.matmul %get3A_61, %get3A_64, %dot_general3A_65 {dimension_numbers = #tpu.dot_dimension_numbers<[1], [0], [0], [1], [0, 0, 1, 1], [], []>, precision = #tpu.contract_precision<fp32>, transpose_lhs_hint = false} : vector<128x256xf32>, vector<256x24xf32>, vector<128x24xf32> -> vector<128x24xf32>
      %get3A_67 = arith.constant 0 : index
      %get3A_68 = arith.constant 0 : index
      %get3A_69 = vector.load %arg16[%get3A_67, %get3A_68] : memref<1x24xf32, #tpu.memory_space<vmem>>, vector<1x24xf32>
      %add3A_70 = vector.broadcast %get3A_69 : vector<1x24xf32> to vector<128x24xf32>
      %add3A_71 = arith.addf %dot_general3A_66, %add3A_70 : vector<128x24xf32>
      %swap3A_72 = arith.constant 0 : index
      %swap3A_73 = arith.constant 0 : index
      %swap3A_74 = vector.load %arg20[%swap3A_72, %swap3A_73] : memref<128x24xf32, #tpu.memory_space<vmem>>, vector<128x24xf32>
      tpu.vector_store %arg20[%swap3A_72, %swap3A_73], %add3A_71 {strides = array<i32>} : memref<128x24xf32, #tpu.memory_space<vmem>>, vector<128x24xf32>,
      %get3A_75 = arith.constant 0 : index
      %get3A_76 = arith.constant 0 : index
      %get3A_77 = vector.load %arg13[%get3A_75, %get3A_76] : memref<256x8xf32, #tpu.memory_space<vmem>>, vector<256x8xf32>
      %dot_general3A_78 = arith.constant dense<0.000000e+00> : vector<128x8xf32>
      %dot_general3A_79 = tpu.matmul %get3A_61, %get3A_77, %dot_general3A_78 {dimension_numbers = #tpu.dot_dimension_numbers<[1], [0], [0], [1], [0, 0, 1, 1], [], []>, precision = #tpu.contract_precision<fp32>, transpose_lhs_hint = false} : vector<128x256xf32>, vector<256x8xf32>, vector<128x8xf32> -> vector<128x8xf32>
      %get3A_80 = arith.constant 0 : index
      %get3A_81 = arith.constant 0 : index
      %get3A_82 = vector.load %arg14[%get3A_80, %get3A_81] : memref<1x8xf32, #tpu.memory_space<vmem>>, vector<1x8xf32>
      %add3A_83 = vector.broadcast %get3A_82 : vector<1x8xf32> to vector<128x8xf32>
      %add3A_84 = arith.addf %dot_general3A_79, %add3A_83 : vector<128x8xf32>
      %reduce_max3A = arith.constant dense<0xFF800000> : vector<128xf32>
      %reduce_max3A_85 = vector.multi_reduction <maximumf>, %add3A_84, %reduce_max3A [1] : vector<128x8xf32> to vector<128xf32>
      %broadcast_in_dim3A = vector.shape_cast %reduce_max3A_85 : vector<128xf32> to vector<128x1xf32>
      %sub3A = vector.broadcast %broadcast_in_dim3A : vector<128x1xf32> to vector<128x8xf32>
      %sub3A_86 = arith.subf %add3A_84, %sub3A : vector<128x8xf32>
      %exp3A = math.exp %sub3A_86 : vector<128x8xf32>
      %reduce_sum3A = arith.constant dense<0.000000e+00> : vector<128xf32>
      %reduce_sum3A_87 = vector.multi_reduction <add>, %exp3A, %reduce_sum3A [1] : vector<128x8xf32> to vector<128xf32>
      %broadcast_in_dim3A_88 = vector.shape_cast %reduce_sum3A_87 : vector<128xf32> to vector<128x1xf32>
      %div3A = vector.broadcast %broadcast_in_dim3A_88 : vector<128x1xf32> to vector<128x8xf32>
      %div3A_89 = arith.divf %exp3A, %div3A : vector<128x8xf32>
      %swap3A_90 = arith.constant 0 : index
      %swap3A_91 = arith.constant 0 : index
      %swap3A_92 = vector.load %arg21[%swap3A_90, %swap3A_91] : memref<128x8xf32, #tpu.memory_space<vmem>>, vector<128x8xf32>
      tpu.vector_store %arg21[%swap3A_90, %swap3A_91], %div3A_89 {strides = array<i32>} : memref<128x8xf32, #tpu.memory_space<vmem>>, vector<128x8xf32>,
    } else {
    }
    return
  }
  func.func @transform_0(%arg0: i32) -> (i32, i32) {
    %c0_i32 = arith.constant 0 : i32
    %c0_i32_0 = arith.constant 0 : i32
    return %arg0, %c0_i32 : i32, i32
  }
  func.func @transform_1(%arg0: i32) -> (i32, i32) {
    %c0_i32 = arith.constant 0 : i32
    %c0_i32_0 = arith.constant 0 : i32
    %c0_i32_1 = arith.constant 0 : i32
    return %c0_i32, %c0_i32_0 : i32, i32
  }
  func.func @transform_2(%arg0: i32) -> (i32, i32) {
    %c0_i32 = arith.constant 0 : i32
    %c0_i32_0 = arith.constant 0 : i32
    return %arg0, %c0_i32 : i32, i32
  }
  func.func @transform_3(%arg0: i32) -> (i32, i32) {
    %c0_i32 = arith.constant 0 : i32
    %c0_i32_0 = arith.constant 0 : i32
    return %arg0, %c0_i32 : i32, i32
  }
  func.func @transform_4(%arg0: i32) -> (i32, i32) {
    %c0_i32 = arith.constant 0 : i32
    %c0_i32_0 = arith.constant 0 : i32
    return %arg0, %c0_i32 : i32, i32
  }
  func.func @transform_5(%arg0: i32) -> (i32, i32) {
    %c0_i32 = arith.constant 0 : i32
    %c0_i32_0 = arith.constant 0 : i32
    %c0_i32_1 = arith.constant 0 : i32
    return %c0_i32, %c0_i32_0 : i32, i32
  }
  func.func @transform_6(%arg0: i32) -> (i32, i32) {
    %c0_i32 = arith.constant 0 : i32
    %c0_i32_0 = arith.constant 0 : i32
    %c0_i32_1 = arith.constant 0 : i32
    return %c0_i32, %c0_i32_0 : i32, i32
  }
  func.func @transform_7(%arg0: i32) -> (i32, i32) {
    %c0_i32 = arith.constant 0 : i32
    %c0_i32_0 = arith.constant 0 : i32
    %c0_i32_1 = arith.constant 0 : i32
    return %c0_i32, %c0_i32_0 : i32, i32
  }
  func.func @transform_8(%arg0: i32) -> (i32, i32) {
    %c0_i32 = arith.constant 0 : i32
    %c0_i32_0 = arith.constant 0 : i32
    %c0_i32_1 = arith.constant 0 : i32
    return %c0_i32, %c0_i32_0 : i32, i32
  }
  func.func @transform_9(%arg0: i32) -> (i32, i32) {
    %c0_i32 = arith.constant 0 : i32
    %c0_i32_0 = arith.constant 0 : i32
    %c0_i32_1 = arith.constant 0 : i32
    return %c0_i32, %c0_i32_0 : i32, i32
  }
  func.func @transform_10(%arg0: i32) -> (i32, i32) {
    %c0_i32 = arith.constant 0 : i32
    %c0_i32_0 = arith.constant 0 : i32
    %c0_i32_1 = arith.constant 0 : i32
    return %c0_i32, %c0_i32_0 : i32, i32
  }
  func.func @transform_11(%arg0: i32) -> (i32, i32) {
    %c0_i32 = arith.constant 0 : i32
    %c0_i32_0 = arith.constant 0 : i32
    %c0_i32_1 = arith.constant 0 : i32
    return %c0_i32, %c0_i32_0 : i32, i32
  }
  func.func @transform_12(%arg0: i32) -> (i32, i32) {
    %c0_i32 = arith.constant 0 : i32
    %c0_i32_0 = arith.constant 0 : i32
    %c0_i32_1 = arith.constant 0 : i32
    return %c0_i32, %c0_i32_0 : i32, i32
  }
  func.func @transform_13(%arg0: i32) -> (i32, i32) {
    %c0_i32 = arith.constant 0 : i32
    %c0_i32_0 = arith.constant 0 : i32
    %c0_i32_1 = arith.constant 0 : i32
    return %c0_i32, %c0_i32_0 : i32, i32
  }
  func.func @transform_14(%arg0: i32) -> (i32, i32) {
    %c0_i32 = arith.constant 0 : i32
    %c0_i32_0 = arith.constant 0 : i32
    %c0_i32_1 = arith.constant 0 : i32
    return %c0_i32, %c0_i32_0 : i32, i32
  }
  func.func @transform_15(%arg0: i32) -> (i32, i32) {
    %c0_i32 = arith.constant 0 : i32
    %c0_i32_0 = arith.constant 0 : i32
    %c0_i32_1 = arith.constant 0 : i32
    return %c0_i32, %c0_i32_0 : i32, i32
  }
  func.func @transform_16(%arg0: i32) -> (i32, i32) {
    %c0_i32 = arith.constant 0 : i32
    %c0_i32_0 = arith.constant 0 : i32
    return %arg0, %c0_i32 : i32, i32
  }
  func.func @transform_17(%arg0: i32) -> (i32, i32) {
    %c0_i32 = arith.constant 0 : i32
    %c0_i32_0 = arith.constant 0 : i32
    return %arg0, %c0_i32 : i32, i32
  }
  func.func @transform_18(%arg0: i32) -> (i32, i32) {
    %c0_i32 = arith.constant 0 : i32
    %c0_i32_0 = arith.constant 0 : i32
    return %arg0, %c0_i32 : i32, i32
  }
  func.func @transform_19(%arg0: i32) -> (i32, i32) {
    %c0_i32 = arith.constant 0 : i32
    %c0_i32_0 = arith.constant 0 : i32
    %c0_i32_1 = arith.constant 0 : i32
    return %c0_i32, %c0_i32_0 : i32, i32
  }
  func.func @transform_20(%arg0: i32) -> (i32, i32) {
    %c0_i32 = arith.constant 0 : i32
    %c0_i32_0 = arith.constant 0 : i32
    %c0_i32_1 = arith.constant 0 : i32
    return %c0_i32, %c0_i32_0 : i32, i32
  }
}

</mosaic_0001>

<sc_bundles>
// kernel: gather_offload_async_start
scs
__scs_entry_jumppad:
0x0: {  	(pc) =	sbr.rel $0x88, $3  }
0x1: {  	(tag) =	ssettag $0x0;
	lr =	simm.s32 $0x1  }
0x2: {  	[smem:$0x3F91] =	sst lr;
	_ =	strace $0xD0000000  }
0x3: {  	_ = 	snop  }
0x4: {  	_ = 	snop  }
0x5: {  	_ = 	snop  }
0x6: {  	_ = 	snop  }
0x7: {  	_ = 	snop  }
__scs_overlays_trampoline_lowered:
0x8: {  	[smem:$0x3FA0] =	sst s0  }
0x9: {  	[smem:$0x3FA1] =	sst s1  }
0xa: {  	[smem:$0x3FA2] =	sst s2  }
0xb: {  	[smem:$0x3FA3] =	sst s3  }
0xc: {  	[smem:$0x3FA4] =	sst s4  }
0xd: {  	[smem:$0x3FA5] =	sst s5  }
0xe: {  	[smem:$0x3FA6] =	sst s6  }
0xf: {  	[smem:$0x3FA7] =	sst s7  }
0x10: {  	[smem:$0x3FA8] =	sst s8  }
0x11: {  	[smem:$0x3FA9] =	sst s9;
	s0 =	simm.s32 @!p0 $0x0  }
0x12: {  	s1 =	sld [smem:$0x3F8F];
	s0 =	simm.s32 @p0 $0x1  }
0x13: {  	[smem:$0x3FAA] =	sst s0;
	s0 =	simm.s32 @!p1 $0x0  }
0x14: {  	s2 =	sld [smem:$0x3F8E];
	s0 =	simm.s32 @p1 $0x1  }
0x15: {  	[smem:$0x3FAB] =	sst s0;
	s0 =	simm.s32 @!p2 $0x0  }
0x16: {  	s3 =	sld [smem:$0x3FDB];
	s0 =	simm.s32 @p2 $0x1  }
0x17: {  	s4 =	simm.s32 $0x1BF5;
	[smem:$0x3FAD] =	sst s0  }
0x18: {  	s0 =	sld [smem:$0x3F90];
	_ =	swait.ge [sflag:s4], $0x0  }
0x19: {  	s7 =	sld [smem:$0x3F91]  }
0x1a: {  	s8 =	sadd.s32 $0xFFFFE003, lr  }
0x1b: {  	s9 =	sadd.s32 $0xFFFFFEF7, lr;
	s5 =	simm.s32 $0xFFFFFFFF;
	p2 =	slt.u32 s8, $0xFFFFF086  }
0x1c: {  	p1 =	slt.u32 s9, $0xF7A;
	s5 =	simm.s32 @!p2 $0x0  }
0x1d: {  	s5 =	simm.s32 @p1 $0x1;
	p0 =	seq.s32 s7, s2  }
0x1e: {  	s7 =	smul.u32 @!p0 $0xF7A, s2;
	p2 =	seq.s32 @!p0 s5, $0x0  }
0x1f: {  	s9 =	smul.u32 $0xF7A, s1;
	s8 =	simm.s32 @!p0 $0x1BF5;
	p2 =	por !p2, p0  }
0x20: {  	[sflag:s8] =	ssyncset.s32 @!p0 $0xFFFFF086;
	s6 =	sadd.s32 @!p0 s3, s7;
	s7 =	simm.s32 @!p0 $0x108  }
0x21: {  	s3 =	sadd.s32 s3, s9;
	s6 =	sadd.s32 @!p0 $0x88, s6;
	s7 =	simm.s32 @p2 $0x1082  }
0x22: {  	[simem:s7], [sflag:s8] =	dma.local @!p0 [hbm:s6], $0xF7A  }
0x23: {  	s9 =	sor.u32 $0xD0000000, s2;
	s6 =	simm.s32 $0x108;
	_ =	swait.ge @!p0 [sflag:s8], $0x0  }
0x24: {  	s3 =	sadd.s32 $0x88, s3;
	s6 =	simm.s32 @!p1 $0x1082;
	[sflag:s4] =	ssyncset.s32 $0xFFFFF086  }
0x25: {  	[simem:s6], [sflag:s4] =	dma.local [hbm:s3], $0xF7A  }
0x26: {  	[smem:$0x3F91] =	sst s1;
	(tag) =	ssettag s2;
	_ =	strace s9  }
0x27: {  	s1 =	sld [smem:$0x3FA1]  }
0x28: {  	s2 =	sld [smem:$0x3FA2]  }
0x29: {  	s4 =	sld [smem:$0x3FA4]  }
0x2a: {  	p0 =	seq.s32 s5, $0x0;
	s5 =	sld [smem:$0x3FA5]  }
0x2b: {  	s6 =	sld [smem:$0x3FA6]  }
0x2c: {  	s7 =	sld [smem:$0x3FA7]  }
0x2d: {  	s3 =	simm.s32 $0x108;
	s8 =	sld [smem:$0x3FA8]  }
0x2e: {  	s3 =	simm.s32 @!p0 $0x1082;
	s9 =	sld [smem:$0x3FA9]  }
0x2f: {  	lr =	sadd.s32 s0, s3;
	s0 =	sld [smem:$0x3FA0]  }
0x30: {  	s3 =	sld [smem:$0x3FA3]  }
0x31: {  	[smem:$0x3FAC] =	sst s10  }
0x32: {  	s10 =	sld [smem:$0x3FAA];
	_ =	sdelay $0x3  }
0x33: {  	p0 =	seq.s32 s10, $0x1;
	s10 =	sld [smem:$0x3FAC];
	_ =	sdelay $0x3  }
0x34: {  	[smem:$0x3FAC] =	sst s10  }
0x35: {  	s10 =	sld [smem:$0x3FAB];
	_ =	sdelay $0x3  }
0x36: {  	p1 =	seq.s32 s10, $0x1;
	s10 =	sld [smem:$0x3FAC];
	_ =	sdelay $0x3  }
0x37: {  	[smem:$0x3FAC] =	sst s10  }
0x38: {  	s10 =	sld [smem:$0x3FAD]  }
0x39: {  	_ = 	snop;
	(pc) =	sbr.ind lr, $3  }
0x3a: {  	_ = 	snop  }
0x3b: {  	_ = 	snop  }
0x3c: {  	p2 =	seq.s32 s10, $0x1;
	s10 =	sld [smem:$0x3FAC]  }
0x3d: {  	_ =	shalt  }
0x3e: {  	_ =	shalt  }
0x3f: {  	_ =	shalt  }
0x40: {  	_ =	shalt  }
0x41: {  	_ =	shalt  }
0x42: {  	_ =	shalt  }
0x43: {  	_ =	shalt  }
0x44: {  	_ =	shalt  }
0x45: {  	_ =	shalt  }
0x46: {  	_ =	shalt  }
0x47: {  	_ =	shalt  }
0x48: {  	_ =	shalt  }
0x49: {  	_ =	shalt  }
0x4a: {  	_ =	shalt  }
0x4b: {  	_ =	shalt  }
0x4c: {  	_ =	shalt  }
0x4d: {  	_ =	shalt  }
0x4e: {  	_ =	shalt  }
0x4f: {  	_ =	shalt  }
0x50: {  	_ =	shalt  }
0x51: {  	_ =	shalt  }
0x52: {  	_ =	shalt  }
0x53: {  	_ =	shalt  }
0x54: {  	_ =	shalt  }
0x55: {  	_ =	shalt  }
0x56: {  	_ =	shalt  }
0x57: {  	_ =	shalt  }
0x58: {  	_ =	shalt  }
0x59: {  	_ =	shalt  }
0x5a: {  	_ =	shalt  }
0x5b: {  	_ =	shalt  }
0x5c: {  	_ =	shalt  }
0x5d: {  	_ =	shalt  }
0x5e: {  	_ =	shalt  }
0x5f: {  	_ =	shalt  }
0x60: {  	_ =	shalt  }
0x61: {  	_ =	shalt  }
0x62: {  	_ =	shalt  }
0x63: {  	_ =	shalt  }
0x64: {  	_ =	shalt  }
0x65: {  	_ =	shalt  }
0x66: {  	_ =	shalt  }
0x67: {  	_ =	shalt  }
0x68: {  	_ =	shalt  }
0x69: {  	_ =	shalt  }
0x6a: {  	_ =	shalt  }
0x6b: {  	_ =	shalt  }
0x6c: {  	_ =	shalt  }
0x6d: {  	_ =	shalt  }
0x6e: {  	_ =	shalt  }
0x6f: {  	_ =	shalt  }
0x70: {  	_ =	shalt  }
0x71: {  	_ =	shalt  }
0x72: {  	_ =	shalt  }
0x73: {  	_ =	shalt  }
0x74: {  	_ =	shalt  }
0x75: {  	_ =	shalt  }
0x76: {  	_ =	shalt  }
0x77: {  	_ =	shalt  }
0x78: {  	_ =	shalt  }
0x79: {  	_ =	shalt  }
0x7a: {  	_ =	shalt  }
0x7b: {  	_ =	shalt  }
0x7c: {  	_ =	shalt  }
0x7d: {  	_ =	shalt  }
0x7e: {  	_ =	shalt  }
0x7f: {  	_ =	shalt  }
0x80: {  	_ =	shalt  }
0x81: {  	_ =	shalt  }
0x82: {  	_ =	shalt  }
0x83: {  	_ =	shalt  }
0x84: {  	_ =	shalt  }
0x85: {  	_ =	shalt  }
0x86: {  	_ =	shalt  }
0x87: {  	_ =	shalt  }
.Lfunc_end0:
.L_simem_size_0:
called_computation_lowered:
.L_overlay_start_0:
0x88: {  	s2 =	sld [smem:$0x3FD9]  }
0x89: {  	s3 =	sld [smem:$0x3FFE];
	_ =	sdelay $0x1  }
0x8a: {  	s1 =	srdreg.scid  }
0x8b: {  	s0 =	sand.u32 $0x1, s1  }
0x8c: {  	s15 =	sshll.u32 s0, $0xA;
	s2 =	sadd.s32 s3, s2  }
0x8d: {  	s2 =	sadd.s32 s2, s15  }
0x8e: {  	[smem:$0x3FB8] =	sst s2  }
0x8f: {  	_ = 	snop  }
0x90: {  	s2 =	sld [smem:$0x3FD0];
	_ =	sdelay $0x2  }
0x91: {  	s4 =	simm.s32 $0xA;
	s5 =	simm.s32 $0x10;
	s16 =	sld [smem:$0x3FC5]  }
0x92: {  	[smem:s5], [sflag:s4] =	dma.local [hbm:s2], $0x1  }
0x93: {  	_ =	swait.eq [sflag:s4], $0x1  }
0x94: {  	[sflag:s4] =	ssyncset.done $0x0  }
0x95: {  	s17 =	sld [smem:$0x11];
	[sflag:s4] =	ssyncadd.s32 $0xFFFFFFFF  }
0x96: {  	s18 =	sld [smem:$0x12];
	(tm) =	ssettm $0x1  }
0x97: {  	s19 =	sld [smem:$0x3FFB];
	_ =	sdelay $0x3  }
0x98: {  	_ =	strace s19  }
0x99: {  	s5 =	sld [smem:$0x3FFC];
	_ =	sdelay $0x3  }
0x9a: {  	_ =	strace s5  }
0x9b: {  	s5 =	sld [smem:$0x3FFD];
	_ =	sdelay $0x3  }
0x9c: {  	_ =	strace s5  }
0x9d: {  	_ =	strace $0x8FFFFFFF  }
0x9e: {  	s20 =	sld [smem:$0x3FDB];
	_ =	sdelay $0x1  }
0x9f: {  	s6 =	simm.s32 $_scs_section_size  }
0xa0: {  	s7 =	simm.s32 $_size__tile_overlayer_lowered;
	s8 =	simm.s32 $_tile_overlayer_lowered  }
0xa1: {  	s23 =	simm.s32 $0x1BFF;
	s22 =	sshll.u32 s8, $0x1;
	s5 =	sadd.s32 s6, s20  }
0xa2: {  	s9 =	simm.s32 $0x0;
	s21 =	sshll.u32 s7, $0x1;
	s7 =	sadd.s32 s22, s5  }
0xa3: {  	[timem:s9], [sflag:s23] =	dma.local [hbm:s7], s21  }
0xa4: {  	_ =	swait.ge [sflag:s23], s21  }
0xa5: {  	s6 =	ssub.s32 $0x0, s21;
	[sflag:s23] =	ssyncset.done $0x0  }
0xa6: {  	[sflag:s23] =	ssyncadd.s32 s6;
	_ =	sdelay $0x1  }
0xa7: {  	s24 =	simm.s32 $0x1B8B  }
0xa8: {  	_ =	swait.ge [sflag:s24], $0x1  }
0xa9: {  	[sflag:s24] =	ssyncset.done $0x0  }
0xaa: {  	s25 =	simm.s32 $0x1B8E;
	[sflag:s24] =	ssyncadd.s32 $0xFFFFFFFF  }
0xab: {  	s26 =	simm.s32 $execute0_lowered;
	[smem:$0x3FD2] =	sst s25  }
0xac: {  	s6 =	sshll.u32 s26, $0x1;
	_ =	strace $0x8000004C;
	[dreg:$0x1] =	wrdreg $0xFFFFFFFF  }
0xad: {  	s28 =	simm.s32 $_size_execute0_lowered;
	s5 =	sadd.s32 s5, s6;
	[dreg:$0x0] =	wrdreg $0x0  }
0xae: {  	s6 =	sshll.u32 s28, $0x1;
	[dreg:$0x2] =	wrdreg s5  }
0xaf: {  	[dreg:$0x3] =	wrdreg s6  }
0xb0: {  	[dreg:$0x4] =	wrdreg $0xC0  }
0xb1: {  	_ =	task [dreg:s9], $0x5FFFF  }
0xb2: {  	[dreg:$0x1] =	wrdreg $0xFFFFFFFF  }
0xb3: {  	[dreg:$0x0] =	wrdreg $0x60  }
0xb4: {  	[dreg:$0x2] =	wrdreg s16  }
0xb5: {  	[dreg:$0x3] =	wrdreg s18  }
0xb6: {  	[dreg:$0x4] =	wrdreg s17  }
0xb7: {  	[dreg:$0x5] =	wrdreg $0x9  }
0xb8: {  	_ =	task.clear_ibuf [dreg:s9], $0x6FFFF;
	_ =	strace $0x9000004C  }
0xb9: {  	s29 =	simm.s32 $0x9;
	_ =	strace $0x8000004E  }
0xba: {  	_ =	swait.ge [sflag:s29], $0x1  }
0xbb: {  	[sflag:s29] =	ssyncadd.s32 $0xFFFFFFFF  }
0xbc: {  	_ =	strace $0x9000004E  }
0xbd: {  	_ =	sfence  }
0xbe: {  	s30 =	sld [smem:$0x0];
	_ =	sdelay $0x2  }
0xbf: {  	s31 =	sshll.u32 s1, $0xD;
	s1 =	sshrl.u32 s1, $0x2  }
0xc0: {  	s3 =	sand.u32 $0x4000, s31;
	s1 =	sadd.s32 s1, s30  }
0xc1: {  	s0 =	sor.u32 s3, s0;
	s1 =	sshll.u32 s1, $0x11  }
0xc2: {  	s0 =	sor.u32 s1, s0  }
0xc3: {  	s0 =	sadd.s32 $0x8F2B, s0  }
0xc4: {  	[sflag:s0] =	ssyncadd.remote.s32 $0x1  }
0xc5: {  	_ =	sfence.sel $0xFFFF  }
0xc6: {  	[dreg:$0x0] =	wrdreg $0xFFFFFFFF;
	(pc) =	sbr.abs _section_cstart, $3  }
0xc7: {  	[dreg:$0x1] =	wrdreg $0xFFFFFFFF  }
0xc8: {  	_ =	task.clear_ibuf [dreg:s9], $0x2FFFF;
	_ =	strace $0x9FFFFFFF  }
0xc9: {  	(tm) =	ssettm $0x7FFFFFFF  }
tec
execute0_lowered:
.L_overlay_start_1:
0x0: {  	(tag) =	ssettag $0x1  }
0x1: {  	s0 =	stileid.u32;
	s1 =	srdreg.scid  }
0x2: {  	s1 =	sand.u32 $0x1, s1;
	s2 =	sshll.u32 s0, $0x1  }
0x3: {  	s1 =	sor.u32 s2, s1  }
0x4: {  	s2 =	smul.u32 $0x30, s1;
	_ =	sdelay $0x1  }
0x5: {  	s7 =	ssub.s32 $0x2820, s2  }
0x6: {  	s3 =	rddreg [dreg:$0x0];
	s31 =	smul.u32 $0x2AAB, s7  }
0x7: {  	s4 =	rddreg [dreg:$0x1]  }
0x8: {  	s5 =	rddreg [dreg:$0x2];
	s6 =	simm.s32 $0x1;
	s8 =	sshrl.u32 s31, $0x18  }
0x9: {  	s10 =	simm.s32 $0x3;
	s13 =	simm.s32 $0x0;
	s9 =	smul.u32 $0x600, s8  }
.Ltmp0:
0xa: {  	s12 =	simm.s32 $0x0;
	s1 =	rddreg [dreg:$0x3];
	(pc) =	sbr.rel .LBB2_1-.Ltmp0, $4  }
0xb: {  	_ =	strace $0x8000004D;
	p0 =	sne.s32 s7, s9;
	s9 =	simm.s32 $0x1  }
0xc: {  	[sflag:s6] =	ssyncpa.u1 $0x0;
	s7 =	simm.s32 $0x2;
	s9 =	simm.s32 @!p0 $0x0  }
0xd: {  	s11 =	smov.u32 s2;
	[sflag:s7] =	ssyncpa.u1 $0x0;
	s8 =	sadd.s32 s8, s9  }
0xe: {  	vm0 =	vmmov $0xffff;
	[sflag:s10] =	ssyncpa.u1 $0x0;
	s10 =	simm.s32 $0x0;
	s9 =	sadd.s32 $0x1, s8  }
.LBB2_4:
0xf: {  	v0 =	vnsel vm1, $0x0, v0  }
0x10: {  	v0 =	vmin.u32 v0, $0x270FF;
	_ =	sdelay $0x3  }
0x11: {  	(ifvalue) =	ssetifvalue $0x7FFFFFFF;
	s15 =	sadd.s32 $0x10, s15  }
0x12: {  	[tilespmem:s15], [sflag:$0x1] =	stream.indirect_vreg.gather [hbm4b:s3+s10], $0x1, v0, vm0, $0x4038;
	[tilespmem:$0xC0] =	vst v63  }
0x13: {  	_ =	swait.ge [sflag:s6], $0x30  }
0x14: {  	s30 =	sshrl.u32 s13, $0x3;
	[sflag:s6] =	ssyncset.done $0x0  }
0x15: {  	s31 =	sand.u32 $0x7, s13;
	s15 =	sadd.s32 s5, s30;
	[sflag:s6] =	ssyncadd.s32 $0xFFFFFFD0  }
0x16: {  	[hbm4b:s15+s31] =	stream.linear.scatter [tilespmem:s14], [sflag:$0x3], $0x30, $0x38;
	[tilespmem:$0xC0] =	vst v63  }
.LBB2_5:
0x17: {  	s15 =	sadd.s32 $0x600, s11  }
0x18: {  	p1 =	sgt.s32 s15, $0x281F  }
0x19: {  	s15 =	smov.u32 @p1 s2;
	p1 =	sne.s32 s12, s9  }
.Ltmp1:
0x1a: {  	p0 =	slt.u32 s12, $0x2;
	(pc) =	sbr.rel @!p1 .LBB2_6-.Ltmp1, $4  }
0x1b: {  	s14 =	simm.s32 @!p0 $0x3  }
0x1c: {  	_ =	swait.ge @!p0 [sflag:s14], $0x30  }
0x1d: {  	s16 =	sadd.s32 $0x1, s12;
	s13 =	smov.u32 s11;
	[sflag:s14] =	ssyncset.done @!p0 $0x0  }
0x1e: {  	s12 =	smov.u32 s16;
	s11 =	smov.u32 s15;
	[sflag:s14] =	ssyncadd.s32 @!p0 $0xFFFFFFD0  }
.LBB2_1:
0x1f: {  	p0 =	sge.u32 s12, s8  }
0x20: {  	s14 =	sxor.u32 @!p0 $0xFFFFFFFF, s12  }
0x21: {  	s14 =	sand.u32 @!p0 $0x1, s14  }
0x22: {  	s14 =	smul.u32 @!p0 $0xC0, s14  }
0x23: {  	s31 =	sadd.s32 $0xFFFFFFFF, s12;
	s15 =	sshrl.u32 @!p0 s11, $0x3  }
0x24: {  	s16 =	sand.u32 @!p0 $0x7, s11;
	s15 =	sadd.s32 @!p0 s4, s15;
	s14 =	sshrl.u32 @!p0 s14, $0x2  }
0x25: {  	[tilespmem:s14], [sflag:$0x2] =	stream.linear.gather @!p0 [hbm4b:s15+s16], $0x30, $0x38;
	[tilespmem:$0xC0] =	vst v63  }
0x26: {  	p0 =	sge.u32 s31, s8  }
.Ltmp2:
0x27: {  	_ = 	snop;
	(pc) =	sbr.rel @p0 .LBB2_5-.Ltmp2, $1  }
0x28: {  	_ =	sdelay $0x3  }
0x29: {  	s14 =	sand.u32 $0x1, s12  }
0x2a: {  	_ =	swait.ge [sflag:s7], $0x30;
	p0 =	seq.s32 s14, $0x1;
	s14 =	simm.s32 $0x30  }
0x2b: {  	[sflag:s7] =	ssyncset.done $0x0;
	s14 =	simm.s32 @!p0 $0x0  }
0x2c: {  	[sflag:s7] =	ssyncadd.s32 $0xFFFFFFD0;
	(ifvalue) =	ssetifvalue $0x7FFFFFFF;
	v0 =	vld.msk [tilespmem:s14+$0x0 ss:$0x1], $0xffff;
	_ =	sdelay $0x4  }
0x2d: {  	vm1 =	vgt.s32 v0, $0x0  }
0x2e: {  	s15 =	sadd.s32 $0x10, s14;
	v0 =	vnsel vm1, $0x0, v0  }
0x2f: {  	v1 =	vmin.u32 v0, $0x270FF;
	v0 =	vld.msk [tilespmem:s15+$0x0 ss:$0x1], $0xffff;
	_ =	sdelay $0x2  }
0x30: {  	s16 =	simm.s32 $0x10;
	s14 =	sadd.s32 $0x60, s14  }
0x31: {  	s17 =	sadd.s32 $0x10, s15;
	(ifvalue) =	ssetifvalue $0x7FFFFFFF;
	s15 =	smov.u32 s14  }
0x32: {  	[tilespmem:s14], [sflag:$0x1] =	stream.indirect_vreg.gather [hbm4b:s3+s10], $0x1, v1, vm0, $0x4038;
	vm1 =	vgt.s32 v0, $0x0;
	[tilespmem:$0xC0] =	vst v63  }
.LBB2_3:
0x33: {  	s16 =	sadd.s32 $0x10, s16;
	v1 =	vnsel vm1, $0x0, v0;
	v0 =	vld.msk [tilespmem:s17+$0x0 ss:$0x1], $0xffff  }
0x34: {  	p0 =	slt.u32 s16, $0x20;
	v1 =	vmin.u32 v1, $0x270FF  }
.Ltmp3:
0x35: {  	(pc) =	sbr.rel @p0 .LBB2_3-.Ltmp3, $3  }
0x36: {  	_ =	sdelay $0x1  }
0x37: {  	s17 =	sadd.s32 $0x10, s17;
	s15 =	sadd.s32 $0x10, s15;
	(ifvalue) =	ssetifvalue $0x7FFFFFFF  }
0x38: {  	vm1 =	vgt.s32 v0, $0x0;
	[tilespmem:s15], [sflag:$0x1] =	stream.indirect_vreg.gather [hbm4b:s3+s10], $0x1, v1, vm0, $0x4038;
	[tilespmem:$0xC0] =	vst v63  }
.Ltmp4:
0x39: {  	_ = 	snop;
	(pc) =	sbr.rel .LBB2_4-.Ltmp4, $1  }
0x3a: {  	_ =	sdelay $0x3  }
.LBB2_6:
0x3b: {  	_ =	sfence.sel $0x180000  }
0x3c: {  	s2 =	simm.s32 $0x2;
	[bflag:$0x0] =	sbarrier.arrive $0xFFFF  }
0x3d: {  	s30 =	simm.s32 $0x3;
	[sflag:s2] =	ssyncpa.u1 $0x1  }
0x3e: {  	s31 =	simm.s32 $0x1;
	[sflag:s30] =	ssyncpa.u1 $0x1  }
0x3f: {  	[sflag:s31] =	ssyncpa.u1 $0x1  }
0x40: {  	p0 =	sne.s32 s0, $0x0;
	_ =	strace $0x9000004D  }
0x41: {  	s0 =	sadd.s32 @!p0 $0x100000, s1;
	[bflag:$0x2] =	sbarrier.arrive $0xFFFF  }
0x42: {  	[sflag:s0] =	ssyncadd.tile.s32 @!p0 $0x1;
	_ =	shalt  }
.Lfunc_end2:
_tile_overlayer_lowered:
.L_overlay_start_2:
0x43: {  	(tag) =	ssettag $0x2  }
0x44: {  	s0 =	rddreg [dreg:$0x0];
	s2 =	stileid.u32  }
0x45: {  	s1 =	rddreg [dreg:$0x1];
	p0 =	sne.s32 s2, $0x0  }
0x46: {  	s3 =	rddreg [dreg:$0x2];
	[bflag:$0x3] =	sbarrier.arrive $0xFFFF;
	s2 =	simm.s32 @!p0 $0x1C01  }
0x47: {  	[timem:s3], [sflag:s2] =	dma.local @!p0 [hbm:s0], s1  }
0x48: {  	s0 =	simm.s32 @!p0 $0x1  }
0x49: {  	_ =	swait.ge @!p0 [sflag:s0], s1  }
0x4a: {  	s1 =	ssub.s32 @!p0 $0x0, s1;
	[sflag:s0] =	ssyncset.done @!p0 $0x0  }
0x4b: {  	[sflag:s0] =	ssyncadd.s32 @!p0 s1  }
0x4c: {  	[bflag:$0x3] =	sbarrier.arrive $0xFFFF  }
0x4d: {  	_ =	shalt  }

// kernel: kernel.5.cloned.1.call-start
scs
__scs_entry_jumppad:
0x0: {  	(pc) =	sbr.rel $0x88, $3  }
0x1: {  	(tag) =	ssettag $0x0;
	lr =	simm.s32 $0x1  }
0x2: {  	[smem:$0x3F91] =	sst lr;
	_ =	strace $0xD0000000  }
0x3: {  	_ = 	snop  }
0x4: {  	_ = 	snop  }
0x5: {  	_ = 	snop  }
0x6: {  	_ = 	snop  }
0x7: {  	_ = 	snop  }
__scs_overlays_trampoline_lowered:
0x8: {  	[smem:$0x3FA0] =	sst s0  }
0x9: {  	[smem:$0x3FA1] =	sst s1  }
0xa: {  	[smem:$0x3FA2] =	sst s2  }
0xb: {  	[smem:$0x3FA3] =	sst s3  }
0xc: {  	[smem:$0x3FA4] =	sst s4  }
0xd: {  	[smem:$0x3FA5] =	sst s5  }
0xe: {  	[smem:$0x3FA6] =	sst s6  }
0xf: {  	[smem:$0x3FA7] =	sst s7  }
0x10: {  	[smem:$0x3FA8] =	sst s8  }
0x11: {  	[smem:$0x3FA9] =	sst s9;
	s0 =	simm.s32 @!p0 $0x0  }
0x12: {  	s1 =	sld [smem:$0x3F8F];
	s0 =	simm.s32 @p0 $0x1  }
0x13: {  	[smem:$0x3FAA] =	sst s0;
	s0 =	simm.s32 @!p1 $0x0  }
0x14: {  	s2 =	sld [smem:$0x3F8E];
	s0 =	simm.s32 @p1 $0x1  }
0x15: {  	[smem:$0x3FAB] =	sst s0;
	s0 =	simm.s32 @!p2 $0x0  }
0x16: {  	s3 =	sld [smem:$0x3FDB];
	s0 =	simm.s32 @p2 $0x1  }
0x17: {  	s4 =	simm.s32 $0x1BF5;
	[smem:$0x3FAD] =	sst s0  }
0x18: {  	s0 =	sld [smem:$0x3F90];
	_ =	swait.ge [sflag:s4], $0x0  }
0x19: {  	s7 =	sld [smem:$0x3F91]  }
0x1a: {  	s8 =	sadd.s32 $0xFFFFE003, lr  }
0x1b: {  	s9 =	sadd.s32 $0xFFFFFEF7, lr;
	s5 =	simm.s32 $0xFFFFFFFF;
	p2 =	slt.u32 s8, $0xFFFFF086  }
0x1c: {  	p1 =	slt.u32 s9, $0xF7A;
	s5 =	simm.s32 @!p2 $0x0  }
0x1d: {  	s5 =	simm.s32 @p1 $0x1;
	p0 =	seq.s32 s7, s2  }
0x1e: {  	s7 =	smul.u32 @!p0 $0xF7A, s2;
	p2 =	seq.s32 @!p0 s5, $0x0  }
0x1f: {  	s9 =	smul.u32 $0xF7A, s1;
	s8 =	simm.s32 @!p0 $0x1BF5;
	p2 =	por !p2, p0  }
0x20: {  	[sflag:s8] =	ssyncset.s32 @!p0 $0xFFFFF086;
	s6 =	sadd.s32 @!p0 s3, s7;
	s7 =	simm.s32 @!p0 $0x108  }
0x21: {  	s3 =	sadd.s32 s3, s9;
	s6 =	sadd.s32 @!p0 $0x88, s6;
	s7 =	simm.s32 @p2 $0x1082  }
0x22: {  	[simem:s7], [sflag:s8] =	dma.local @!p0 [hbm:s6], $0xF7A  }
0x23: {  	s9 =	sor.u32 $0xD0000000, s2;
	s6 =	simm.s32 $0x108;
	_ =	swait.ge @!p0 [sflag:s8], $0x0  }
0x24: {  	s3 =	sadd.s32 $0x88, s3;
	s6 =	simm.s32 @!p1 $0x1082;
	[sflag:s4] =	ssyncset.s32 $0xFFFFF086  }
0x25: {  	[simem:s6], [sflag:s4] =	dma.local [hbm:s3], $0xF7A  }
0x26: {  	[smem:$0x3F91] =	sst s1;
	(tag) =	ssettag s2;
	_ =	strace s9  }
0x27: {  	s1 =	sld [smem:$0x3FA1]  }
0x28: {  	s2 =	sld [smem:$0x3FA2]  }
0x29: {  	s4 =	sld [smem:$0x3FA4]  }
0x2a: {  	p0 =	seq.s32 s5, $0x0;
	s5 =	sld [smem:$0x3FA5]  }
0x2b: {  	s6 =	sld [smem:$0x3FA6]  }
0x2c: {  	s7 =	sld [smem:$0x3FA7]  }
0x2d: {  	s3 =	simm.s32 $0x108;
	s8 =	sld [smem:$0x3FA8]  }
0x2e: {  	s3 =	simm.s32 @!p0 $0x1082;
	s9 =	sld [smem:$0x3FA9]  }
0x2f: {  	lr =	sadd.s32 s0, s3;
	s0 =	sld [smem:$0x3FA0]  }
0x30: {  	s3 =	sld [smem:$0x3FA3]  }
0x31: {  	[smem:$0x3FAC] =	sst s10  }
0x32: {  	s10 =	sld [smem:$0x3FAA];
	_ =	sdelay $0x3  }
0x33: {  	p0 =	seq.s32 s10, $0x1;
	s10 =	sld [smem:$0x3FAC];
	_ =	sdelay $0x3  }
0x34: {  	[smem:$0x3FAC] =	sst s10  }
0x35: {  	s10 =	sld [smem:$0x3FAB];
	_ =	sdelay $0x3  }
0x36: {  	p1 =	seq.s32 s10, $0x1;
	s10 =	sld [smem:$0x3FAC];
	_ =	sdelay $0x3  }
0x37: {  	[smem:$0x3FAC] =	sst s10  }
0x38: {  	s10 =	sld [smem:$0x3FAD]  }
0x39: {  	_ = 	snop;
	(pc) =	sbr.ind lr, $3  }
0x3a: {  	_ = 	snop  }
0x3b: {  	_ = 	snop  }
0x3c: {  	p2 =	seq.s32 s10, $0x1;
	s10 =	sld [smem:$0x3FAC]  }
0x3d: {  	_ =	shalt  }
0x3e: {  	_ =	shalt  }
0x3f: {  	_ =	shalt  }
0x40: {  	_ =	shalt  }
0x41: {  	_ =	shalt  }
0x42: {  	_ =	shalt  }
0x43: {  	_ =	shalt  }
0x44: {  	_ =	shalt  }
0x45: {  	_ =	shalt  }
0x46: {  	_ =	shalt  }
0x47: {  	_ =	shalt  }
0x48: {  	_ =	shalt  }
0x49: {  	_ =	shalt  }
0x4a: {  	_ =	shalt  }
0x4b: {  	_ =	shalt  }
0x4c: {  	_ =	shalt  }
0x4d: {  	_ =	shalt  }
0x4e: {  	_ =	shalt  }
0x4f: {  	_ =	shalt  }
0x50: {  	_ =	shalt  }
0x51: {  	_ =	shalt  }
0x52: {  	_ =	shalt  }
0x53: {  	_ =	shalt  }
0x54: {  	_ =	shalt  }
0x55: {  	_ =	shalt  }
0x56: {  	_ =	shalt  }
0x57: {  	_ =	shalt  }
0x58: {  	_ =	shalt  }
0x59: {  	_ =	shalt  }
0x5a: {  	_ =	shalt  }
0x5b: {  	_ =	shalt  }
0x5c: {  	_ =	shalt  }
0x5d: {  	_ =	shalt  }
0x5e: {  	_ =	shalt  }
0x5f: {  	_ =	shalt  }
0x60: {  	_ =	shalt  }
0x61: {  	_ =	shalt  }
0x62: {  	_ =	shalt  }
0x63: {  	_ =	shalt  }
0x64: {  	_ =	shalt  }
0x65: {  	_ =	shalt  }
0x66: {  	_ =	shalt  }
0x67: {  	_ =	shalt  }
0x68: {  	_ =	shalt  }
0x69: {  	_ =	shalt  }
0x6a: {  	_ =	shalt  }
0x6b: {  	_ =	shalt  }
0x6c: {  	_ =	shalt  }
0x6d: {  	_ =	shalt  }
0x6e: {  	_ =	shalt  }
0x6f: {  	_ =	shalt  }
0x70: {  	_ =	shalt  }
0x71: {  	_ =	shalt  }
0x72: {  	_ =	shalt  }
0x73: {  	_ =	shalt  }
0x74: {  	_ =	shalt  }
0x75: {  	_ =	shalt  }
0x76: {  	_ =	shalt  }
0x77: {  	_ =	shalt  }
0x78: {  	_ =	shalt  }
0x79: {  	_ =	shalt  }
0x7a: {  	_ =	shalt  }
0x7b: {  	_ =	shalt  }
0x7c: {  	_ =	shalt  }
0x7d: {  	_ =	shalt  }
0x7e: {  	_ =	shalt  }
0x7f: {  	_ =	shalt  }
0x80: {  	_ =	shalt  }
0x81: {  	_ =	shalt  }
0x82: {  	_ =	shalt  }
0x83: {  	_ =	shalt  }
0x84: {  	_ =	shalt  }
0x85: {  	_ =	shalt  }
0x86: {  	_ =	shalt  }
0x87: {  	_ =	shalt  }
.Lfunc_end0:
.L_simem_size_0:
called_computation.1_lowered:
.L_overlay_start_0:
0x88: {  	s2 =	sld [smem:$0x3FD9]  }
0x89: {  	s3 =	sld [smem:$0x3FFE];
	_ =	sdelay $0x1  }
0x8a: {  	s1 =	srdreg.scid  }
0x8b: {  	s0 =	sand.u32 $0x1, s1  }
0x8c: {  	s14 =	sshll.u32 s0, $0xA;
	s2 =	sadd.s32 s3, s2  }
0x8d: {  	s2 =	sadd.s32 s2, s14  }
0x8e: {  	[smem:$0x3FB8] =	sst s2  }
0x8f: {  	_ = 	snop  }
0x90: {  	s2 =	sld [smem:$0x3FD0];
	_ =	sdelay $0x2  }
0x91: {  	s4 =	simm.s32 $0xA;
	s5 =	simm.s32 $0x10;
	s15 =	sld [smem:$0x3FC9]  }
0x92: {  	[smem:s5], [sflag:s4] =	dma.local [hbm:s2], $0x1  }
0x93: {  	_ =	swait.eq [sflag:s4], $0x1  }
0x94: {  	[sflag:s4] =	ssyncset.done $0x0  }
0x95: {  	[sflag:s4] =	ssyncadd.s32 $0xFFFFFFFF  }
0x96: {  	s16 =	sld [smem:$0x12];
	(tm) =	ssettm $0x1  }
0x97: {  	s17 =	sld [smem:$0x3FFB];
	_ =	sdelay $0x3  }
0x98: {  	_ =	strace s17  }
0x99: {  	s4 =	sld [smem:$0x3FFC];
	_ =	sdelay $0x3  }
0x9a: {  	_ =	strace s4  }
0x9b: {  	s4 =	sld [smem:$0x3FFD];
	_ =	sdelay $0x3  }
0x9c: {  	_ =	strace s4  }
0x9d: {  	_ =	strace $0x8FFFFFFF  }
0x9e: {  	s18 =	sld [smem:$0x3FDB];
	_ =	sdelay $0x1  }
0x9f: {  	s19 =	simm.s32 $_scs_section_size  }
0xa0: {  	s6 =	simm.s32 $_size__tile_overlayer_lowered;
	s7 =	simm.s32 $_tile_overlayer_lowered  }
0xa1: {  	s22 =	simm.s32 $0x1BFF;
	s21 =	sshll.u32 s7, $0x1;
	s4 =	sadd.s32 s19, s18  }
0xa2: {  	s8 =	simm.s32 $0x0;
	s20 =	sshll.u32 s6, $0x1;
	s6 =	sadd.s32 s21, s4  }
0xa3: {  	[timem:s8], [sflag:s22] =	dma.local [hbm:s6], s20  }
0xa4: {  	_ =	swait.ge [sflag:s22], s20  }
0xa5: {  	s5 =	ssub.s32 $0x0, s20;
	[sflag:s22] =	ssyncset.done $0x0  }
0xa6: {  	[sflag:s22] =	ssyncadd.s32 s5;
	_ =	sdelay $0x1  }
0xa7: {  	s23 =	simm.s32 $0x1B8B  }
0xa8: {  	_ =	swait.ge [sflag:s23], $0x1  }
0xa9: {  	[sflag:s23] =	ssyncset.done $0x0  }
0xaa: {  	s25 =	simm.s32 $0x1B8E;
	s24 =	sld [smem:$0x3FFE];
	[sflag:s23] =	ssyncadd.s32 $0xFFFFFFFF  }
0xab: {  	s26 =	simm.s32 $execute0_lowered;
	[smem:$0x3FD2] =	sst s25  }
0xac: {  	s6 =	sshll.u32 s26, $0x1;
	_ =	strace $0x80000046;
	[dreg:$0x1] =	wrdreg $0xFFFFFFFF  }
0xad: {  	s28 =	simm.s32 $_size_execute0_lowered;
	s4 =	sadd.s32 s4, s6;
	[dreg:$0x0] =	wrdreg $0x0  }
0xae: {  	s6 =	sshll.u32 s28, $0x1;
	[dreg:$0x2] =	wrdreg s4  }
0xaf: {  	[dreg:$0x3] =	wrdreg s6  }
0xb0: {  	[dreg:$0x4] =	wrdreg $0xC0  }
0xb1: {  	_ =	task [dreg:s8], $0x5FFFF  }
0xb2: {  	[dreg:$0x1] =	wrdreg $0xFFFFFFFF  }
0xb3: {  	[dreg:$0x0] =	wrdreg $0x60  }
0xb4: {  	[dreg:$0x2] =	wrdreg s15  }
0xb5: {  	[dreg:$0x3] =	wrdreg s16  }
0xb6: {  	[dreg:$0x4] =	wrdreg s24  }
0xb7: {  	[dreg:$0x5] =	wrdreg $0x9  }
0xb8: {  	_ =	task.clear_ibuf [dreg:s8], $0x6FFFF;
	_ =	strace $0x90000046  }
0xb9: {  	s29 =	simm.s32 $0x9;
	_ =	strace $0x80000048  }
0xba: {  	_ =	swait.ge [sflag:s29], $0x1  }
0xbb: {  	[sflag:s29] =	ssyncadd.s32 $0xFFFFFFFF  }
0xbc: {  	_ =	strace $0x90000048  }
0xbd: {  	_ =	sfence  }
0xbe: {  	s30 =	sld [smem:$0x0];
	_ =	sdelay $0x2  }
0xbf: {  	s31 =	sshll.u32 s1, $0xD;
	s1 =	sshrl.u32 s1, $0x2  }
0xc0: {  	s3 =	sand.u32 $0x4000, s31;
	s1 =	sadd.s32 s1, s30  }
0xc1: {  	s0 =	sor.u32 s3, s0;
	s1 =	sshll.u32 s1, $0x11  }
0xc2: {  	s0 =	sor.u32 s1, s0  }
0xc3: {  	s0 =	sadd.s32 $0x8F2B, s0  }
0xc4: {  	[sflag:s0] =	ssyncadd.remote.s32 $0x1  }
0xc5: {  	_ =	sfence.sel $0xFFFF  }
0xc6: {  	[dreg:$0x0] =	wrdreg $0xFFFFFFFF;
	(pc) =	sbr.abs _section_cstart, $3  }
0xc7: {  	[dreg:$0x1] =	wrdreg $0xFFFFFFFF  }
0xc8: {  	_ =	task.clear_ibuf [dreg:s8], $0x2FFFF;
	_ =	strace $0x9FFFFFFF  }
0xc9: {  	(tm) =	ssettm $0x7FFFFFFF  }
tec
execute0_lowered:
.L_overlay_start_1:
0x0: {  	(tag) =	ssettag $0x1  }
0x1: {  	s2 =	srdreg.scid;
	s0 =	stileid.u32  }
0x2: {  	s1 =	rddreg [dreg:$0x0];
	s6 =	sand.u32 $0x1, s2;
	s30 =	sshll.u32 s0, $0x1  }
0x3: {  	s5 =	rddreg [dreg:$0x1];
	s4 =	sor.u32 s6, s30  }
0x4: {  	s7 =	rddreg [dreg:$0x2];
	s3 =	simm.s32 $0x0;
	s8 =	smul.u32 $0x2800, s4  }
0x5: {  	s10 =	simm.s32 $0x1;
	s11 =	simm.s32 $0x4180;
	s4 =	smul.u32 $0x140, s4  }
.Ltmp0:
0x6: {  	s12 =	simm.s32 $0x0;
	[smem:$0x7FF] =	sst s3;
	(pc) =	sbr.rel .LBB2_1-.Ltmp0, $4  }
0x7: {  	s2 =	rddreg [dreg:$0x3];
	_ =	strace $0x80000047;
	s6 =	ssub.s32 $0x2, s6  }
0x8: {  	s31 =	sshrl.u32 s6, $0x1;
	s7 =	sadd.s32 s8, s7;
	s9 =	sshrl.u32 s4, $0x3  }
0x9: {  	s8 =	ssub.s32 s6, s31;
	s6 =	sadd.s32 $0x140, s4;
	s5 =	sadd.s32 s5, s9  }
0xa: {  	v0 =	vimm.f32 $-Inf;
	vm0 =	vmmov $0x1;
	v1 =	vlaneseq.u32;
	s7 =	sadd.s32 $0x3600, s7;
	s8 =	smax.u32 s8, $0x1;
	s9 =	simm.s32 $0x4000  }
.LBB2_19:
0xb: {  	s13 =	ssub.s32 s15, s4  }
0xc: {  	s14 =	sshll.u32 s15, $0x7;
	s13 =	sshll.u32 s13, $0x8  }
0xd: {  	s14 =	sand.u32 $0x380, s14;
	s13 =	sand.u32 $0xFFFFF800, s13  }
0xe: {  	s13 =	sor.u32 s14, s13  }
0xf: {  	[tilespmem:s13+$0x4180] =	vst v17  }
0x10: {  	[tilespmem:s13+$0x4190] =	vst v16  }
0x11: {  	[tilespmem:s13+$0x41A0] =	vst v15  }
0x12: {  	[tilespmem:s13+$0x41B0] =	vst v14  }
0x13: {  	[tilespmem:s13+$0x41C0] =	vst v13  }
0x14: {  	[tilespmem:s13+$0x41D0] =	vst v12  }
0x15: {  	[tilespmem:s13+$0x41E0] =	vst v11  }
0x16: {  	[tilespmem:s13+$0x41F0] =	vst v10  }
0x17: {  	[tilespmem:s13+$0x4580] =	vst v9  }
0x18: {  	[tilespmem:s13+$0x4590] =	vst v8  }
0x19: {  	[tilespmem:s13+$0x45A0] =	vst v7  }
0x1a: {  	[tilespmem:s13+$0x45B0] =	vst v6  }
0x1b: {  	[tilespmem:s13+$0x45C0] =	vst v4  }
0x1c: {  	[tilespmem:s13+$0x45D0] =	vst v3  }
0x1d: {  	[tilespmem:s13+$0x45E0] =	vst v2  }
0x1e: {  	[tilespmem:s13+$0x45F0] =	vst v5  }
.LBB2_20:
0x1f: {  	s12 =	sadd.s32 $0x1, s12  }
0x20: {  	p0 =	sne.s32 s12, s8  }
.Ltmp1:
0x21: {  	_ = 	snop;
	(pc) =	sbr.rel @!p0 .LBB2_21-.Ltmp1, $4  }
0x22: {  	[hbm4b:s7+s3] =	stream.linear.scatter [tilespmem:s11], [sflag:$0x1], $0x14000, $0x38;
	[tilespmem:$0x18180] =	vst v63  }
0x23: {  	_ =	swait.ge [sflag:s10], $0x14000  }
0x24: {  	[sflag:s10] =	ssyncset.done $0x0  }
0x25: {  	[sflag:s10] =	ssyncadd.s32 $0xFFFEC000  }
.LBB2_1:
0x26: {  	[tilespmem:s9], [sflag:$0x1] =	stream.linear.gather [hbm4b:s5+s3], $0x160, $0x38;
	[tilespmem:$0x18180] =	vst v63  }
0x27: {  	_ =	swait.ge [sflag:s10], $0x160  }
0x28: {  	[sflag:s10] =	ssyncset.done $0x0  }
0x29: {  	s13 =	sand.u32 $0x1F800, s3;
	s14 =	sand.u32 $0x380, s3;
	[sflag:s10] =	ssyncadd.s32 $0xFFFFFEA0  }
0x2a: {  	s13 =	sor.u32 s14, s13;
	v3 =	vld [tilespmem:$0x4000]  }
0x2b: {  	v2 =	vld [tilespmem:$0x4140];
	[tilespmem:s13+$0x45F0] =	vst v0  }
0x2c: {  	[tilespmem:s13+$0x4180] =	vst v0  }
0x2d: {  	[tilespmem:s13+$0x4190] =	vst v0  }
0x2e: {  	[tilespmem:s13+$0x41A0] =	vst v0  }
0x2f: {  	[tilespmem:s13+$0x41B0] =	vst v0  }
0x30: {  	[tilespmem:s13+$0x41C0] =	vst v0  }
0x31: {  	[tilespmem:s13+$0x41D0] =	vst v0  }
0x32: {  	[tilespmem:s13+$0x41E0] =	vst v0  }
0x33: {  	[tilespmem:s13+$0x41F0] =	vst v0  }
0x34: {  	[tilespmem:s13+$0x4580] =	vst v0  }
0x35: {  	[tilespmem:s13+$0x4590] =	vst v0  }
0x36: {  	[tilespmem:s13+$0x45A0] =	vst v0  }
0x37: {  	[tilespmem:s13+$0x45B0] =	vst v0  }
0x38: {  	s15 =	simm.s32 $0x100;
	s14 =	simm.s32 $0x80;
	[tilespmem:s13+$0x45C0] =	vst v0  }
0x39: {  	s16 =	sand.u32 $0x1F800, s15;
	s15 =	simm.s32 $0x200;
	s17 =	sand.u32 $0x380, s14;
	[tilespmem:s13+$0x45D0] =	vst v0  }
.LBB2_2:
0x3a: {  	p0 =	seq.s32 s15, $0x13F00;
	[tilespmem:s13+$0x45E0] =	vst v0;
	s13 =	sor.u32 s17, s16  }
0x3b: {  	[tilespmem:s13+$0x45F0] =	vst v0  }
0x3c: {  	[tilespmem:s13+$0x4180] =	vst v0  }
0x3d: {  	[tilespmem:s13+$0x4190] =	vst v0  }
0x3e: {  	[tilespmem:s13+$0x41A0] =	vst v0  }
0x3f: {  	[tilespmem:s13+$0x41B0] =	vst v0  }
0x40: {  	[tilespmem:s13+$0x41C0] =	vst v0  }
0x41: {  	[tilespmem:s13+$0x41D0] =	vst v0  }
0x42: {  	[tilespmem:s13+$0x41E0] =	vst v0  }
0x43: {  	[tilespmem:s13+$0x41F0] =	vst v0  }
0x44: {  	[tilespmem:s13+$0x4580] =	vst v0  }
.Ltmp2:
0x45: {  	[tilespmem:s13+$0x4590] =	vst v0;
	(pc) =	sbr.rel @!p0 .LBB2_2-.Ltmp2, $4  }
0x46: {  	[tilespmem:s13+$0x45A0] =	vst v0  }
0x47: {  	[tilespmem:s13+$0x45B0] =	vst v0  }
0x48: {  	s14 =	sadd.s32 $0x80, s14;
	[tilespmem:s13+$0x45C0] =	vst v0  }
0x49: {  	s16 =	sand.u32 $0x1F800, s15;
	s15 =	sadd.s32 $0x100, s15;
	s17 =	sand.u32 $0x380, s14;
	[tilespmem:s13+$0x45D0] =	vst v0  }
0x4a: {  	v3 =	vnsel vm0, $0xFFFFFFFF, v3  }
0x4b: {  	v3 =	vxor.u32 $0x80000000, v3  }
0x4c: {  	(xrf0) =	vmax.scan.msk.u32 $0xffff, v3;
	_ =	sdelay $0x4  }
0x4d: {  	v2 =	vnsel vm0, $0xFFFFFFFF, v2  }
0x4e: {  	v2 =	vxor.u32 $0x80000000, v2;
	v3, _, _ =	vpop (xrf0)  }
0x4f: {  	(xrf0) =	vmax.scan.msk.u32 $0xffff, v2;
	(v2sf) =	vpush v3, $0xF;
	_ =	sdelay $0x3  }
0x50: {  	s14 =	sor.u32 s17, s16;
	[tilespmem:s13+$0x45E0] =	vst v0  }
0x51: {  	[tilespmem:s14+$0x45F0] =	vst v0  }
0x52: {  	[tilespmem:s14+$0x4180] =	vst v0;
	v2, _, _ =	vpop (xrf0)  }
0x53: {  	[tilespmem:s14+$0x4190] =	vst v0;
	(v2sf) =	vpush v2, $0xF  }
0x54: {  	[tilespmem:s14+$0x41A0] =	vst v0  }
0x55: {  	[tilespmem:s14+$0x41B0] =	vst v0  }
0x56: {  	[tilespmem:s14+$0x41C0] =	vst v0  }
0x57: {  	[tilespmem:s14+$0x41D0] =	vst v0  }
0x58: {  	[tilespmem:s14+$0x41E0] =	vst v0  }
0x59: {  	[tilespmem:s14+$0x41F0] =	vst v0  }
0x5a: {  	[tilespmem:s14+$0x4580] =	vst v0  }
0x5b: {  	[tilespmem:s14+$0x4590] =	vst v0;
	s23 =	spop (v2sf)  }
0x5c: {  	[tilespmem:s14+$0x45A0] =	vst v0;
	s24 =	sxor.u32 $0x80000000, s23  }
0x5d: {  	[tilespmem:s14+$0x45B0] =	vst v0;
	p1 =	sgt.s32 s23, $0xFFFFFFFF;
	s13 =	sand.u32 $0xF, s23;
	p0 =	slt.s32 s24, $0x1  }
0x5e: {  	[tilespmem:s14+$0x45C0] =	vst v0;
	s15 =	sshra.s32 s24, $0x1F;
	p4 =	sne.s32 s13, $0x0;
	p0 =	por p1, p0  }
0x5f: {  	[tilespmem:s14+$0x45D0] =	vst v0;
	s25 =	sshrl.u32 s15, $0x1C;
	p0 =	por !p4, !p0  }
0x60: {  	[tilespmem:s14+$0x45E0] =	vst v0;
	s14 =	simm.s32 $0x1;
	s13 =	sadd.s32 s25, s24;
	p0 =	por !p0, !p0  }
0x61: {  	s13 =	sshrl.u32 s13, $0x4;
	s14 =	simm.s32 @!p0 $0x0  }
0x62: {  	s26 =	spop (v2sf);
	s13 =	ssub.s32 s13, s14  }
0x63: {  	s28 =	sxor.u32 $0x80000000, s26;
	s13 =	sshll.u32 s13, $0x4  }
0x64: {  	s14 =	ssub.s32 s28, s13  }
0x65: {  	s14 =	sadd.s32 $0x3F, s14  }
0x66: {  	s29 =	sand.u32 $0x3F, s14  }
0x67: {  	s30 =	sshra.s32 s14, $0x1F;
	p5 =	slt.s32 s14, $0x1;
	p6 =	sne.s32 s29, $0x0  }
0x68: {  	s31 =	sshrl.u32 s30, $0x1A;
	p0 =	por !p5, !p6  }
0x69: {  	s15 =	simm.s32 $0x1;
	s14 =	sadd.s32 s31, s14;
	p0 =	por !p0, !p0  }
0x6a: {  	s14 =	sshra.s32 s14, $0x6;
	s15 =	simm.s32 @!p0 $0x0  }
0x6b: {  	s14 =	ssub.s32 s14, s15  }
0x6c: {  	v5 =	vimm.f32 $-Inf;
	p0 =	sgt.s32 s14, $0x0  }
.Ltmp3:
0x6d: {  	v4 =	vimm.f32 $-Inf;
	v6 =	vimm.f32 $-Inf;
	v7 =	vimm.f32 $-Inf;
	(pc) =	sbr.rel @p0 .LBB2_4-.Ltmp3, $4  }
.Ltmp4:
0x6e: {  	v8 =	vimm.f32 $-Inf;
	v9 =	vimm.f32 $-Inf;
	v10 =	vimm.f32 $-Inf;
	(pc) =	sbr.rel @!p0 .LBB2_19-.Ltmp4, $4  }
0x6f: {  	v11 =	vimm.f32 $-Inf;
	v12 =	vimm.f32 $-Inf;
	v13 =	vimm.f32 $-Inf  }
0x70: {  	v14 =	vimm.f32 $-Inf;
	v15 =	vimm.f32 $-Inf;
	v16 =	vimm.f32 $-Inf  }
0x71: {  	s16 =	simm.s32 $0x0;
	v17 =	vimm.f32 $-Inf;
	v3 =	vimm.f32 $-Inf;
	v2 =	vimm.f32 $-Inf;
	s17 =	smov.u32 s13;
	s15 =	smov.u32 s4  }
0x72: {  	_ = 	snop  }
.LBB2_16:
0x73: {  	v17 =	vpsel !p0, $0xFF800000, v19  }
0x74: {  	v16 =	vpsel !p0, $0xFF800000, v20;
	v15 =	vpsel !p0, $0xFF800000, v21;
	v14 =	vpsel !p0, $0xFF800000, v22  }
0x75: {  	v13 =	vpsel !p0, $0xFF800000, v23;
	v12 =	vpsel !p0, $0xFF800000, v24;
	v11 =	vpsel !p0, $0xFF800000, v25  }
0x76: {  	v10 =	vpsel !p0, $0xFF800000, v26;
	v9 =	vpsel !p0, $0xFF800000, v27;
	v8 =	vpsel !p0, $0xFF800000, v28  }
0x77: {  	v7 =	vpsel !p0, $0xFF800000, v29;
	v6 =	vpsel !p0, $0xFF800000, v30;
	v4 =	vpsel !p0, $0xFF800000, v31  }
0x78: {  	s15 =	smov.u32 @p0 s19;
	v3 =	vpsel !p0, $0xFF800000, v32;
	v2 =	vpsel !p0, $0xFF800000, v33;
	v5 =	vpsel !p0, $0xFF800000, v18  }
.LBB2_17:
0x79: {  	s16 =	sadd.s32 $0x1, s16  }
0x7a: {  	p0 =	sne.s32 s16, s14  }
.Ltmp5:
0x7b: {  	_ = 	snop;
	(pc) =	sbr.rel @!p0 .LBB2_18-.Ltmp5, $2  }
0x7c: {  	_ =	sdelay $0x2  }
0x7d: {  	s17 =	sadd.s32 $0x40, s17  }
.LBB2_4:
0x7e: {  	s18 =	sshll.u32 s16, $0x6  }
0x7f: {  	s29 =	ssub.s32 s15, s4;
	s18 =	sadd.s32 s13, s18  }
0x80: {  	s22 =	simm.s32 $0x1;
	s20 =	sshra.s32 s29, $0x1F;
	p0 =	slt.s32 s18, $0x270C0  }
0x81: {  	s21 =	sshrl.u32 s20, $0x1C;
	s18 =	simm.s32 @!p0 $0x270C0;
	p0 =	sne.s32 s15, s4  }
0x82: {  	s21 =	sadd.s32 s21, s29;
	s19 =	sshll.u32 s18, $0x5;
	s22 =	simm.s32 @!p0 $0x0  }
0x83: {  	s30 =	sand.u32 $0xFFFFFFF0, s21;
	s19 =	sadd.s32 s1, s19;
	s20 =	sor.u32 s22, s20  }
0x84: {  	[tilespmem:s3], [sflag:$0x1] =	stream.linear.gather [hbm4b:s19+s3], $0x4000, $0x38;
	[tilespmem:$0x18180] =	vst v63  }
0x85: {  	p1 =	sne.s32 s29, s30;
	p6 =	sne.s32 s20, $0x1  }
0x86: {  	p0 =	por !p1, !p6  }
0x87: {  	s20 =	simm.s32 $0x1;
	p0 =	por !p0, !p0  }
0x88: {  	s21 =	sshrl.u32 s21, $0x4;
	s20 =	simm.s32 @!p0 $0x0  }
0x89: {  	_ =	swait.ge [sflag:s10], $0x4000;
	s20 =	ssub.s32 s21, s20  }
0x8a: {  	[sflag:s10] =	ssyncset.done $0x0;
	s20 =	sshll.u32 s20, $0x6  }
0x8b: {  	[sflag:s10] =	ssyncadd.s32 $0xFFFFC000;
	s20 =	sshra.s32 s20, $0x2  }
0x8c: {  	v18 =	vld [tilespmem:s20+$0x4000];
	_ =	sdelay $0x2  }
0x8d: {  	s19 =	sand.u32 $0xF, s29  }
0x8e: {  	v19 =	vmov s19  }
0x8f: {  	vm1 =	veq.s32 v19, v1;
	v18 =	vxor.u32 $0x80000000, v18  }
0x90: {  	v18 =	vnsel vm1, $0x7FFFFFFF, v18  }
0x91: {  	(xrf0) =	vmax.scan.msk.u32 $0xffff, v18;
	_ =	sdelay $0x5  }
0x92: {  	v18, _, _ =	vpop (xrf0)  }
0x93: {  	(v2sf) =	vpush v18, $0xF;
	_ =	sdelay $0xe  }
0x94: {  	s31 =	spop (v2sf)  }
0x95: {  	s19 =	sxor.u32 $0x80000000, s31  }
0x96: {  	p0 =	sge.s32 s15, s6;
	s23 =	ssub.s32 s19, s18  }
0x97: {  	p1 =	sgt.s32 @!p0 s23, $0x3F  }
0x98: {  	p1 =	por p0, p1  }
.Ltmp6:
0x99: {  	_ = 	snop;
	(pc) =	sbr.rel @p1 .LBB2_5-.Ltmp6, $1  }
0x9a: {  	_ =	sdelay $0x3  }
.Ltmp7:
0x9b: {  	(pc) =	sbr.rel .LBB2_7-.Ltmp7, $4  }
0x9c: {  	_ = 	snop  }
0x9d: {  	p0 =	slt.s32 s17, $0x270C0;
	s19 =	smov.u32 s17  }
0x9e: {  	s19 =	simm.s32 @!p0 $0x270C0;
	p0 =	sgt.s32 s23, $0x0  }
0x9f: {  	s23 =	simm.s32 @!p0 $0x0;
	s20 =	ssub.s32 $0x80000000, s19  }
.LBB2_8:
0xa0: {  	v19 =	vmov v17  }
0xa1: {  	v20 =	vmovc v16;
	v21 =	vmovc v15;
	v22 =	vmov v14;
	v23 =	vmov v13;
	v24 =	vmov v12  }
0xa2: {  	v25 =	vmovc v11;
	v26 =	vmovc v10;
	v27 =	vmov v9;
	v28 =	vmov v8;
	v29 =	vmov v7  }
0xa3: {  	v30 =	vmovc v6;
	v31 =	vmovc v4;
	v32 =	vmov v3;
	v33 =	vmov v2;
	v18 =	vmov v5  }
.LBB2_15:
0xa4: {  	p0 =	sgt.s32 s22, $0x3F  }
0xa5: {  	s22 =	ssub.s32 @!p0 s19, s4  }
0xa6: {  	s23 =	sshll.u32 @!p0 s19, $0x7;
	s22 =	sshll.u32 @!p0 s22, $0x8  }
0xa7: {  	s23 =	sand.u32 @!p0 $0x380, s23;
	s22 =	sand.u32 @!p0 $0xFFFFF800, s22  }
0xa8: {  	s22 =	sor.u32 @!p0 s23, s22  }
0xa9: {  	[tilespmem:s22+$0x4180] =	vst @!p0 v19  }
0xaa: {  	[tilespmem:s22+$0x4190] =	vst @!p0 v20  }
0xab: {  	[tilespmem:s22+$0x41A0] =	vst @!p0 v21  }
0xac: {  	[tilespmem:s22+$0x41B0] =	vst @!p0 v22  }
0xad: {  	[tilespmem:s22+$0x41C0] =	vst @!p0 v23  }
0xae: {  	[tilespmem:s22+$0x41D0] =	vst @!p0 v24  }
0xaf: {  	[tilespmem:s22+$0x41E0] =	vst @!p0 v25  }
0xb0: {  	[tilespmem:s22+$0x41F0] =	vst @!p0 v26  }
0xb1: {  	[tilespmem:s22+$0x4580] =	vst @!p0 v27  }
0xb2: {  	p1 =	slt.s32 @!p0 s15, s6;
	[tilespmem:s22+$0x4590] =	vst @!p0 v28  }
0xb3: {  	v5 =	vimm.f32 @!p0 $-Inf;
	p1 =	por p0, !p1;
	[tilespmem:s22+$0x45A0] =	vst @!p0 v29  }
.Ltmp8:
0xb4: {  	v2 =	vimm.f32 @!p0 $-Inf;
	v3 =	vimm.f32 @!p0 $-Inf;
	v4 =	vimm.f32 @!p0 $-Inf;
	[tilespmem:s22+$0x45B0] =	vst @!p0 v30;
	(pc) =	sbr.rel @p1 .LBB2_16-.Ltmp8, $4  }
0xb5: {  	v6 =	vimm.f32 @!p0 $-Inf;
	v7 =	vimm.f32 @!p0 $-Inf;
	v8 =	vimm.f32 @!p0 $-Inf;
	[tilespmem:s22+$0x45C0] =	vst @!p0 v31  }
0xb6: {  	v9 =	vimm.f32 @!p0 $-Inf;
	v10 =	vimm.f32 @!p0 $-Inf;
	v11 =	vimm.f32 @!p0 $-Inf;
	[tilespmem:s22+$0x45D0] =	vst @!p0 v32  }
0xb7: {  	v12 =	vimm.f32 @!p0 $-Inf;
	v13 =	vimm.f32 @!p0 $-Inf;
	v14 =	vimm.f32 @!p0 $-Inf;
	[tilespmem:s22+$0x45E0] =	vst @!p0 v33  }
0xb8: {  	v15 =	vimm.f32 @!p0 $-Inf;
	v16 =	vimm.f32 @!p0 $-Inf;
	v17 =	vimm.f32 @!p0 $-Inf;
	s23 =	smov.u32 s21;
	[tilespmem:s22+$0x45F0] =	vst @!p0 v18  }
.LBB2_7:
0xb9: {  	s19 =	smov.u32 s15;
	s15 =	sadd.s32 $0x1, s15  }
0xba: {  	s21 =	ssub.s32 s15, s4  }
0xbb: {  	s22 =	sshra.s32 s21, $0x1F  }
0xbc: {  	s25 =	simm.s32 $0x1;
	p0 =	sne.s32 s15, s4;
	s24 =	sshrl.u32 s22, $0x1C  }
0xbd: {  	s25 =	simm.s32 @!p0 $0x0;
	s24 =	sadd.s32 s24, s21  }
0xbe: {  	s22 =	sor.u32 s25, s22;
	s30 =	sand.u32 $0xFFFFFFF0, s24  }
0xbf: {  	p6 =	sne.s32 s22, $0x1;
	p1 =	sne.s32 s21, s30  }
0xc0: {  	p0 =	por !p1, !p6  }
0xc1: {  	s22 =	simm.s32 $0x1;
	p0 =	por !p0, !p0  }
0xc2: {  	s24 =	sshrl.u32 s24, $0x4;
	s22 =	simm.s32 @!p0 $0x0  }
0xc3: {  	s22 =	ssub.s32 s24, s22  }
0xc4: {  	s22 =	sshll.u32 s22, $0x6  }
0xc5: {  	s22 =	sshra.s32 s22, $0x2  }
0xc6: {  	v18 =	vld [tilespmem:s22+$0x4000];
	_ =	sdelay $0x2  }
0xc7: {  	s21 =	sand.u32 $0xF, s21  }
0xc8: {  	v19 =	vmov s21  }
0xc9: {  	vm1 =	veq.s32 v19, v1;
	v18 =	vxor.u32 $0x80000000, v18  }
0xca: {  	v18 =	vnsel vm1, $0x7FFFFFFF, v18  }
0xcb: {  	(xrf0) =	vmax.scan.msk.u32 $0xffff, v18;
	_ =	sdelay $0x5  }
0xcc: {  	v18, _, _ =	vpop (xrf0)  }
0xcd: {  	(v2sf) =	vpush v18, $0xF;
	_ =	sdelay $0xe  }
0xce: {  	s24 =	spop (v2sf)  }
0xcf: {  	s31 =	sxor.u32 $0x80000000, s24  }
0xd0: {  	s22 =	ssub.s32 s31, s18  }
0xd1: {  	p0 =	sgt.s32 s22, $0x0;
	s21 =	smov.u32 s22  }
0xd2: {  	s21 =	simm.s32 @!p0 $0x0  }
0xd3: {  	s21 =	smin.u32 s21, $0x40  }
0xd4: {  	p0 =	sge.u32 s23, s21  }
.Ltmp9:
0xd5: {  	_ = 	snop;
	(pc) =	sbr.rel @p0 .LBB2_8-.Ltmp9, $1  }
0xd6: {  	_ =	sdelay $0x3  }
0xd7: {  	s24 =	sadd.s32 s24, s20  }
0xd8: {  	p0 =	sgt.s32 s24, $0x0  }
0xd9: {  	s24 =	simm.s32 @!p0 $0x0  }
0xda: {  	s24 =	smin.u32 s24, $0x40  }
0xdb: {  	s26 =	ssub.s32 s24, s23  }
0xdc: {  	p1 =	sne.s32 s26, $0x1  }
.Ltmp10:
0xdd: {  	_ = 	snop;
	(pc) =	sbr.rel @!p1 .LBB2_10-.Ltmp10, $4  }
0xde: {  	_ = 	snop  }
0xdf: {  	s25 =	sshll.u32 s23, $0x7  }
0xe0: {  	s29 =	sand.u32 $0x380, s25;
	s24 =	sshll.u32 s23, $0x8  }
0xe1: {  	p0 =	por $0x0, $0x0;
	s28 =	sand.u32 $0x7FFFF800, s24;
	s26 =	sadd.s32 $0xFFFFFFFF, s26  }
0xe2: {  	s23 =	sor.u32 s29, s28  }
0xe3: {  	v18 =	vld [tilespmem:s23+$0x470]  }
0xe4: {  	v19 =	vld [tilespmem:s23+$0x0]  }
0xe5: {  	v20 =	vld [tilespmem:s23+$0x10]  }
0xe6: {  	v21 =	vld [tilespmem:s23+$0x20]  }
0xe7: {  	v22 =	vld [tilespmem:s23+$0x30]  }
0xe8: {  	v25 =	vld [tilespmem:s23+$0x40]  }
0xe9: {  	v27 =	vld [tilespmem:s23+$0x50]  }
0xea: {  	v28 =	vld [tilespmem:s23+$0x60]  }
0xeb: {  	v29 =	vld [tilespmem:s23+$0x70]  }
0xec: {  	v30 =	vld [tilespmem:s23+$0x400]  }
0xed: {  	p1 =	sne.s32 s26, $0x1  }
.Ltmp11:
0xee: {  	v23 =	vld [tilespmem:s23+$0x410];
	v5 =	vmax.f32 v5, v18;
	(pc) =	sbr.rel @!p1 .LBB2_12-.Ltmp11, $4  }
0xef: {  	v24 =	vld [tilespmem:s23+$0x420];
	v17 =	vmax.f32 v17, v19;
	v16 =	vmax.f32 v16, v20;
	v15 =	vmax.f32 v15, v21  }
0xf0: {  	v26 =	vld [tilespmem:s23+$0x430];
	v14 =	vmax.f32 v14, v22;
	v13 =	vmax.f32 v13, v25;
	v12 =	vmax.f32 v12, v27  }
0xf1: {  	s24 =	sadd.s32 $0x100, s24;
	s25 =	sadd.s32 $0x80, s25;
	s26 =	sadd.s32 $0xFFFFFFFF, s26;
	v27 =	vld [tilespmem:s23+$0x440];
	v11 =	vmax.f32 v11, v28;
	v10 =	vmax.f32 v10, v29;
	v9 =	vmax.f32 v9, v30;
	v18 =	vmovc v8  }
0xf2: {  	p0 =	por $0x1, $0x1;
	s28 =	sand.u32 $0x7FFFF800, s24;
	s29 =	sand.u32 $0x380, s25;
	v28 =	vld [tilespmem:s23+$0x450];
	v19 =	vmovc v7;
	v20 =	vmovc v6;
	v21 =	vmov v4;
	v22 =	vmov v3;
	v25 =	vmov v2  }
.LBB2_13:
0xf3: {  	p1 =	sne.s32 s26, $0x1;
	v18 =	vmax.f32 v18, v23;
	v23 =	vld [tilespmem:s23+$0x460];
	s23 =	sor.u32 s29, s28  }
0xf4: {  	v29 =	vld [tilespmem:s23+$0x470];
	v19 =	vmax.f32 v19, v24  }
0xf5: {  	v24 =	vld [tilespmem:s23+$0x0];
	v20 =	vmax.f32 v20, v26  }
0xf6: {  	v26 =	vld [tilespmem:s23+$0x10];
	v21 =	vmax.f32 v21, v27  }
0xf7: {  	v27 =	vld [tilespmem:s23+$0x20];
	v22 =	vmax.f32 v22, v28  }
0xf8: {  	v28 =	vld [tilespmem:s23+$0x30];
	v25 =	vmax.f32 v25, v23  }
0xf9: {  	v23 =	vld [tilespmem:s23+$0x40];
	v5 =	vmax.f32 v5, v29  }
0xfa: {  	v17 =	vmax.f32 v17, v24;
	v24 =	vld [tilespmem:s23+$0x50]  }
0xfb: {  	v16 =	vmax.f32 v16, v26;
	v26 =	vld [tilespmem:s23+$0x60]  }
0xfc: {  	v15 =	vmax.f32 v15, v27;
	v27 =	vld [tilespmem:s23+$0x70]  }
0xfd: {  	v14 =	vmax.f32 v14, v28;
	v28 =	vld [tilespmem:s23+$0x400]  }
.Ltmp12:
0xfe: {  	v13 =	vmax.f32 v13, v23;
	v23 =	vld [tilespmem:s23+$0x410];
	(pc) =	sbr.rel @p1 .LBB2_13-.Ltmp12, $4  }
0xff: {  	v12 =	vmax.f32 v12, v24;
	v24 =	vld [tilespmem:s23+$0x420]  }
0x100: {  	v11 =	vmax.f32 v11, v26;
	v26 =	vld [tilespmem:s23+$0x430]  }
0x101: {  	s25 =	sadd.s32 $0x80, s25;
	s24 =	sadd.s32 $0x100, s24;
	v10 =	vmax.f32 v10, v27;
	v27 =	vld [tilespmem:s23+$0x440]  }
0x102: {  	s26 =	sadd.s32 $0xFFFFFFFF, s26;
	s28 =	sand.u32 $0x7FFFF800, s24;
	s29 =	sand.u32 $0x380, s25;
	v9 =	vmax.f32 v9, v28;
	v28 =	vld [tilespmem:s23+$0x450]  }
.LBB2_14:
0x103: {  	s24 =	sor.u32 s29, s28;
	v29 =	vld @p0 [tilespmem:s23+$0x460]  }
0x104: {  	v30 =	vld [tilespmem:s24+$0x470]  }
0x105: {  	v31 =	vld [tilespmem:s24+$0x0]  }
0x106: {  	v32 =	vld [tilespmem:s24+$0x10]  }
0x107: {  	v33 =	vld [tilespmem:s24+$0x20]  }
0x108: {  	v34 =	vld [tilespmem:s24+$0x30]  }
0x109: {  	v35 =	vld [tilespmem:s24+$0x40]  }
0x10a: {  	v36 =	vld [tilespmem:s24+$0x50]  }
0x10b: {  	v37 =	vld [tilespmem:s24+$0x60]  }
0x10c: {  	v38 =	vld [tilespmem:s24+$0x70]  }
0x10d: {  	v39 =	vld [tilespmem:s24+$0x400]  }
0x10e: {  	v40 =	vld [tilespmem:s24+$0x410]  }
0x10f: {  	v41 =	vmax.f32 @p0 v18, v23;
	v42 =	vld [tilespmem:s24+$0x420]  }
0x110: {  	v43 =	vmax.f32 @p0 v19, v24;
	v46 =	vld [tilespmem:s24+$0x430];
	v8 =	vpsel p0, v41, v8;
	v44 =	vmax.f32 @p0 v20, v26  }
0x111: {  	v61 =	vld [tilespmem:s24+$0x440];
	v7 =	vpsel p0, v43, v7;
	v45 =	vmax.f32 @p0 v21, v27;
	v6 =	vpsel p0, v44, v6  }
0x112: {  	v62 =	vld [tilespmem:s24+$0x450];
	v28 =	vmax.f32 @p0 v22, v28;
	v4 =	vpsel p0, v45, v4;
	v29 =	vmax.f32 @p0 v25, v29  }
0x113: {  	v63 =	vld [tilespmem:s24+$0x460];
	v3 =	vpsel p0, v28, v3;
	v18 =	vmax.f32 v5, v30;
	v19 =	vmax.f32 v17, v31  }
.Ltmp13:
0x114: {  	v20 =	vmax.f32 v16, v32;
	v21 =	vmax.f32 v15, v33;
	v22 =	vmax.f32 v14, v34;
	(pc) =	sbr.rel .LBB2_15-.Ltmp13, $4  }
0x115: {  	v23 =	vmax.f32 v13, v35;
	v24 =	vmax.f32 v12, v36;
	v25 =	vmax.f32 v11, v37  }
0x116: {  	v26 =	vmax.f32 v10, v38;
	v27 =	vmax.f32 v9, v39;
	v2 =	vpsel p0, v29, v2  }
0x117: {  	v28 =	vmax.f32 v8, v40;
	v29 =	vmax.f32 v7, v42;
	v30 =	vmax.f32 v6, v46  }
0x118: {  	v31 =	vmax.f32 v4, v61;
	v32 =	vmax.f32 v3, v62;
	v33 =	vmax.f32 v2, v63  }
.LBB2_10:
.Ltmp14:
0x119: {  	(pc) =	sbr.rel .LBB2_14-.Ltmp14, $3  }
0x11a: {  	_ =	sdelay $0x1  }
0x11b: {  	v18 =	vmov v8  }
0x11c: {  	v19 =	vmovc v7;
	v20 =	vmovc v6;
	v21 =	vmov v4;
	v22 =	vmov v3;
	v25 =	vmov v2  }
.LBB2_12:
.Ltmp15:
0x11d: {  	(pc) =	sbr.rel .LBB2_14-.Ltmp15, $3  }
0x11e: {  	_ =	sdelay $0x1  }
0x11f: {  	v18 =	vmov v8  }
0x120: {  	v19 =	vmovc v7;
	v20 =	vmovc v6;
	v21 =	vmov v4;
	v22 =	vmov v3;
	v25 =	vmov v2  }
.LBB2_5:
0x121: {  	v17 =	vpsel p0, v17, v17  }
.Ltmp16:
0x122: {  	v16 =	vpsel p0, v16, v16;
	v15 =	vpsel p0, v15, v15;
	v14 =	vpsel p0, v14, v14;
	(pc) =	sbr.rel .LBB2_17-.Ltmp16, $4  }
0x123: {  	v13 =	vpsel p0, v13, v13;
	v12 =	vpsel p0, v12, v12;
	v11 =	vpsel p0, v11, v11  }
0x124: {  	v10 =	vpsel p0, v10, v10;
	v9 =	vpsel p0, v9, v9;
	v8 =	vpsel p0, v8, v8  }
0x125: {  	v7 =	vpsel p0, v7, v7;
	v6 =	vpsel p0, v6, v6;
	v4 =	vpsel p0, v4, v4  }
0x126: {  	s15 =	smov.u32 @p0 s15;
	v3 =	vpsel p0, v3, v3;
	v2 =	vpsel p0, v2, v2;
	v5 =	vpsel p0, v5, v5  }
.LBB2_18:
0x127: {  	p0 =	sge.s32 s15, s6  }
.Ltmp17:
0x128: {  	_ = 	snop;
	(pc) =	sbr.rel @p0 .LBB2_20-.Ltmp17, $4  }
.Ltmp18:
0x129: {  	_ = 	snop;
	(pc) =	sbr.rel @!p0 .LBB2_19-.Ltmp18, $4  }
0x12a: {  	_ = 	snop  }
0x12b: {  	_ = 	snop  }
0x12c: {  	_ = 	snop  }
0x12d: {  	_ = 	snop  }
.LBB2_21:
0x12e: {  	_ =	sfence.sel $0x180000  }
0x12f: {  	[bflag:$0x0] =	sbarrier.arrive $0xFFFF  }
0x130: {  	p0 =	sne.s32 s0, $0x0;
	_ =	strace $0x90000047  }
0x131: {  	s0 =	sadd.s32 @!p0 $0x100000, s2;
	[bflag:$0x2] =	sbarrier.arrive $0xFFFF  }
0x132: {  	[sflag:s0] =	ssyncadd.tile.s32 @!p0 $0x1;
	_ =	shalt  }
.Lfunc_end2:
_tile_overlayer_lowered:
.L_overlay_start_2:
0x133: {  	(tag) =	ssettag $0x2  }
0x134: {  	s0 =	rddreg [dreg:$0x0];
	s2 =	stileid.u32  }
0x135: {  	s1 =	rddreg [dreg:$0x1];
	p0 =	sne.s32 s2, $0x0  }
0x136: {  	s3 =	rddreg [dreg:$0x2];
	[bflag:$0x3] =	sbarrier.arrive $0xFFFF;
	s2 =	simm.s32 @!p0 $0x1C01  }
0x137: {  	[timem:s3], [sflag:s2] =	dma.local @!p0 [hbm:s0], s1  }
0x138: {  	s0 =	simm.s32 @!p0 $0x1  }
0x139: {  	_ =	swait.ge @!p0 [sflag:s0], s1  }
0x13a: {  	s1 =	ssub.s32 @!p0 $0x0, s1;
	[sflag:s0] =	ssyncset.done @!p0 $0x0  }
0x13b: {  	[sflag:s0] =	ssyncadd.s32 @!p0 s1  }
0x13c: {  	[bflag:$0x3] =	sbarrier.arrive $0xFFFF  }
0x13d: {  	_ =	shalt  }

// kernel: kernel.8.cloned.1.call-start
scs
__scs_entry_jumppad:
0x0: {  	(pc) =	sbr.rel $0x88, $3  }
0x1: {  	(tag) =	ssettag $0x0;
	lr =	simm.s32 $0x1  }
0x2: {  	[smem:$0x3F91] =	sst lr;
	_ =	strace $0xD0000000  }
0x3: {  	_ = 	snop  }
0x4: {  	_ = 	snop  }
0x5: {  	_ = 	snop  }
0x6: {  	_ = 	snop  }
0x7: {  	_ = 	snop  }
__scs_overlays_trampoline_lowered:
0x8: {  	[smem:$0x3FA0] =	sst s0  }
0x9: {  	[smem:$0x3FA1] =	sst s1  }
0xa: {  	[smem:$0x3FA2] =	sst s2  }
0xb: {  	[smem:$0x3FA3] =	sst s3  }
0xc: {  	[smem:$0x3FA4] =	sst s4  }
0xd: {  	[smem:$0x3FA5] =	sst s5  }
0xe: {  	[smem:$0x3FA6] =	sst s6  }
0xf: {  	[smem:$0x3FA7] =	sst s7  }
0x10: {  	[smem:$0x3FA8] =	sst s8  }
0x11: {  	[smem:$0x3FA9] =	sst s9;
	s0 =	simm.s32 @!p0 $0x0  }
0x12: {  	s1 =	sld [smem:$0x3F8F];
	s0 =	simm.s32 @p0 $0x1  }
0x13: {  	[smem:$0x3FAA] =	sst s0;
	s0 =	simm.s32 @!p1 $0x0  }
0x14: {  	s2 =	sld [smem:$0x3F8E];
	s0 =	simm.s32 @p1 $0x1  }
0x15: {  	[smem:$0x3FAB] =	sst s0;
	s0 =	simm.s32 @!p2 $0x0  }
0x16: {  	s3 =	sld [smem:$0x3FDB];
	s0 =	simm.s32 @p2 $0x1  }
0x17: {  	s4 =	simm.s32 $0x1BF5;
	[smem:$0x3FAD] =	sst s0  }
0x18: {  	s0 =	sld [smem:$0x3F90];
	_ =	swait.ge [sflag:s4], $0x0  }
0x19: {  	s7 =	sld [smem:$0x3F91]  }
0x1a: {  	s8 =	sadd.s32 $0xFFFFE003, lr  }
0x1b: {  	s9 =	sadd.s32 $0xFFFFFEF7, lr;
	s5 =	simm.s32 $0xFFFFFFFF;
	p2 =	slt.u32 s8, $0xFFFFF086  }
0x1c: {  	p1 =	slt.u32 s9, $0xF7A;
	s5 =	simm.s32 @!p2 $0x0  }
0x1d: {  	s5 =	simm.s32 @p1 $0x1;
	p0 =	seq.s32 s7, s2  }
0x1e: {  	s7 =	smul.u32 @!p0 $0xF7A, s2;
	p2 =	seq.s32 @!p0 s5, $0x0  }
0x1f: {  	s9 =	smul.u32 $0xF7A, s1;
	s8 =	simm.s32 @!p0 $0x1BF5;
	p2 =	por !p2, p0  }
0x20: {  	[sflag:s8] =	ssyncset.s32 @!p0 $0xFFFFF086;
	s6 =	sadd.s32 @!p0 s3, s7;
	s7 =	simm.s32 @!p0 $0x108  }
0x21: {  	s3 =	sadd.s32 s3, s9;
	s6 =	sadd.s32 @!p0 $0x88, s6;
	s7 =	simm.s32 @p2 $0x1082  }
0x22: {  	[simem:s7], [sflag:s8] =	dma.local @!p0 [hbm:s6], $0xF7A  }
0x23: {  	s9 =	sor.u32 $0xD0000000, s2;
	s6 =	simm.s32 $0x108;
	_ =	swait.ge @!p0 [sflag:s8], $0x0  }
0x24: {  	s3 =	sadd.s32 $0x88, s3;
	s6 =	simm.s32 @!p1 $0x1082;
	[sflag:s4] =	ssyncset.s32 $0xFFFFF086  }
0x25: {  	[simem:s6], [sflag:s4] =	dma.local [hbm:s3], $0xF7A  }
0x26: {  	[smem:$0x3F91] =	sst s1;
	(tag) =	ssettag s2;
	_ =	strace s9  }
0x27: {  	s1 =	sld [smem:$0x3FA1]  }
0x28: {  	s2 =	sld [smem:$0x3FA2]  }
0x29: {  	s4 =	sld [smem:$0x3FA4]  }
0x2a: {  	p0 =	seq.s32 s5, $0x0;
	s5 =	sld [smem:$0x3FA5]  }
0x2b: {  	s6 =	sld [smem:$0x3FA6]  }
0x2c: {  	s7 =	sld [smem:$0x3FA7]  }
0x2d: {  	s3 =	simm.s32 $0x108;
	s8 =	sld [smem:$0x3FA8]  }
0x2e: {  	s3 =	simm.s32 @!p0 $0x1082;
	s9 =	sld [smem:$0x3FA9]  }
0x2f: {  	lr =	sadd.s32 s0, s3;
	s0 =	sld [smem:$0x3FA0]  }
0x30: {  	s3 =	sld [smem:$0x3FA3]  }
0x31: {  	[smem:$0x3FAC] =	sst s10  }
0x32: {  	s10 =	sld [smem:$0x3FAA];
	_ =	sdelay $0x3  }
0x33: {  	p0 =	seq.s32 s10, $0x1;
	s10 =	sld [smem:$0x3FAC];
	_ =	sdelay $0x3  }
0x34: {  	[smem:$0x3FAC] =	sst s10  }
0x35: {  	s10 =	sld [smem:$0x3FAB];
	_ =	sdelay $0x3  }
0x36: {  	p1 =	seq.s32 s10, $0x1;
	s10 =	sld [smem:$0x3FAC];
	_ =	sdelay $0x3  }
0x37: {  	[smem:$0x3FAC] =	sst s10  }
0x38: {  	s10 =	sld [smem:$0x3FAD]  }
0x39: {  	_ = 	snop;
	(pc) =	sbr.ind lr, $3  }
0x3a: {  	_ = 	snop  }
0x3b: {  	_ = 	snop  }
0x3c: {  	p2 =	seq.s32 s10, $0x1;
	s10 =	sld [smem:$0x3FAC]  }
0x3d: {  	_ =	shalt  }
0x3e: {  	_ =	shalt  }
0x3f: {  	_ =	shalt  }
0x40: {  	_ =	shalt  }
0x41: {  	_ =	shalt  }
0x42: {  	_ =	shalt  }
0x43: {  	_ =	shalt  }
0x44: {  	_ =	shalt  }
0x45: {  	_ =	shalt  }
0x46: {  	_ =	shalt  }
0x47: {  	_ =	shalt  }
0x48: {  	_ =	shalt  }
0x49: {  	_ =	shalt  }
0x4a: {  	_ =	shalt  }
0x4b: {  	_ =	shalt  }
0x4c: {  	_ =	shalt  }
0x4d: {  	_ =	shalt  }
0x4e: {  	_ =	shalt  }
0x4f: {  	_ =	shalt  }
0x50: {  	_ =	shalt  }
0x51: {  	_ =	shalt  }
0x52: {  	_ =	shalt  }
0x53: {  	_ =	shalt  }
0x54: {  	_ =	shalt  }
0x55: {  	_ =	shalt  }
0x56: {  	_ =	shalt  }
0x57: {  	_ =	shalt  }
0x58: {  	_ =	shalt  }
0x59: {  	_ =	shalt  }
0x5a: {  	_ =	shalt  }
0x5b: {  	_ =	shalt  }
0x5c: {  	_ =	shalt  }
0x5d: {  	_ =	shalt  }
0x5e: {  	_ =	shalt  }
0x5f: {  	_ =	shalt  }
0x60: {  	_ =	shalt  }
0x61: {  	_ =	shalt  }
0x62: {  	_ =	shalt  }
0x63: {  	_ =	shalt  }
0x64: {  	_ =	shalt  }
0x65: {  	_ =	shalt  }
0x66: {  	_ =	shalt  }
0x67: {  	_ =	shalt  }
0x68: {  	_ =	shalt  }
0x69: {  	_ =	shalt  }
0x6a: {  	_ =	shalt  }
0x6b: {  	_ =	shalt  }
0x6c: {  	_ =	shalt  }
0x6d: {  	_ =	shalt  }
0x6e: {  	_ =	shalt  }
0x6f: {  	_ =	shalt  }
0x70: {  	_ =	shalt  }
0x71: {  	_ =	shalt  }
0x72: {  	_ =	shalt  }
0x73: {  	_ =	shalt  }
0x74: {  	_ =	shalt  }
0x75: {  	_ =	shalt  }
0x76: {  	_ =	shalt  }
0x77: {  	_ =	shalt  }
0x78: {  	_ =	shalt  }
0x79: {  	_ =	shalt  }
0x7a: {  	_ =	shalt  }
0x7b: {  	_ =	shalt  }
0x7c: {  	_ =	shalt  }
0x7d: {  	_ =	shalt  }
0x7e: {  	_ =	shalt  }
0x7f: {  	_ =	shalt  }
0x80: {  	_ =	shalt  }
0x81: {  	_ =	shalt  }
0x82: {  	_ =	shalt  }
0x83: {  	_ =	shalt  }
0x84: {  	_ =	shalt  }
0x85: {  	_ =	shalt  }
0x86: {  	_ =	shalt  }
0x87: {  	_ =	shalt  }
.Lfunc_end0:
.L_simem_size_0:
called_computation.2_lowered:
.L_overlay_start_0:
0x88: {  	s2 =	sld [smem:$0x3FD9]  }
0x89: {  	s3 =	sld [smem:$0x3FFE];
	_ =	sdelay $0x1  }
0x8a: {  	s1 =	srdreg.scid  }
0x8b: {  	s0 =	sand.u32 $0x1, s1  }
0x8c: {  	s14 =	sshll.u32 s0, $0xA;
	s2 =	sadd.s32 s3, s2  }
0x8d: {  	s2 =	sadd.s32 s2, s14  }
0x8e: {  	[smem:$0x3FB8] =	sst s2  }
0x8f: {  	_ = 	snop  }
0x90: {  	s2 =	sld [smem:$0x3FD0];
	_ =	sdelay $0x2  }
0x91: {  	s15 =	simm.s32 $0xA;
	s4 =	simm.s32 $0x10  }
0x92: {  	[smem:s4], [sflag:s15] =	dma.local [hbm:s2], $0x1  }
0x93: {  	_ =	swait.eq [sflag:s15], $0x1  }
0x94: {  	[sflag:s15] =	ssyncset.done $0x0  }
0x95: {  	s16 =	sld [smem:$0x11];
	[sflag:s15] =	ssyncadd.s32 $0xFFFFFFFF  }
0x96: {  	s17 =	sld [smem:$0x14];
	(tm) =	ssettm $0x1  }
0x97: {  	s18 =	sld [smem:$0x3FFB];
	_ =	sdelay $0x3  }
0x98: {  	_ =	strace s18  }
0x99: {  	s4 =	sld [smem:$0x3FFC];
	_ =	sdelay $0x3  }
0x9a: {  	_ =	strace s4  }
0x9b: {  	s4 =	sld [smem:$0x3FFD];
	_ =	sdelay $0x3  }
0x9c: {  	_ =	strace s4  }
0x9d: {  	_ =	strace $0x8FFFFFFF  }
0x9e: {  	s19 =	sld [smem:$0x3FDB];
	_ =	sdelay $0x1  }
0x9f: {  	s5 =	simm.s32 $_scs_section_size  }
0xa0: {  	s6 =	simm.s32 $_size__tile_overlayer_lowered;
	s7 =	simm.s32 $_tile_overlayer_lowered  }
0xa1: {  	s22 =	simm.s32 $0x1BFF;
	s21 =	sshll.u32 s7, $0x1;
	s4 =	sadd.s32 s5, s19  }
0xa2: {  	s8 =	simm.s32 $0x0;
	s20 =	sshll.u32 s6, $0x1;
	s6 =	sadd.s32 s21, s4  }
0xa3: {  	[timem:s8], [sflag:s22] =	dma.local [hbm:s6], s20  }
0xa4: {  	_ =	swait.ge [sflag:s22], s20  }
0xa5: {  	s5 =	ssub.s32 $0x0, s20;
	[sflag:s22] =	ssyncset.done $0x0  }
0xa6: {  	[sflag:s22] =	ssyncadd.s32 s5;
	_ =	sdelay $0x1  }
0xa7: {  	s23 =	simm.s32 $0x1B8B  }
0xa8: {  	_ =	swait.ge [sflag:s23], $0x1  }
0xa9: {  	[sflag:s23] =	ssyncset.done $0x0  }
0xaa: {  	s25 =	simm.s32 $0x1B8E;
	s24 =	sld [smem:$0x3FFE];
	[sflag:s23] =	ssyncadd.s32 $0xFFFFFFFF  }
0xab: {  	s26 =	simm.s32 $execute0_lowered;
	[smem:$0x3FD2] =	sst s25  }
0xac: {  	s6 =	sshll.u32 s26, $0x1;
	_ =	strace $0x80000049;
	[dreg:$0x1] =	wrdreg $0xFFFFFFFF  }
0xad: {  	s28 =	simm.s32 $_size_execute0_lowered;
	s4 =	sadd.s32 s4, s6;
	[dreg:$0x0] =	wrdreg $0x0  }
0xae: {  	s6 =	sshll.u32 s28, $0x1;
	[dreg:$0x2] =	wrdreg s4  }
0xaf: {  	[dreg:$0x3] =	wrdreg s6  }
0xb0: {  	[dreg:$0x4] =	wrdreg $0xC0  }
0xb1: {  	_ =	task [dreg:s8], $0x5FFFF  }
0xb2: {  	[dreg:$0x1] =	wrdreg $0xFFFFFFFF  }
0xb3: {  	[dreg:$0x0] =	wrdreg $0x60  }
0xb4: {  	[dreg:$0x2] =	wrdreg s24  }
0xb5: {  	[dreg:$0x3] =	wrdreg s17  }
0xb6: {  	[dreg:$0x4] =	wrdreg s16  }
0xb7: {  	[dreg:$0x5] =	wrdreg $0x9  }
0xb8: {  	_ =	task.clear_ibuf [dreg:s8], $0x6FFFF;
	_ =	strace $0x90000049  }
0xb9: {  	s29 =	simm.s32 $0x9;
	_ =	strace $0x8000004B  }
0xba: {  	_ =	swait.ge [sflag:s29], $0x1  }
0xbb: {  	[sflag:s29] =	ssyncadd.s32 $0xFFFFFFFF  }
0xbc: {  	_ =	strace $0x9000004B  }
0xbd: {  	_ =	sfence  }
0xbe: {  	s30 =	sld [smem:$0x0];
	_ =	sdelay $0x2  }
0xbf: {  	s31 =	sshll.u32 s1, $0xD;
	s1 =	sshrl.u32 s1, $0x2  }
0xc0: {  	s3 =	sand.u32 $0x4000, s31;
	s1 =	sadd.s32 s1, s30  }
0xc1: {  	s0 =	sor.u32 s3, s0;
	s1 =	sshll.u32 s1, $0x11  }
0xc2: {  	s0 =	sor.u32 s1, s0  }
0xc3: {  	s0 =	sadd.s32 $0x8F2B, s0  }
0xc4: {  	[sflag:s0] =	ssyncadd.remote.s32 $0x1  }
0xc5: {  	_ =	sfence.sel $0xFFFF  }
0xc6: {  	[dreg:$0x0] =	wrdreg $0xFFFFFFFF;
	(pc) =	sbr.abs _section_cstart, $3  }
0xc7: {  	[dreg:$0x1] =	wrdreg $0xFFFFFFFF  }
0xc8: {  	_ =	task.clear_ibuf [dreg:s8], $0x2FFFF;
	_ =	strace $0x9FFFFFFF  }
0xc9: {  	(tm) =	ssettm $0x7FFFFFFF  }
tec
execute0_lowered:
.L_overlay_start_1:
0x0: {  	(tag) =	ssettag $0x1  }
0x1: {  	s0 =	srdreg.scid;
	s6 =	rddreg [dreg:$0x0]  }
0x2: {  	s14 =	stileid.u32;
	s7 =	rddreg [dreg:$0x1];
	s0 =	sand.u32 $0x1, s0  }
0x3: {  	s23 =	rddreg [dreg:$0x2];
	s1 =	sshll.u32 s14, $0x3;
	s2 =	sshll.u32 s0, $0x2  }
0x4: {  	s5 =	simm.s32 $0x0;
	s10 =	simm.s32 $0x1;
	s2 =	sor.u32 s2, s1  }
0x5: {  	s15 =	simm.s32 $0x4080;
	s3 =	sand.u32 $0x70, s1;
	s4 =	sadd.s32 $0x4, s2  }
0x6: {  	s16 =	simm.s32 $0x0;
	[smem:$0x7FF] =	sst s5;
	s8 =	ssub.s32 s4, s3  }
0x7: {  	s6 =	sadd.s32 $0x3600, s6;
	s30 =	sshll.u32 s14, $0x8;
	s9 =	sshrl.u32 s8, $0x1B  }
0x8: {  	s14 =	simm.s32 $0x400;
	_ =	strace $0x8000004A;
	s9 =	sand.u32 $0xF, s9  }
0x9: {  	s24 =	ssub.s32 $0x2, s0;
	s0 =	sshll.u32 s0, $0x6;
	s9 =	sadd.s32 s9, s8  }
0xa: {  	s13 =	sshrl.u32 s24, $0x1;
	p0 =	sne.s32 s4, s3;
	s11 =	sand.u32 $0xFFFFFFF0, s9  }
0xb: {  	s12 =	sshra.s32 s8, $0x1F;
	s10 =	simm.s32 @!p0 $0x0;
	s11 =	ssub.s32 s8, s11  }
0xc: {  	s28 =	sshrl.u32 s3, $0x3;
	s10 =	sor.u32 s10, s12;
	s25 =	sand.u32 $0xFFFC, s11  }
0xd: {  	s0 =	sadd.s32 s23, s0;
	p6 =	sne.s32 s10, $0x1;
	p1 =	sne.s32 s25, $0x0  }
0xe: {  	s26 =	ssub.s32 s24, s13;
	s7 =	sadd.s32 s7, s28;
	p0 =	por !p1, !p6  }
.Ltmp0:
0xf: {  	s12 =	simm.s32 $0x1;
	p0 =	por !p0, !p0;
	(pc) =	sbr.rel .LBB2_1-.Ltmp0, $4  }
0x10: {  	s29 =	sand.u32 $0xC, s2;
	s9 =	sshrl.u32 s9, $0x4;
	s12 =	simm.s32 @!p0 $0x0  }
0x11: {  	s13 =	simm.s32 $0x200;
	s31 =	sand.u32 $0xC, s11;
	s9 =	ssub.s32 s9, s12  }
0x12: {  	v0 =	vlaneseq.u32;
	v1 =	vmov s29;
	s10 =	smax.u32 s26, $0x1;
	s8 =	simm.s32 $0x1;
	v2 =	vmov s31;
	s12 =	sshll.u32 s9, $0x6  }
0x13: {  	vm1 =	veq.s32 v1, v0;
	s11 =	simm.s32 $0x4000;
	vm0 =	veq.s32 v2, v0;
	s9 =	sadd.s32 s30, s0;
	s12 =	sshra.s32 s12, $0x2  }
.LBB2_17:
0x14: {  	s0 =	ssub.s32 s19, s2  }
0x15: {  	s1 =	sshll.u32 s19, $0x7;
	s0 =	sshll.u32 s0, $0x8  }
0x16: {  	s1 =	sand.u32 $0x180, s1;
	s0 =	sand.u32 $0xFFFFFC00, s0  }
0x17: {  	s0 =	sor.u32 s1, s0  }
0x18: {  	[tilespmem:s0+$0x4080] =	vst v16  }
0x19: {  	[tilespmem:s0+$0x4090] =	vst v15  }
0x1a: {  	[tilespmem:s0+$0x40A0] =	vst v14  }
0x1b: {  	[tilespmem:s0+$0x40B0] =	vst v13  }
0x1c: {  	[tilespmem:s0+$0x40C0] =	vst v12  }
0x1d: {  	[tilespmem:s0+$0x40D0] =	vst v11  }
0x1e: {  	[tilespmem:s0+$0x40E0] =	vst v10  }
0x1f: {  	[tilespmem:s0+$0x40F0] =	vst v9  }
0x20: {  	[tilespmem:s0+$0x4280] =	vst v8  }
0x21: {  	[tilespmem:s0+$0x4290] =	vst v7  }
0x22: {  	[tilespmem:s0+$0x42A0] =	vst v6  }
0x23: {  	[tilespmem:s0+$0x42B0] =	vst v5  }
0x24: {  	[tilespmem:s0+$0x42C0] =	vst v4  }
0x25: {  	[tilespmem:s0+$0x42D0] =	vst v3  }
0x26: {  	[tilespmem:s0+$0x42E0] =	vst v2  }
0x27: {  	[tilespmem:s0+$0x42F0] =	vst v1  }
.LBB2_18:
0x28: {  	s16 =	sadd.s32 $0x1, s16  }
0x29: {  	p0 =	sne.s32 s16, s10  }
.Ltmp1:
0x2a: {  	_ = 	snop;
	(pc) =	sbr.rel @!p0 .LBB2_19-.Ltmp1, $4  }
0x2b: {  	[hbm4b:s9+s13] =	stream.strided.scatter [tilespmem:s15], [sflag:$0x1], $0x400, s14, s13, $0x38;
	[tilespmem:$0x4480] =	vst v63  }
0x2c: {  	_ =	swait.ge [sflag:s8], $0x400  }
0x2d: {  	[sflag:s8] =	ssyncset.done $0x0  }
0x2e: {  	[sflag:s8] =	ssyncadd.s32 $0xFFFFFC00  }
.LBB2_1:
0x2f: {  	[tilespmem:s11], [sflag:$0x1] =	stream.linear.gather [hbm4b:s7+s5], $0x20, $0x38;
	[tilespmem:$0x4480] =	vst v63  }
0x30: {  	_ =	swait.ge [sflag:s8], $0x20  }
0x31: {  	[sflag:s8] =	ssyncset.done $0x0  }
0x32: {  	v1 =	vimm.f32 $-Inf;
	[sflag:s8] =	ssyncadd.s32 $0xFFFFFFE0  }
0x33: {  	v2 =	vld [tilespmem:s12+$0x4000];
	[tilespmem:$0x4080] =	vst v1  }
0x34: {  	[tilespmem:$0x4090] =	vst v1  }
0x35: {  	[tilespmem:$0x40A0] =	vst v1  }
0x36: {  	[tilespmem:$0x40B0] =	vst v1  }
0x37: {  	[tilespmem:$0x40C0] =	vst v1  }
0x38: {  	[tilespmem:$0x40D0] =	vst v1  }
0x39: {  	[tilespmem:$0x40E0] =	vst v1  }
0x3a: {  	[tilespmem:$0x40F0] =	vst v1  }
0x3b: {  	[tilespmem:$0x4280] =	vst v1  }
0x3c: {  	[tilespmem:$0x4290] =	vst v1  }
0x3d: {  	[tilespmem:$0x42A0] =	vst v1  }
0x3e: {  	[tilespmem:$0x42B0] =	vst v1  }
0x3f: {  	[tilespmem:$0x42C0] =	vst v1;
	v3 =	vld [tilespmem:$0x4000]  }
0x40: {  	[tilespmem:$0x42D0] =	vst v1  }
0x41: {  	[tilespmem:$0x42E0] =	vst v1  }
0x42: {  	[tilespmem:$0x42F0] =	vst v1  }
0x43: {  	[tilespmem:$0x4100] =	vst v1  }
0x44: {  	[tilespmem:$0x4110] =	vst v1;
	v3 =	vxor.u32 $0x80000000, v3  }
0x45: {  	[tilespmem:$0x4120] =	vst v1;
	v3 =	vnsel vm1, $0x7FFFFFFF, v3  }
0x46: {  	[tilespmem:$0x4130] =	vst v1;
	(xrf0) =	vmax.scan.msk.u32 $0xffff, v3  }
0x47: {  	[tilespmem:$0x4140] =	vst v1  }
0x48: {  	[tilespmem:$0x4150] =	vst v1  }
0x49: {  	[tilespmem:$0x4160] =	vst v1  }
0x4a: {  	[tilespmem:$0x4170] =	vst v1  }
0x4b: {  	[tilespmem:$0x4300] =	vst v1;
	v2 =	vxor.u32 $0x80000000, v2  }
0x4c: {  	[tilespmem:$0x4310] =	vst v1;
	v2 =	vnsel vm0, $0x7FFFFFFF, v2;
	v3, _, _ =	vpop (xrf0)  }
0x4d: {  	[tilespmem:$0x4320] =	vst v1;
	(xrf0) =	vmax.scan.msk.u32 $0xffff, v2;
	(v2sf) =	vpush v3, $0xF  }
0x4e: {  	[tilespmem:$0x4330] =	vst v1  }
0x4f: {  	[tilespmem:$0x4340] =	vst v1  }
0x50: {  	[tilespmem:$0x4350] =	vst v1  }
0x51: {  	[tilespmem:$0x4360] =	vst v1  }
0x52: {  	[tilespmem:$0x4370] =	vst v1  }
0x53: {  	[tilespmem:$0x4180] =	vst v1;
	v2, _, _ =	vpop (xrf0)  }
0x54: {  	[tilespmem:$0x4190] =	vst v1;
	(v2sf) =	vpush v2, $0xF  }
0x55: {  	[tilespmem:$0x41A0] =	vst v1  }
0x56: {  	[tilespmem:$0x41B0] =	vst v1  }
0x57: {  	[tilespmem:$0x41C0] =	vst v1  }
0x58: {  	[tilespmem:$0x41D0] =	vst v1  }
0x59: {  	[tilespmem:$0x41E0] =	vst v1  }
0x5a: {  	[tilespmem:$0x41F0] =	vst v1  }
0x5b: {  	[tilespmem:$0x4380] =	vst v1  }
0x5c: {  	[tilespmem:$0x4390] =	vst v1;
	s0 =	spop (v2sf)  }
0x5d: {  	[tilespmem:$0x43A0] =	vst v1;
	s1 =	sxor.u32 $0x80000000, s0  }
0x5e: {  	[tilespmem:$0x43B0] =	vst v1;
	p1 =	sgt.s32 s0, $0xFFFFFFFF;
	s0 =	sand.u32 $0xF, s0;
	p0 =	slt.s32 s1, $0x1  }
0x5f: {  	[tilespmem:$0x43C0] =	vst v1;
	s17 =	sshra.s32 s1, $0x1F;
	p4 =	sne.s32 s0, $0x0;
	p0 =	por p1, p0  }
0x60: {  	[tilespmem:$0x43D0] =	vst v1;
	s26 =	sshrl.u32 s17, $0x1C;
	p0 =	por !p4, !p0  }
0x61: {  	[tilespmem:$0x43E0] =	vst v1;
	s0 =	sadd.s32 s26, s1;
	s1 =	simm.s32 $0x1;
	p0 =	por !p0, !p0  }
0x62: {  	[tilespmem:$0x43F0] =	vst v1;
	s0 =	sshrl.u32 s0, $0x4;
	s1 =	simm.s32 @!p0 $0x0  }
0x63: {  	[tilespmem:$0x4200] =	vst v1;
	s28 =	spop (v2sf);
	s0 =	ssub.s32 s0, s1  }
0x64: {  	[tilespmem:$0x4210] =	vst v1;
	s29 =	sxor.u32 $0x80000000, s28;
	s17 =	sshll.u32 s0, $0x4  }
0x65: {  	[tilespmem:$0x4220] =	vst v1;
	s0 =	ssub.s32 s29, s17  }
0x66: {  	[tilespmem:$0x4230] =	vst v1;
	s0 =	sadd.s32 $0x3F, s0  }
0x67: {  	[tilespmem:$0x4240] =	vst v1;
	s30 =	sand.u32 $0x3F, s0  }
0x68: {  	[tilespmem:$0x4250] =	vst v1;
	s18 =	sshra.s32 s0, $0x1F;
	p5 =	slt.s32 s0, $0x1;
	p6 =	sne.s32 s30, $0x0  }
0x69: {  	[tilespmem:$0x4260] =	vst v1;
	s31 =	sshrl.u32 s18, $0x1A;
	p0 =	por !p5, !p6  }
0x6a: {  	[tilespmem:$0x4270] =	vst v1;
	s1 =	simm.s32 $0x1;
	s0 =	sadd.s32 s31, s0;
	p0 =	por !p0, !p0  }
0x6b: {  	[tilespmem:$0x4400] =	vst v1;
	s0 =	sshra.s32 s0, $0x6;
	s1 =	simm.s32 @!p0 $0x0  }
0x6c: {  	[tilespmem:$0x4410] =	vst v1;
	s18 =	ssub.s32 s0, s1  }
0x6d: {  	[tilespmem:$0x4420] =	vst v1;
	p0 =	slt.s32 s18, $0x1  }
.Ltmp2:
0x6e: {  	v4 =	vimm.f32 $-Inf;
	v5 =	vimm.f32 $-Inf;
	v6 =	vimm.f32 $-Inf;
	[tilespmem:$0x4430] =	vst v1;
	(pc) =	sbr.rel @!p0 .LBB2_2-.Ltmp2, $4  }
.Ltmp3:
0x6f: {  	v7 =	vimm.f32 $-Inf;
	v8 =	vimm.f32 $-Inf;
	v9 =	vimm.f32 $-Inf;
	[tilespmem:$0x4440] =	vst v1;
	(pc) =	sbr.rel @p0 .LBB2_17-.Ltmp3, $4  }
0x70: {  	v10 =	vimm.f32 $-Inf;
	v11 =	vimm.f32 $-Inf;
	v12 =	vimm.f32 $-Inf;
	[tilespmem:$0x4450] =	vst v1  }
0x71: {  	v13 =	vimm.f32 $-Inf;
	v14 =	vimm.f32 $-Inf;
	v15 =	vimm.f32 $-Inf;
	[tilespmem:$0x4460] =	vst v1  }
0x72: {  	v16 =	vimm.f32 $-Inf;
	s19 =	smov.u32 s2;
	s21 =	simm.s32 $0x0;
	[tilespmem:$0x4470] =	vst v1;
	v3 =	vimm.f32 $-Inf;
	v2 =	vimm.f32 $-Inf;
	s20 =	smov.u32 s17  }
0x73: {  	_ = 	snop  }
.LBB2_14:
0x74: {  	v16 =	vpsel !p0, $0xFF800000, v18  }
0x75: {  	v15 =	vpsel !p0, $0xFF800000, v19;
	v14 =	vpsel !p0, $0xFF800000, v20;
	v13 =	vpsel !p0, $0xFF800000, v21  }
0x76: {  	v12 =	vpsel !p0, $0xFF800000, v22;
	v11 =	vpsel !p0, $0xFF800000, v23;
	v10 =	vpsel !p0, $0xFF800000, v24  }
0x77: {  	v9 =	vpsel !p0, $0xFF800000, v25;
	v8 =	vpsel !p0, $0xFF800000, v26;
	v7 =	vpsel !p0, $0xFF800000, v27  }
0x78: {  	v6 =	vpsel !p0, $0xFF800000, v28;
	v5 =	vpsel !p0, $0xFF800000, v29;
	v4 =	vpsel !p0, $0xFF800000, v30  }
0x79: {  	s19 =	smov.u32 @p0 s23;
	v3 =	vpsel !p0, $0xFF800000, v31;
	v2 =	vpsel !p0, $0xFF800000, v32;
	v1 =	vpsel !p0, $0xFF800000, v17  }
.LBB2_15:
0x7a: {  	s21 =	sadd.s32 $0x1, s21  }
0x7b: {  	p0 =	sne.s32 s21, s18  }
.Ltmp4:
0x7c: {  	_ = 	snop;
	(pc) =	sbr.rel @!p0 .LBB2_16-.Ltmp4, $2  }
0x7d: {  	_ =	sdelay $0x2  }
0x7e: {  	s20 =	sadd.s32 $0x40, s20  }
.LBB2_2:
0x7f: {  	s0 =	sshll.u32 s21, $0x6  }
0x80: {  	s29 =	ssub.s32 s19, s3;
	s22 =	sadd.s32 s17, s0  }
0x81: {  	s24 =	simm.s32 $0x1;
	s1 =	sshra.s32 s29, $0x1F;
	p0 =	slt.s32 s22, $0x26D0  }
0x82: {  	s23 =	sshrl.u32 s1, $0x1C;
	s22 =	simm.s32 @!p0 $0x26D0;
	p0 =	sne.s32 s19, s3  }
0x83: {  	s23 =	sadd.s32 s23, s29;
	s26 =	sshll.u32 s22, $0x5;
	s24 =	simm.s32 @!p0 $0x0  }
0x84: {  	s30 =	sand.u32 $0xFFFFFFF0, s23;
	s0 =	sadd.s32 s6, s26;
	s1 =	sor.u32 s24, s1  }
0x85: {  	[tilespmem:s5], [sflag:$0x1] =	stream.linear.gather [hbm4b:s0+s5], $0x4000, $0x38;
	[tilespmem:$0x4480] =	vst v63  }
0x86: {  	p1 =	sne.s32 s29, s30;
	p6 =	sne.s32 s1, $0x1  }
0x87: {  	p0 =	por !p1, !p6  }
0x88: {  	s1 =	simm.s32 $0x1;
	p0 =	por !p0, !p0  }
0x89: {  	s23 =	sshrl.u32 s23, $0x4;
	s1 =	simm.s32 @!p0 $0x0  }
0x8a: {  	_ =	swait.ge [sflag:s8], $0x4000;
	s1 =	ssub.s32 s23, s1  }
0x8b: {  	[sflag:s8] =	ssyncset.done $0x0;
	s1 =	sshll.u32 s1, $0x6  }
0x8c: {  	[sflag:s8] =	ssyncadd.s32 $0xFFFFC000;
	s1 =	sshra.s32 s1, $0x2  }
0x8d: {  	v17 =	vld [tilespmem:s1+$0x4000];
	_ =	sdelay $0x2  }
0x8e: {  	s0 =	sand.u32 $0xF, s29  }
0x8f: {  	v18 =	vmov s0  }
0x90: {  	vm2 =	veq.s32 v18, v0;
	v17 =	vxor.u32 $0x80000000, v17  }
0x91: {  	v17 =	vnsel vm2, $0x7FFFFFFF, v17  }
0x92: {  	(xrf0) =	vmax.scan.msk.u32 $0xffff, v17;
	_ =	sdelay $0x5  }
0x93: {  	v17, _, _ =	vpop (xrf0)  }
0x94: {  	(v2sf) =	vpush v17, $0xF;
	_ =	sdelay $0xe  }
0x95: {  	s31 =	spop (v2sf)  }
0x96: {  	s0 =	sxor.u32 $0x80000000, s31  }
0x97: {  	p0 =	sge.s32 s19, s4;
	s28 =	ssub.s32 s0, s22  }
0x98: {  	p1 =	sgt.s32 @!p0 s28, $0x3F  }
0x99: {  	p1 =	por p0, p1  }
.Ltmp5:
0x9a: {  	_ = 	snop;
	(pc) =	sbr.rel @p1 .LBB2_3-.Ltmp5, $1  }
0x9b: {  	_ =	sdelay $0x3  }
.Ltmp6:
0x9c: {  	(pc) =	sbr.rel .LBB2_5-.Ltmp6, $4  }
0x9d: {  	_ = 	snop  }
0x9e: {  	p0 =	slt.s32 s20, $0x26D0;
	s0 =	smov.u32 s20  }
0x9f: {  	s0 =	simm.s32 @!p0 $0x26D0;
	p0 =	sgt.s32 s28, $0x0  }
0xa0: {  	s28 =	simm.s32 @!p0 $0x0;
	s24 =	ssub.s32 $0x80000000, s0  }
.LBB2_6:
0xa1: {  	v18 =	vmov v16  }
0xa2: {  	v19 =	vmovc v15;
	v20 =	vmovc v14;
	v21 =	vmov v13;
	v22 =	vmov v12;
	v23 =	vmov v11  }
0xa3: {  	v24 =	vmovc v10;
	v25 =	vmovc v9;
	v26 =	vmov v8;
	v27 =	vmov v7;
	v28 =	vmov v6  }
0xa4: {  	v29 =	vmovc v5;
	v30 =	vmovc v4;
	v31 =	vmov v3;
	v32 =	vmov v2;
	v17 =	vmov v1  }
.LBB2_13:
0xa5: {  	p0 =	sgt.s32 s26, $0x3F  }
0xa6: {  	s0 =	ssub.s32 @!p0 s23, s2  }
0xa7: {  	s1 =	sshll.u32 @!p0 s23, $0x7;
	s0 =	sshll.u32 @!p0 s0, $0x8  }
0xa8: {  	s1 =	sand.u32 @!p0 $0x180, s1;
	s0 =	sand.u32 @!p0 $0xFFFFFC00, s0  }
0xa9: {  	s0 =	sor.u32 @!p0 s1, s0  }
0xaa: {  	[tilespmem:s0+$0x4080] =	vst @!p0 v18  }
0xab: {  	[tilespmem:s0+$0x4090] =	vst @!p0 v19  }
0xac: {  	[tilespmem:s0+$0x40A0] =	vst @!p0 v20  }
0xad: {  	[tilespmem:s0+$0x40B0] =	vst @!p0 v21  }
0xae: {  	[tilespmem:s0+$0x40C0] =	vst @!p0 v22  }
0xaf: {  	[tilespmem:s0+$0x40D0] =	vst @!p0 v23  }
0xb0: {  	[tilespmem:s0+$0x40E0] =	vst @!p0 v24  }
0xb1: {  	[tilespmem:s0+$0x40F0] =	vst @!p0 v25  }
0xb2: {  	[tilespmem:s0+$0x4280] =	vst @!p0 v26  }
0xb3: {  	p1 =	slt.s32 @!p0 s19, s4;
	[tilespmem:s0+$0x4290] =	vst @!p0 v27  }
0xb4: {  	v1 =	vimm.f32 @!p0 $-Inf;
	p1 =	por p0, !p1;
	[tilespmem:s0+$0x42A0] =	vst @!p0 v28  }
.Ltmp7:
0xb5: {  	v2 =	vimm.f32 @!p0 $-Inf;
	v3 =	vimm.f32 @!p0 $-Inf;
	v4 =	vimm.f32 @!p0 $-Inf;
	[tilespmem:s0+$0x42B0] =	vst @!p0 v29;
	(pc) =	sbr.rel @p1 .LBB2_14-.Ltmp7, $4  }
0xb6: {  	v5 =	vimm.f32 @!p0 $-Inf;
	v6 =	vimm.f32 @!p0 $-Inf;
	v7 =	vimm.f32 @!p0 $-Inf;
	[tilespmem:s0+$0x42C0] =	vst @!p0 v30  }
0xb7: {  	v8 =	vimm.f32 @!p0 $-Inf;
	v9 =	vimm.f32 @!p0 $-Inf;
	v10 =	vimm.f32 @!p0 $-Inf;
	[tilespmem:s0+$0x42D0] =	vst @!p0 v31  }
0xb8: {  	v11 =	vimm.f32 @!p0 $-Inf;
	v12 =	vimm.f32 @!p0 $-Inf;
	v13 =	vimm.f32 @!p0 $-Inf;
	[tilespmem:s0+$0x42E0] =	vst @!p0 v32  }
0xb9: {  	s28 =	smov.u32 s25;
	v14 =	vimm.f32 @!p0 $-Inf;
	v15 =	vimm.f32 @!p0 $-Inf;
	v16 =	vimm.f32 @!p0 $-Inf;
	[tilespmem:s0+$0x42F0] =	vst @!p0 v17  }
.LBB2_5:
0xba: {  	s23 =	smov.u32 s19;
	s19 =	sadd.s32 $0x1, s19  }
0xbb: {  	s0 =	ssub.s32 s19, s3  }
0xbc: {  	s1 =	sshra.s32 s0, $0x1F  }
0xbd: {  	s26 =	simm.s32 $0x1;
	p0 =	sne.s32 s19, s3;
	s25 =	sshrl.u32 s1, $0x1C  }
0xbe: {  	s26 =	simm.s32 @!p0 $0x0;
	s25 =	sadd.s32 s25, s0  }
0xbf: {  	s1 =	sor.u32 s26, s1;
	s30 =	sand.u32 $0xFFFFFFF0, s25  }
0xc0: {  	p6 =	sne.s32 s1, $0x1;
	p1 =	sne.s32 s0, s30  }
0xc1: {  	p0 =	por !p1, !p6  }
0xc2: {  	s1 =	simm.s32 $0x1;
	p0 =	por !p0, !p0  }
0xc3: {  	s25 =	sshrl.u32 s25, $0x4;
	s1 =	simm.s32 @!p0 $0x0  }
0xc4: {  	s1 =	ssub.s32 s25, s1  }
0xc5: {  	s1 =	sshll.u32 s1, $0x6  }
0xc6: {  	s1 =	sshra.s32 s1, $0x2  }
0xc7: {  	v17 =	vld [tilespmem:s1+$0x4000];
	_ =	sdelay $0x2  }
0xc8: {  	s0 =	sand.u32 $0xF, s0  }
0xc9: {  	v18 =	vmov s0  }
0xca: {  	vm2 =	veq.s32 v18, v0;
	v17 =	vxor.u32 $0x80000000, v17  }
0xcb: {  	v17 =	vnsel vm2, $0x7FFFFFFF, v17  }
0xcc: {  	(xrf0) =	vmax.scan.msk.u32 $0xffff, v17;
	_ =	sdelay $0x5  }
0xcd: {  	v17, _, _ =	vpop (xrf0)  }
0xce: {  	(v2sf) =	vpush v17, $0xF;
	_ =	sdelay $0xe  }
0xcf: {  	s0 =	spop (v2sf)  }
0xd0: {  	s31 =	sxor.u32 $0x80000000, s0  }
0xd1: {  	s26 =	ssub.s32 s31, s22  }
0xd2: {  	p0 =	sgt.s32 s26, $0x0;
	s1 =	smov.u32 s26  }
0xd3: {  	s1 =	simm.s32 @!p0 $0x0  }
0xd4: {  	s25 =	smin.u32 s1, $0x40  }
0xd5: {  	p0 =	sge.u32 s28, s25  }
.Ltmp8:
0xd6: {  	_ = 	snop;
	(pc) =	sbr.rel @p0 .LBB2_6-.Ltmp8, $1  }
0xd7: {  	_ =	sdelay $0x3  }
0xd8: {  	s0 =	sadd.s32 s0, s24  }
0xd9: {  	p0 =	sgt.s32 s0, $0x0  }
0xda: {  	s0 =	simm.s32 @!p0 $0x0  }
0xdb: {  	s0 =	smin.u32 s0, $0x40  }
0xdc: {  	s31 =	ssub.s32 s0, s28  }
0xdd: {  	p1 =	sne.s32 s31, $0x1  }
.Ltmp9:
0xde: {  	_ = 	snop;
	(pc) =	sbr.rel @!p1 .LBB2_8-.Ltmp9, $4  }
0xdf: {  	_ = 	snop  }
0xe0: {  	s29 =	sshll.u32 s28, $0x8  }
0xe1: {  	s30 =	sshll.u32 s28, $0x7;
	s1 =	sand.u32 $0x7FFFF800, s29  }
0xe2: {  	p0 =	por $0x0, $0x0;
	s0 =	sand.u32 $0x380, s30;
	s31 =	sadd.s32 $0xFFFFFFFF, s31  }
0xe3: {  	s28 =	sor.u32 s0, s1  }
0xe4: {  	v17 =	vld [tilespmem:s28+$0x470]  }
0xe5: {  	v18 =	vld [tilespmem:s28+$0x0]  }
0xe6: {  	v19 =	vld [tilespmem:s28+$0x10]  }
0xe7: {  	v20 =	vld [tilespmem:s28+$0x20]  }
0xe8: {  	v21 =	vld [tilespmem:s28+$0x30]  }
0xe9: {  	v24 =	vld [tilespmem:s28+$0x40]  }
0xea: {  	v26 =	vld [tilespmem:s28+$0x50]  }
0xeb: {  	v27 =	vld [tilespmem:s28+$0x60]  }
0xec: {  	v28 =	vld [tilespmem:s28+$0x70]  }
0xed: {  	v29 =	vld [tilespmem:s28+$0x400]  }
0xee: {  	p1 =	sne.s32 s31, $0x1  }
.Ltmp10:
0xef: {  	v22 =	vld [tilespmem:s28+$0x410];
	v1 =	vmax.f32 v1, v17;
	(pc) =	sbr.rel @!p1 .LBB2_10-.Ltmp10, $4  }
0xf0: {  	v23 =	vld [tilespmem:s28+$0x420];
	v16 =	vmax.f32 v16, v18;
	v15 =	vmax.f32 v15, v19;
	v14 =	vmax.f32 v14, v20  }
0xf1: {  	v25 =	vld [tilespmem:s28+$0x430];
	v13 =	vmax.f32 v13, v21;
	v12 =	vmax.f32 v12, v24;
	v11 =	vmax.f32 v11, v26  }
0xf2: {  	s29 =	sadd.s32 $0x100, s29;
	s30 =	sadd.s32 $0x80, s30;
	s31 =	sadd.s32 $0xFFFFFFFF, s31;
	v26 =	vld [tilespmem:s28+$0x440];
	v10 =	vmax.f32 v10, v27;
	v9 =	vmax.f32 v9, v28;
	v8 =	vmax.f32 v8, v29;
	v17 =	vmovc v7  }
0xf3: {  	p0 =	por $0x1, $0x1;
	s1 =	sand.u32 $0x7FFFF800, s29;
	s0 =	sand.u32 $0x380, s30;
	v27 =	vld [tilespmem:s28+$0x450];
	v18 =	vmovc v6;
	v19 =	vmovc v5;
	v20 =	vmov v4;
	v21 =	vmov v3;
	v24 =	vmov v2  }
.LBB2_11:
0xf4: {  	p1 =	sne.s32 s31, $0x1;
	v17 =	vmax.f32 v17, v22;
	v22 =	vld [tilespmem:s28+$0x460];
	s28 =	sor.u32 s0, s1  }
0xf5: {  	v28 =	vld [tilespmem:s28+$0x470];
	v18 =	vmax.f32 v18, v23  }
0xf6: {  	v23 =	vld [tilespmem:s28+$0x0];
	v19 =	vmax.f32 v19, v25  }
0xf7: {  	v25 =	vld [tilespmem:s28+$0x10];
	v20 =	vmax.f32 v20, v26  }
0xf8: {  	v26 =	vld [tilespmem:s28+$0x20];
	v21 =	vmax.f32 v21, v27  }
0xf9: {  	v27 =	vld [tilespmem:s28+$0x30];
	v24 =	vmax.f32 v24, v22  }
0xfa: {  	v22 =	vld [tilespmem:s28+$0x40];
	v1 =	vmax.f32 v1, v28  }
0xfb: {  	v16 =	vmax.f32 v16, v23;
	v23 =	vld [tilespmem:s28+$0x50]  }
0xfc: {  	v15 =	vmax.f32 v15, v25;
	v25 =	vld [tilespmem:s28+$0x60]  }
0xfd: {  	v14 =	vmax.f32 v14, v26;
	v26 =	vld [tilespmem:s28+$0x70]  }
0xfe: {  	v13 =	vmax.f32 v13, v27;
	v27 =	vld [tilespmem:s28+$0x400]  }
.Ltmp11:
0xff: {  	v12 =	vmax.f32 v12, v22;
	v22 =	vld [tilespmem:s28+$0x410];
	(pc) =	sbr.rel @p1 .LBB2_11-.Ltmp11, $4  }
0x100: {  	v11 =	vmax.f32 v11, v23;
	v23 =	vld [tilespmem:s28+$0x420]  }
0x101: {  	v10 =	vmax.f32 v10, v25;
	v25 =	vld [tilespmem:s28+$0x430]  }
0x102: {  	s30 =	sadd.s32 $0x80, s30;
	s29 =	sadd.s32 $0x100, s29;
	v9 =	vmax.f32 v9, v26;
	v26 =	vld [tilespmem:s28+$0x440]  }
0x103: {  	s31 =	sadd.s32 $0xFFFFFFFF, s31;
	s1 =	sand.u32 $0x7FFFF800, s29;
	s0 =	sand.u32 $0x380, s30;
	v8 =	vmax.f32 v8, v27;
	v27 =	vld [tilespmem:s28+$0x450]  }
.LBB2_12:
0x104: {  	s0 =	sor.u32 s0, s1;
	v28 =	vld @p0 [tilespmem:s28+$0x460]  }
0x105: {  	v29 =	vld [tilespmem:s0+$0x470]  }
0x106: {  	v30 =	vld [tilespmem:s0+$0x0]  }
0x107: {  	v31 =	vld [tilespmem:s0+$0x10]  }
0x108: {  	v32 =	vld [tilespmem:s0+$0x20]  }
0x109: {  	v33 =	vld [tilespmem:s0+$0x30]  }
0x10a: {  	v34 =	vld [tilespmem:s0+$0x40]  }
0x10b: {  	v35 =	vld [tilespmem:s0+$0x50]  }
0x10c: {  	v36 =	vld [tilespmem:s0+$0x60]  }
0x10d: {  	v37 =	vld [tilespmem:s0+$0x70]  }
0x10e: {  	v38 =	vld [tilespmem:s0+$0x400]  }
0x10f: {  	v39 =	vld [tilespmem:s0+$0x410]  }
0x110: {  	v40 =	vmax.f32 @p0 v17, v22;
	v41 =	vld [tilespmem:s0+$0x420]  }
0x111: {  	v42 =	vmax.f32 @p0 v18, v23;
	v45 =	vld [tilespmem:s0+$0x430];
	v7 =	vpsel p0, v40, v7;
	v43 =	vmax.f32 @p0 v19, v25  }
0x112: {  	v62 =	vld [tilespmem:s0+$0x450];
	v6 =	vpsel p0, v42, v6;
	v44 =	vmax.f32 @p0 v20, v26;
	v5 =	vpsel p0, v43, v5  }
0x113: {  	v63 =	vld [tilespmem:s0+$0x460];
	v27 =	vmax.f32 @p0 v21, v27;
	v4 =	vpsel p0, v44, v4;
	v28 =	vmax.f32 @p0 v24, v28  }
0x114: {  	v3 =	vpsel p0, v27, v3;
	v17 =	vmax.f32 v1, v29;
	v1 =	vld [tilespmem:s0+$0x440];
	v18 =	vmax.f32 v16, v30  }
.Ltmp12:
0x115: {  	v19 =	vmax.f32 v15, v31;
	v20 =	vmax.f32 v14, v32;
	v21 =	vmax.f32 v13, v33;
	(pc) =	sbr.rel .LBB2_13-.Ltmp12, $4  }
0x116: {  	v22 =	vmax.f32 v12, v34;
	v23 =	vmax.f32 v11, v35;
	v24 =	vmax.f32 v10, v36  }
0x117: {  	v25 =	vmax.f32 v9, v37;
	v26 =	vmax.f32 v8, v38;
	v2 =	vpsel p0, v28, v2  }
0x118: {  	v27 =	vmax.f32 v7, v39;
	v28 =	vmax.f32 v6, v41;
	v29 =	vmax.f32 v5, v45  }
0x119: {  	v31 =	vmax.f32 v3, v62;
	v32 =	vmax.f32 v2, v63;
	v30 =	vmax.f32 v4, v1  }
.LBB2_8:
.Ltmp13:
0x11a: {  	(pc) =	sbr.rel .LBB2_12-.Ltmp13, $3  }
0x11b: {  	_ =	sdelay $0x1  }
0x11c: {  	v17 =	vmov v7  }
0x11d: {  	v18 =	vmovc v6;
	v19 =	vmovc v5;
	v20 =	vmov v4;
	v21 =	vmov v3;
	v24 =	vmov v2  }
.LBB2_10:
.Ltmp14:
0x11e: {  	(pc) =	sbr.rel .LBB2_12-.Ltmp14, $3  }
0x11f: {  	_ =	sdelay $0x1  }
0x120: {  	v17 =	vmov v7  }
0x121: {  	v18 =	vmovc v6;
	v19 =	vmovc v5;
	v20 =	vmov v4;
	v21 =	vmov v3;
	v24 =	vmov v2  }
.LBB2_3:
0x122: {  	v16 =	vpsel p0, v16, v16  }
.Ltmp15:
0x123: {  	v15 =	vpsel p0, v15, v15;
	v14 =	vpsel p0, v14, v14;
	v13 =	vpsel p0, v13, v13;
	(pc) =	sbr.rel .LBB2_15-.Ltmp15, $4  }
0x124: {  	v12 =	vpsel p0, v12, v12;
	v11 =	vpsel p0, v11, v11;
	v10 =	vpsel p0, v10, v10  }
0x125: {  	v9 =	vpsel p0, v9, v9;
	v8 =	vpsel p0, v8, v8;
	v7 =	vpsel p0, v7, v7  }
0x126: {  	v6 =	vpsel p0, v6, v6;
	v5 =	vpsel p0, v5, v5;
	v4 =	vpsel p0, v4, v4  }
0x127: {  	s19 =	smov.u32 @p0 s19;
	v3 =	vpsel p0, v3, v3;
	v2 =	vpsel p0, v2, v2;
	v1 =	vpsel p0, v1, v1  }
.LBB2_16:
0x128: {  	p0 =	sge.s32 s19, s4  }
.Ltmp16:
0x129: {  	_ = 	snop;
	(pc) =	sbr.rel @p0 .LBB2_18-.Ltmp16, $4  }
.Ltmp17:
0x12a: {  	_ = 	snop;
	(pc) =	sbr.rel @!p0 .LBB2_17-.Ltmp17, $4  }
0x12b: {  	_ = 	snop  }
0x12c: {  	_ = 	snop  }
0x12d: {  	_ = 	snop  }
0x12e: {  	_ = 	snop  }
.LBB2_19:
0x12f: {  	_ =	sfence.sel $0x180000  }
0x130: {  	[bflag:$0x0] =	sbarrier.arrive $0xFFFF  }
0x131: {  	_ =	strace $0x9000004A  }
0x132: {  	s0 =	stileid.u32;
	[bflag:$0x2] =	sbarrier.arrive $0xFFFF  }
0x133: {  	p0 =	sne.s32 s0, $0x0;
	s0 =	rddreg [dreg:$0x3]  }
0x134: {  	s0 =	sadd.s32 @!p0 $0x100000, s0  }
0x135: {  	[sflag:s0] =	ssyncadd.tile.s32 @!p0 $0x1;
	_ =	shalt  }
.Lfunc_end2:
_tile_overlayer_lowered:
.L_overlay_start_2:
0x136: {  	(tag) =	ssettag $0x2  }
0x137: {  	s0 =	rddreg [dreg:$0x0];
	s2 =	stileid.u32  }
0x138: {  	s1 =	rddreg [dreg:$0x1];
	p0 =	sne.s32 s2, $0x0  }
0x139: {  	s3 =	rddreg [dreg:$0x2];
	[bflag:$0x3] =	sbarrier.arrive $0xFFFF;
	s2 =	simm.s32 @!p0 $0x1C01  }
0x13a: {  	[timem:s3], [sflag:s2] =	dma.local @!p0 [hbm:s0], s1  }
0x13b: {  	s0 =	simm.s32 @!p0 $0x1  }
0x13c: {  	_ =	swait.ge @!p0 [sflag:s0], s1  }
0x13d: {  	s1 =	ssub.s32 @!p0 $0x0, s1;
	[sflag:s0] =	ssyncset.done @!p0 $0x0  }
0x13e: {  	[sflag:s0] =	ssyncadd.s32 @!p0 s1  }
0x13f: {  	[bflag:$0x3] =	sbarrier.arrive $0xFFFF  }
0x140: {  	_ =	shalt  }

</sc_bundles>
